<compile_context>
chip_gen: v7x
topology: tpu7x:2x2x1
jax: 0.10.2.dev20260603
libtpu: 0.0.44.dev20260713+nightly
codegen_flags: <defaults>
</compile_context>

<pallas_src>
import functools

import jax
import jax.numpy as jnp
from jax import lax
from jax.experimental import pallas as pl
from jax.experimental.pallas import tpu as pltpu
from jax.experimental.pallas import tpu_sc as plsc

N = 10000
E = 320000
D = 128

NC = 2
NS = 16
NW = NC * NS
CH = 120
NCH = 84
EPW = NCH * CH
E_PAD = NW * EPW
BLK = 12
NB = NCH // BLK
RPT = 640
ACC = NS * RPT

_mesh = plsc.VectorSubcoreMesh(core_axis_name="c", subcore_axis_name="s")


@functools.partial(
    pl.kernel, mesh=_mesh,
    out_type=jax.ShapeDtypeStruct((NW, ACC), jnp.float32),
    scratch_types=[
        pltpu.VMEM((EPW,), jnp.int32),
        pltpu.VMEM((ACC,), jnp.float32),
    ],
    compiler_params=pltpu.CompilerParams(needs_layout_passes=False),
)
def _deg_kernel(dst_hbm, out_hbm, idxs, hist):
    c = lax.axis_index("c")
    s = lax.axis_index("s")
    w = c * NS + s
    ones = jnp.ones((16,), jnp.float32)

    def _zero(i, carry):
        hist[pl.ds(i * 16, 16)] = jnp.zeros((16,), jnp.float32)
        return carry

    lax.fori_loop(0, ACC // 16, _zero, 0)
    pltpu.sync_copy(dst_hbm.at[pl.ds(w * EPW, EPW)], idxs)

    def _body(i, carry):
        idx = idxs[pl.ds(i * 16, 16)]
        plsc.addupdate_scatter(hist, [idx], ones)
        return carry

    lax.fori_loop(0, EPW // 16, _body, 0)
    pltpu.sync_copy(hist, out_hbm.at[w])


@functools.partial(
    pl.kernel, mesh=_mesh,
    out_type=jax.ShapeDtypeStruct((NC, ACC, D), jnp.float32),
    scratch_types=[
        pltpu.VMEM((BLK * CH,), jnp.int32),
        pltpu.VMEM((BLK, 1, CH), jnp.int32),
        pltpu.VMEM((3, CH, D), jnp.float32),
        pltpu.VMEM_SHARED((ACC, D), jnp.float32),
        pltpu.SemaphoreType.DMA,
        pltpu.SemaphoreType.DMA,
        pltpu.SemaphoreType.DMA,
        pltpu.SemaphoreType.DMA,
        pltpu.SemaphoreType.DMA,
        pltpu.SemaphoreType.DMA,
    ],
)
def _scat_kernel(hn_hbm, src_hbm, dst_hbm, out_hbm, srcb, dstb, rows, acc,
                 gsem0, gsem1, gsem2, ssem0, ssem1, ssem2):
    c = lax.axis_index("c")
    s = lax.axis_index("s")
    w = c * NS + s
    gsems = (gsem0, gsem1, gsem2)
    ssems = (ssem0, ssem1, ssem2)

    def _zero(r, carry):
        for j in range(D // 16):
            rows[0, r, pl.ds(j * 16, 16)] = jnp.zeros((16,), jnp.float32)
        return carry

    lax.fori_loop(0, CH, _zero, 0)
    for z in range(RPT // CH):
        pltpu.sync_copy(rows.at[0], acc.at[pl.ds(s * RPT + z * CH, CH)])
    pltpu.sync_copy(rows.at[0, pl.ds(0, RPT - (RPT // CH) * CH)],
                    acc.at[pl.ds(s * RPT + (RPT // CH) * CH,
                                 RPT - (RPT // CH) * CH)])
    plsc.subcore_barrier()

    def _gather(q, b):
        return pltpu.async_copy(
            hn_hbm.at[srcb.at[pl.ds(q * CH, CH)]], rows.at[b], gsems[b])

    def _scatter(q, b):
        return pltpu.async_copy(
            rows.at[b], acc.at[dstb.at[q, 0]], ssems[b], add=True)

    def _body(k, carry):
        pltpu.sync_copy(src_hbm.at[pl.ds(w * EPW + k * BLK * CH, BLK * CH)], srcb)
        pltpu.sync_copy(dst_hbm.at[w, k], dstb)
        gs = [_gather(q, q) for q in range(3)]
        for r in range(BLK // 3):
            base = r * 3
            ss = []
            for j in range(3):
                gs[j].wait()
                ss.append(_scatter(base + j, j))
            for j in range(3):
                ss[j].wait()
                if base + 3 + j < BLK:
                    gs[j] = _gather(base + 3 + j, j)
        return carry

    lax.fori_loop(0, NB, _body, 0)
    plsc.subcore_barrier()
    pltpu.sync_copy(acc.at[pl.ds(s * RPT, RPT)],
                    out_hbm.at[c, pl.ds(s * RPT, RPT)])


MB = 2000
GRID = N // MB


def _lin1_body(x_ref, w_ref, hist_ref, o_ref):
    dinv = lax.rsqrt(jnp.sum(hist_ref[...], axis=1, keepdims=True) + 1.0)
    h = jnp.dot(x_ref[...], w_ref[...], preferred_element_type=jnp.float32)
    o_ref[...] = h * dinv


_lin1 = pl.pallas_call(
    _lin1_body,
    grid=(GRID,),
    in_specs=[
        pl.BlockSpec((MB, D), lambda i: (i, 0)),
        pl.BlockSpec((D, D), lambda i: (0, 0)),
        pl.BlockSpec((MB, NW), lambda i: (i, 0)),
    ],
    out_specs=pl.BlockSpec((MB, D), lambda i: (i, 0)),
    out_shape=jax.ShapeDtypeStruct((N, D), jnp.float32),
)


def _mid_body(s1_ref, hn1_ref, hist_ref, b1_ref, w2_ref, o_ref):
    dinv = lax.rsqrt(jnp.sum(hist_ref[...], axis=1, keepdims=True) + 1.0)
    t = dinv * (s1_ref[0] + s1_ref[1] + hn1_ref[...]) + b1_ref[...]
    t = jnp.maximum(t, 0.0)
    o_ref[...] = dinv * jnp.dot(t, w2_ref[...], preferred_element_type=jnp.float32)


_mid = pl.pallas_call(
    _mid_body,
    grid=(GRID,),
    in_specs=[
        pl.BlockSpec((NC, MB, D), lambda i: (0, i, 0)),
        pl.BlockSpec((MB, D), lambda i: (i, 0)),
        pl.BlockSpec((MB, NW), lambda i: (i, 0)),
        pl.BlockSpec((1, D), lambda i: (0, 0)),
        pl.BlockSpec((D, D), lambda i: (0, 0)),
    ],
    out_specs=pl.BlockSpec((MB, D), lambda i: (i, 0)),
    out_shape=jax.ShapeDtypeStruct((N, D), jnp.float32),
)


def _fin_body(s2_ref, hn2_ref, hist_ref, b2_ref, o_ref):
    dinv = lax.rsqrt(jnp.sum(hist_ref[...], axis=1, keepdims=True) + 1.0)
    o_ref[...] = dinv * (s2_ref[0] + s2_ref[1] + hn2_ref[...]) + b2_ref[...]


_fin = pl.pallas_call(
    _fin_body,
    grid=(GRID,),
    in_specs=[
        pl.BlockSpec((NC, MB, D), lambda i: (0, i, 0)),
        pl.BlockSpec((MB, D), lambda i: (i, 0)),
        pl.BlockSpec((MB, NW), lambda i: (i, 0)),
        pl.BlockSpec((1, D), lambda i: (0, 0)),
    ],
    out_specs=pl.BlockSpec((MB, D), lambda i: (i, 0)),
    out_shape=jax.ShapeDtypeStruct((N, D), jnp.float32),
)


def kernel(x, edge_index, W1, b1, W2, b2):
    ei = edge_index.astype(jnp.int32)
    pad = E_PAD - E
    pad_dst = N + (jnp.arange(pad, dtype=jnp.int32) % (ACC - N))
    pad_src = jnp.arange(pad, dtype=jnp.int32) % N
    src_p = jnp.concatenate([ei[0], pad_src])
    dst_p = jnp.concatenate([ei[1], pad_dst])
    dst_w4 = dst_p.reshape(NW, NB, BLK, 1, CH)
    b1r = b1.reshape(1, D)
    b2r = b2.reshape(1, D)

    hist = _deg_kernel(dst_p).T
    hn1 = _lin1(x, W1, hist)
    s1 = _scat_kernel(hn1, src_p, dst_w4)
    hn2 = _mid(s1, hn1, hist, b1r, W2)
    s2 = _scat_kernel(hn2, src_p, dst_w4)
    return _fin(s2, hn2, hist, b2r)

# --- scband reference (transcript-rebuilt; emitter-appended) ---
"""Pipeline reference for scband-simple-gnn-94489281042 (READ-ONLY COPY).

The authoritative reference and input builder live on the scoring server;
editing this copy changes nothing except your own understanding.
"""

import jax, jax.numpy as jnp
import numpy as np

N_NODES = 10000
N_EDGES = 320000
D_IN = 128
D_HID = 128
D_OUT = 128


def _gcn_conv(x, edge_index, W, b, num_nodes):
    # PyG GCNConv: x' = D^{-1/2} (A + I) D^{-1/2} (X W) + b
    src = edge_index[0]
    dst = edge_index[1]
    loop = jnp.arange(num_nodes, dtype=edge_index.dtype)
    src = jnp.concatenate([src, loop])
    dst = jnp.concatenate([dst, loop])
    # linear transform first (matches PyG GCNConv)
    h = x @ W
    # symmetric normalization based on in-degree with self loops
    ones = jnp.ones(src.shape[0], dtype=x.dtype)
    deg = jax.ops.segment_sum(ones, dst, num_segments=num_nodes)
    deg_inv_sqrt = jnp.where(deg > 0, 1.0 / jnp.sqrt(deg), 0.0)
    norm = deg_inv_sqrt[src] * deg_inv_sqrt[dst]
    msgs = h[src] * norm[:, None]
    out = jax.ops.segment_sum(msgs, dst, num_segments=num_nodes)
    return out + b


def setup_inputs(seed: int = 0) -> dict:
    key = jax.random.key(seed)
    k_x, k_e, k_w1, k_b1, k_w2, k_b2 = jax.random.split(key, 6)
    x = jax.random.normal(k_x, (N_NODES, D_IN), dtype=jnp.float32)
    edge_index = jax.random.randint(k_e, (2, N_EDGES), 0, N_NODES, dtype=jnp.int64)
    s1 = 1.0 / np.sqrt(D_IN)
    s2 = 1.0 / np.sqrt(D_HID)
    W1 = jax.random.uniform(k_w1, (D_IN, D_HID), dtype=jnp.float32, minval=-s1, maxval=s1)
    b1 = jnp.zeros((D_HID,), dtype=jnp.float32)
    W2 = jax.random.uniform(k_w2, (D_HID, D_OUT), dtype=jnp.float32, minval=-s2, maxval=s2)
    b2 = jnp.zeros((D_OUT,), dtype=jnp.float32)
    return {"x": x, "edge_index": edge_index, "W1": W1, "b1": b1, "W2": W2, "b2": b2}


def reference(x, edge_index, W1, b1, W2, b2):
    h = _gcn_conv(x, edge_index, W1, b1, N_NODES)
    h = jax.nn.relu(h)
    out = _gcn_conv(h, edge_index, W2, b2, N_NODES)
    return out

if __name__ == "__main__":
    import jax
    _d = setup_inputs()
    print(jax.jit(kernel)(*tuple(_d.values())))

</pallas_src>

<mosaic_0001>
#map = affine_map<(d0, d1) -> (0)>
#map1 = affine_map<(d0, d1) -> (0, 0)>
module attributes {stable_mosaic.version = 14 : i64} {
  func.func @_deg_kernel(%arg0: i32, %arg1: i32, %arg2: memref<322560xi32, #tpu.memory_space<hbm>>, %arg3: memref<32x10240xf32, #tpu.memory_space<hbm>>, %arg4: memref<10080xi32, #tpu.memory_space<vmem>>, %arg5: memref<10240xf32, #tpu.memory_space<vmem>>) attributes {dimension_semantics = [#tpu.dimension_semantics<core_parallel>, #tpu.dimension_semantics<subcore_parallel>], iteration_bounds = array<i64: 2, 16>, scalar_prefetch = 0 : i64, scratch_operands = 2 : i64, tpu.core_type = #tpu.core_type<sc_vector_subcore>, window_params = [{transform_indices = #map}, {transform_indices = #map1}]} {
    %mul3A = arith.constant 16 : i32
    %mul3A_0 = arith.muli %arg0, %mul3A : i32
    %add3A = arith.addi %mul3A_0, %arg1 : i32
    %broadcast_in_dim3A = arith.constant 1.000000e+00 : f32
    %broadcast_in_dim3A_1 = vector.broadcast %broadcast_in_dim3A : f32 to vector<16xf32>
    %scan3A = arith.constant 0 : i32
    %scan3A_2 = arith.constant 0 : i32
    %scan3A_3 = arith.constant 640 : i32
    %scan3A_4 = arith.addi %scan3A_2, %scan3A_3 : i32
    %scan3A_5 = arith.constant 1 : i32
    scf.for %scan3A_15 = %scan3A_2 to %scan3A_4 step %scan3A_5  : i32 {
      %broadcast_in_dim3A_16 = arith.constant 0.000000e+00 : f32
      %broadcast_in_dim3A_17 = vector.broadcast %broadcast_in_dim3A_16 : f32 to vector<16xf32>
      %mul3A_18 = arith.constant 16 : i32
      %mul3A_19 = arith.muli %scan3A_15, %mul3A_18 : i32
      %swap3A = arith.index_cast %mul3A_19 : i32 to index
      %swap3A_20 = tpu.vector_load %arg5[%swap3A] {strides = array<i32>} : memref<10240xf32, #tpu.memory_space<vmem>>, vector<16xf32>,
      tpu.vector_store %arg5[%swap3A], %broadcast_in_dim3A_17 {strides = array<i32>} : memref<10240xf32, #tpu.memory_space<vmem>>, vector<16xf32>,
    }
    %scan3A_6 = arith.constant 640 : i32
    %mul3A_7 = arith.constant 10080 : i32
    %mul3A_8 = arith.muli %add3A, %mul3A_7 : i32
    "tpu.region"() ({
      %run_scoped3A = tpu.sem_alloc : memref<!tpu.dma_semaphore, #tpu.memory_space<semaphore_mem>>
      %dma_start3A = tpu.memref_slice %arg2[%mul3A_8] : memref<322560xi32, #tpu.memory_space<hbm>> -> memref<10080xi32, #tpu.memory_space<hbm>>
      %dma_start3A_15 = tpu.memref_slice %arg2[%mul3A_8] : memref<322560xi32, #tpu.memory_space<hbm>> -> memref<10080xi32, #tpu.memory_space<hbm>>
      tpu.enqueue_dma source(%dma_start3A_15 : memref<10080xi32, #tpu.memory_space<hbm>>) target(%arg4 : memref<10080xi32, #tpu.memory_space<vmem>>) target_semaphore(%run_scoped3A : memref<!tpu.dma_semaphore, #tpu.memory_space<semaphore_mem>>)
      %dma_wait3A = tpu.memref_slice %arg2[%mul3A_8] : memref<322560xi32, #tpu.memory_space<hbm>> -> memref<10080xi32, #tpu.memory_space<hbm>>
      %dma_wait3A_16 = tpu.memref_slice %arg2[%mul3A_8] : memref<322560xi32, #tpu.memory_space<hbm>> -> memref<10080xi32, #tpu.memory_space<hbm>>
      tpu.wait_dma2 semaphore(%run_scoped3A : memref<!tpu.dma_semaphore, #tpu.memory_space<semaphore_mem>>) src(%dma_wait3A_16 : memref<10080xi32, #tpu.memory_space<hbm>>) dst(%arg4 : memref<10080xi32, #tpu.memory_space<vmem>>)
      tpu.yield
    }) : () -> ()
    %scan3A_9 = arith.constant 0 : i32
    %scan3A_10 = arith.constant 0 : i32
    %scan3A_11 = arith.constant 630 : i32
    %scan3A_12 = arith.addi %scan3A_10, %scan3A_11 : i32
    %scan3A_13 = arith.constant 1 : i32
    scf.for %scan3A_15 = %scan3A_10 to %scan3A_12 step %scan3A_13  : i32 {
      %mul3A_16 = arith.constant 16 : i32
      %mul3A_17 = arith.muli %scan3A_15, %mul3A_16 : i32
      %get3A = arith.index_cast %mul3A_17 : i32 to index
      %get3A_18 = tpu.vector_load %arg4[%get3A] {strides = array<i32>} : memref<10080xi32, #tpu.memory_space<vmem>>, vector<16xi32>,
      tpu.vector_store_idx %arg5[%get3A_18], %broadcast_in_dim3A_1 {add = true} : memref<10240xf32, #tpu.memory_space<vmem>>[vector<16xi32>], vector<16xf32>,
    }
    %scan3A_14 = arith.constant 630 : i32
    "tpu.region"() ({
      %run_scoped3A = tpu.sem_alloc : memref<!tpu.dma_semaphore, #tpu.memory_space<semaphore_mem>>
      %dma_start3A = arith.constant 0 : i32
      %dma_start3A_15 = tpu.memref_slice %arg3[%add3A, %dma_start3A] : memref<32x10240xf32, #tpu.memory_space<hbm>> -> memref<1x10240xf32, #tpu.memory_space<hbm>>
      %dma_start3A_16 = tpu.memref_squeeze %dma_start3A_15 : memref<1x10240xf32, #tpu.memory_space<hbm>> -> memref<10240xf32, #tpu.memory_space<hbm>>
      %dma_start3A_17 = arith.constant 0 : i32
      %dma_start3A_18 = tpu.memref_slice %arg3[%add3A, %dma_start3A_17] : memref<32x10240xf32, #tpu.memory_space<hbm>> -> memref<1x10240xf32, #tpu.memory_space<hbm>>
      %dma_start3A_19 = tpu.memref_squeeze %dma_start3A_18 : memref<1x10240xf32, #tpu.memory_space<hbm>> -> memref<10240xf32, #tpu.memory_space<hbm>>
      tpu.enqueue_dma source(%arg5 : memref<10240xf32, #tpu.memory_space<vmem>>) target(%dma_start3A_19 : memref<10240xf32, #tpu.memory_space<hbm>>) target_semaphore(%run_scoped3A : memref<!tpu.dma_semaphore, #tpu.memory_space<semaphore_mem>>)
      %dma_wait3A = arith.constant 0 : i32
      %dma_wait3A_20 = tpu.memref_slice %arg3[%add3A, %dma_wait3A] : memref<32x10240xf32, #tpu.memory_space<hbm>> -> memref<1x10240xf32, #tpu.memory_space<hbm>>
      %dma_wait3A_21 = tpu.memref_squeeze %dma_wait3A_20 : memref<1x10240xf32, #tpu.memory_space<hbm>> -> memref<10240xf32, #tpu.memory_space<hbm>>
      %dma_wait3A_22 = arith.constant 0 : i32
      %dma_wait3A_23 = tpu.memref_slice %arg3[%add3A, %dma_wait3A_22] : memref<32x10240xf32, #tpu.memory_space<hbm>> -> memref<1x10240xf32, #tpu.memory_space<hbm>>
      %dma_wait3A_24 = tpu.memref_squeeze %dma_wait3A_23 : memref<1x10240xf32, #tpu.memory_space<hbm>> -> memref<10240xf32, #tpu.memory_space<hbm>>
      tpu.wait_dma2 semaphore(%run_scoped3A : memref<!tpu.dma_semaphore, #tpu.memory_space<semaphore_mem>>) src(%arg5 : memref<10240xf32, #tpu.memory_space<vmem>>) dst(%dma_wait3A_24 : memref<10240xf32, #tpu.memory_space<hbm>>)
      tpu.yield
    }) : () -> ()
    return
  }
}

#map = affine_map<(d0, d1) -> (0, 0)>
#map1 = affine_map<(d0, d1) -> (0)>
#map2 = affine_map<(d0, d1) -> (0, 0, 0, 0, 0)>
#map3 = affine_map<(d0, d1) -> (0, 0, 0)>
module attributes {stable_mosaic.version = 14 : i64} {
  func.func @_scat_kernel(%arg0: i32, %arg1: i32, %arg2: memref<10000x128xf32, #tpu.memory_space<hbm>>, %arg3: memref<322560xi32, #tpu.memory_space<hbm>>, %arg4: memref<32x7x12x1x120xi32, #tpu.memory_space<hbm>>, %arg5: memref<2x10240x128xf32, #tpu.memory_space<hbm>>, %arg6: memref<1440xi32, #tpu.memory_space<vmem>>, %arg7: memref<12x1x120xi32, #tpu.memory_space<vmem>>, %arg8: memref<3x120x128xf32, #tpu.memory_space<vmem>>, %arg9: memref<10240x128xf32, #tpu.memory_space<vmem_shared>>, %arg10: memref<!tpu.dma_semaphore, #tpu.memory_space<semaphore_mem>>, %arg11: memref<!tpu.dma_semaphore, #tpu.memory_space<semaphore_mem>>, %arg12: memref<!tpu.dma_semaphore, #tpu.memory_space<semaphore_mem>>, %arg13: memref<!tpu.dma_semaphore, #tpu.memory_space<semaphore_mem>>, %arg14: memref<!tpu.dma_semaphore, #tpu.memory_space<semaphore_mem>>, %arg15: memref<!tpu.dma_semaphore, #tpu.memory_space<semaphore_mem>>) attributes {dimension_semantics = [#tpu.dimension_semantics<core_parallel>, #tpu.dimension_semantics<subcore_parallel>], iteration_bounds = array<i64: 2, 16>, scalar_prefetch = 0 : i64, scratch_operands = 10 : i64, tpu.core_type = #tpu.core_type<sc_vector_subcore>, window_params = [{transform_indices = #map}, {transform_indices = #map1}, {transform_indices = #map2}, {transform_indices = #map3}]} {
    %mul3A = arith.constant 16 : i32
    %mul3A_0 = arith.muli %arg0, %mul3A : i32
    %add3A = arith.addi %mul3A_0, %arg1 : i32
    %scan3A = arith.constant 0 : i32
    %scan3A_1 = arith.constant 0 : i32
    %scan3A_2 = arith.constant 120 : i32
    %scan3A_3 = arith.addi %scan3A_1, %scan3A_2 : i32
    %scan3A_4 = arith.constant 1 : i32
    scf.for %scan3A_46 = %scan3A_1 to %scan3A_3 step %scan3A_4  : i32 {
      %broadcast_in_dim3A = arith.constant 0.000000e+00 : f32
      %broadcast_in_dim3A_47 = vector.broadcast %broadcast_in_dim3A : f32 to vector<16xf32>
      %swap3A = arith.constant 0 : i32
      %swap3A_48 = arith.index_cast %swap3A : i32 to index
      %swap3A_49 = arith.index_cast %scan3A_46 : i32 to index
      %swap3A_50 = arith.constant 0 : index
      %swap3A_51 = tpu.vector_load %arg8[%swap3A_48, %swap3A_49, %swap3A_50] {strides = array<i32>} : memref<3x120x128xf32, #tpu.memory_space<vmem>>, vector<1x1x16xf32>,
      %swap3A_52 = vector.shape_cast %swap3A_51 : vector<1x1x16xf32> to vector<16xf32>
      %swap3A_53 = vector.shape_cast %broadcast_in_dim3A_47 : vector<16xf32> to vector<1x1x16xf32>
      tpu.vector_store %arg8[%swap3A_48, %swap3A_49, %swap3A_50], %swap3A_53 {strides = array<i32>} : memref<3x120x128xf32, #tpu.memory_space<vmem>>, vector<1x1x16xf32>,
      %broadcast_in_dim3A_54 = arith.constant 0.000000e+00 : f32
      %broadcast_in_dim3A_55 = vector.broadcast %broadcast_in_dim3A_54 : f32 to vector<16xf32>
      %swap3A_56 = arith.constant 0 : i32
      %swap3A_57 = arith.index_cast %swap3A_56 : i32 to index
      %swap3A_58 = arith.index_cast %scan3A_46 : i32 to index
      %swap3A_59 = arith.constant 16 : index
      %swap3A_60 = tpu.vector_load %arg8[%swap3A_57, %swap3A_58, %swap3A_59] {strides = array<i32>} : memref<3x120x128xf32, #tpu.memory_space<vmem>>, vector<1x1x16xf32>,
      %swap3A_61 = vector.shape_cast %swap3A_60 : vector<1x1x16xf32> to vector<16xf32>
      %swap3A_62 = vector.shape_cast %broadcast_in_dim3A_55 : vector<16xf32> to vector<1x1x16xf32>
      tpu.vector_store %arg8[%swap3A_57, %swap3A_58, %swap3A_59], %swap3A_62 {strides = array<i32>} : memref<3x120x128xf32, #tpu.memory_space<vmem>>, vector<1x1x16xf32>,
      %broadcast_in_dim3A_63 = arith.constant 0.000000e+00 : f32
      %broadcast_in_dim3A_64 = vector.broadcast %broadcast_in_dim3A_63 : f32 to vector<16xf32>
      %swap3A_65 = arith.constant 0 : i32
      %swap3A_66 = arith.index_cast %swap3A_65 : i32 to index
      %swap3A_67 = arith.index_cast %scan3A_46 : i32 to index
      %swap3A_68 = arith.constant 32 : index
      %swap3A_69 = tpu.vector_load %arg8[%swap3A_66, %swap3A_67, %swap3A_68] {strides = array<i32>} : memref<3x120x128xf32, #tpu.memory_space<vmem>>, vector<1x1x16xf32>,
      %swap3A_70 = vector.shape_cast %swap3A_69 : vector<1x1x16xf32> to vector<16xf32>
      %swap3A_71 = vector.shape_cast %broadcast_in_dim3A_64 : vector<16xf32> to vector<1x1x16xf32>
      tpu.vector_store %arg8[%swap3A_66, %swap3A_67, %swap3A_68], %swap3A_71 {strides = array<i32>} : memref<3x120x128xf32, #tpu.memory_space<vmem>>, vector<1x1x16xf32>,
      %broadcast_in_dim3A_72 = arith.constant 0.000000e+00 : f32
      %broadcast_in_dim3A_73 = vector.broadcast %broadcast_in_dim3A_72 : f32 to vector<16xf32>
      %swap3A_74 = arith.constant 0 : i32
      %swap3A_75 = arith.index_cast %swap3A_74 : i32 to index
      %swap3A_76 = arith.index_cast %scan3A_46 : i32 to index
      %swap3A_77 = arith.constant 48 : index
      %swap3A_78 = tpu.vector_load %arg8[%swap3A_75, %swap3A_76, %swap3A_77] {strides = array<i32>} : memref<3x120x128xf32, #tpu.memory_space<vmem>>, vector<1x1x16xf32>,
      %swap3A_79 = vector.shape_cast %swap3A_78 : vector<1x1x16xf32> to vector<16xf32>
      %swap3A_80 = vector.shape_cast %broadcast_in_dim3A_73 : vector<16xf32> to vector<1x1x16xf32>
      tpu.vector_store %arg8[%swap3A_75, %swap3A_76, %swap3A_77], %swap3A_80 {strides = array<i32>} : memref<3x120x128xf32, #tpu.memory_space<vmem>>, vector<1x1x16xf32>,
      %broadcast_in_dim3A_81 = arith.constant 0.000000e+00 : f32
      %broadcast_in_dim3A_82 = vector.broadcast %broadcast_in_dim3A_81 : f32 to vector<16xf32>
      %swap3A_83 = arith.constant 0 : i32
      %swap3A_84 = arith.index_cast %swap3A_83 : i32 to index
      %swap3A_85 = arith.index_cast %scan3A_46 : i32 to index
      %swap3A_86 = arith.constant 64 : index
      %swap3A_87 = tpu.vector_load %arg8[%swap3A_84, %swap3A_85, %swap3A_86] {strides = array<i32>} : memref<3x120x128xf32, #tpu.memory_space<vmem>>, vector<1x1x16xf32>,
      %swap3A_88 = vector.shape_cast %swap3A_87 : vector<1x1x16xf32> to vector<16xf32>
      %swap3A_89 = vector.shape_cast %broadcast_in_dim3A_82 : vector<16xf32> to vector<1x1x16xf32>
      tpu.vector_store %arg8[%swap3A_84, %swap3A_85, %swap3A_86], %swap3A_89 {strides = array<i32>} : memref<3x120x128xf32, #tpu.memory_space<vmem>>, vector<1x1x16xf32>,
      %broadcast_in_dim3A_90 = arith.constant 0.000000e+00 : f32
      %broadcast_in_dim3A_91 = vector.broadcast %broadcast_in_dim3A_90 : f32 to vector<16xf32>
      %swap3A_92 = arith.constant 0 : i32
      %swap3A_93 = arith.index_cast %swap3A_92 : i32 to index
      %swap3A_94 = arith.index_cast %scan3A_46 : i32 to index
      %swap3A_95 = arith.constant 80 : index
      %swap3A_96 = tpu.vector_load %arg8[%swap3A_93, %swap3A_94, %swap3A_95] {strides = array<i32>} : memref<3x120x128xf32, #tpu.memory_space<vmem>>, vector<1x1x16xf32>,
      %swap3A_97 = vector.shape_cast %swap3A_96 : vector<1x1x16xf32> to vector<16xf32>
      %swap3A_98 = vector.shape_cast %broadcast_in_dim3A_91 : vector<16xf32> to vector<1x1x16xf32>
      tpu.vector_store %arg8[%swap3A_93, %swap3A_94, %swap3A_95], %swap3A_98 {strides = array<i32>} : memref<3x120x128xf32, #tpu.memory_space<vmem>>, vector<1x1x16xf32>,
      %broadcast_in_dim3A_99 = arith.constant 0.000000e+00 : f32
      %broadcast_in_dim3A_100 = vector.broadcast %broadcast_in_dim3A_99 : f32 to vector<16xf32>
      %swap3A_101 = arith.constant 0 : i32
      %swap3A_102 = arith.index_cast %swap3A_101 : i32 to index
      %swap3A_103 = arith.index_cast %scan3A_46 : i32 to index
      %swap3A_104 = arith.constant 96 : index
      %swap3A_105 = tpu.vector_load %arg8[%swap3A_102, %swap3A_103, %swap3A_104] {strides = array<i32>} : memref<3x120x128xf32, #tpu.memory_space<vmem>>, vector<1x1x16xf32>,
      %swap3A_106 = vector.shape_cast %swap3A_105 : vector<1x1x16xf32> to vector<16xf32>
      %swap3A_107 = vector.shape_cast %broadcast_in_dim3A_100 : vector<16xf32> to vector<1x1x16xf32>
      tpu.vector_store %arg8[%swap3A_102, %swap3A_103, %swap3A_104], %swap3A_107 {strides = array<i32>} : memref<3x120x128xf32, #tpu.memory_space<vmem>>, vector<1x1x16xf32>,
      %broadcast_in_dim3A_108 = arith.constant 0.000000e+00 : f32
      %broadcast_in_dim3A_109 = vector.broadcast %broadcast_in_dim3A_108 : f32 to vector<16xf32>
      %swap3A_110 = arith.constant 0 : i32
      %swap3A_111 = arith.index_cast %swap3A_110 : i32 to index
      %swap3A_112 = arith.index_cast %scan3A_46 : i32 to index
      %swap3A_113 = arith.constant 112 : index
      %swap3A_114 = tpu.vector_load %arg8[%swap3A_111, %swap3A_112, %swap3A_113] {strides = array<i32>} : memref<3x120x128xf32, #tpu.memory_space<vmem>>, vector<1x1x16xf32>,
      %swap3A_115 = vector.shape_cast %swap3A_114 : vector<1x1x16xf32> to vector<16xf32>
      %swap3A_116 = vector.shape_cast %broadcast_in_dim3A_109 : vector<16xf32> to vector<1x1x16xf32>
      tpu.vector_store %arg8[%swap3A_111, %swap3A_112, %swap3A_113], %swap3A_116 {strides = array<i32>} : memref<3x120x128xf32, #tpu.memory_space<vmem>>, vector<1x1x16xf32>,
    }
    %scan3A_5 = arith.constant 120 : i32
    %mul3A_6 = arith.constant 640 : i32
    %mul3A_7 = arith.muli %arg1, %mul3A_6 : i32
    %add3A_8 = arith.constant 0 : i32
    %add3A_9 = arith.addi %mul3A_7, %add3A_8 : i32
    %run_scoped3A = arith.constant 0 : i32
    "tpu.region"() ({
      %run_scoped3A_46 = tpu.sem_alloc : memref<!tpu.dma_semaphore, #tpu.memory_space<semaphore_mem>>
      %dma_start3A = arith.constant 0 : i32
      %dma_start3A_47 = arith.constant 0 : i32
      %dma_start3A_48 = tpu.memref_slice %arg8[%run_scoped3A, %dma_start3A, %dma_start3A_47] : memref<3x120x128xf32, #tpu.memory_space<vmem>> -> memref<1x120x128xf32, #tpu.memory_space<vmem>>
      %dma_start3A_49 = tpu.memref_squeeze %dma_start3A_48 : memref<1x120x128xf32, #tpu.memory_space<vmem>> -> memref<120x128xf32, #tpu.memory_space<vmem>>
      %dma_start3A_50 = arith.constant 0 : i32
      %dma_start3A_51 = tpu.memref_slice %arg9[%add3A_9, %dma_start3A_50] : memref<10240x128xf32, #tpu.memory_space<vmem_shared>> -> memref<120x128xf32, #tpu.memory_space<vmem_shared>>
      %dma_start3A_52 = arith.constant 0 : i32
      %dma_start3A_53 = tpu.memref_slice %arg9[%add3A_9, %dma_start3A_52] : memref<10240x128xf32, #tpu.memory_space<vmem_shared>> -> memref<120x128xf32, #tpu.memory_space<vmem_shared>>
      %dma_start3A_54 = arith.constant 0 : i32
      %dma_start3A_55 = arith.constant 0 : i32
      %dma_start3A_56 = tpu.memref_slice %arg8[%run_scoped3A, %dma_start3A_54, %dma_start3A_55] : memref<3x120x128xf32, #tpu.memory_space<vmem>> -> memref<1x120x128xf32, #tpu.memory_space<vmem>>
      %dma_start3A_57 = tpu.memref_squeeze %dma_start3A_56 : memref<1x120x128xf32, #tpu.memory_space<vmem>> -> memref<120x128xf32, #tpu.memory_space<vmem>>
      tpu.enqueue_dma source(%dma_start3A_57 : memref<120x128xf32, #tpu.memory_space<vmem>>) target(%dma_start3A_53 : memref<120x128xf32, #tpu.memory_space<vmem_shared>>) target_semaphore(%run_scoped3A_46 : memref<!tpu.dma_semaphore, #tpu.memory_space<semaphore_mem>>)
      %dma_wait3A = arith.constant 0 : i32
      %dma_wait3A_58 = arith.constant 0 : i32
      %dma_wait3A_59 = tpu.memref_slice %arg8[%run_scoped3A, %dma_wait3A, %dma_wait3A_58] : memref<3x120x128xf32, #tpu.memory_space<vmem>> -> memref<1x120x128xf32, #tpu.memory_space<vmem>>
      %dma_wait3A_60 = tpu.memref_squeeze %dma_wait3A_59 : memref<1x120x128xf32, #tpu.memory_space<vmem>> -> memref<120x128xf32, #tpu.memory_space<vmem>>
      %dma_wait3A_61 = arith.constant 0 : i32
      %dma_wait3A_62 = tpu.memref_slice %arg9[%add3A_9, %dma_wait3A_61] : memref<10240x128xf32, #tpu.memory_space<vmem_shared>> -> memref<120x128xf32, #tpu.memory_space<vmem_shared>>
      %dma_wait3A_63 = arith.constant 0 : i32
      %dma_wait3A_64 = tpu.memref_slice %arg9[%add3A_9, %dma_wait3A_63] : memref<10240x128xf32, #tpu.memory_space<vmem_shared>> -> memref<120x128xf32, #tpu.memory_space<vmem_shared>>
      %dma_wait3A_65 = arith.constant 0 : i32
      %dma_wait3A_66 = arith.constant 0 : i32
      %dma_wait3A_67 = tpu.memref_slice %arg8[%run_scoped3A, %dma_wait3A_65, %dma_wait3A_66] : memref<3x120x128xf32, #tpu.memory_space<vmem>> -> memref<1x120x128xf32, #tpu.memory_space<vmem>>
      %dma_wait3A_68 = tpu.memref_squeeze %dma_wait3A_67 : memref<1x120x128xf32, #tpu.memory_space<vmem>> -> memref<120x128xf32, #tpu.memory_space<vmem>>
      tpu.wait_dma2 semaphore(%run_scoped3A_46 : memref<!tpu.dma_semaphore, #tpu.memory_space<semaphore_mem>>) src(%dma_wait3A_68 : memref<120x128xf32, #tpu.memory_space<vmem>>) dst(%dma_wait3A_64 : memref<120x128xf32, #tpu.memory_space<vmem_shared>>)
      tpu.yield
    }) : () -> ()
    %mul3A_10 = arith.constant 640 : i32
    %mul3A_11 = arith.muli %arg1, %mul3A_10 : i32
    %add3A_12 = arith.constant 120 : i32
    %add3A_13 = arith.addi %mul3A_11, %add3A_12 : i32
    %run_scoped3A_14 = arith.constant 0 : i32
    "tpu.region"() ({
      %run_scoped3A_46 = tpu.sem_alloc : memref<!tpu.dma_semaphore, #tpu.memory_space<semaphore_mem>>
      %dma_start3A = arith.constant 0 : i32
      %dma_start3A_47 = arith.constant 0 : i32
      %dma_start3A_48 = tpu.memref_slice %arg8[%run_scoped3A_14, %dma_start3A, %dma_start3A_47] : memref<3x120x128xf32, #tpu.memory_space<vmem>> -> memref<1x120x128xf32, #tpu.memory_space<vmem>>
      %dma_start3A_49 = tpu.memref_squeeze %dma_start3A_48 : memref<1x120x128xf32, #tpu.memory_space<vmem>> -> memref<120x128xf32, #tpu.memory_space<vmem>>
      %dma_start3A_50 = arith.constant 0 : i32
      %dma_start3A_51 = tpu.memref_slice %arg9[%add3A_13, %dma_start3A_50] : memref<10240x128xf32, #tpu.memory_space<vmem_shared>> -> memref<120x128xf32, #tpu.memory_space<vmem_shared>>
      %dma_start3A_52 = arith.constant 0 : i32
      %dma_start3A_53 = tpu.memref_slice %arg9[%add3A_13, %dma_start3A_52] : memref<10240x128xf32, #tpu.memory_space<vmem_shared>> -> memref<120x128xf32, #tpu.memory_space<vmem_shared>>
      %dma_start3A_54 = arith.constant 0 : i32
      %dma_start3A_55 = arith.constant 0 : i32
      %dma_start3A_56 = tpu.memref_slice %arg8[%run_scoped3A_14, %dma_start3A_54, %dma_start3A_55] : memref<3x120x128xf32, #tpu.memory_space<vmem>> -> memref<1x120x128xf32, #tpu.memory_space<vmem>>
      %dma_start3A_57 = tpu.memref_squeeze %dma_start3A_56 : memref<1x120x128xf32, #tpu.memory_space<vmem>> -> memref<120x128xf32, #tpu.memory_space<vmem>>
      tpu.enqueue_dma source(%dma_start3A_57 : memref<120x128xf32, #tpu.memory_space<vmem>>) target(%dma_start3A_53 : memref<120x128xf32, #tpu.memory_space<vmem_shared>>) target_semaphore(%run_scoped3A_46 : memref<!tpu.dma_semaphore, #tpu.memory_space<semaphore_mem>>)
      %dma_wait3A = arith.constant 0 : i32
      %dma_wait3A_58 = arith.constant 0 : i32
      %dma_wait3A_59 = tpu.memref_slice %arg8[%run_scoped3A_14, %dma_wait3A, %dma_wait3A_58] : memref<3x120x128xf32, #tpu.memory_space<vmem>> -> memref<1x120x128xf32, #tpu.memory_space<vmem>>
      %dma_wait3A_60 = tpu.memref_squeeze %dma_wait3A_59 : memref<1x120x128xf32, #tpu.memory_space<vmem>> -> memref<120x128xf32, #tpu.memory_space<vmem>>
      %dma_wait3A_61 = arith.constant 0 : i32
      %dma_wait3A_62 = tpu.memref_slice %arg9[%add3A_13, %dma_wait3A_61] : memref<10240x128xf32, #tpu.memory_space<vmem_shared>> -> memref<120x128xf32, #tpu.memory_space<vmem_shared>>
      %dma_wait3A_63 = arith.constant 0 : i32
      %dma_wait3A_64 = tpu.memref_slice %arg9[%add3A_13, %dma_wait3A_63] : memref<10240x128xf32, #tpu.memory_space<vmem_shared>> -> memref<120x128xf32, #tpu.memory_space<vmem_shared>>
      %dma_wait3A_65 = arith.constant 0 : i32
      %dma_wait3A_66 = arith.constant 0 : i32
      %dma_wait3A_67 = tpu.memref_slice %arg8[%run_scoped3A_14, %dma_wait3A_65, %dma_wait3A_66] : memref<3x120x128xf32, #tpu.memory_space<vmem>> -> memref<1x120x128xf32, #tpu.memory_space<vmem>>
      %dma_wait3A_68 = tpu.memref_squeeze %dma_wait3A_67 : memref<1x120x128xf32, #tpu.memory_space<vmem>> -> memref<120x128xf32, #tpu.memory_space<vmem>>
      tpu.wait_dma2 semaphore(%run_scoped3A_46 : memref<!tpu.dma_semaphore, #tpu.memory_space<semaphore_mem>>) src(%dma_wait3A_68 : memref<120x128xf32, #tpu.memory_space<vmem>>) dst(%dma_wait3A_64 : memref<120x128xf32, #tpu.memory_space<vmem_shared>>)
      tpu.yield
    }) : () -> ()
    %mul3A_15 = arith.constant 640 : i32
    %mul3A_16 = arith.muli %arg1, %mul3A_15 : i32
    %add3A_17 = arith.constant 240 : i32
    %add3A_18 = arith.addi %mul3A_16, %add3A_17 : i32
    %run_scoped3A_19 = arith.constant 0 : i32
    "tpu.region"() ({
      %run_scoped3A_46 = tpu.sem_alloc : memref<!tpu.dma_semaphore, #tpu.memory_space<semaphore_mem>>
      %dma_start3A = arith.constant 0 : i32
      %dma_start3A_47 = arith.constant 0 : i32
      %dma_start3A_48 = tpu.memref_slice %arg8[%run_scoped3A_19, %dma_start3A, %dma_start3A_47] : memref<3x120x128xf32, #tpu.memory_space<vmem>> -> memref<1x120x128xf32, #tpu.memory_space<vmem>>
      %dma_start3A_49 = tpu.memref_squeeze %dma_start3A_48 : memref<1x120x128xf32, #tpu.memory_space<vmem>> -> memref<120x128xf32, #tpu.memory_space<vmem>>
      %dma_start3A_50 = arith.constant 0 : i32
      %dma_start3A_51 = tpu.memref_slice %arg9[%add3A_18, %dma_start3A_50] : memref<10240x128xf32, #tpu.memory_space<vmem_shared>> -> memref<120x128xf32, #tpu.memory_space<vmem_shared>>
      %dma_start3A_52 = arith.constant 0 : i32
      %dma_start3A_53 = tpu.memref_slice %arg9[%add3A_18, %dma_start3A_52] : memref<10240x128xf32, #tpu.memory_space<vmem_shared>> -> memref<120x128xf32, #tpu.memory_space<vmem_shared>>
      %dma_start3A_54 = arith.constant 0 : i32
      %dma_start3A_55 = arith.constant 0 : i32
      %dma_start3A_56 = tpu.memref_slice %arg8[%run_scoped3A_19, %dma_start3A_54, %dma_start3A_55] : memref<3x120x128xf32, #tpu.memory_space<vmem>> -> memref<1x120x128xf32, #tpu.memory_space<vmem>>
      %dma_start3A_57 = tpu.memref_squeeze %dma_start3A_56 : memref<1x120x128xf32, #tpu.memory_space<vmem>> -> memref<120x128xf32, #tpu.memory_space<vmem>>
      tpu.enqueue_dma source(%dma_start3A_57 : memref<120x128xf32, #tpu.memory_space<vmem>>) target(%dma_start3A_53 : memref<120x128xf32, #tpu.memory_space<vmem_shared>>) target_semaphore(%run_scoped3A_46 : memref<!tpu.dma_semaphore, #tpu.memory_space<semaphore_mem>>)
      %dma_wait3A = arith.constant 0 : i32
      %dma_wait3A_58 = arith.constant 0 : i32
      %dma_wait3A_59 = tpu.memref_slice %arg8[%run_scoped3A_19, %dma_wait3A, %dma_wait3A_58] : memref<3x120x128xf32, #tpu.memory_space<vmem>> -> memref<1x120x128xf32, #tpu.memory_space<vmem>>
      %dma_wait3A_60 = tpu.memref_squeeze %dma_wait3A_59 : memref<1x120x128xf32, #tpu.memory_space<vmem>> -> memref<120x128xf32, #tpu.memory_space<vmem>>
      %dma_wait3A_61 = arith.constant 0 : i32
      %dma_wait3A_62 = tpu.memref_slice %arg9[%add3A_18, %dma_wait3A_61] : memref<10240x128xf32, #tpu.memory_space<vmem_shared>> -> memref<120x128xf32, #tpu.memory_space<vmem_shared>>
      %dma_wait3A_63 = arith.constant 0 : i32
      %dma_wait3A_64 = tpu.memref_slice %arg9[%add3A_18, %dma_wait3A_63] : memref<10240x128xf32, #tpu.memory_space<vmem_shared>> -> memref<120x128xf32, #tpu.memory_space<vmem_shared>>
      %dma_wait3A_65 = arith.constant 0 : i32
      %dma_wait3A_66 = arith.constant 0 : i32
      %dma_wait3A_67 = tpu.memref_slice %arg8[%run_scoped3A_19, %dma_wait3A_65, %dma_wait3A_66] : memref<3x120x128xf32, #tpu.memory_space<vmem>> -> memref<1x120x128xf32, #tpu.memory_space<vmem>>
      %dma_wait3A_68 = tpu.memref_squeeze %dma_wait3A_67 : memref<1x120x128xf32, #tpu.memory_space<vmem>> -> memref<120x128xf32, #tpu.memory_space<vmem>>
      tpu.wait_dma2 semaphore(%run_scoped3A_46 : memref<!tpu.dma_semaphore, #tpu.memory_space<semaphore_mem>>) src(%dma_wait3A_68 : memref<120x128xf32, #tpu.memory_space<vmem>>) dst(%dma_wait3A_64 : memref<120x128xf32, #tpu.memory_space<vmem_shared>>)
      tpu.yield
    }) : () -> ()
    %mul3A_20 = arith.constant 640 : i32
    %mul3A_21 = arith.muli %arg1, %mul3A_20 : i32
    %add3A_22 = arith.constant 360 : i32
    %add3A_23 = arith.addi %mul3A_21, %add3A_22 : i32
    %run_scoped3A_24 = arith.constant 0 : i32
    "tpu.region"() ({
      %run_scoped3A_46 = tpu.sem_alloc : memref<!tpu.dma_semaphore, #tpu.memory_space<semaphore_mem>>
      %dma_start3A = arith.constant 0 : i32
      %dma_start3A_47 = arith.constant 0 : i32
      %dma_start3A_48 = tpu.memref_slice %arg8[%run_scoped3A_24, %dma_start3A, %dma_start3A_47] : memref<3x120x128xf32, #tpu.memory_space<vmem>> -> memref<1x120x128xf32, #tpu.memory_space<vmem>>
      %dma_start3A_49 = tpu.memref_squeeze %dma_start3A_48 : memref<1x120x128xf32, #tpu.memory_space<vmem>> -> memref<120x128xf32, #tpu.memory_space<vmem>>
      %dma_start3A_50 = arith.constant 0 : i32
      %dma_start3A_51 = tpu.memref_slice %arg9[%add3A_23, %dma_start3A_50] : memref<10240x128xf32, #tpu.memory_space<vmem_shared>> -> memref<120x128xf32, #tpu.memory_space<vmem_shared>>
      %dma_start3A_52 = arith.constant 0 : i32
      %dma_start3A_53 = tpu.memref_slice %arg9[%add3A_23, %dma_start3A_52] : memref<10240x128xf32, #tpu.memory_space<vmem_shared>> -> memref<120x128xf32, #tpu.memory_space<vmem_shared>>
      %dma_start3A_54 = arith.constant 0 : i32
      %dma_start3A_55 = arith.constant 0 : i32
      %dma_start3A_56 = tpu.memref_slice %arg8[%run_scoped3A_24, %dma_start3A_54, %dma_start3A_55] : memref<3x120x128xf32, #tpu.memory_space<vmem>> -> memref<1x120x128xf32, #tpu.memory_space<vmem>>
      %dma_start3A_57 = tpu.memref_squeeze %dma_start3A_56 : memref<1x120x128xf32, #tpu.memory_space<vmem>> -> memref<120x128xf32, #tpu.memory_space<vmem>>
      tpu.enqueue_dma source(%dma_start3A_57 : memref<120x128xf32, #tpu.memory_space<vmem>>) target(%dma_start3A_53 : memref<120x128xf32, #tpu.memory_space<vmem_shared>>) target_semaphore(%run_scoped3A_46 : memref<!tpu.dma_semaphore, #tpu.memory_space<semaphore_mem>>)
      %dma_wait3A = arith.constant 0 : i32
      %dma_wait3A_58 = arith.constant 0 : i32
      %dma_wait3A_59 = tpu.memref_slice %arg8[%run_scoped3A_24, %dma_wait3A, %dma_wait3A_58] : memref<3x120x128xf32, #tpu.memory_space<vmem>> -> memref<1x120x128xf32, #tpu.memory_space<vmem>>
      %dma_wait3A_60 = tpu.memref_squeeze %dma_wait3A_59 : memref<1x120x128xf32, #tpu.memory_space<vmem>> -> memref<120x128xf32, #tpu.memory_space<vmem>>
      %dma_wait3A_61 = arith.constant 0 : i32
      %dma_wait3A_62 = tpu.memref_slice %arg9[%add3A_23, %dma_wait3A_61] : memref<10240x128xf32, #tpu.memory_space<vmem_shared>> -> memref<120x128xf32, #tpu.memory_space<vmem_shared>>
      %dma_wait3A_63 = arith.constant 0 : i32
      %dma_wait3A_64 = tpu.memref_slice %arg9[%add3A_23, %dma_wait3A_63] : memref<10240x128xf32, #tpu.memory_space<vmem_shared>> -> memref<120x128xf32, #tpu.memory_space<vmem_shared>>
      %dma_wait3A_65 = arith.constant 0 : i32
      %dma_wait3A_66 = arith.constant 0 : i32
      %dma_wait3A_67 = tpu.memref_slice %arg8[%run_scoped3A_24, %dma_wait3A_65, %dma_wait3A_66] : memref<3x120x128xf32, #tpu.memory_space<vmem>> -> memref<1x120x128xf32, #tpu.memory_space<vmem>>
      %dma_wait3A_68 = tpu.memref_squeeze %dma_wait3A_67 : memref<1x120x128xf32, #tpu.memory_space<vmem>> -> memref<120x128xf32, #tpu.memory_space<vmem>>
      tpu.wait_dma2 semaphore(%run_scoped3A_46 : memref<!tpu.dma_semaphore, #tpu.memory_space<semaphore_mem>>) src(%dma_wait3A_68 : memref<120x128xf32, #tpu.memory_space<vmem>>) dst(%dma_wait3A_64 : memref<120x128xf32, #tpu.memory_space<vmem_shared>>)
      tpu.yield
    }) : () -> ()
    %mul3A_25 = arith.constant 640 : i32
    %mul3A_26 = arith.muli %arg1, %mul3A_25 : i32
    %add3A_27 = arith.constant 480 : i32
    %add3A_28 = arith.addi %mul3A_26, %add3A_27 : i32
    %run_scoped3A_29 = arith.constant 0 : i32
    "tpu.region"() ({
      %run_scoped3A_46 = tpu.sem_alloc : memref<!tpu.dma_semaphore, #tpu.memory_space<semaphore_mem>>
      %dma_start3A = arith.constant 0 : i32
      %dma_start3A_47 = arith.constant 0 : i32
      %dma_start3A_48 = tpu.memref_slice %arg8[%run_scoped3A_29, %dma_start3A, %dma_start3A_47] : memref<3x120x128xf32, #tpu.memory_space<vmem>> -> memref<1x120x128xf32, #tpu.memory_space<vmem>>
      %dma_start3A_49 = tpu.memref_squeeze %dma_start3A_48 : memref<1x120x128xf32, #tpu.memory_space<vmem>> -> memref<120x128xf32, #tpu.memory_space<vmem>>
      %dma_start3A_50 = arith.constant 0 : i32
      %dma_start3A_51 = tpu.memref_slice %arg9[%add3A_28, %dma_start3A_50] : memref<10240x128xf32, #tpu.memory_space<vmem_shared>> -> memref<120x128xf32, #tpu.memory_space<vmem_shared>>
      %dma_start3A_52 = arith.constant 0 : i32
      %dma_start3A_53 = tpu.memref_slice %arg9[%add3A_28, %dma_start3A_52] : memref<10240x128xf32, #tpu.memory_space<vmem_shared>> -> memref<120x128xf32, #tpu.memory_space<vmem_shared>>
      %dma_start3A_54 = arith.constant 0 : i32
      %dma_start3A_55 = arith.constant 0 : i32
      %dma_start3A_56 = tpu.memref_slice %arg8[%run_scoped3A_29, %dma_start3A_54, %dma_start3A_55] : memref<3x120x128xf32, #tpu.memory_space<vmem>> -> memref<1x120x128xf32, #tpu.memory_space<vmem>>
      %dma_start3A_57 = tpu.memref_squeeze %dma_start3A_56 : memref<1x120x128xf32, #tpu.memory_space<vmem>> -> memref<120x128xf32, #tpu.memory_space<vmem>>
      tpu.enqueue_dma source(%dma_start3A_57 : memref<120x128xf32, #tpu.memory_space<vmem>>) target(%dma_start3A_53 : memref<120x128xf32, #tpu.memory_space<vmem_shared>>) target_semaphore(%run_scoped3A_46 : memref<!tpu.dma_semaphore, #tpu.memory_space<semaphore_mem>>)
      %dma_wait3A = arith.constant 0 : i32
      %dma_wait3A_58 = arith.constant 0 : i32
      %dma_wait3A_59 = tpu.memref_slice %arg8[%run_scoped3A_29, %dma_wait3A, %dma_wait3A_58] : memref<3x120x128xf32, #tpu.memory_space<vmem>> -> memref<1x120x128xf32, #tpu.memory_space<vmem>>
      %dma_wait3A_60 = tpu.memref_squeeze %dma_wait3A_59 : memref<1x120x128xf32, #tpu.memory_space<vmem>> -> memref<120x128xf32, #tpu.memory_space<vmem>>
      %dma_wait3A_61 = arith.constant 0 : i32
      %dma_wait3A_62 = tpu.memref_slice %arg9[%add3A_28, %dma_wait3A_61] : memref<10240x128xf32, #tpu.memory_space<vmem_shared>> -> memref<120x128xf32, #tpu.memory_space<vmem_shared>>
      %dma_wait3A_63 = arith.constant 0 : i32
      %dma_wait3A_64 = tpu.memref_slice %arg9[%add3A_28, %dma_wait3A_63] : memref<10240x128xf32, #tpu.memory_space<vmem_shared>> -> memref<120x128xf32, #tpu.memory_space<vmem_shared>>
      %dma_wait3A_65 = arith.constant 0 : i32
      %dma_wait3A_66 = arith.constant 0 : i32
      %dma_wait3A_67 = tpu.memref_slice %arg8[%run_scoped3A_29, %dma_wait3A_65, %dma_wait3A_66] : memref<3x120x128xf32, #tpu.memory_space<vmem>> -> memref<1x120x128xf32, #tpu.memory_space<vmem>>
      %dma_wait3A_68 = tpu.memref_squeeze %dma_wait3A_67 : memref<1x120x128xf32, #tpu.memory_space<vmem>> -> memref<120x128xf32, #tpu.memory_space<vmem>>
      tpu.wait_dma2 semaphore(%run_scoped3A_46 : memref<!tpu.dma_semaphore, #tpu.memory_space<semaphore_mem>>) src(%dma_wait3A_68 : memref<120x128xf32, #tpu.memory_space<vmem>>) dst(%dma_wait3A_64 : memref<120x128xf32, #tpu.memory_space<vmem_shared>>)
      tpu.yield
    }) : () -> ()
    %mul3A_30 = arith.constant 640 : i32
    %mul3A_31 = arith.muli %arg1, %mul3A_30 : i32
    %add3A_32 = arith.constant 600 : i32
    %add3A_33 = arith.addi %mul3A_31, %add3A_32 : i32
    %run_scoped3A_34 = arith.constant 0 : i32
    "tpu.region"() ({
      %run_scoped3A_46 = tpu.sem_alloc : memref<!tpu.dma_semaphore, #tpu.memory_space<semaphore_mem>>
      %dma_start3A = arith.constant 0 : i32
      %dma_start3A_47 = arith.constant 0 : i32
      %dma_start3A_48 = tpu.memref_slice %arg8[%run_scoped3A_34, %dma_start3A, %dma_start3A_47] : memref<3x120x128xf32, #tpu.memory_space<vmem>> -> memref<1x40x128xf32, #tpu.memory_space<vmem>>
      %dma_start3A_49 = tpu.memref_squeeze %dma_start3A_48 : memref<1x40x128xf32, #tpu.memory_space<vmem>> -> memref<40x128xf32, #tpu.memory_space<vmem>>
      %dma_start3A_50 = arith.constant 0 : i32
      %dma_start3A_51 = tpu.memref_slice %arg9[%add3A_33, %dma_start3A_50] : memref<10240x128xf32, #tpu.memory_space<vmem_shared>> -> memref<40x128xf32, #tpu.memory_space<vmem_shared>>
      %dma_start3A_52 = arith.constant 0 : i32
      %dma_start3A_53 = tpu.memref_slice %arg9[%add3A_33, %dma_start3A_52] : memref<10240x128xf32, #tpu.memory_space<vmem_shared>> -> memref<40x128xf32, #tpu.memory_space<vmem_shared>>
      %dma_start3A_54 = arith.constant 0 : i32
      %dma_start3A_55 = arith.constant 0 : i32
      %dma_start3A_56 = tpu.memref_slice %arg8[%run_scoped3A_34, %dma_start3A_54, %dma_start3A_55] : memref<3x120x128xf32, #tpu.memory_space<vmem>> -> memref<1x40x128xf32, #tpu.memory_space<vmem>>
      %dma_start3A_57 = tpu.memref_squeeze %dma_start3A_56 : memref<1x40x128xf32, #tpu.memory_space<vmem>> -> memref<40x128xf32, #tpu.memory_space<vmem>>
      tpu.enqueue_dma source(%dma_start3A_57 : memref<40x128xf32, #tpu.memory_space<vmem>>) target(%dma_start3A_53 : memref<40x128xf32, #tpu.memory_space<vmem_shared>>) target_semaphore(%run_scoped3A_46 : memref<!tpu.dma_semaphore, #tpu.memory_space<semaphore_mem>>)
      %dma_wait3A = arith.constant 0 : i32
      %dma_wait3A_58 = arith.constant 0 : i32
      %dma_wait3A_59 = tpu.memref_slice %arg8[%run_scoped3A_34, %dma_wait3A, %dma_wait3A_58] : memref<3x120x128xf32, #tpu.memory_space<vmem>> -> memref<1x40x128xf32, #tpu.memory_space<vmem>>
      %dma_wait3A_60 = tpu.memref_squeeze %dma_wait3A_59 : memref<1x40x128xf32, #tpu.memory_space<vmem>> -> memref<40x128xf32, #tpu.memory_space<vmem>>
      %dma_wait3A_61 = arith.constant 0 : i32
      %dma_wait3A_62 = tpu.memref_slice %arg9[%add3A_33, %dma_wait3A_61] : memref<10240x128xf32, #tpu.memory_space<vmem_shared>> -> memref<40x128xf32, #tpu.memory_space<vmem_shared>>
      %dma_wait3A_63 = arith.constant 0 : i32
      %dma_wait3A_64 = tpu.memref_slice %arg9[%add3A_33, %dma_wait3A_63] : memref<10240x128xf32, #tpu.memory_space<vmem_shared>> -> memref<40x128xf32, #tpu.memory_space<vmem_shared>>
      %dma_wait3A_65 = arith.constant 0 : i32
      %dma_wait3A_66 = arith.constant 0 : i32
      %dma_wait3A_67 = tpu.memref_slice %arg8[%run_scoped3A_34, %dma_wait3A_65, %dma_wait3A_66] : memref<3x120x128xf32, #tpu.memory_space<vmem>> -> memref<1x40x128xf32, #tpu.memory_space<vmem>>
      %dma_wait3A_68 = tpu.memref_squeeze %dma_wait3A_67 : memref<1x40x128xf32, #tpu.memory_space<vmem>> -> memref<40x128xf32, #tpu.memory_space<vmem>>
      tpu.wait_dma2 semaphore(%run_scoped3A_46 : memref<!tpu.dma_semaphore, #tpu.memory_space<semaphore_mem>>) src(%dma_wait3A_68 : memref<40x128xf32, #tpu.memory_space<vmem>>) dst(%dma_wait3A_64 : memref<40x128xf32, #tpu.memory_space<vmem_shared>>)
      tpu.yield
    }) : () -> ()
    %barrier3A = arith.constant 0 : index
    tpu.barrier barrier_id(%barrier3A)
    %scan3A_35 = arith.constant 0 : i32
    %scan3A_36 = arith.constant 0 : i32
    %scan3A_37 = arith.constant 7 : i32
    %scan3A_38 = arith.addi %scan3A_36, %scan3A_37 : i32
    %scan3A_39 = arith.constant 1 : i32
    scf.for %scan3A_46 = %scan3A_36 to %scan3A_38 step %scan3A_39  : i32 {
      %mul3A_47 = arith.constant 10080 : i32
      %mul3A_48 = arith.muli %add3A, %mul3A_47 : i32
      %mul3A_49 = arith.constant 12 : i32
      %mul3A_50 = arith.muli %scan3A_46, %mul3A_49 : i32
      %mul3A_51 = arith.constant 120 : i32
      %mul3A_52 = arith.muli %mul3A_50, %mul3A_51 : i32
      %add3A_53 = arith.addi %mul3A_48, %mul3A_52 : i32
      "tpu.region"() ({
        %run_scoped3A_604 = tpu.sem_alloc : memref<!tpu.dma_semaphore, #tpu.memory_space<semaphore_mem>>
        %dma_start3A_605 = tpu.memref_slice %arg3[%add3A_53] : memref<322560xi32, #tpu.memory_space<hbm>> -> memref<1440xi32, #tpu.memory_space<hbm>>
        %dma_start3A_606 = tpu.memref_slice %arg3[%add3A_53] : memref<322560xi32, #tpu.memory_space<hbm>> -> memref<1440xi32, #tpu.memory_space<hbm>>
        tpu.enqueue_dma source(%dma_start3A_606 : memref<1440xi32, #tpu.memory_space<hbm>>) target(%arg6 : memref<1440xi32, #tpu.memory_space<vmem>>) target_semaphore(%run_scoped3A_604 : memref<!tpu.dma_semaphore, #tpu.memory_space<semaphore_mem>>)
        %dma_wait3A_607 = tpu.memref_slice %arg3[%add3A_53] : memref<322560xi32, #tpu.memory_space<hbm>> -> memref<1440xi32, #tpu.memory_space<hbm>>
        %dma_wait3A_608 = tpu.memref_slice %arg3[%add3A_53] : memref<322560xi32, #tpu.memory_space<hbm>> -> memref<1440xi32, #tpu.memory_space<hbm>>
        tpu.wait_dma2 semaphore(%run_scoped3A_604 : memref<!tpu.dma_semaphore, #tpu.memory_space<semaphore_mem>>) src(%dma_wait3A_608 : memref<1440xi32, #tpu.memory_space<hbm>>) dst(%arg6 : memref<1440xi32, #tpu.memory_space<vmem>>)
        tpu.yield
      }) : () -> ()
      "tpu.region"() ({
        %run_scoped3A_604 = tpu.sem_alloc : memref<!tpu.dma_semaphore, #tpu.memory_space<semaphore_mem>>
        %dma_start3A_605 = arith.constant 0 : i32
        %dma_start3A_606 = arith.constant 0 : i32
        %dma_start3A_607 = arith.constant 0 : i32
        %dma_start3A_608 = tpu.memref_slice %arg4[%add3A, %scan3A_46, %dma_start3A_605, %dma_start3A_606, %dma_start3A_607] : memref<32x7x12x1x120xi32, #tpu.memory_space<hbm>> -> memref<1x1x12x1x120xi32, #tpu.memory_space<hbm>>
        %dma_start3A_609 = tpu.memref_squeeze %dma_start3A_608 : memref<1x1x12x1x120xi32, #tpu.memory_space<hbm>> -> memref<12x1x120xi32, #tpu.memory_space<hbm>>
        %dma_start3A_610 = arith.constant 0 : i32
        %dma_start3A_611 = arith.constant 0 : i32
        %dma_start3A_612 = arith.constant 0 : i32
        %dma_start3A_613 = tpu.memref_slice %arg4[%add3A, %scan3A_46, %dma_start3A_610, %dma_start3A_611, %dma_start3A_612] : memref<32x7x12x1x120xi32, #tpu.memory_space<hbm>> -> memref<1x1x12x1x120xi32, #tpu.memory_space<hbm>>
        %dma_start3A_614 = tpu.memref_squeeze %dma_start3A_613 : memref<1x1x12x1x120xi32, #tpu.memory_space<hbm>> -> memref<12x1x120xi32, #tpu.memory_space<hbm>>
        tpu.enqueue_dma source(%dma_start3A_614 : memref<12x1x120xi32, #tpu.memory_space<hbm>>) target(%arg7 : memref<12x1x120xi32, #tpu.memory_space<vmem>>) target_semaphore(%run_scoped3A_604 : memref<!tpu.dma_semaphore, #tpu.memory_space<semaphore_mem>>)
        %dma_wait3A_615 = arith.constant 0 : i32
        %dma_wait3A_616 = arith.constant 0 : i32
        %dma_wait3A_617 = arith.constant 0 : i32
        %dma_wait3A_618 = tpu.memref_slice %arg4[%add3A, %scan3A_46, %dma_wait3A_615, %dma_wait3A_616, %dma_wait3A_617] : memref<32x7x12x1x120xi32, #tpu.memory_space<hbm>> -> memref<1x1x12x1x120xi32, #tpu.memory_space<hbm>>
        %dma_wait3A_619 = tpu.memref_squeeze %dma_wait3A_618 : memref<1x1x12x1x120xi32, #tpu.memory_space<hbm>> -> memref<12x1x120xi32, #tpu.memory_space<hbm>>
        %dma_wait3A_620 = arith.constant 0 : i32
        %dma_wait3A_621 = arith.constant 0 : i32
        %dma_wait3A_622 = arith.constant 0 : i32
        %dma_wait3A_623 = tpu.memref_slice %arg4[%add3A, %scan3A_46, %dma_wait3A_620, %dma_wait3A_621, %dma_wait3A_622] : memref<32x7x12x1x120xi32, #tpu.memory_space<hbm>> -> memref<1x1x12x1x120xi32, #tpu.memory_space<hbm>>
        %dma_wait3A_624 = tpu.memref_squeeze %dma_wait3A_623 : memref<1x1x12x1x120xi32, #tpu.memory_space<hbm>> -> memref<12x1x120xi32, #tpu.memory_space<hbm>>
        tpu.wait_dma2 semaphore(%run_scoped3A_604 : memref<!tpu.dma_semaphore, #tpu.memory_space<semaphore_mem>>) src(%dma_wait3A_624 : memref<12x1x120xi32, #tpu.memory_space<hbm>>) dst(%arg7 : memref<12x1x120xi32, #tpu.memory_space<vmem>>)
        tpu.yield
      }) : () -> ()
      %dma_start3A = arith.constant 0 : i32
      %dma_start3A_54 = arith.constant 0 : i32
      %dma_start3A_55 = arith.constant 0 : i32
      %dma_start3A_56 = tpu.memref_slice %arg8[%dma_start3A, %dma_start3A_54, %dma_start3A_55] : memref<3x120x128xf32, #tpu.memory_space<vmem>> -> memref<1x120x128xf32, #tpu.memory_space<vmem>>
      %dma_start3A_57 = tpu.memref_squeeze %dma_start3A_56 : memref<1x120x128xf32, #tpu.memory_space<vmem>> -> memref<120x128xf32, #tpu.memory_space<vmem>>
      %dma_start3A_58 = arith.constant 0 : i32
      %dma_start3A_59 = tpu.memref_slice %arg6[%dma_start3A_58] : memref<1440xi32, #tpu.memory_space<vmem>> -> memref<120xi32, #tpu.memory_space<vmem>>
      %dma_start3A_60 = arith.constant 0 : i32
      %dma_start3A_61 = arith.constant 0 : i32
      %dma_start3A_62 = tpu.memref_slice %arg2[%dma_start3A_60, %dma_start3A_61] : memref<10000x128xf32, #tpu.memory_space<hbm>> -> memref<10000x128xf32, #tpu.memory_space<hbm>>
      tpu.enqueue_indirect_dma source(%dma_start3A_62 : memref<10000x128xf32, #tpu.memory_space<hbm>>) target(%dma_start3A_57 : memref<120x128xf32, #tpu.memory_space<vmem>>) offsets(%dma_start3A_59 : memref<120xi32, #tpu.memory_space<vmem>>) semaphore(%arg10 : memref<!tpu.dma_semaphore, #tpu.memory_space<semaphore_mem>>)
      %dma_start3A_63 = arith.constant 1 : i32
      %dma_start3A_64 = arith.constant 0 : i32
      %dma_start3A_65 = arith.constant 0 : i32
      %dma_start3A_66 = tpu.memref_slice %arg8[%dma_start3A_63, %dma_start3A_64, %dma_start3A_65] : memref<3x120x128xf32, #tpu.memory_space<vmem>> -> memref<1x120x128xf32, #tpu.memory_space<vmem>>
      %dma_start3A_67 = tpu.memref_squeeze %dma_start3A_66 : memref<1x120x128xf32, #tpu.memory_space<vmem>> -> memref<120x128xf32, #tpu.memory_space<vmem>>
      %dma_start3A_68 = arith.constant 120 : i32
      %dma_start3A_69 = tpu.memref_slice %arg6[%dma_start3A_68] : memref<1440xi32, #tpu.memory_space<vmem>> -> memref<120xi32, #tpu.memory_space<vmem>>
      %dma_start3A_70 = arith.constant 0 : i32
      %dma_start3A_71 = arith.constant 0 : i32
      %dma_start3A_72 = tpu.memref_slice %arg2[%dma_start3A_70, %dma_start3A_71] : memref<10000x128xf32, #tpu.memory_space<hbm>> -> memref<10000x128xf32, #tpu.memory_space<hbm>>
      tpu.enqueue_indirect_dma source(%dma_start3A_72 : memref<10000x128xf32, #tpu.memory_space<hbm>>) target(%dma_start3A_67 : memref<120x128xf32, #tpu.memory_space<vmem>>) offsets(%dma_start3A_69 : memref<120xi32, #tpu.memory_space<vmem>>) semaphore(%arg11 : memref<!tpu.dma_semaphore, #tpu.memory_space<semaphore_mem>>)
      %dma_start3A_73 = arith.constant 2 : i32
      %dma_start3A_74 = arith.constant 0 : i32
      %dma_start3A_75 = arith.constant 0 : i32
      %dma_start3A_76 = tpu.memref_slice %arg8[%dma_start3A_73, %dma_start3A_74, %dma_start3A_75] : memref<3x120x128xf32, #tpu.memory_space<vmem>> -> memref<1x120x128xf32, #tpu.memory_space<vmem>>
      %dma_start3A_77 = tpu.memref_squeeze %dma_start3A_76 : memref<1x120x128xf32, #tpu.memory_space<vmem>> -> memref<120x128xf32, #tpu.memory_space<vmem>>
      %dma_start3A_78 = arith.constant 240 : i32
      %dma_start3A_79 = tpu.memref_slice %arg6[%dma_start3A_78] : memref<1440xi32, #tpu.memory_space<vmem>> -> memref<120xi32, #tpu.memory_space<vmem>>
      %dma_start3A_80 = arith.constant 0 : i32
      %dma_start3A_81 = arith.constant 0 : i32
      %dma_start3A_82 = tpu.memref_slice %arg2[%dma_start3A_80, %dma_start3A_81] : memref<10000x128xf32, #tpu.memory_space<hbm>> -> memref<10000x128xf32, #tpu.memory_space<hbm>>
      tpu.enqueue_indirect_dma source(%dma_start3A_82 : memref<10000x128xf32, #tpu.memory_space<hbm>>) target(%dma_start3A_77 : memref<120x128xf32, #tpu.memory_space<vmem>>) offsets(%dma_start3A_79 : memref<120xi32, #tpu.memory_space<vmem>>) semaphore(%arg12 : memref<!tpu.dma_semaphore, #tpu.memory_space<semaphore_mem>>)
      %dma_wait3A = arith.constant 0 : i32
      %dma_wait3A_83 = arith.constant 0 : i32
      %dma_wait3A_84 = arith.constant 0 : i32
      %dma_wait3A_85 = tpu.memref_slice %arg8[%dma_wait3A, %dma_wait3A_83, %dma_wait3A_84] : memref<3x120x128xf32, #tpu.memory_space<vmem>> -> memref<1x120x128xf32, #tpu.memory_space<vmem>>
      %dma_wait3A_86 = tpu.memref_squeeze %dma_wait3A_85 : memref<1x120x128xf32, #tpu.memory_space<vmem>> -> memref<120x128xf32, #tpu.memory_space<vmem>>
      %dma_wait3A_87 = arith.constant 0 : i32
      %dma_wait3A_88 = tpu.memref_slice %arg6[%dma_wait3A_87] : memref<1440xi32, #tpu.memory_space<vmem>> -> memref<120xi32, #tpu.memory_space<vmem>>
      %dma_wait3A_89 = arith.constant 0 : i32
      %dma_wait3A_90 = arith.constant 0 : i32
      %dma_wait3A_91 = tpu.memref_slice %arg2[%dma_wait3A_89, %dma_wait3A_90] : memref<10000x128xf32, #tpu.memory_space<hbm>> -> memref<10000x128xf32, #tpu.memory_space<hbm>>
      tpu.wait_indirect_dma semaphore(%arg10 : memref<!tpu.dma_semaphore, #tpu.memory_space<semaphore_mem>>) src(%dma_wait3A_91 : memref<10000x128xf32, #tpu.memory_space<hbm>>) dst(%dma_wait3A_86 : memref<120x128xf32, #tpu.memory_space<vmem>>)
      %dma_start3A_92 = arith.constant 0 : i32
      %dma_start3A_93 = arith.constant 0 : i32
      %dma_start3A_94 = arith.constant 0 : i32
      %dma_start3A_95 = arith.constant 0 : i32
      %dma_start3A_96 = arith.constant 0 : i32
      %dma_start3A_97 = tpu.memref_slice %arg8[%dma_start3A_92, %dma_start3A_95, %dma_start3A_96] : memref<3x120x128xf32, #tpu.memory_space<vmem>> -> memref<1x120x128xf32, #tpu.memory_space<vmem>>
      %dma_start3A_98 = tpu.memref_squeeze %dma_start3A_97 : memref<1x120x128xf32, #tpu.memory_space<vmem>> -> memref<120x128xf32, #tpu.memory_space<vmem>>
      %dma_start3A_99 = arith.constant 0 : i32
      %dma_start3A_100 = tpu.memref_slice %arg7[%dma_start3A_93, %dma_start3A_94, %dma_start3A_99] : memref<12x1x120xi32, #tpu.memory_space<vmem>> -> memref<1x1x120xi32, #tpu.memory_space<vmem>>
      %dma_start3A_101 = tpu.memref_squeeze %dma_start3A_100 : memref<1x1x120xi32, #tpu.memory_space<vmem>> -> memref<120xi32, #tpu.memory_space<vmem>>
      %dma_start3A_102 = arith.constant 0 : i32
      %dma_start3A_103 = arith.constant 0 : i32
      %dma_start3A_104 = tpu.memref_slice %arg9[%dma_start3A_102, %dma_start3A_103] : memref<10240x128xf32, #tpu.memory_space<vmem_shared>> -> memref<10240x128xf32, #tpu.memory_space<vmem_shared>>
      tpu.enqueue_indirect_dma source(%dma_start3A_98 : memref<120x128xf32, #tpu.memory_space<vmem>>) target(%dma_start3A_104 : memref<10240x128xf32, #tpu.memory_space<vmem_shared>>) offsets(%dma_start3A_101 : memref<120xi32, #tpu.memory_space<vmem>>) semaphore(%arg13 : memref<!tpu.dma_semaphore, #tpu.memory_space<semaphore_mem>>) {add = true}
      %dma_wait3A_105 = arith.constant 1 : i32
      %dma_wait3A_106 = arith.constant 0 : i32
      %dma_wait3A_107 = arith.constant 0 : i32
      %dma_wait3A_108 = tpu.memref_slice %arg8[%dma_wait3A_105, %dma_wait3A_106, %dma_wait3A_107] : memref<3x120x128xf32, #tpu.memory_space<vmem>> -> memref<1x120x128xf32, #tpu.memory_space<vmem>>
      %dma_wait3A_109 = tpu.memref_squeeze %dma_wait3A_108 : memref<1x120x128xf32, #tpu.memory_space<vmem>> -> memref<120x128xf32, #tpu.memory_space<vmem>>
      %dma_wait3A_110 = arith.constant 120 : i32
      %dma_wait3A_111 = tpu.memref_slice %arg6[%dma_wait3A_110] : memref<1440xi32, #tpu.memory_space<vmem>> -> memref<120xi32, #tpu.memory_space<vmem>>
      %dma_wait3A_112 = arith.constant 0 : i32
      %dma_wait3A_113 = arith.constant 0 : i32
      %dma_wait3A_114 = tpu.memref_slice %arg2[%dma_wait3A_112, %dma_wait3A_113] : memref<10000x128xf32, #tpu.memory_space<hbm>> -> memref<10000x128xf32, #tpu.memory_space<hbm>>
      tpu.wait_indirect_dma semaphore(%arg11 : memref<!tpu.dma_semaphore, #tpu.memory_space<semaphore_mem>>) src(%dma_wait3A_114 : memref<10000x128xf32, #tpu.memory_space<hbm>>) dst(%dma_wait3A_109 : memref<120x128xf32, #tpu.memory_space<vmem>>)
      %dma_start3A_115 = arith.constant 1 : i32
      %dma_start3A_116 = arith.constant 1 : i32
      %dma_start3A_117 = arith.constant 0 : i32
      %dma_start3A_118 = arith.constant 0 : i32
      %dma_start3A_119 = arith.constant 0 : i32
      %dma_start3A_120 = tpu.memref_slice %arg8[%dma_start3A_115, %dma_start3A_118, %dma_start3A_119] : memref<3x120x128xf32, #tpu.memory_space<vmem>> -> memref<1x120x128xf32, #tpu.memory_space<vmem>>
      %dma_start3A_121 = tpu.memref_squeeze %dma_start3A_120 : memref<1x120x128xf32, #tpu.memory_space<vmem>> -> memref<120x128xf32, #tpu.memory_space<vmem>>
      %dma_start3A_122 = arith.constant 0 : i32
      %dma_start3A_123 = tpu.memref_slice %arg7[%dma_start3A_116, %dma_start3A_117, %dma_start3A_122] : memref<12x1x120xi32, #tpu.memory_space<vmem>> -> memref<1x1x120xi32, #tpu.memory_space<vmem>>
      %dma_start3A_124 = tpu.memref_squeeze %dma_start3A_123 : memref<1x1x120xi32, #tpu.memory_space<vmem>> -> memref<120xi32, #tpu.memory_space<vmem>>
      %dma_start3A_125 = arith.constant 0 : i32
      %dma_start3A_126 = arith.constant 0 : i32
      %dma_start3A_127 = tpu.memref_slice %arg9[%dma_start3A_125, %dma_start3A_126] : memref<10240x128xf32, #tpu.memory_space<vmem_shared>> -> memref<10240x128xf32, #tpu.memory_space<vmem_shared>>
      tpu.enqueue_indirect_dma source(%dma_start3A_121 : memref<120x128xf32, #tpu.memory_space<vmem>>) target(%dma_start3A_127 : memref<10240x128xf32, #tpu.memory_space<vmem_shared>>) offsets(%dma_start3A_124 : memref<120xi32, #tpu.memory_space<vmem>>) semaphore(%arg14 : memref<!tpu.dma_semaphore, #tpu.memory_space<semaphore_mem>>) {add = true}
      %dma_wait3A_128 = arith.constant 2 : i32
      %dma_wait3A_129 = arith.constant 0 : i32
      %dma_wait3A_130 = arith.constant 0 : i32
      %dma_wait3A_131 = tpu.memref_slice %arg8[%dma_wait3A_128, %dma_wait3A_129, %dma_wait3A_130] : memref<3x120x128xf32, #tpu.memory_space<vmem>> -> memref<1x120x128xf32, #tpu.memory_space<vmem>>
      %dma_wait3A_132 = tpu.memref_squeeze %dma_wait3A_131 : memref<1x120x128xf32, #tpu.memory_space<vmem>> -> memref<120x128xf32, #tpu.memory_space<vmem>>
      %dma_wait3A_133 = arith.constant 240 : i32
      %dma_wait3A_134 = tpu.memref_slice %arg6[%dma_wait3A_133] : memref<1440xi32, #tpu.memory_space<vmem>> -> memref<120xi32, #tpu.memory_space<vmem>>
      %dma_wait3A_135 = arith.constant 0 : i32
      %dma_wait3A_136 = arith.constant 0 : i32
      %dma_wait3A_137 = tpu.memref_slice %arg2[%dma_wait3A_135, %dma_wait3A_136] : memref<10000x128xf32, #tpu.memory_space<hbm>> -> memref<10000x128xf32, #tpu.memory_space<hbm>>
      tpu.wait_indirect_dma semaphore(%arg12 : memref<!tpu.dma_semaphore, #tpu.memory_space<semaphore_mem>>) src(%dma_wait3A_137 : memref<10000x128xf32, #tpu.memory_space<hbm>>) dst(%dma_wait3A_132 : memref<120x128xf32, #tpu.memory_space<vmem>>)
      %dma_start3A_138 = arith.constant 2 : i32
      %dma_start3A_139 = arith.constant 2 : i32
      %dma_start3A_140 = arith.constant 0 : i32
      %dma_start3A_141 = arith.constant 0 : i32
      %dma_start3A_142 = arith.constant 0 : i32
      %dma_start3A_143 = tpu.memref_slice %arg8[%dma_start3A_138, %dma_start3A_141, %dma_start3A_142] : memref<3x120x128xf32, #tpu.memory_space<vmem>> -> memref<1x120x128xf32, #tpu.memory_space<vmem>>
      %dma_start3A_144 = tpu.memref_squeeze %dma_start3A_143 : memref<1x120x128xf32, #tpu.memory_space<vmem>> -> memref<120x128xf32, #tpu.memory_space<vmem>>
      %dma_start3A_145 = arith.constant 0 : i32
      %dma_start3A_146 = tpu.memref_slice %arg7[%dma_start3A_139, %dma_start3A_140, %dma_start3A_145] : memref<12x1x120xi32, #tpu.memory_space<vmem>> -> memref<1x1x120xi32, #tpu.memory_space<vmem>>
      %dma_start3A_147 = tpu.memref_squeeze %dma_start3A_146 : memref<1x1x120xi32, #tpu.memory_space<vmem>> -> memref<120xi32, #tpu.memory_space<vmem>>
      %dma_start3A_148 = arith.constant 0 : i32
      %dma_start3A_149 = arith.constant 0 : i32
      %dma_start3A_150 = tpu.memref_slice %arg9[%dma_start3A_148, %dma_start3A_149] : memref<10240x128xf32, #tpu.memory_space<vmem_shared>> -> memref<10240x128xf32, #tpu.memory_space<vmem_shared>>
      tpu.enqueue_indirect_dma source(%dma_start3A_144 : memref<120x128xf32, #tpu.memory_space<vmem>>) target(%dma_start3A_150 : memref<10240x128xf32, #tpu.memory_space<vmem_shared>>) offsets(%dma_start3A_147 : memref<120xi32, #tpu.memory_space<vmem>>) semaphore(%arg15 : memref<!tpu.dma_semaphore, #tpu.memory_space<semaphore_mem>>) {add = true}
      %dma_wait3A_151 = arith.constant 0 : i32
      %dma_wait3A_152 = arith.constant 0 : i32
      %dma_wait3A_153 = arith.constant 0 : i32
      %dma_wait3A_154 = arith.constant 0 : i32
      %dma_wait3A_155 = arith.constant 0 : i32
      %dma_wait3A_156 = tpu.memref_slice %arg8[%dma_wait3A_151, %dma_wait3A_154, %dma_wait3A_155] : memref<3x120x128xf32, #tpu.memory_space<vmem>> -> memref<1x120x128xf32, #tpu.memory_space<vmem>>
      %dma_wait3A_157 = tpu.memref_squeeze %dma_wait3A_156 : memref<1x120x128xf32, #tpu.memory_space<vmem>> -> memref<120x128xf32, #tpu.memory_space<vmem>>
      %dma_wait3A_158 = arith.constant 0 : i32
      %dma_wait3A_159 = tpu.memref_slice %arg7[%dma_wait3A_152, %dma_wait3A_153, %dma_wait3A_158] : memref<12x1x120xi32, #tpu.memory_space<vmem>> -> memref<1x1x120xi32, #tpu.memory_space<vmem>>
      %dma_wait3A_160 = tpu.memref_squeeze %dma_wait3A_159 : memref<1x1x120xi32, #tpu.memory_space<vmem>> -> memref<120xi32, #tpu.memory_space<vmem>>
      %dma_wait3A_161 = arith.constant 0 : i32
      %dma_wait3A_162 = arith.constant 0 : i32
      %dma_wait3A_163 = tpu.memref_slice %arg9[%dma_wait3A_161, %dma_wait3A_162] : memref<10240x128xf32, #tpu.memory_space<vmem_shared>> -> memref<10240x128xf32, #tpu.memory_space<vmem_shared>>
      tpu.wait_indirect_dma semaphore(%arg13 : memref<!tpu.dma_semaphore, #tpu.memory_space<semaphore_mem>>) src(%dma_wait3A_157 : memref<120x128xf32, #tpu.memory_space<vmem>>) dst(%dma_wait3A_163 : memref<10240x128xf32, #tpu.memory_space<vmem_shared>>)
      %dma_start3A_164 = arith.constant 0 : i32
      %dma_start3A_165 = arith.constant 0 : i32
      %dma_start3A_166 = arith.constant 0 : i32
      %dma_start3A_167 = tpu.memref_slice %arg8[%dma_start3A_164, %dma_start3A_165, %dma_start3A_166] : memref<3x120x128xf32, #tpu.memory_space<vmem>> -> memref<1x120x128xf32, #tpu.memory_space<vmem>>
      %dma_start3A_168 = tpu.memref_squeeze %dma_start3A_167 : memref<1x120x128xf32, #tpu.memory_space<vmem>> -> memref<120x128xf32, #tpu.memory_space<vmem>>
      %dma_start3A_169 = arith.constant 360 : i32
      %dma_start3A_170 = tpu.memref_slice %arg6[%dma_start3A_169] : memref<1440xi32, #tpu.memory_space<vmem>> -> memref<120xi32, #tpu.memory_space<vmem>>
      %dma_start3A_171 = arith.constant 0 : i32
      %dma_start3A_172 = arith.constant 0 : i32
      %dma_start3A_173 = tpu.memref_slice %arg2[%dma_start3A_171, %dma_start3A_172] : memref<10000x128xf32, #tpu.memory_space<hbm>> -> memref<10000x128xf32, #tpu.memory_space<hbm>>
      tpu.enqueue_indirect_dma source(%dma_start3A_173 : memref<10000x128xf32, #tpu.memory_space<hbm>>) target(%dma_start3A_168 : memref<120x128xf32, #tpu.memory_space<vmem>>) offsets(%dma_start3A_170 : memref<120xi32, #tpu.memory_space<vmem>>) semaphore(%arg10 : memref<!tpu.dma_semaphore, #tpu.memory_space<semaphore_mem>>)
      %dma_wait3A_174 = arith.constant 1 : i32
      %dma_wait3A_175 = arith.constant 1 : i32
      %dma_wait3A_176 = arith.constant 0 : i32
      %dma_wait3A_177 = arith.constant 0 : i32
      %dma_wait3A_178 = arith.constant 0 : i32
      %dma_wait3A_179 = tpu.memref_slice %arg8[%dma_wait3A_174, %dma_wait3A_177, %dma_wait3A_178] : memref<3x120x128xf32, #tpu.memory_space<vmem>> -> memref<1x120x128xf32, #tpu.memory_space<vmem>>
      %dma_wait3A_180 = tpu.memref_squeeze %dma_wait3A_179 : memref<1x120x128xf32, #tpu.memory_space<vmem>> -> memref<120x128xf32, #tpu.memory_space<vmem>>
      %dma_wait3A_181 = arith.constant 0 : i32
      %dma_wait3A_182 = tpu.memref_slice %arg7[%dma_wait3A_175, %dma_wait3A_176, %dma_wait3A_181] : memref<12x1x120xi32, #tpu.memory_space<vmem>> -> memref<1x1x120xi32, #tpu.memory_space<vmem>>
      %dma_wait3A_183 = tpu.memref_squeeze %dma_wait3A_182 : memref<1x1x120xi32, #tpu.memory_space<vmem>> -> memref<120xi32, #tpu.memory_space<vmem>>
      %dma_wait3A_184 = arith.constant 0 : i32
      %dma_wait3A_185 = arith.constant 0 : i32
      %dma_wait3A_186 = tpu.memref_slice %arg9[%dma_wait3A_184, %dma_wait3A_185] : memref<10240x128xf32, #tpu.memory_space<vmem_shared>> -> memref<10240x128xf32, #tpu.memory_space<vmem_shared>>
      tpu.wait_indirect_dma semaphore(%arg14 : memref<!tpu.dma_semaphore, #tpu.memory_space<semaphore_mem>>) src(%dma_wait3A_180 : memref<120x128xf32, #tpu.memory_space<vmem>>) dst(%dma_wait3A_186 : memref<10240x128xf32, #tpu.memory_space<vmem_shared>>)
      %dma_start3A_187 = arith.constant 1 : i32
      %dma_start3A_188 = arith.constant 0 : i32
      %dma_start3A_189 = arith.constant 0 : i32
      %dma_start3A_190 = tpu.memref_slice %arg8[%dma_start3A_187, %dma_start3A_188, %dma_start3A_189] : memref<3x120x128xf32, #tpu.memory_space<vmem>> -> memref<1x120x128xf32, #tpu.memory_space<vmem>>
      %dma_start3A_191 = tpu.memref_squeeze %dma_start3A_190 : memref<1x120x128xf32, #tpu.memory_space<vmem>> -> memref<120x128xf32, #tpu.memory_space<vmem>>
      %dma_start3A_192 = arith.constant 480 : i32
      %dma_start3A_193 = tpu.memref_slice %arg6[%dma_start3A_192] : memref<1440xi32, #tpu.memory_space<vmem>> -> memref<120xi32, #tpu.memory_space<vmem>>
      %dma_start3A_194 = arith.constant 0 : i32
      %dma_start3A_195 = arith.constant 0 : i32
      %dma_start3A_196 = tpu.memref_slice %arg2[%dma_start3A_194, %dma_start3A_195] : memref<10000x128xf32, #tpu.memory_space<hbm>> -> memref<10000x128xf32, #tpu.memory_space<hbm>>
      tpu.enqueue_indirect_dma source(%dma_start3A_196 : memref<10000x128xf32, #tpu.memory_space<hbm>>) target(%dma_start3A_191 : memref<120x128xf32, #tpu.memory_space<vmem>>) offsets(%dma_start3A_193 : memref<120xi32, #tpu.memory_space<vmem>>) semaphore(%arg11 : memref<!tpu.dma_semaphore, #tpu.memory_space<semaphore_mem>>)
      %dma_wait3A_197 = arith.constant 2 : i32
      %dma_wait3A_198 = arith.constant 2 : i32
      %dma_wait3A_199 = arith.constant 0 : i32
      %dma_wait3A_200 = arith.constant 0 : i32
      %dma_wait3A_201 = arith.constant 0 : i32
      %dma_wait3A_202 = tpu.memref_slice %arg8[%dma_wait3A_197, %dma_wait3A_200, %dma_wait3A_201] : memref<3x120x128xf32, #tpu.memory_space<vmem>> -> memref<1x120x128xf32, #tpu.memory_space<vmem>>
      %dma_wait3A_203 = tpu.memref_squeeze %dma_wait3A_202 : memref<1x120x128xf32, #tpu.memory_space<vmem>> -> memref<120x128xf32, #tpu.memory_space<vmem>>
      %dma_wait3A_204 = arith.constant 0 : i32
      %dma_wait3A_205 = tpu.memref_slice %arg7[%dma_wait3A_198, %dma_wait3A_199, %dma_wait3A_204] : memref<12x1x120xi32, #tpu.memory_space<vmem>> -> memref<1x1x120xi32, #tpu.memory_space<vmem>>
      %dma_wait3A_206 = tpu.memref_squeeze %dma_wait3A_205 : memref<1x1x120xi32, #tpu.memory_space<vmem>> -> memref<120xi32, #tpu.memory_space<vmem>>
      %dma_wait3A_207 = arith.constant 0 : i32
      %dma_wait3A_208 = arith.constant 0 : i32
      %dma_wait3A_209 = tpu.memref_slice %arg9[%dma_wait3A_207, %dma_wait3A_208] : memref<10240x128xf32, #tpu.memory_space<vmem_shared>> -> memref<10240x128xf32, #tpu.memory_space<vmem_shared>>
      tpu.wait_indirect_dma semaphore(%arg15 : memref<!tpu.dma_semaphore, #tpu.memory_space<semaphore_mem>>) src(%dma_wait3A_203 : memref<120x128xf32, #tpu.memory_space<vmem>>) dst(%dma_wait3A_209 : memref<10240x128xf32, #tpu.memory_space<vmem_shared>>)
      %dma_start3A_210 = arith.constant 2 : i32
      %dma_start3A_211 = arith.constant 0 : i32
      %dma_start3A_212 = arith.constant 0 : i32
      %dma_start3A_213 = tpu.memref_slice %arg8[%dma_start3A_210, %dma_start3A_211, %dma_start3A_212] : memref<3x120x128xf32, #tpu.memory_space<vmem>> -> memref<1x120x128xf32, #tpu.memory_space<vmem>>
      %dma_start3A_214 = tpu.memref_squeeze %dma_start3A_213 : memref<1x120x128xf32, #tpu.memory_space<vmem>> -> memref<120x128xf32, #tpu.memory_space<vmem>>
      %dma_start3A_215 = arith.constant 600 : i32
      %dma_start3A_216 = tpu.memref_slice %arg6[%dma_start3A_215] : memref<1440xi32, #tpu.memory_space<vmem>> -> memref<120xi32, #tpu.memory_space<vmem>>
      %dma_start3A_217 = arith.constant 0 : i32
      %dma_start3A_218 = arith.constant 0 : i32
      %dma_start3A_219 = tpu.memref_slice %arg2[%dma_start3A_217, %dma_start3A_218] : memref<10000x128xf32, #tpu.memory_space<hbm>> -> memref<10000x128xf32, #tpu.memory_space<hbm>>
      tpu.enqueue_indirect_dma source(%dma_start3A_219 : memref<10000x128xf32, #tpu.memory_space<hbm>>) target(%dma_start3A_214 : memref<120x128xf32, #tpu.memory_space<vmem>>) offsets(%dma_start3A_216 : memref<120xi32, #tpu.memory_space<vmem>>) semaphore(%arg12 : memref<!tpu.dma_semaphore, #tpu.memory_space<semaphore_mem>>)
      %dma_wait3A_220 = arith.constant 0 : i32
      %dma_wait3A_221 = arith.constant 0 : i32
      %dma_wait3A_222 = arith.constant 0 : i32
      %dma_wait3A_223 = tpu.memref_slice %arg8[%dma_wait3A_220, %dma_wait3A_221, %dma_wait3A_222] : memref<3x120x128xf32, #tpu.memory_space<vmem>> -> memref<1x120x128xf32, #tpu.memory_space<vmem>>
      %dma_wait3A_224 = tpu.memref_squeeze %dma_wait3A_223 : memref<1x120x128xf32, #tpu.memory_space<vmem>> -> memref<120x128xf32, #tpu.memory_space<vmem>>
      %dma_wait3A_225 = arith.constant 360 : i32
      %dma_wait3A_226 = tpu.memref_slice %arg6[%dma_wait3A_225] : memref<1440xi32, #tpu.memory_space<vmem>> -> memref<120xi32, #tpu.memory_space<vmem>>
      %dma_wait3A_227 = arith.constant 0 : i32
      %dma_wait3A_228 = arith.constant 0 : i32
      %dma_wait3A_229 = tpu.memref_slice %arg2[%dma_wait3A_227, %dma_wait3A_228] : memref<10000x128xf32, #tpu.memory_space<hbm>> -> memref<10000x128xf32, #tpu.memory_space<hbm>>
      tpu.wait_indirect_dma semaphore(%arg10 : memref<!tpu.dma_semaphore, #tpu.memory_space<semaphore_mem>>) src(%dma_wait3A_229 : memref<10000x128xf32, #tpu.memory_space<hbm>>) dst(%dma_wait3A_224 : memref<120x128xf32, #tpu.memory_space<vmem>>)
      %dma_start3A_230 = arith.constant 0 : i32
      %dma_start3A_231 = arith.constant 3 : i32
      %dma_start3A_232 = arith.constant 0 : i32
      %dma_start3A_233 = arith.constant 0 : i32
      %dma_start3A_234 = arith.constant 0 : i32
      %dma_start3A_235 = tpu.memref_slice %arg8[%dma_start3A_230, %dma_start3A_233, %dma_start3A_234] : memref<3x120x128xf32, #tpu.memory_space<vmem>> -> memref<1x120x128xf32, #tpu.memory_space<vmem>>
      %dma_start3A_236 = tpu.memref_squeeze %dma_start3A_235 : memref<1x120x128xf32, #tpu.memory_space<vmem>> -> memref<120x128xf32, #tpu.memory_space<vmem>>
      %dma_start3A_237 = arith.constant 0 : i32
      %dma_start3A_238 = tpu.memref_slice %arg7[%dma_start3A_231, %dma_start3A_232, %dma_start3A_237] : memref<12x1x120xi32, #tpu.memory_space<vmem>> -> memref<1x1x120xi32, #tpu.memory_space<vmem>>
      %dma_start3A_239 = tpu.memref_squeeze %dma_start3A_238 : memref<1x1x120xi32, #tpu.memory_space<vmem>> -> memref<120xi32, #tpu.memory_space<vmem>>
      %dma_start3A_240 = arith.constant 0 : i32
      %dma_start3A_241 = arith.constant 0 : i32
      %dma_start3A_242 = tpu.memref_slice %arg9[%dma_start3A_240, %dma_start3A_241] : memref<10240x128xf32, #tpu.memory_space<vmem_shared>> -> memref<10240x128xf32, #tpu.memory_space<vmem_shared>>
      tpu.enqueue_indirect_dma source(%dma_start3A_236 : memref<120x128xf32, #tpu.memory_space<vmem>>) target(%dma_start3A_242 : memref<10240x128xf32, #tpu.memory_space<vmem_shared>>) offsets(%dma_start3A_239 : memref<120xi32, #tpu.memory_space<vmem>>) semaphore(%arg13 : memref<!tpu.dma_semaphore, #tpu.memory_space<semaphore_mem>>) {add = true}
      %dma_wait3A_243 = arith.constant 1 : i32
      %dma_wait3A_244 = arith.constant 0 : i32
      %dma_wait3A_245 = arith.constant 0 : i32
      %dma_wait3A_246 = tpu.memref_slice %arg8[%dma_wait3A_243, %dma_wait3A_244, %dma_wait3A_245] : memref<3x120x128xf32, #tpu.memory_space<vmem>> -> memref<1x120x128xf32, #tpu.memory_space<vmem>>
      %dma_wait3A_247 = tpu.memref_squeeze %dma_wait3A_246 : memref<1x120x128xf32, #tpu.memory_space<vmem>> -> memref<120x128xf32, #tpu.memory_space<vmem>>
      %dma_wait3A_248 = arith.constant 480 : i32
      %dma_wait3A_249 = tpu.memref_slice %arg6[%dma_wait3A_248] : memref<1440xi32, #tpu.memory_space<vmem>> -> memref<120xi32, #tpu.memory_space<vmem>>
      %dma_wait3A_250 = arith.constant 0 : i32
      %dma_wait3A_251 = arith.constant 0 : i32
      %dma_wait3A_252 = tpu.memref_slice %arg2[%dma_wait3A_250, %dma_wait3A_251] : memref<10000x128xf32, #tpu.memory_space<hbm>> -> memref<10000x128xf32, #tpu.memory_space<hbm>>
      tpu.wait_indirect_dma semaphore(%arg11 : memref<!tpu.dma_semaphore, #tpu.memory_space<semaphore_mem>>) src(%dma_wait3A_252 : memref<10000x128xf32, #tpu.memory_space<hbm>>) dst(%dma_wait3A_247 : memref<120x128xf32, #tpu.memory_space<vmem>>)
      %dma_start3A_253 = arith.constant 1 : i32
      %dma_start3A_254 = arith.constant 4 : i32
      %dma_start3A_255 = arith.constant 0 : i32
      %dma_start3A_256 = arith.constant 0 : i32
      %dma_start3A_257 = arith.constant 0 : i32
      %dma_start3A_258 = tpu.memref_slice %arg8[%dma_start3A_253, %dma_start3A_256, %dma_start3A_257] : memref<3x120x128xf32, #tpu.memory_space<vmem>> -> memref<1x120x128xf32, #tpu.memory_space<vmem>>
      %dma_start3A_259 = tpu.memref_squeeze %dma_start3A_258 : memref<1x120x128xf32, #tpu.memory_space<vmem>> -> memref<120x128xf32, #tpu.memory_space<vmem>>
      %dma_start3A_260 = arith.constant 0 : i32
      %dma_start3A_261 = tpu.memref_slice %arg7[%dma_start3A_254, %dma_start3A_255, %dma_start3A_260] : memref<12x1x120xi32, #tpu.memory_space<vmem>> -> memref<1x1x120xi32, #tpu.memory_space<vmem>>
      %dma_start3A_262 = tpu.memref_squeeze %dma_start3A_261 : memref<1x1x120xi32, #tpu.memory_space<vmem>> -> memref<120xi32, #tpu.memory_space<vmem>>
      %dma_start3A_263 = arith.constant 0 : i32
      %dma_start3A_264 = arith.constant 0 : i32
      %dma_start3A_265 = tpu.memref_slice %arg9[%dma_start3A_263, %dma_start3A_264] : memref<10240x128xf32, #tpu.memory_space<vmem_shared>> -> memref<10240x128xf32, #tpu.memory_space<vmem_shared>>
      tpu.enqueue_indirect_dma source(%dma_start3A_259 : memref<120x128xf32, #tpu.memory_space<vmem>>) target(%dma_start3A_265 : memref<10240x128xf32, #tpu.memory_space<vmem_shared>>) offsets(%dma_start3A_262 : memref<120xi32, #tpu.memory_space<vmem>>) semaphore(%arg14 : memref<!tpu.dma_semaphore, #tpu.memory_space<semaphore_mem>>) {add = true}
      %dma_wait3A_266 = arith.constant 2 : i32
      %dma_wait3A_267 = arith.constant 0 : i32
      %dma_wait3A_268 = arith.constant 0 : i32
      %dma_wait3A_269 = tpu.memref_slice %arg8[%dma_wait3A_266, %dma_wait3A_267, %dma_wait3A_268] : memref<3x120x128xf32, #tpu.memory_space<vmem>> -> memref<1x120x128xf32, #tpu.memory_space<vmem>>
      %dma_wait3A_270 = tpu.memref_squeeze %dma_wait3A_269 : memref<1x120x128xf32, #tpu.memory_space<vmem>> -> memref<120x128xf32, #tpu.memory_space<vmem>>
      %dma_wait3A_271 = arith.constant 600 : i32
      %dma_wait3A_272 = tpu.memref_slice %arg6[%dma_wait3A_271] : memref<1440xi32, #tpu.memory_space<vmem>> -> memref<120xi32, #tpu.memory_space<vmem>>
      %dma_wait3A_273 = arith.constant 0 : i32
      %dma_wait3A_274 = arith.constant 0 : i32
      %dma_wait3A_275 = tpu.memref_slice %arg2[%dma_wait3A_273, %dma_wait3A_274] : memref<10000x128xf32, #tpu.memory_space<hbm>> -> memref<10000x128xf32, #tpu.memory_space<hbm>>
      tpu.wait_indirect_dma semaphore(%arg12 : memref<!tpu.dma_semaphore, #tpu.memory_space<semaphore_mem>>) src(%dma_wait3A_275 : memref<10000x128xf32, #tpu.memory_space<hbm>>) dst(%dma_wait3A_270 : memref<120x128xf32, #tpu.memory_space<vmem>>)
      %dma_start3A_276 = arith.constant 2 : i32
      %dma_start3A_277 = arith.constant 5 : i32
      %dma_start3A_278 = arith.constant 0 : i32
      %dma_start3A_279 = arith.constant 0 : i32
      %dma_start3A_280 = arith.constant 0 : i32
      %dma_start3A_281 = tpu.memref_slice %arg8[%dma_start3A_276, %dma_start3A_279, %dma_start3A_280] : memref<3x120x128xf32, #tpu.memory_space<vmem>> -> memref<1x120x128xf32, #tpu.memory_space<vmem>>
      %dma_start3A_282 = tpu.memref_squeeze %dma_start3A_281 : memref<1x120x128xf32, #tpu.memory_space<vmem>> -> memref<120x128xf32, #tpu.memory_space<vmem>>
      %dma_start3A_283 = arith.constant 0 : i32
      %dma_start3A_284 = tpu.memref_slice %arg7[%dma_start3A_277, %dma_start3A_278, %dma_start3A_283] : memref<12x1x120xi32, #tpu.memory_space<vmem>> -> memref<1x1x120xi32, #tpu.memory_space<vmem>>
      %dma_start3A_285 = tpu.memref_squeeze %dma_start3A_284 : memref<1x1x120xi32, #tpu.memory_space<vmem>> -> memref<120xi32, #tpu.memory_space<vmem>>
      %dma_start3A_286 = arith.constant 0 : i32
      %dma_start3A_287 = arith.constant 0 : i32
      %dma_start3A_288 = tpu.memref_slice %arg9[%dma_start3A_286, %dma_start3A_287] : memref<10240x128xf32, #tpu.memory_space<vmem_shared>> -> memref<10240x128xf32, #tpu.memory_space<vmem_shared>>
      tpu.enqueue_indirect_dma source(%dma_start3A_282 : memref<120x128xf32, #tpu.memory_space<vmem>>) target(%dma_start3A_288 : memref<10240x128xf32, #tpu.memory_space<vmem_shared>>) offsets(%dma_start3A_285 : memref<120xi32, #tpu.memory_space<vmem>>) semaphore(%arg15 : memref<!tpu.dma_semaphore, #tpu.memory_space<semaphore_mem>>) {add = true}
      %dma_wait3A_289 = arith.constant 0 : i32
      %dma_wait3A_290 = arith.constant 3 : i32
      %dma_wait3A_291 = arith.constant 0 : i32
      %dma_wait3A_292 = arith.constant 0 : i32
      %dma_wait3A_293 = arith.constant 0 : i32
      %dma_wait3A_294 = tpu.memref_slice %arg8[%dma_wait3A_289, %dma_wait3A_292, %dma_wait3A_293] : memref<3x120x128xf32, #tpu.memory_space<vmem>> -> memref<1x120x128xf32, #tpu.memory_space<vmem>>
      %dma_wait3A_295 = tpu.memref_squeeze %dma_wait3A_294 : memref<1x120x128xf32, #tpu.memory_space<vmem>> -> memref<120x128xf32, #tpu.memory_space<vmem>>
      %dma_wait3A_296 = arith.constant 0 : i32
      %dma_wait3A_297 = tpu.memref_slice %arg7[%dma_wait3A_290, %dma_wait3A_291, %dma_wait3A_296] : memref<12x1x120xi32, #tpu.memory_space<vmem>> -> memref<1x1x120xi32, #tpu.memory_space<vmem>>
      %dma_wait3A_298 = tpu.memref_squeeze %dma_wait3A_297 : memref<1x1x120xi32, #tpu.memory_space<vmem>> -> memref<120xi32, #tpu.memory_space<vmem>>
      %dma_wait3A_299 = arith.constant 0 : i32
      %dma_wait3A_300 = arith.constant 0 : i32
      %dma_wait3A_301 = tpu.memref_slice %arg9[%dma_wait3A_299, %dma_wait3A_300] : memref<10240x128xf32, #tpu.memory_space<vmem_shared>> -> memref<10240x128xf32, #tpu.memory_space<vmem_shared>>
      tpu.wait_indirect_dma semaphore(%arg13 : memref<!tpu.dma_semaphore, #tpu.memory_space<semaphore_mem>>) src(%dma_wait3A_295 : memref<120x128xf32, #tpu.memory_space<vmem>>) dst(%dma_wait3A_301 : memref<10240x128xf32, #tpu.memory_space<vmem_shared>>)
      %dma_start3A_302 = arith.constant 0 : i32
      %dma_start3A_303 = arith.constant 0 : i32
      %dma_start3A_304 = arith.constant 0 : i32
      %dma_start3A_305 = tpu.memref_slice %arg8[%dma_start3A_302, %dma_start3A_303, %dma_start3A_304] : memref<3x120x128xf32, #tpu.memory_space<vmem>> -> memref<1x120x128xf32, #tpu.memory_space<vmem>>
      %dma_start3A_306 = tpu.memref_squeeze %dma_start3A_305 : memref<1x120x128xf32, #tpu.memory_space<vmem>> -> memref<120x128xf32, #tpu.memory_space<vmem>>
      %dma_start3A_307 = arith.constant 720 : i32
      %dma_start3A_308 = tpu.memref_slice %arg6[%dma_start3A_307] : memref<1440xi32, #tpu.memory_space<vmem>> -> memref<120xi32, #tpu.memory_space<vmem>>
      %dma_start3A_309 = arith.constant 0 : i32
      %dma_start3A_310 = arith.constant 0 : i32
      %dma_start3A_311 = tpu.memref_slice %arg2[%dma_start3A_309, %dma_start3A_310] : memref<10000x128xf32, #tpu.memory_space<hbm>> -> memref<10000x128xf32, #tpu.memory_space<hbm>>
      tpu.enqueue_indirect_dma source(%dma_start3A_311 : memref<10000x128xf32, #tpu.memory_space<hbm>>) target(%dma_start3A_306 : memref<120x128xf32, #tpu.memory_space<vmem>>) offsets(%dma_start3A_308 : memref<120xi32, #tpu.memory_space<vmem>>) semaphore(%arg10 : memref<!tpu.dma_semaphore, #tpu.memory_space<semaphore_mem>>)
      %dma_wait3A_312 = arith.constant 1 : i32
      %dma_wait3A_313 = arith.constant 4 : i32
      %dma_wait3A_314 = arith.constant 0 : i32
      %dma_wait3A_315 = arith.constant 0 : i32
      %dma_wait3A_316 = arith.constant 0 : i32
      %dma_wait3A_317 = tpu.memref_slice %arg8[%dma_wait3A_312, %dma_wait3A_315, %dma_wait3A_316] : memref<3x120x128xf32, #tpu.memory_space<vmem>> -> memref<1x120x128xf32, #tpu.memory_space<vmem>>
      %dma_wait3A_318 = tpu.memref_squeeze %dma_wait3A_317 : memref<1x120x128xf32, #tpu.memory_space<vmem>> -> memref<120x128xf32, #tpu.memory_space<vmem>>
      %dma_wait3A_319 = arith.constant 0 : i32
      %dma_wait3A_320 = tpu.memref_slice %arg7[%dma_wait3A_313, %dma_wait3A_314, %dma_wait3A_319] : memref<12x1x120xi32, #tpu.memory_space<vmem>> -> memref<1x1x120xi32, #tpu.memory_space<vmem>>
      %dma_wait3A_321 = tpu.memref_squeeze %dma_wait3A_320 : memref<1x1x120xi32, #tpu.memory_space<vmem>> -> memref<120xi32, #tpu.memory_space<vmem>>
      %dma_wait3A_322 = arith.constant 0 : i32
      %dma_wait3A_323 = arith.constant 0 : i32
      %dma_wait3A_324 = tpu.memref_slice %arg9[%dma_wait3A_322, %dma_wait3A_323] : memref<10240x128xf32, #tpu.memory_space<vmem_shared>> -> memref<10240x128xf32, #tpu.memory_space<vmem_shared>>
      tpu.wait_indirect_dma semaphore(%arg14 : memref<!tpu.dma_semaphore, #tpu.memory_space<semaphore_mem>>) src(%dma_wait3A_318 : memref<120x128xf32, #tpu.memory_space<vmem>>) dst(%dma_wait3A_324 : memref<10240x128xf32, #tpu.memory_space<vmem_shared>>)
      %dma_start3A_325 = arith.constant 1 : i32
      %dma_start3A_326 = arith.constant 0 : i32
      %dma_start3A_327 = arith.constant 0 : i32
      %dma_start3A_328 = tpu.memref_slice %arg8[%dma_start3A_325, %dma_start3A_326, %dma_start3A_327] : memref<3x120x128xf32, #tpu.memory_space<vmem>> -> memref<1x120x128xf32, #tpu.memory_space<vmem>>
      %dma_start3A_329 = tpu.memref_squeeze %dma_start3A_328 : memref<1x120x128xf32, #tpu.memory_space<vmem>> -> memref<120x128xf32, #tpu.memory_space<vmem>>
      %dma_start3A_330 = arith.constant 840 : i32
      %dma_start3A_331 = tpu.memref_slice %arg6[%dma_start3A_330] : memref<1440xi32, #tpu.memory_space<vmem>> -> memref<120xi32, #tpu.memory_space<vmem>>
      %dma_start3A_332 = arith.constant 0 : i32
      %dma_start3A_333 = arith.constant 0 : i32
      %dma_start3A_334 = tpu.memref_slice %arg2[%dma_start3A_332, %dma_start3A_333] : memref<10000x128xf32, #tpu.memory_space<hbm>> -> memref<10000x128xf32, #tpu.memory_space<hbm>>
      tpu.enqueue_indirect_dma source(%dma_start3A_334 : memref<10000x128xf32, #tpu.memory_space<hbm>>) target(%dma_start3A_329 : memref<120x128xf32, #tpu.memory_space<vmem>>) offsets(%dma_start3A_331 : memref<120xi32, #tpu.memory_space<vmem>>) semaphore(%arg11 : memref<!tpu.dma_semaphore, #tpu.memory_space<semaphore_mem>>)
      %dma_wait3A_335 = arith.constant 2 : i32
      %dma_wait3A_336 = arith.constant 5 : i32
      %dma_wait3A_337 = arith.constant 0 : i32
      %dma_wait3A_338 = arith.constant 0 : i32
      %dma_wait3A_339 = arith.constant 0 : i32
      %dma_wait3A_340 = tpu.memref_slice %arg8[%dma_wait3A_335, %dma_wait3A_338, %dma_wait3A_339] : memref<3x120x128xf32, #tpu.memory_space<vmem>> -> memref<1x120x128xf32, #tpu.memory_space<vmem>>
      %dma_wait3A_341 = tpu.memref_squeeze %dma_wait3A_340 : memref<1x120x128xf32, #tpu.memory_space<vmem>> -> memref<120x128xf32, #tpu.memory_space<vmem>>
      %dma_wait3A_342 = arith.constant 0 : i32
      %dma_wait3A_343 = tpu.memref_slice %arg7[%dma_wait3A_336, %dma_wait3A_337, %dma_wait3A_342] : memref<12x1x120xi32, #tpu.memory_space<vmem>> -> memref<1x1x120xi32, #tpu.memory_space<vmem>>
      %dma_wait3A_344 = tpu.memref_squeeze %dma_wait3A_343 : memref<1x1x120xi32, #tpu.memory_space<vmem>> -> memref<120xi32, #tpu.memory_space<vmem>>
      %dma_wait3A_345 = arith.constant 0 : i32
      %dma_wait3A_346 = arith.constant 0 : i32
      %dma_wait3A_347 = tpu.memref_slice %arg9[%dma_wait3A_345, %dma_wait3A_346] : memref<10240x128xf32, #tpu.memory_space<vmem_shared>> -> memref<10240x128xf32, #tpu.memory_space<vmem_shared>>
      tpu.wait_indirect_dma semaphore(%arg15 : memref<!tpu.dma_semaphore, #tpu.memory_space<semaphore_mem>>) src(%dma_wait3A_341 : memref<120x128xf32, #tpu.memory_space<vmem>>) dst(%dma_wait3A_347 : memref<10240x128xf32, #tpu.memory_space<vmem_shared>>)
      %dma_start3A_348 = arith.constant 2 : i32
      %dma_start3A_349 = arith.constant 0 : i32
      %dma_start3A_350 = arith.constant 0 : i32
      %dma_start3A_351 = tpu.memref_slice %arg8[%dma_start3A_348, %dma_start3A_349, %dma_start3A_350] : memref<3x120x128xf32, #tpu.memory_space<vmem>> -> memref<1x120x128xf32, #tpu.memory_space<vmem>>
      %dma_start3A_352 = tpu.memref_squeeze %dma_start3A_351 : memref<1x120x128xf32, #tpu.memory_space<vmem>> -> memref<120x128xf32, #tpu.memory_space<vmem>>
      %dma_start3A_353 = arith.constant 960 : i32
      %dma_start3A_354 = tpu.memref_slice %arg6[%dma_start3A_353] : memref<1440xi32, #tpu.memory_space<vmem>> -> memref<120xi32, #tpu.memory_space<vmem>>
      %dma_start3A_355 = arith.constant 0 : i32
      %dma_start3A_356 = arith.constant 0 : i32
      %dma_start3A_357 = tpu.memref_slice %arg2[%dma_start3A_355, %dma_start3A_356] : memref<10000x128xf32, #tpu.memory_space<hbm>> -> memref<10000x128xf32, #tpu.memory_space<hbm>>
      tpu.enqueue_indirect_dma source(%dma_start3A_357 : memref<10000x128xf32, #tpu.memory_space<hbm>>) target(%dma_start3A_352 : memref<120x128xf32, #tpu.memory_space<vmem>>) offsets(%dma_start3A_354 : memref<120xi32, #tpu.memory_space<vmem>>) semaphore(%arg12 : memref<!tpu.dma_semaphore, #tpu.memory_space<semaphore_mem>>)
      %dma_wait3A_358 = arith.constant 0 : i32
      %dma_wait3A_359 = arith.constant 0 : i32
      %dma_wait3A_360 = arith.constant 0 : i32
      %dma_wait3A_361 = tpu.memref_slice %arg8[%dma_wait3A_358, %dma_wait3A_359, %dma_wait3A_360] : memref<3x120x128xf32, #tpu.memory_space<vmem>> -> memref<1x120x128xf32, #tpu.memory_space<vmem>>
      %dma_wait3A_362 = tpu.memref_squeeze %dma_wait3A_361 : memref<1x120x128xf32, #tpu.memory_space<vmem>> -> memref<120x128xf32, #tpu.memory_space<vmem>>
      %dma_wait3A_363 = arith.constant 720 : i32
      %dma_wait3A_364 = tpu.memref_slice %arg6[%dma_wait3A_363] : memref<1440xi32, #tpu.memory_space<vmem>> -> memref<120xi32, #tpu.memory_space<vmem>>
      %dma_wait3A_365 = arith.constant 0 : i32
      %dma_wait3A_366 = arith.constant 0 : i32
      %dma_wait3A_367 = tpu.memref_slice %arg2[%dma_wait3A_365, %dma_wait3A_366] : memref<10000x128xf32, #tpu.memory_space<hbm>> -> memref<10000x128xf32, #tpu.memory_space<hbm>>
      tpu.wait_indirect_dma semaphore(%arg10 : memref<!tpu.dma_semaphore, #tpu.memory_space<semaphore_mem>>) src(%dma_wait3A_367 : memref<10000x128xf32, #tpu.memory_space<hbm>>) dst(%dma_wait3A_362 : memref<120x128xf32, #tpu.memory_space<vmem>>)
      %dma_start3A_368 = arith.constant 0 : i32
      %dma_start3A_369 = arith.constant 6 : i32
      %dma_start3A_370 = arith.constant 0 : i32
      %dma_start3A_371 = arith.constant 0 : i32
      %dma_start3A_372 = arith.constant 0 : i32
      %dma_start3A_373 = tpu.memref_slice %arg8[%dma_start3A_368, %dma_start3A_371, %dma_start3A_372] : memref<3x120x128xf32, #tpu.memory_space<vmem>> -> memref<1x120x128xf32, #tpu.memory_space<vmem>>
      %dma_start3A_374 = tpu.memref_squeeze %dma_start3A_373 : memref<1x120x128xf32, #tpu.memory_space<vmem>> -> memref<120x128xf32, #tpu.memory_space<vmem>>
      %dma_start3A_375 = arith.constant 0 : i32
      %dma_start3A_376 = tpu.memref_slice %arg7[%dma_start3A_369, %dma_start3A_370, %dma_start3A_375] : memref<12x1x120xi32, #tpu.memory_space<vmem>> -> memref<1x1x120xi32, #tpu.memory_space<vmem>>
      %dma_start3A_377 = tpu.memref_squeeze %dma_start3A_376 : memref<1x1x120xi32, #tpu.memory_space<vmem>> -> memref<120xi32, #tpu.memory_space<vmem>>
      %dma_start3A_378 = arith.constant 0 : i32
      %dma_start3A_379 = arith.constant 0 : i32
      %dma_start3A_380 = tpu.memref_slice %arg9[%dma_start3A_378, %dma_start3A_379] : memref<10240x128xf32, #tpu.memory_space<vmem_shared>> -> memref<10240x128xf32, #tpu.memory_space<vmem_shared>>
      tpu.enqueue_indirect_dma source(%dma_start3A_374 : memref<120x128xf32, #tpu.memory_space<vmem>>) target(%dma_start3A_380 : memref<10240x128xf32, #tpu.memory_space<vmem_shared>>) offsets(%dma_start3A_377 : memref<120xi32, #tpu.memory_space<vmem>>) semaphore(%arg13 : memref<!tpu.dma_semaphore, #tpu.memory_space<semaphore_mem>>) {add = true}
      %dma_wait3A_381 = arith.constant 1 : i32
      %dma_wait3A_382 = arith.constant 0 : i32
      %dma_wait3A_383 = arith.constant 0 : i32
      %dma_wait3A_384 = tpu.memref_slice %arg8[%dma_wait3A_381, %dma_wait3A_382, %dma_wait3A_383] : memref<3x120x128xf32, #tpu.memory_space<vmem>> -> memref<1x120x128xf32, #tpu.memory_space<vmem>>
      %dma_wait3A_385 = tpu.memref_squeeze %dma_wait3A_384 : memref<1x120x128xf32, #tpu.memory_space<vmem>> -> memref<120x128xf32, #tpu.memory_space<vmem>>
      %dma_wait3A_386 = arith.constant 840 : i32
      %dma_wait3A_387 = tpu.memref_slice %arg6[%dma_wait3A_386] : memref<1440xi32, #tpu.memory_space<vmem>> -> memref<120xi32, #tpu.memory_space<vmem>>
      %dma_wait3A_388 = arith.constant 0 : i32
      %dma_wait3A_389 = arith.constant 0 : i32
      %dma_wait3A_390 = tpu.memref_slice %arg2[%dma_wait3A_388, %dma_wait3A_389] : memref<10000x128xf32, #tpu.memory_space<hbm>> -> memref<10000x128xf32, #tpu.memory_space<hbm>>
      tpu.wait_indirect_dma semaphore(%arg11 : memref<!tpu.dma_semaphore, #tpu.memory_space<semaphore_mem>>) src(%dma_wait3A_390 : memref<10000x128xf32, #tpu.memory_space<hbm>>) dst(%dma_wait3A_385 : memref<120x128xf32, #tpu.memory_space<vmem>>)
      %dma_start3A_391 = arith.constant 1 : i32
      %dma_start3A_392 = arith.constant 7 : i32
      %dma_start3A_393 = arith.constant 0 : i32
      %dma_start3A_394 = arith.constant 0 : i32
      %dma_start3A_395 = arith.constant 0 : i32
      %dma_start3A_396 = tpu.memref_slice %arg8[%dma_start3A_391, %dma_start3A_394, %dma_start3A_395] : memref<3x120x128xf32, #tpu.memory_space<vmem>> -> memref<1x120x128xf32, #tpu.memory_space<vmem>>
      %dma_start3A_397 = tpu.memref_squeeze %dma_start3A_396 : memref<1x120x128xf32, #tpu.memory_space<vmem>> -> memref<120x128xf32, #tpu.memory_space<vmem>>
      %dma_start3A_398 = arith.constant 0 : i32
      %dma_start3A_399 = tpu.memref_slice %arg7[%dma_start3A_392, %dma_start3A_393, %dma_start3A_398] : memref<12x1x120xi32, #tpu.memory_space<vmem>> -> memref<1x1x120xi32, #tpu.memory_space<vmem>>
      %dma_start3A_400 = tpu.memref_squeeze %dma_start3A_399 : memref<1x1x120xi32, #tpu.memory_space<vmem>> -> memref<120xi32, #tpu.memory_space<vmem>>
      %dma_start3A_401 = arith.constant 0 : i32
      %dma_start3A_402 = arith.constant 0 : i32
      %dma_start3A_403 = tpu.memref_slice %arg9[%dma_start3A_401, %dma_start3A_402] : memref<10240x128xf32, #tpu.memory_space<vmem_shared>> -> memref<10240x128xf32, #tpu.memory_space<vmem_shared>>
      tpu.enqueue_indirect_dma source(%dma_start3A_397 : memref<120x128xf32, #tpu.memory_space<vmem>>) target(%dma_start3A_403 : memref<10240x128xf32, #tpu.memory_space<vmem_shared>>) offsets(%dma_start3A_400 : memref<120xi32, #tpu.memory_space<vmem>>) semaphore(%arg14 : memref<!tpu.dma_semaphore, #tpu.memory_space<semaphore_mem>>) {add = true}
      %dma_wait3A_404 = arith.constant 2 : i32
      %dma_wait3A_405 = arith.constant 0 : i32
      %dma_wait3A_406 = arith.constant 0 : i32
      %dma_wait3A_407 = tpu.memref_slice %arg8[%dma_wait3A_404, %dma_wait3A_405, %dma_wait3A_406] : memref<3x120x128xf32, #tpu.memory_space<vmem>> -> memref<1x120x128xf32, #tpu.memory_space<vmem>>
      %dma_wait3A_408 = tpu.memref_squeeze %dma_wait3A_407 : memref<1x120x128xf32, #tpu.memory_space<vmem>> -> memref<120x128xf32, #tpu.memory_space<vmem>>
      %dma_wait3A_409 = arith.constant 960 : i32
      %dma_wait3A_410 = tpu.memref_slice %arg6[%dma_wait3A_409] : memref<1440xi32, #tpu.memory_space<vmem>> -> memref<120xi32, #tpu.memory_space<vmem>>
      %dma_wait3A_411 = arith.constant 0 : i32
      %dma_wait3A_412 = arith.constant 0 : i32
      %dma_wait3A_413 = tpu.memref_slice %arg2[%dma_wait3A_411, %dma_wait3A_412] : memref<10000x128xf32, #tpu.memory_space<hbm>> -> memref<10000x128xf32, #tpu.memory_space<hbm>>
      tpu.wait_indirect_dma semaphore(%arg12 : memref<!tpu.dma_semaphore, #tpu.memory_space<semaphore_mem>>) src(%dma_wait3A_413 : memref<10000x128xf32, #tpu.memory_space<hbm>>) dst(%dma_wait3A_408 : memref<120x128xf32, #tpu.memory_space<vmem>>)
      %dma_start3A_414 = arith.constant 2 : i32
      %dma_start3A_415 = arith.constant 8 : i32
      %dma_start3A_416 = arith.constant 0 : i32
      %dma_start3A_417 = arith.constant 0 : i32
      %dma_start3A_418 = arith.constant 0 : i32
      %dma_start3A_419 = tpu.memref_slice %arg8[%dma_start3A_414, %dma_start3A_417, %dma_start3A_418] : memref<3x120x128xf32, #tpu.memory_space<vmem>> -> memref<1x120x128xf32, #tpu.memory_space<vmem>>
      %dma_start3A_420 = tpu.memref_squeeze %dma_start3A_419 : memref<1x120x128xf32, #tpu.memory_space<vmem>> -> memref<120x128xf32, #tpu.memory_space<vmem>>
      %dma_start3A_421 = arith.constant 0 : i32
      %dma_start3A_422 = tpu.memref_slice %arg7[%dma_start3A_415, %dma_start3A_416, %dma_start3A_421] : memref<12x1x120xi32, #tpu.memory_space<vmem>> -> memref<1x1x120xi32, #tpu.memory_space<vmem>>
      %dma_start3A_423 = tpu.memref_squeeze %dma_start3A_422 : memref<1x1x120xi32, #tpu.memory_space<vmem>> -> memref<120xi32, #tpu.memory_space<vmem>>
      %dma_start3A_424 = arith.constant 0 : i32
      %dma_start3A_425 = arith.constant 0 : i32
      %dma_start3A_426 = tpu.memref_slice %arg9[%dma_start3A_424, %dma_start3A_425] : memref<10240x128xf32, #tpu.memory_space<vmem_shared>> -> memref<10240x128xf32, #tpu.memory_space<vmem_shared>>
      tpu.enqueue_indirect_dma source(%dma_start3A_420 : memref<120x128xf32, #tpu.memory_space<vmem>>) target(%dma_start3A_426 : memref<10240x128xf32, #tpu.memory_space<vmem_shared>>) offsets(%dma_start3A_423 : memref<120xi32, #tpu.memory_space<vmem>>) semaphore(%arg15 : memref<!tpu.dma_semaphore, #tpu.memory_space<semaphore_mem>>) {add = true}
      %dma_wait3A_427 = arith.constant 0 : i32
      %dma_wait3A_428 = arith.constant 6 : i32
      %dma_wait3A_429 = arith.constant 0 : i32
      %dma_wait3A_430 = arith.constant 0 : i32
      %dma_wait3A_431 = arith.constant 0 : i32
      %dma_wait3A_432 = tpu.memref_slice %arg8[%dma_wait3A_427, %dma_wait3A_430, %dma_wait3A_431] : memref<3x120x128xf32, #tpu.memory_space<vmem>> -> memref<1x120x128xf32, #tpu.memory_space<vmem>>
      %dma_wait3A_433 = tpu.memref_squeeze %dma_wait3A_432 : memref<1x120x128xf32, #tpu.memory_space<vmem>> -> memref<120x128xf32, #tpu.memory_space<vmem>>
      %dma_wait3A_434 = arith.constant 0 : i32
      %dma_wait3A_435 = tpu.memref_slice %arg7[%dma_wait3A_428, %dma_wait3A_429, %dma_wait3A_434] : memref<12x1x120xi32, #tpu.memory_space<vmem>> -> memref<1x1x120xi32, #tpu.memory_space<vmem>>
      %dma_wait3A_436 = tpu.memref_squeeze %dma_wait3A_435 : memref<1x1x120xi32, #tpu.memory_space<vmem>> -> memref<120xi32, #tpu.memory_space<vmem>>
      %dma_wait3A_437 = arith.constant 0 : i32
      %dma_wait3A_438 = arith.constant 0 : i32
      %dma_wait3A_439 = tpu.memref_slice %arg9[%dma_wait3A_437, %dma_wait3A_438] : memref<10240x128xf32, #tpu.memory_space<vmem_shared>> -> memref<10240x128xf32, #tpu.memory_space<vmem_shared>>
      tpu.wait_indirect_dma semaphore(%arg13 : memref<!tpu.dma_semaphore, #tpu.memory_space<semaphore_mem>>) src(%dma_wait3A_433 : memref<120x128xf32, #tpu.memory_space<vmem>>) dst(%dma_wait3A_439 : memref<10240x128xf32, #tpu.memory_space<vmem_shared>>)
      %dma_start3A_440 = arith.constant 0 : i32
      %dma_start3A_441 = arith.constant 0 : i32
      %dma_start3A_442 = arith.constant 0 : i32
      %dma_start3A_443 = tpu.memref_slice %arg8[%dma_start3A_440, %dma_start3A_441, %dma_start3A_442] : memref<3x120x128xf32, #tpu.memory_space<vmem>> -> memref<1x120x128xf32, #tpu.memory_space<vmem>>
      %dma_start3A_444 = tpu.memref_squeeze %dma_start3A_443 : memref<1x120x128xf32, #tpu.memory_space<vmem>> -> memref<120x128xf32, #tpu.memory_space<vmem>>
      %dma_start3A_445 = arith.constant 1080 : i32
      %dma_start3A_446 = tpu.memref_slice %arg6[%dma_start3A_445] : memref<1440xi32, #tpu.memory_space<vmem>> -> memref<120xi32, #tpu.memory_space<vmem>>
      %dma_start3A_447 = arith.constant 0 : i32
      %dma_start3A_448 = arith.constant 0 : i32
      %dma_start3A_449 = tpu.memref_slice %arg2[%dma_start3A_447, %dma_start3A_448] : memref<10000x128xf32, #tpu.memory_space<hbm>> -> memref<10000x128xf32, #tpu.memory_space<hbm>>
      tpu.enqueue_indirect_dma source(%dma_start3A_449 : memref<10000x128xf32, #tpu.memory_space<hbm>>) target(%dma_start3A_444 : memref<120x128xf32, #tpu.memory_space<vmem>>) offsets(%dma_start3A_446 : memref<120xi32, #tpu.memory_space<vmem>>) semaphore(%arg10 : memref<!tpu.dma_semaphore, #tpu.memory_space<semaphore_mem>>)
      %dma_wait3A_450 = arith.constant 1 : i32
      %dma_wait3A_451 = arith.constant 7 : i32
      %dma_wait3A_452 = arith.constant 0 : i32
      %dma_wait3A_453 = arith.constant 0 : i32
      %dma_wait3A_454 = arith.constant 0 : i32
      %dma_wait3A_455 = tpu.memref_slice %arg8[%dma_wait3A_450, %dma_wait3A_453, %dma_wait3A_454] : memref<3x120x128xf32, #tpu.memory_space<vmem>> -> memref<1x120x128xf32, #tpu.memory_space<vmem>>
      %dma_wait3A_456 = tpu.memref_squeeze %dma_wait3A_455 : memref<1x120x128xf32, #tpu.memory_space<vmem>> -> memref<120x128xf32, #tpu.memory_space<vmem>>
      %dma_wait3A_457 = arith.constant 0 : i32
      %dma_wait3A_458 = tpu.memref_slice %arg7[%dma_wait3A_451, %dma_wait3A_452, %dma_wait3A_457] : memref<12x1x120xi32, #tpu.memory_space<vmem>> -> memref<1x1x120xi32, #tpu.memory_space<vmem>>
      %dma_wait3A_459 = tpu.memref_squeeze %dma_wait3A_458 : memref<1x1x120xi32, #tpu.memory_space<vmem>> -> memref<120xi32, #tpu.memory_space<vmem>>
      %dma_wait3A_460 = arith.constant 0 : i32
      %dma_wait3A_461 = arith.constant 0 : i32
      %dma_wait3A_462 = tpu.memref_slice %arg9[%dma_wait3A_460, %dma_wait3A_461] : memref<10240x128xf32, #tpu.memory_space<vmem_shared>> -> memref<10240x128xf32, #tpu.memory_space<vmem_shared>>
      tpu.wait_indirect_dma semaphore(%arg14 : memref<!tpu.dma_semaphore, #tpu.memory_space<semaphore_mem>>) src(%dma_wait3A_456 : memref<120x128xf32, #tpu.memory_space<vmem>>) dst(%dma_wait3A_462 : memref<10240x128xf32, #tpu.memory_space<vmem_shared>>)
      %dma_start3A_463 = arith.constant 1 : i32
      %dma_start3A_464 = arith.constant 0 : i32
      %dma_start3A_465 = arith.constant 0 : i32
      %dma_start3A_466 = tpu.memref_slice %arg8[%dma_start3A_463, %dma_start3A_464, %dma_start3A_465] : memref<3x120x128xf32, #tpu.memory_space<vmem>> -> memref<1x120x128xf32, #tpu.memory_space<vmem>>
      %dma_start3A_467 = tpu.memref_squeeze %dma_start3A_466 : memref<1x120x128xf32, #tpu.memory_space<vmem>> -> memref<120x128xf32, #tpu.memory_space<vmem>>
      %dma_start3A_468 = arith.constant 1200 : i32
      %dma_start3A_469 = tpu.memref_slice %arg6[%dma_start3A_468] : memref<1440xi32, #tpu.memory_space<vmem>> -> memref<120xi32, #tpu.memory_space<vmem>>
      %dma_start3A_470 = arith.constant 0 : i32
      %dma_start3A_471 = arith.constant 0 : i32
      %dma_start3A_472 = tpu.memref_slice %arg2[%dma_start3A_470, %dma_start3A_471] : memref<10000x128xf32, #tpu.memory_space<hbm>> -> memref<10000x128xf32, #tpu.memory_space<hbm>>
      tpu.enqueue_indirect_dma source(%dma_start3A_472 : memref<10000x128xf32, #tpu.memory_space<hbm>>) target(%dma_start3A_467 : memref<120x128xf32, #tpu.memory_space<vmem>>) offsets(%dma_start3A_469 : memref<120xi32, #tpu.memory_space<vmem>>) semaphore(%arg11 : memref<!tpu.dma_semaphore, #tpu.memory_space<semaphore_mem>>)
      %dma_wait3A_473 = arith.constant 2 : i32
      %dma_wait3A_474 = arith.constant 8 : i32
      %dma_wait3A_475 = arith.constant 0 : i32
      %dma_wait3A_476 = arith.constant 0 : i32
      %dma_wait3A_477 = arith.constant 0 : i32
      %dma_wait3A_478 = tpu.memref_slice %arg8[%dma_wait3A_473, %dma_wait3A_476, %dma_wait3A_477] : memref<3x120x128xf32, #tpu.memory_space<vmem>> -> memref<1x120x128xf32, #tpu.memory_space<vmem>>
      %dma_wait3A_479 = tpu.memref_squeeze %dma_wait3A_478 : memref<1x120x128xf32, #tpu.memory_space<vmem>> -> memref<120x128xf32, #tpu.memory_space<vmem>>
      %dma_wait3A_480 = arith.constant 0 : i32
      %dma_wait3A_481 = tpu.memref_slice %arg7[%dma_wait3A_474, %dma_wait3A_475, %dma_wait3A_480] : memref<12x1x120xi32, #tpu.memory_space<vmem>> -> memref<1x1x120xi32, #tpu.memory_space<vmem>>
      %dma_wait3A_482 = tpu.memref_squeeze %dma_wait3A_481 : memref<1x1x120xi32, #tpu.memory_space<vmem>> -> memref<120xi32, #tpu.memory_space<vmem>>
      %dma_wait3A_483 = arith.constant 0 : i32
      %dma_wait3A_484 = arith.constant 0 : i32
      %dma_wait3A_485 = tpu.memref_slice %arg9[%dma_wait3A_483, %dma_wait3A_484] : memref<10240x128xf32, #tpu.memory_space<vmem_shared>> -> memref<10240x128xf32, #tpu.memory_space<vmem_shared>>
      tpu.wait_indirect_dma semaphore(%arg15 : memref<!tpu.dma_semaphore, #tpu.memory_space<semaphore_mem>>) src(%dma_wait3A_479 : memref<120x128xf32, #tpu.memory_space<vmem>>) dst(%dma_wait3A_485 : memref<10240x128xf32, #tpu.memory_space<vmem_shared>>)
      %dma_start3A_486 = arith.constant 2 : i32
      %dma_start3A_487 = arith.constant 0 : i32
      %dma_start3A_488 = arith.constant 0 : i32
      %dma_start3A_489 = tpu.memref_slice %arg8[%dma_start3A_486, %dma_start3A_487, %dma_start3A_488] : memref<3x120x128xf32, #tpu.memory_space<vmem>> -> memref<1x120x128xf32, #tpu.memory_space<vmem>>
      %dma_start3A_490 = tpu.memref_squeeze %dma_start3A_489 : memref<1x120x128xf32, #tpu.memory_space<vmem>> -> memref<120x128xf32, #tpu.memory_space<vmem>>
      %dma_start3A_491 = arith.constant 1320 : i32
      %dma_start3A_492 = tpu.memref_slice %arg6[%dma_start3A_491] : memref<1440xi32, #tpu.memory_space<vmem>> -> memref<120xi32, #tpu.memory_space<vmem>>
      %dma_start3A_493 = arith.constant 0 : i32
      %dma_start3A_494 = arith.constant 0 : i32
      %dma_start3A_495 = tpu.memref_slice %arg2[%dma_start3A_493, %dma_start3A_494] : memref<10000x128xf32, #tpu.memory_space<hbm>> -> memref<10000x128xf32, #tpu.memory_space<hbm>>
      tpu.enqueue_indirect_dma source(%dma_start3A_495 : memref<10000x128xf32, #tpu.memory_space<hbm>>) target(%dma_start3A_490 : memref<120x128xf32, #tpu.memory_space<vmem>>) offsets(%dma_start3A_492 : memref<120xi32, #tpu.memory_space<vmem>>) semaphore(%arg12 : memref<!tpu.dma_semaphore, #tpu.memory_space<semaphore_mem>>)
      %dma_wait3A_496 = arith.constant 0 : i32
      %dma_wait3A_497 = arith.constant 0 : i32
      %dma_wait3A_498 = arith.constant 0 : i32
      %dma_wait3A_499 = tpu.memref_slice %arg8[%dma_wait3A_496, %dma_wait3A_497, %dma_wait3A_498] : memref<3x120x128xf32, #tpu.memory_space<vmem>> -> memref<1x120x128xf32, #tpu.memory_space<vmem>>
      %dma_wait3A_500 = tpu.memref_squeeze %dma_wait3A_499 : memref<1x120x128xf32, #tpu.memory_space<vmem>> -> memref<120x128xf32, #tpu.memory_space<vmem>>
      %dma_wait3A_501 = arith.constant 1080 : i32
      %dma_wait3A_502 = tpu.memref_slice %arg6[%dma_wait3A_501] : memref<1440xi32, #tpu.memory_space<vmem>> -> memref<120xi32, #tpu.memory_space<vmem>>
      %dma_wait3A_503 = arith.constant 0 : i32
      %dma_wait3A_504 = arith.constant 0 : i32
      %dma_wait3A_505 = tpu.memref_slice %arg2[%dma_wait3A_503, %dma_wait3A_504] : memref<10000x128xf32, #tpu.memory_space<hbm>> -> memref<10000x128xf32, #tpu.memory_space<hbm>>
      tpu.wait_indirect_dma semaphore(%arg10 : memref<!tpu.dma_semaphore, #tpu.memory_space<semaphore_mem>>) src(%dma_wait3A_505 : memref<10000x128xf32, #tpu.memory_space<hbm>>) dst(%dma_wait3A_500 : memref<120x128xf32, #tpu.memory_space<vmem>>)
      %dma_start3A_506 = arith.constant 0 : i32
      %dma_start3A_507 = arith.constant 9 : i32
      %dma_start3A_508 = arith.constant 0 : i32
      %dma_start3A_509 = arith.constant 0 : i32
      %dma_start3A_510 = arith.constant 0 : i32
      %dma_start3A_511 = tpu.memref_slice %arg8[%dma_start3A_506, %dma_start3A_509, %dma_start3A_510] : memref<3x120x128xf32, #tpu.memory_space<vmem>> -> memref<1x120x128xf32, #tpu.memory_space<vmem>>
      %dma_start3A_512 = tpu.memref_squeeze %dma_start3A_511 : memref<1x120x128xf32, #tpu.memory_space<vmem>> -> memref<120x128xf32, #tpu.memory_space<vmem>>
      %dma_start3A_513 = arith.constant 0 : i32
      %dma_start3A_514 = tpu.memref_slice %arg7[%dma_start3A_507, %dma_start3A_508, %dma_start3A_513] : memref<12x1x120xi32, #tpu.memory_space<vmem>> -> memref<1x1x120xi32, #tpu.memory_space<vmem>>
      %dma_start3A_515 = tpu.memref_squeeze %dma_start3A_514 : memref<1x1x120xi32, #tpu.memory_space<vmem>> -> memref<120xi32, #tpu.memory_space<vmem>>
      %dma_start3A_516 = arith.constant 0 : i32
      %dma_start3A_517 = arith.constant 0 : i32
      %dma_start3A_518 = tpu.memref_slice %arg9[%dma_start3A_516, %dma_start3A_517] : memref<10240x128xf32, #tpu.memory_space<vmem_shared>> -> memref<10240x128xf32, #tpu.memory_space<vmem_shared>>
      tpu.enqueue_indirect_dma source(%dma_start3A_512 : memref<120x128xf32, #tpu.memory_space<vmem>>) target(%dma_start3A_518 : memref<10240x128xf32, #tpu.memory_space<vmem_shared>>) offsets(%dma_start3A_515 : memref<120xi32, #tpu.memory_space<vmem>>) semaphore(%arg13 : memref<!tpu.dma_semaphore, #tpu.memory_space<semaphore_mem>>) {add = true}
      %dma_wait3A_519 = arith.constant 1 : i32
      %dma_wait3A_520 = arith.constant 0 : i32
      %dma_wait3A_521 = arith.constant 0 : i32
      %dma_wait3A_522 = tpu.memref_slice %arg8[%dma_wait3A_519, %dma_wait3A_520, %dma_wait3A_521] : memref<3x120x128xf32, #tpu.memory_space<vmem>> -> memref<1x120x128xf32, #tpu.memory_space<vmem>>
      %dma_wait3A_523 = tpu.memref_squeeze %dma_wait3A_522 : memref<1x120x128xf32, #tpu.memory_space<vmem>> -> memref<120x128xf32, #tpu.memory_space<vmem>>
      %dma_wait3A_524 = arith.constant 1200 : i32
      %dma_wait3A_525 = tpu.memref_slice %arg6[%dma_wait3A_524] : memref<1440xi32, #tpu.memory_space<vmem>> -> memref<120xi32, #tpu.memory_space<vmem>>
      %dma_wait3A_526 = arith.constant 0 : i32
      %dma_wait3A_527 = arith.constant 0 : i32
      %dma_wait3A_528 = tpu.memref_slice %arg2[%dma_wait3A_526, %dma_wait3A_527] : memref<10000x128xf32, #tpu.memory_space<hbm>> -> memref<10000x128xf32, #tpu.memory_space<hbm>>
      tpu.wait_indirect_dma semaphore(%arg11 : memref<!tpu.dma_semaphore, #tpu.memory_space<semaphore_mem>>) src(%dma_wait3A_528 : memref<10000x128xf32, #tpu.memory_space<hbm>>) dst(%dma_wait3A_523 : memref<120x128xf32, #tpu.memory_space<vmem>>)
      %dma_start3A_529 = arith.constant 1 : i32
      %dma_start3A_530 = arith.constant 10 : i32
      %dma_start3A_531 = arith.constant 0 : i32
      %dma_start3A_532 = arith.constant 0 : i32
      %dma_start3A_533 = arith.constant 0 : i32
      %dma_start3A_534 = tpu.memref_slice %arg8[%dma_start3A_529, %dma_start3A_532, %dma_start3A_533] : memref<3x120x128xf32, #tpu.memory_space<vmem>> -> memref<1x120x128xf32, #tpu.memory_space<vmem>>
      %dma_start3A_535 = tpu.memref_squeeze %dma_start3A_534 : memref<1x120x128xf32, #tpu.memory_space<vmem>> -> memref<120x128xf32, #tpu.memory_space<vmem>>
      %dma_start3A_536 = arith.constant 0 : i32
      %dma_start3A_537 = tpu.memref_slice %arg7[%dma_start3A_530, %dma_start3A_531, %dma_start3A_536] : memref<12x1x120xi32, #tpu.memory_space<vmem>> -> memref<1x1x120xi32, #tpu.memory_space<vmem>>
      %dma_start3A_538 = tpu.memref_squeeze %dma_start3A_537 : memref<1x1x120xi32, #tpu.memory_space<vmem>> -> memref<120xi32, #tpu.memory_space<vmem>>
      %dma_start3A_539 = arith.constant 0 : i32
      %dma_start3A_540 = arith.constant 0 : i32
      %dma_start3A_541 = tpu.memref_slice %arg9[%dma_start3A_539, %dma_start3A_540] : memref<10240x128xf32, #tpu.memory_space<vmem_shared>> -> memref<10240x128xf32, #tpu.memory_space<vmem_shared>>
      tpu.enqueue_indirect_dma source(%dma_start3A_535 : memref<120x128xf32, #tpu.memory_space<vmem>>) target(%dma_start3A_541 : memref<10240x128xf32, #tpu.memory_space<vmem_shared>>) offsets(%dma_start3A_538 : memref<120xi32, #tpu.memory_space<vmem>>) semaphore(%arg14 : memref<!tpu.dma_semaphore, #tpu.memory_space<semaphore_mem>>) {add = true}
      %dma_wait3A_542 = arith.constant 2 : i32
      %dma_wait3A_543 = arith.constant 0 : i32
      %dma_wait3A_544 = arith.constant 0 : i32
      %dma_wait3A_545 = tpu.memref_slice %arg8[%dma_wait3A_542, %dma_wait3A_543, %dma_wait3A_544] : memref<3x120x128xf32, #tpu.memory_space<vmem>> -> memref<1x120x128xf32, #tpu.memory_space<vmem>>
      %dma_wait3A_546 = tpu.memref_squeeze %dma_wait3A_545 : memref<1x120x128xf32, #tpu.memory_space<vmem>> -> memref<120x128xf32, #tpu.memory_space<vmem>>
      %dma_wait3A_547 = arith.constant 1320 : i32
      %dma_wait3A_548 = tpu.memref_slice %arg6[%dma_wait3A_547] : memref<1440xi32, #tpu.memory_space<vmem>> -> memref<120xi32, #tpu.memory_space<vmem>>
      %dma_wait3A_549 = arith.constant 0 : i32
      %dma_wait3A_550 = arith.constant 0 : i32
      %dma_wait3A_551 = tpu.memref_slice %arg2[%dma_wait3A_549, %dma_wait3A_550] : memref<10000x128xf32, #tpu.memory_space<hbm>> -> memref<10000x128xf32, #tpu.memory_space<hbm>>
      tpu.wait_indirect_dma semaphore(%arg12 : memref<!tpu.dma_semaphore, #tpu.memory_space<semaphore_mem>>) src(%dma_wait3A_551 : memref<10000x128xf32, #tpu.memory_space<hbm>>) dst(%dma_wait3A_546 : memref<120x128xf32, #tpu.memory_space<vmem>>)
      %dma_start3A_552 = arith.constant 2 : i32
      %dma_start3A_553 = arith.constant 11 : i32
      %dma_start3A_554 = arith.constant 0 : i32
      %dma_start3A_555 = arith.constant 0 : i32
      %dma_start3A_556 = arith.constant 0 : i32
      %dma_start3A_557 = tpu.memref_slice %arg8[%dma_start3A_552, %dma_start3A_555, %dma_start3A_556] : memref<3x120x128xf32, #tpu.memory_space<vmem>> -> memref<1x120x128xf32, #tpu.memory_space<vmem>>
      %dma_start3A_558 = tpu.memref_squeeze %dma_start3A_557 : memref<1x120x128xf32, #tpu.memory_space<vmem>> -> memref<120x128xf32, #tpu.memory_space<vmem>>
      %dma_start3A_559 = arith.constant 0 : i32
      %dma_start3A_560 = tpu.memref_slice %arg7[%dma_start3A_553, %dma_start3A_554, %dma_start3A_559] : memref<12x1x120xi32, #tpu.memory_space<vmem>> -> memref<1x1x120xi32, #tpu.memory_space<vmem>>
      %dma_start3A_561 = tpu.memref_squeeze %dma_start3A_560 : memref<1x1x120xi32, #tpu.memory_space<vmem>> -> memref<120xi32, #tpu.memory_space<vmem>>
      %dma_start3A_562 = arith.constant 0 : i32
      %dma_start3A_563 = arith.constant 0 : i32
      %dma_start3A_564 = tpu.memref_slice %arg9[%dma_start3A_562, %dma_start3A_563] : memref<10240x128xf32, #tpu.memory_space<vmem_shared>> -> memref<10240x128xf32, #tpu.memory_space<vmem_shared>>
      tpu.enqueue_indirect_dma source(%dma_start3A_558 : memref<120x128xf32, #tpu.memory_space<vmem>>) target(%dma_start3A_564 : memref<10240x128xf32, #tpu.memory_space<vmem_shared>>) offsets(%dma_start3A_561 : memref<120xi32, #tpu.memory_space<vmem>>) semaphore(%arg15 : memref<!tpu.dma_semaphore, #tpu.memory_space<semaphore_mem>>) {add = true}
      %dma_wait3A_565 = arith.constant 0 : i32
      %dma_wait3A_566 = arith.constant 9 : i32
      %dma_wait3A_567 = arith.constant 0 : i32
      %dma_wait3A_568 = arith.constant 0 : i32
      %dma_wait3A_569 = arith.constant 0 : i32
      %dma_wait3A_570 = tpu.memref_slice %arg8[%dma_wait3A_565, %dma_wait3A_568, %dma_wait3A_569] : memref<3x120x128xf32, #tpu.memory_space<vmem>> -> memref<1x120x128xf32, #tpu.memory_space<vmem>>
      %dma_wait3A_571 = tpu.memref_squeeze %dma_wait3A_570 : memref<1x120x128xf32, #tpu.memory_space<vmem>> -> memref<120x128xf32, #tpu.memory_space<vmem>>
      %dma_wait3A_572 = arith.constant 0 : i32
      %dma_wait3A_573 = tpu.memref_slice %arg7[%dma_wait3A_566, %dma_wait3A_567, %dma_wait3A_572] : memref<12x1x120xi32, #tpu.memory_space<vmem>> -> memref<1x1x120xi32, #tpu.memory_space<vmem>>
      %dma_wait3A_574 = tpu.memref_squeeze %dma_wait3A_573 : memref<1x1x120xi32, #tpu.memory_space<vmem>> -> memref<120xi32, #tpu.memory_space<vmem>>
      %dma_wait3A_575 = arith.constant 0 : i32
      %dma_wait3A_576 = arith.constant 0 : i32
      %dma_wait3A_577 = tpu.memref_slice %arg9[%dma_wait3A_575, %dma_wait3A_576] : memref<10240x128xf32, #tpu.memory_space<vmem_shared>> -> memref<10240x128xf32, #tpu.memory_space<vmem_shared>>
      tpu.wait_indirect_dma semaphore(%arg13 : memref<!tpu.dma_semaphore, #tpu.memory_space<semaphore_mem>>) src(%dma_wait3A_571 : memref<120x128xf32, #tpu.memory_space<vmem>>) dst(%dma_wait3A_577 : memref<10240x128xf32, #tpu.memory_space<vmem_shared>>)
      %dma_wait3A_578 = arith.constant 1 : i32
      %dma_wait3A_579 = arith.constant 10 : i32
      %dma_wait3A_580 = arith.constant 0 : i32
      %dma_wait3A_581 = arith.constant 0 : i32
      %dma_wait3A_582 = arith.constant 0 : i32
      %dma_wait3A_583 = tpu.memref_slice %arg8[%dma_wait3A_578, %dma_wait3A_581, %dma_wait3A_582] : memref<3x120x128xf32, #tpu.memory_space<vmem>> -> memref<1x120x128xf32, #tpu.memory_space<vmem>>
      %dma_wait3A_584 = tpu.memref_squeeze %dma_wait3A_583 : memref<1x120x128xf32, #tpu.memory_space<vmem>> -> memref<120x128xf32, #tpu.memory_space<vmem>>
      %dma_wait3A_585 = arith.constant 0 : i32
      %dma_wait3A_586 = tpu.memref_slice %arg7[%dma_wait3A_579, %dma_wait3A_580, %dma_wait3A_585] : memref<12x1x120xi32, #tpu.memory_space<vmem>> -> memref<1x1x120xi32, #tpu.memory_space<vmem>>
      %dma_wait3A_587 = tpu.memref_squeeze %dma_wait3A_586 : memref<1x1x120xi32, #tpu.memory_space<vmem>> -> memref<120xi32, #tpu.memory_space<vmem>>
      %dma_wait3A_588 = arith.constant 0 : i32
      %dma_wait3A_589 = arith.constant 0 : i32
      %dma_wait3A_590 = tpu.memref_slice %arg9[%dma_wait3A_588, %dma_wait3A_589] : memref<10240x128xf32, #tpu.memory_space<vmem_shared>> -> memref<10240x128xf32, #tpu.memory_space<vmem_shared>>
      tpu.wait_indirect_dma semaphore(%arg14 : memref<!tpu.dma_semaphore, #tpu.memory_space<semaphore_mem>>) src(%dma_wait3A_584 : memref<120x128xf32, #tpu.memory_space<vmem>>) dst(%dma_wait3A_590 : memref<10240x128xf32, #tpu.memory_space<vmem_shared>>)
      %dma_wait3A_591 = arith.constant 2 : i32
      %dma_wait3A_592 = arith.constant 11 : i32
      %dma_wait3A_593 = arith.constant 0 : i32
      %dma_wait3A_594 = arith.constant 0 : i32
      %dma_wait3A_595 = arith.constant 0 : i32
      %dma_wait3A_596 = tpu.memref_slice %arg8[%dma_wait3A_591, %dma_wait3A_594, %dma_wait3A_595] : memref<3x120x128xf32, #tpu.memory_space<vmem>> -> memref<1x120x128xf32, #tpu.memory_space<vmem>>
      %dma_wait3A_597 = tpu.memref_squeeze %dma_wait3A_596 : memref<1x120x128xf32, #tpu.memory_space<vmem>> -> memref<120x128xf32, #tpu.memory_space<vmem>>
      %dma_wait3A_598 = arith.constant 0 : i32
      %dma_wait3A_599 = tpu.memref_slice %arg7[%dma_wait3A_592, %dma_wait3A_593, %dma_wait3A_598] : memref<12x1x120xi32, #tpu.memory_space<vmem>> -> memref<1x1x120xi32, #tpu.memory_space<vmem>>
      %dma_wait3A_600 = tpu.memref_squeeze %dma_wait3A_599 : memref<1x1x120xi32, #tpu.memory_space<vmem>> -> memref<120xi32, #tpu.memory_space<vmem>>
      %dma_wait3A_601 = arith.constant 0 : i32
      %dma_wait3A_602 = arith.constant 0 : i32
      %dma_wait3A_603 = tpu.memref_slice %arg9[%dma_wait3A_601, %dma_wait3A_602] : memref<10240x128xf32, #tpu.memory_space<vmem_shared>> -> memref<10240x128xf32, #tpu.memory_space<vmem_shared>>
      tpu.wait_indirect_dma semaphore(%arg15 : memref<!tpu.dma_semaphore, #tpu.memory_space<semaphore_mem>>) src(%dma_wait3A_597 : memref<120x128xf32, #tpu.memory_space<vmem>>) dst(%dma_wait3A_603 : memref<10240x128xf32, #tpu.memory_space<vmem_shared>>)
    }
    %scan3A_40 = arith.constant 7 : i32
    %barrier3A_41 = arith.constant 0 : index
    tpu.barrier barrier_id(%barrier3A_41)
    %mul3A_42 = arith.constant 640 : i32
    %mul3A_43 = arith.muli %arg1, %mul3A_42 : i32
    %mul3A_44 = arith.constant 640 : i32
    %mul3A_45 = arith.muli %arg1, %mul3A_44 : i32
    "tpu.region"() ({
      %run_scoped3A_46 = tpu.sem_alloc : memref<!tpu.dma_semaphore, #tpu.memory_space<semaphore_mem>>
      %dma_start3A = arith.constant 0 : i32
      %dma_start3A_47 = tpu.memref_slice %arg5[%arg0, %mul3A_45, %dma_start3A] : memref<2x10240x128xf32, #tpu.memory_space<hbm>> -> memref<1x640x128xf32, #tpu.memory_space<hbm>>
      %dma_start3A_48 = tpu.memref_squeeze %dma_start3A_47 : memref<1x640x128xf32, #tpu.memory_space<hbm>> -> memref<640x128xf32, #tpu.memory_space<hbm>>
      %dma_start3A_49 = arith.constant 0 : i32
      %dma_start3A_50 = tpu.memref_slice %arg9[%mul3A_43, %dma_start3A_49] : memref<10240x128xf32, #tpu.memory_space<vmem_shared>> -> memref<640x128xf32, #tpu.memory_space<vmem_shared>>
      tpu.enqueue_dma source(%dma_start3A_50 : memref<640x128xf32, #tpu.memory_space<vmem_shared>>) target(%dma_start3A_48 : memref<640x128xf32, #tpu.memory_space<hbm>>) target_semaphore(%run_scoped3A_46 : memref<!tpu.dma_semaphore, #tpu.memory_space<semaphore_mem>>)
      %dma_wait3A = arith.constant 0 : i32
      %dma_wait3A_51 = tpu.memref_slice %arg5[%arg0, %mul3A_45, %dma_wait3A] : memref<2x10240x128xf32, #tpu.memory_space<hbm>> -> memref<1x640x128xf32, #tpu.memory_space<hbm>>
      %dma_wait3A_52 = tpu.memref_squeeze %dma_wait3A_51 : memref<1x640x128xf32, #tpu.memory_space<hbm>> -> memref<640x128xf32, #tpu.memory_space<hbm>>
      %dma_wait3A_53 = arith.constant 0 : i32
      %dma_wait3A_54 = tpu.memref_slice %arg9[%mul3A_43, %dma_wait3A_53] : memref<10240x128xf32, #tpu.memory_space<vmem_shared>> -> memref<640x128xf32, #tpu.memory_space<vmem_shared>>
      tpu.wait_dma2 semaphore(%run_scoped3A_46 : memref<!tpu.dma_semaphore, #tpu.memory_space<semaphore_mem>>) src(%dma_wait3A_54 : memref<640x128xf32, #tpu.memory_space<vmem_shared>>) dst(%dma_wait3A_52 : memref<640x128xf32, #tpu.memory_space<hbm>>)
      tpu.yield
    }) : () -> ()
    return
  }
}

#map = affine_map<(d0, d1) -> (0, 0)>
#map1 = affine_map<(d0, d1) -> (0)>
#map2 = affine_map<(d0, d1) -> (0, 0, 0, 0, 0)>
#map3 = affine_map<(d0, d1) -> (0, 0, 0)>
module attributes {stable_mosaic.version = 14 : i64} {
  func.func @_scat_kernel(%arg0: i32, %arg1: i32, %arg2: memref<10000x128xf32, #tpu.memory_space<hbm>>, %arg3: memref<322560xi32, #tpu.memory_space<hbm>>, %arg4: memref<32x7x12x1x120xi32, #tpu.memory_space<hbm>>, %arg5: memref<2x10240x128xf32, #tpu.memory_space<hbm>>, %arg6: memref<1440xi32, #tpu.memory_space<vmem>>, %arg7: memref<12x1x120xi32, #tpu.memory_space<vmem>>, %arg8: memref<3x120x128xf32, #tpu.memory_space<vmem>>, %arg9: memref<10240x128xf32, #tpu.memory_space<vmem_shared>>, %arg10: memref<!tpu.dma_semaphore, #tpu.memory_space<semaphore_mem>>, %arg11: memref<!tpu.dma_semaphore, #tpu.memory_space<semaphore_mem>>, %arg12: memref<!tpu.dma_semaphore, #tpu.memory_space<semaphore_mem>>, %arg13: memref<!tpu.dma_semaphore, #tpu.memory_space<semaphore_mem>>, %arg14: memref<!tpu.dma_semaphore, #tpu.memory_space<semaphore_mem>>, %arg15: memref<!tpu.dma_semaphore, #tpu.memory_space<semaphore_mem>>) attributes {dimension_semantics = [#tpu.dimension_semantics<core_parallel>, #tpu.dimension_semantics<subcore_parallel>], iteration_bounds = array<i64: 2, 16>, scalar_prefetch = 0 : i64, scratch_operands = 10 : i64, tpu.core_type = #tpu.core_type<sc_vector_subcore>, window_params = [{transform_indices = #map}, {transform_indices = #map1}, {transform_indices = #map2}, {transform_indices = #map3}]} {
    %mul3A = arith.constant 16 : i32
    %mul3A_0 = arith.muli %arg0, %mul3A : i32
    %add3A = arith.addi %mul3A_0, %arg1 : i32
    %scan3A = arith.constant 0 : i32
    %scan3A_1 = arith.constant 0 : i32
    %scan3A_2 = arith.constant 120 : i32
    %scan3A_3 = arith.addi %scan3A_1, %scan3A_2 : i32
    %scan3A_4 = arith.constant 1 : i32
    scf.for %scan3A_46 = %scan3A_1 to %scan3A_3 step %scan3A_4  : i32 {
      %broadcast_in_dim3A = arith.constant 0.000000e+00 : f32
      %broadcast_in_dim3A_47 = vector.broadcast %broadcast_in_dim3A : f32 to vector<16xf32>
      %swap3A = arith.constant 0 : i32
      %swap3A_48 = arith.index_cast %swap3A : i32 to index
      %swap3A_49 = arith.index_cast %scan3A_46 : i32 to index
      %swap3A_50 = arith.constant 0 : index
      %swap3A_51 = tpu.vector_load %arg8[%swap3A_48, %swap3A_49, %swap3A_50] {strides = array<i32>} : memref<3x120x128xf32, #tpu.memory_space<vmem>>, vector<1x1x16xf32>,
      %swap3A_52 = vector.shape_cast %swap3A_51 : vector<1x1x16xf32> to vector<16xf32>
      %swap3A_53 = vector.shape_cast %broadcast_in_dim3A_47 : vector<16xf32> to vector<1x1x16xf32>
      tpu.vector_store %arg8[%swap3A_48, %swap3A_49, %swap3A_50], %swap3A_53 {strides = array<i32>} : memref<3x120x128xf32, #tpu.memory_space<vmem>>, vector<1x1x16xf32>,
      %broadcast_in_dim3A_54 = arith.constant 0.000000e+00 : f32
      %broadcast_in_dim3A_55 = vector.broadcast %broadcast_in_dim3A_54 : f32 to vector<16xf32>
      %swap3A_56 = arith.constant 0 : i32
      %swap3A_57 = arith.index_cast %swap3A_56 : i32 to index
      %swap3A_58 = arith.index_cast %scan3A_46 : i32 to index
      %swap3A_59 = arith.constant 16 : index
      %swap3A_60 = tpu.vector_load %arg8[%swap3A_57, %swap3A_58, %swap3A_59] {strides = array<i32>} : memref<3x120x128xf32, #tpu.memory_space<vmem>>, vector<1x1x16xf32>,
      %swap3A_61 = vector.shape_cast %swap3A_60 : vector<1x1x16xf32> to vector<16xf32>
      %swap3A_62 = vector.shape_cast %broadcast_in_dim3A_55 : vector<16xf32> to vector<1x1x16xf32>
      tpu.vector_store %arg8[%swap3A_57, %swap3A_58, %swap3A_59], %swap3A_62 {strides = array<i32>} : memref<3x120x128xf32, #tpu.memory_space<vmem>>, vector<1x1x16xf32>,
      %broadcast_in_dim3A_63 = arith.constant 0.000000e+00 : f32
      %broadcast_in_dim3A_64 = vector.broadcast %broadcast_in_dim3A_63 : f32 to vector<16xf32>
      %swap3A_65 = arith.constant 0 : i32
      %swap3A_66 = arith.index_cast %swap3A_65 : i32 to index
      %swap3A_67 = arith.index_cast %scan3A_46 : i32 to index
      %swap3A_68 = arith.constant 32 : index
      %swap3A_69 = tpu.vector_load %arg8[%swap3A_66, %swap3A_67, %swap3A_68] {strides = array<i32>} : memref<3x120x128xf32, #tpu.memory_space<vmem>>, vector<1x1x16xf32>,
      %swap3A_70 = vector.shape_cast %swap3A_69 : vector<1x1x16xf32> to vector<16xf32>
      %swap3A_71 = vector.shape_cast %broadcast_in_dim3A_64 : vector<16xf32> to vector<1x1x16xf32>
      tpu.vector_store %arg8[%swap3A_66, %swap3A_67, %swap3A_68], %swap3A_71 {strides = array<i32>} : memref<3x120x128xf32, #tpu.memory_space<vmem>>, vector<1x1x16xf32>,
      %broadcast_in_dim3A_72 = arith.constant 0.000000e+00 : f32
      %broadcast_in_dim3A_73 = vector.broadcast %broadcast_in_dim3A_72 : f32 to vector<16xf32>
      %swap3A_74 = arith.constant 0 : i32
      %swap3A_75 = arith.index_cast %swap3A_74 : i32 to index
      %swap3A_76 = arith.index_cast %scan3A_46 : i32 to index
      %swap3A_77 = arith.constant 48 : index
      %swap3A_78 = tpu.vector_load %arg8[%swap3A_75, %swap3A_76, %swap3A_77] {strides = array<i32>} : memref<3x120x128xf32, #tpu.memory_space<vmem>>, vector<1x1x16xf32>,
      %swap3A_79 = vector.shape_cast %swap3A_78 : vector<1x1x16xf32> to vector<16xf32>
      %swap3A_80 = vector.shape_cast %broadcast_in_dim3A_73 : vector<16xf32> to vector<1x1x16xf32>
      tpu.vector_store %arg8[%swap3A_75, %swap3A_76, %swap3A_77], %swap3A_80 {strides = array<i32>} : memref<3x120x128xf32, #tpu.memory_space<vmem>>, vector<1x1x16xf32>,
      %broadcast_in_dim3A_81 = arith.constant 0.000000e+00 : f32
      %broadcast_in_dim3A_82 = vector.broadcast %broadcast_in_dim3A_81 : f32 to vector<16xf32>
      %swap3A_83 = arith.constant 0 : i32
      %swap3A_84 = arith.index_cast %swap3A_83 : i32 to index
      %swap3A_85 = arith.index_cast %scan3A_46 : i32 to index
      %swap3A_86 = arith.constant 64 : index
      %swap3A_87 = tpu.vector_load %arg8[%swap3A_84, %swap3A_85, %swap3A_86] {strides = array<i32>} : memref<3x120x128xf32, #tpu.memory_space<vmem>>, vector<1x1x16xf32>,
      %swap3A_88 = vector.shape_cast %swap3A_87 : vector<1x1x16xf32> to vector<16xf32>
      %swap3A_89 = vector.shape_cast %broadcast_in_dim3A_82 : vector<16xf32> to vector<1x1x16xf32>
      tpu.vector_store %arg8[%swap3A_84, %swap3A_85, %swap3A_86], %swap3A_89 {strides = array<i32>} : memref<3x120x128xf32, #tpu.memory_space<vmem>>, vector<1x1x16xf32>,
      %broadcast_in_dim3A_90 = arith.constant 0.000000e+00 : f32
      %broadcast_in_dim3A_91 = vector.broadcast %broadcast_in_dim3A_90 : f32 to vector<16xf32>
      %swap3A_92 = arith.constant 0 : i32
      %swap3A_93 = arith.index_cast %swap3A_92 : i32 to index
      %swap3A_94 = arith.index_cast %scan3A_46 : i32 to index
      %swap3A_95 = arith.constant 80 : index
      %swap3A_96 = tpu.vector_load %arg8[%swap3A_93, %swap3A_94, %swap3A_95] {strides = array<i32>} : memref<3x120x128xf32, #tpu.memory_space<vmem>>, vector<1x1x16xf32>,
      %swap3A_97 = vector.shape_cast %swap3A_96 : vector<1x1x16xf32> to vector<16xf32>
      %swap3A_98 = vector.shape_cast %broadcast_in_dim3A_91 : vector<16xf32> to vector<1x1x16xf32>
      tpu.vector_store %arg8[%swap3A_93, %swap3A_94, %swap3A_95], %swap3A_98 {strides = array<i32>} : memref<3x120x128xf32, #tpu.memory_space<vmem>>, vector<1x1x16xf32>,
      %broadcast_in_dim3A_99 = arith.constant 0.000000e+00 : f32
      %broadcast_in_dim3A_100 = vector.broadcast %broadcast_in_dim3A_99 : f32 to vector<16xf32>
      %swap3A_101 = arith.constant 0 : i32
      %swap3A_102 = arith.index_cast %swap3A_101 : i32 to index
      %swap3A_103 = arith.index_cast %scan3A_46 : i32 to index
      %swap3A_104 = arith.constant 96 : index
      %swap3A_105 = tpu.vector_load %arg8[%swap3A_102, %swap3A_103, %swap3A_104] {strides = array<i32>} : memref<3x120x128xf32, #tpu.memory_space<vmem>>, vector<1x1x16xf32>,
      %swap3A_106 = vector.shape_cast %swap3A_105 : vector<1x1x16xf32> to vector<16xf32>
      %swap3A_107 = vector.shape_cast %broadcast_in_dim3A_100 : vector<16xf32> to vector<1x1x16xf32>
      tpu.vector_store %arg8[%swap3A_102, %swap3A_103, %swap3A_104], %swap3A_107 {strides = array<i32>} : memref<3x120x128xf32, #tpu.memory_space<vmem>>, vector<1x1x16xf32>,
      %broadcast_in_dim3A_108 = arith.constant 0.000000e+00 : f32
      %broadcast_in_dim3A_109 = vector.broadcast %broadcast_in_dim3A_108 : f32 to vector<16xf32>
      %swap3A_110 = arith.constant 0 : i32
      %swap3A_111 = arith.index_cast %swap3A_110 : i32 to index
      %swap3A_112 = arith.index_cast %scan3A_46 : i32 to index
      %swap3A_113 = arith.constant 112 : index
      %swap3A_114 = tpu.vector_load %arg8[%swap3A_111, %swap3A_112, %swap3A_113] {strides = array<i32>} : memref<3x120x128xf32, #tpu.memory_space<vmem>>, vector<1x1x16xf32>,
      %swap3A_115 = vector.shape_cast %swap3A_114 : vector<1x1x16xf32> to vector<16xf32>
      %swap3A_116 = vector.shape_cast %broadcast_in_dim3A_109 : vector<16xf32> to vector<1x1x16xf32>
      tpu.vector_store %arg8[%swap3A_111, %swap3A_112, %swap3A_113], %swap3A_116 {strides = array<i32>} : memref<3x120x128xf32, #tpu.memory_space<vmem>>, vector<1x1x16xf32>,
    }
    %scan3A_5 = arith.constant 120 : i32
    %mul3A_6 = arith.constant 640 : i32
    %mul3A_7 = arith.muli %arg1, %mul3A_6 : i32
    %add3A_8 = arith.constant 0 : i32
    %add3A_9 = arith.addi %mul3A_7, %add3A_8 : i32
    %run_scoped3A = arith.constant 0 : i32
    "tpu.region"() ({
      %run_scoped3A_46 = tpu.sem_alloc : memref<!tpu.dma_semaphore, #tpu.memory_space<semaphore_mem>>
      %dma_start3A = arith.constant 0 : i32
      %dma_start3A_47 = arith.constant 0 : i32
      %dma_start3A_48 = tpu.memref_slice %arg8[%run_scoped3A, %dma_start3A, %dma_start3A_47] : memref<3x120x128xf32, #tpu.memory_space<vmem>> -> memref<1x120x128xf32, #tpu.memory_space<vmem>>
      %dma_start3A_49 = tpu.memref_squeeze %dma_start3A_48 : memref<1x120x128xf32, #tpu.memory_space<vmem>> -> memref<120x128xf32, #tpu.memory_space<vmem>>
      %dma_start3A_50 = arith.constant 0 : i32
      %dma_start3A_51 = tpu.memref_slice %arg9[%add3A_9, %dma_start3A_50] : memref<10240x128xf32, #tpu.memory_space<vmem_shared>> -> memref<120x128xf32, #tpu.memory_space<vmem_shared>>
      %dma_start3A_52 = arith.constant 0 : i32
      %dma_start3A_53 = tpu.memref_slice %arg9[%add3A_9, %dma_start3A_52] : memref<10240x128xf32, #tpu.memory_space<vmem_shared>> -> memref<120x128xf32, #tpu.memory_space<vmem_shared>>
      %dma_start3A_54 = arith.constant 0 : i32
      %dma_start3A_55 = arith.constant 0 : i32
      %dma_start3A_56 = tpu.memref_slice %arg8[%run_scoped3A, %dma_start3A_54, %dma_start3A_55] : memref<3x120x128xf32, #tpu.memory_space<vmem>> -> memref<1x120x128xf32, #tpu.memory_space<vmem>>
      %dma_start3A_57 = tpu.memref_squeeze %dma_start3A_56 : memref<1x120x128xf32, #tpu.memory_space<vmem>> -> memref<120x128xf32, #tpu.memory_space<vmem>>
      tpu.enqueue_dma source(%dma_start3A_57 : memref<120x128xf32, #tpu.memory_space<vmem>>) target(%dma_start3A_53 : memref<120x128xf32, #tpu.memory_space<vmem_shared>>) target_semaphore(%run_scoped3A_46 : memref<!tpu.dma_semaphore, #tpu.memory_space<semaphore_mem>>)
      %dma_wait3A = arith.constant 0 : i32
      %dma_wait3A_58 = arith.constant 0 : i32
      %dma_wait3A_59 = tpu.memref_slice %arg8[%run_scoped3A, %dma_wait3A, %dma_wait3A_58] : memref<3x120x128xf32, #tpu.memory_space<vmem>> -> memref<1x120x128xf32, #tpu.memory_space<vmem>>
      %dma_wait3A_60 = tpu.memref_squeeze %dma_wait3A_59 : memref<1x120x128xf32, #tpu.memory_space<vmem>> -> memref<120x128xf32, #tpu.memory_space<vmem>>
      %dma_wait3A_61 = arith.constant 0 : i32
      %dma_wait3A_62 = tpu.memref_slice %arg9[%add3A_9, %dma_wait3A_61] : memref<10240x128xf32, #tpu.memory_space<vmem_shared>> -> memref<120x128xf32, #tpu.memory_space<vmem_shared>>
      %dma_wait3A_63 = arith.constant 0 : i32
      %dma_wait3A_64 = tpu.memref_slice %arg9[%add3A_9, %dma_wait3A_63] : memref<10240x128xf32, #tpu.memory_space<vmem_shared>> -> memref<120x128xf32, #tpu.memory_space<vmem_shared>>
      %dma_wait3A_65 = arith.constant 0 : i32
      %dma_wait3A_66 = arith.constant 0 : i32
      %dma_wait3A_67 = tpu.memref_slice %arg8[%run_scoped3A, %dma_wait3A_65, %dma_wait3A_66] : memref<3x120x128xf32, #tpu.memory_space<vmem>> -> memref<1x120x128xf32, #tpu.memory_space<vmem>>
      %dma_wait3A_68 = tpu.memref_squeeze %dma_wait3A_67 : memref<1x120x128xf32, #tpu.memory_space<vmem>> -> memref<120x128xf32, #tpu.memory_space<vmem>>
      tpu.wait_dma2 semaphore(%run_scoped3A_46 : memref<!tpu.dma_semaphore, #tpu.memory_space<semaphore_mem>>) src(%dma_wait3A_68 : memref<120x128xf32, #tpu.memory_space<vmem>>) dst(%dma_wait3A_64 : memref<120x128xf32, #tpu.memory_space<vmem_shared>>)
      tpu.yield
    }) : () -> ()
    %mul3A_10 = arith.constant 640 : i32
    %mul3A_11 = arith.muli %arg1, %mul3A_10 : i32
    %add3A_12 = arith.constant 120 : i32
    %add3A_13 = arith.addi %mul3A_11, %add3A_12 : i32
    %run_scoped3A_14 = arith.constant 0 : i32
    "tpu.region"() ({
      %run_scoped3A_46 = tpu.sem_alloc : memref<!tpu.dma_semaphore, #tpu.memory_space<semaphore_mem>>
      %dma_start3A = arith.constant 0 : i32
      %dma_start3A_47 = arith.constant 0 : i32
      %dma_start3A_48 = tpu.memref_slice %arg8[%run_scoped3A_14, %dma_start3A, %dma_start3A_47] : memref<3x120x128xf32, #tpu.memory_space<vmem>> -> memref<1x120x128xf32, #tpu.memory_space<vmem>>
      %dma_start3A_49 = tpu.memref_squeeze %dma_start3A_48 : memref<1x120x128xf32, #tpu.memory_space<vmem>> -> memref<120x128xf32, #tpu.memory_space<vmem>>
      %dma_start3A_50 = arith.constant 0 : i32
      %dma_start3A_51 = tpu.memref_slice %arg9[%add3A_13, %dma_start3A_50] : memref<10240x128xf32, #tpu.memory_space<vmem_shared>> -> memref<120x128xf32, #tpu.memory_space<vmem_shared>>
      %dma_start3A_52 = arith.constant 0 : i32
      %dma_start3A_53 = tpu.memref_slice %arg9[%add3A_13, %dma_start3A_52] : memref<10240x128xf32, #tpu.memory_space<vmem_shared>> -> memref<120x128xf32, #tpu.memory_space<vmem_shared>>
      %dma_start3A_54 = arith.constant 0 : i32
      %dma_start3A_55 = arith.constant 0 : i32
      %dma_start3A_56 = tpu.memref_slice %arg8[%run_scoped3A_14, %dma_start3A_54, %dma_start3A_55] : memref<3x120x128xf32, #tpu.memory_space<vmem>> -> memref<1x120x128xf32, #tpu.memory_space<vmem>>
      %dma_start3A_57 = tpu.memref_squeeze %dma_start3A_56 : memref<1x120x128xf32, #tpu.memory_space<vmem>> -> memref<120x128xf32, #tpu.memory_space<vmem>>
      tpu.enqueue_dma source(%dma_start3A_57 : memref<120x128xf32, #tpu.memory_space<vmem>>) target(%dma_start3A_53 : memref<120x128xf32, #tpu.memory_space<vmem_shared>>) target_semaphore(%run_scoped3A_46 : memref<!tpu.dma_semaphore, #tpu.memory_space<semaphore_mem>>)
      %dma_wait3A = arith.constant 0 : i32
      %dma_wait3A_58 = arith.constant 0 : i32
      %dma_wait3A_59 = tpu.memref_slice %arg8[%run_scoped3A_14, %dma_wait3A, %dma_wait3A_58] : memref<3x120x128xf32, #tpu.memory_space<vmem>> -> memref<1x120x128xf32, #tpu.memory_space<vmem>>
      %dma_wait3A_60 = tpu.memref_squeeze %dma_wait3A_59 : memref<1x120x128xf32, #tpu.memory_space<vmem>> -> memref<120x128xf32, #tpu.memory_space<vmem>>
      %dma_wait3A_61 = arith.constant 0 : i32
      %dma_wait3A_62 = tpu.memref_slice %arg9[%add3A_13, %dma_wait3A_61] : memref<10240x128xf32, #tpu.memory_space<vmem_shared>> -> memref<120x128xf32, #tpu.memory_space<vmem_shared>>
      %dma_wait3A_63 = arith.constant 0 : i32
      %dma_wait3A_64 = tpu.memref_slice %arg9[%add3A_13, %dma_wait3A_63] : memref<10240x128xf32, #tpu.memory_space<vmem_shared>> -> memref<120x128xf32, #tpu.memory_space<vmem_shared>>
      %dma_wait3A_65 = arith.constant 0 : i32
      %dma_wait3A_66 = arith.constant 0 : i32
      %dma_wait3A_67 = tpu.memref_slice %arg8[%run_scoped3A_14, %dma_wait3A_65, %dma_wait3A_66] : memref<3x120x128xf32, #tpu.memory_space<vmem>> -> memref<1x120x128xf32, #tpu.memory_space<vmem>>
      %dma_wait3A_68 = tpu.memref_squeeze %dma_wait3A_67 : memref<1x120x128xf32, #tpu.memory_space<vmem>> -> memref<120x128xf32, #tpu.memory_space<vmem>>
      tpu.wait_dma2 semaphore(%run_scoped3A_46 : memref<!tpu.dma_semaphore, #tpu.memory_space<semaphore_mem>>) src(%dma_wait3A_68 : memref<120x128xf32, #tpu.memory_space<vmem>>) dst(%dma_wait3A_64 : memref<120x128xf32, #tpu.memory_space<vmem_shared>>)
      tpu.yield
    }) : () -> ()
    %mul3A_15 = arith.constant 640 : i32
    %mul3A_16 = arith.muli %arg1, %mul3A_15 : i32
    %add3A_17 = arith.constant 240 : i32
    %add3A_18 = arith.addi %mul3A_16, %add3A_17 : i32
    %run_scoped3A_19 = arith.constant 0 : i32
    "tpu.region"() ({
      %run_scoped3A_46 = tpu.sem_alloc : memref<!tpu.dma_semaphore, #tpu.memory_space<semaphore_mem>>
      %dma_start3A = arith.constant 0 : i32
      %dma_start3A_47 = arith.constant 0 : i32
      %dma_start3A_48 = tpu.memref_slice %arg8[%run_scoped3A_19, %dma_start3A, %dma_start3A_47] : memref<3x120x128xf32, #tpu.memory_space<vmem>> -> memref<1x120x128xf32, #tpu.memory_space<vmem>>
      %dma_start3A_49 = tpu.memref_squeeze %dma_start3A_48 : memref<1x120x128xf32, #tpu.memory_space<vmem>> -> memref<120x128xf32, #tpu.memory_space<vmem>>
      %dma_start3A_50 = arith.constant 0 : i32
      %dma_start3A_51 = tpu.memref_slice %arg9[%add3A_18, %dma_start3A_50] : memref<10240x128xf32, #tpu.memory_space<vmem_shared>> -> memref<120x128xf32, #tpu.memory_space<vmem_shared>>
      %dma_start3A_52 = arith.constant 0 : i32
      %dma_start3A_53 = tpu.memref_slice %arg9[%add3A_18, %dma_start3A_52] : memref<10240x128xf32, #tpu.memory_space<vmem_shared>> -> memref<120x128xf32, #tpu.memory_space<vmem_shared>>
      %dma_start3A_54 = arith.constant 0 : i32
      %dma_start3A_55 = arith.constant 0 : i32
      %dma_start3A_56 = tpu.memref_slice %arg8[%run_scoped3A_19, %dma_start3A_54, %dma_start3A_55] : memref<3x120x128xf32, #tpu.memory_space<vmem>> -> memref<1x120x128xf32, #tpu.memory_space<vmem>>
      %dma_start3A_57 = tpu.memref_squeeze %dma_start3A_56 : memref<1x120x128xf32, #tpu.memory_space<vmem>> -> memref<120x128xf32, #tpu.memory_space<vmem>>
      tpu.enqueue_dma source(%dma_start3A_57 : memref<120x128xf32, #tpu.memory_space<vmem>>) target(%dma_start3A_53 : memref<120x128xf32, #tpu.memory_space<vmem_shared>>) target_semaphore(%run_scoped3A_46 : memref<!tpu.dma_semaphore, #tpu.memory_space<semaphore_mem>>)
      %dma_wait3A = arith.constant 0 : i32
      %dma_wait3A_58 = arith.constant 0 : i32
      %dma_wait3A_59 = tpu.memref_slice %arg8[%run_scoped3A_19, %dma_wait3A, %dma_wait3A_58] : memref<3x120x128xf32, #tpu.memory_space<vmem>> -> memref<1x120x128xf32, #tpu.memory_space<vmem>>
      %dma_wait3A_60 = tpu.memref_squeeze %dma_wait3A_59 : memref<1x120x128xf32, #tpu.memory_space<vmem>> -> memref<120x128xf32, #tpu.memory_space<vmem>>
      %dma_wait3A_61 = arith.constant 0 : i32
      %dma_wait3A_62 = tpu.memref_slice %arg9[%add3A_18, %dma_wait3A_61] : memref<10240x128xf32, #tpu.memory_space<vmem_shared>> -> memref<120x128xf32, #tpu.memory_space<vmem_shared>>
      %dma_wait3A_63 = arith.constant 0 : i32
      %dma_wait3A_64 = tpu.memref_slice %arg9[%add3A_18, %dma_wait3A_63] : memref<10240x128xf32, #tpu.memory_space<vmem_shared>> -> memref<120x128xf32, #tpu.memory_space<vmem_shared>>
      %dma_wait3A_65 = arith.constant 0 : i32
      %dma_wait3A_66 = arith.constant 0 : i32
      %dma_wait3A_67 = tpu.memref_slice %arg8[%run_scoped3A_19, %dma_wait3A_65, %dma_wait3A_66] : memref<3x120x128xf32, #tpu.memory_space<vmem>> -> memref<1x120x128xf32, #tpu.memory_space<vmem>>
      %dma_wait3A_68 = tpu.memref_squeeze %dma_wait3A_67 : memref<1x120x128xf32, #tpu.memory_space<vmem>> -> memref<120x128xf32, #tpu.memory_space<vmem>>
      tpu.wait_dma2 semaphore(%run_scoped3A_46 : memref<!tpu.dma_semaphore, #tpu.memory_space<semaphore_mem>>) src(%dma_wait3A_68 : memref<120x128xf32, #tpu.memory_space<vmem>>) dst(%dma_wait3A_64 : memref<120x128xf32, #tpu.memory_space<vmem_shared>>)
      tpu.yield
    }) : () -> ()
    %mul3A_20 = arith.constant 640 : i32
    %mul3A_21 = arith.muli %arg1, %mul3A_20 : i32
    %add3A_22 = arith.constant 360 : i32
    %add3A_23 = arith.addi %mul3A_21, %add3A_22 : i32
    %run_scoped3A_24 = arith.constant 0 : i32
    "tpu.region"() ({
      %run_scoped3A_46 = tpu.sem_alloc : memref<!tpu.dma_semaphore, #tpu.memory_space<semaphore_mem>>
      %dma_start3A = arith.constant 0 : i32
      %dma_start3A_47 = arith.constant 0 : i32
      %dma_start3A_48 = tpu.memref_slice %arg8[%run_scoped3A_24, %dma_start3A, %dma_start3A_47] : memref<3x120x128xf32, #tpu.memory_space<vmem>> -> memref<1x120x128xf32, #tpu.memory_space<vmem>>
      %dma_start3A_49 = tpu.memref_squeeze %dma_start3A_48 : memref<1x120x128xf32, #tpu.memory_space<vmem>> -> memref<120x128xf32, #tpu.memory_space<vmem>>
      %dma_start3A_50 = arith.constant 0 : i32
      %dma_start3A_51 = tpu.memref_slice %arg9[%add3A_23, %dma_start3A_50] : memref<10240x128xf32, #tpu.memory_space<vmem_shared>> -> memref<120x128xf32, #tpu.memory_space<vmem_shared>>
      %dma_start3A_52 = arith.constant 0 : i32
      %dma_start3A_53 = tpu.memref_slice %arg9[%add3A_23, %dma_start3A_52] : memref<10240x128xf32, #tpu.memory_space<vmem_shared>> -> memref<120x128xf32, #tpu.memory_space<vmem_shared>>
      %dma_start3A_54 = arith.constant 0 : i32
      %dma_start3A_55 = arith.constant 0 : i32
      %dma_start3A_56 = tpu.memref_slice %arg8[%run_scoped3A_24, %dma_start3A_54, %dma_start3A_55] : memref<3x120x128xf32, #tpu.memory_space<vmem>> -> memref<1x120x128xf32, #tpu.memory_space<vmem>>
      %dma_start3A_57 = tpu.memref_squeeze %dma_start3A_56 : memref<1x120x128xf32, #tpu.memory_space<vmem>> -> memref<120x128xf32, #tpu.memory_space<vmem>>
      tpu.enqueue_dma source(%dma_start3A_57 : memref<120x128xf32, #tpu.memory_space<vmem>>) target(%dma_start3A_53 : memref<120x128xf32, #tpu.memory_space<vmem_shared>>) target_semaphore(%run_scoped3A_46 : memref<!tpu.dma_semaphore, #tpu.memory_space<semaphore_mem>>)
      %dma_wait3A = arith.constant 0 : i32
      %dma_wait3A_58 = arith.constant 0 : i32
      %dma_wait3A_59 = tpu.memref_slice %arg8[%run_scoped3A_24, %dma_wait3A, %dma_wait3A_58] : memref<3x120x128xf32, #tpu.memory_space<vmem>> -> memref<1x120x128xf32, #tpu.memory_space<vmem>>
      %dma_wait3A_60 = tpu.memref_squeeze %dma_wait3A_59 : memref<1x120x128xf32, #tpu.memory_space<vmem>> -> memref<120x128xf32, #tpu.memory_space<vmem>>
      %dma_wait3A_61 = arith.constant 0 : i32
      %dma_wait3A_62 = tpu.memref_slice %arg9[%add3A_23, %dma_wait3A_61] : memref<10240x128xf32, #tpu.memory_space<vmem_shared>> -> memref<120x128xf32, #tpu.memory_space<vmem_shared>>
      %dma_wait3A_63 = arith.constant 0 : i32
      %dma_wait3A_64 = tpu.memref_slice %arg9[%add3A_23, %dma_wait3A_63] : memref<10240x128xf32, #tpu.memory_space<vmem_shared>> -> memref<120x128xf32, #tpu.memory_space<vmem_shared>>
      %dma_wait3A_65 = arith.constant 0 : i32
      %dma_wait3A_66 = arith.constant 0 : i32
      %dma_wait3A_67 = tpu.memref_slice %arg8[%run_scoped3A_24, %dma_wait3A_65, %dma_wait3A_66] : memref<3x120x128xf32, #tpu.memory_space<vmem>> -> memref<1x120x128xf32, #tpu.memory_space<vmem>>
      %dma_wait3A_68 = tpu.memref_squeeze %dma_wait3A_67 : memref<1x120x128xf32, #tpu.memory_space<vmem>> -> memref<120x128xf32, #tpu.memory_space<vmem>>
      tpu.wait_dma2 semaphore(%run_scoped3A_46 : memref<!tpu.dma_semaphore, #tpu.memory_space<semaphore_mem>>) src(%dma_wait3A_68 : memref<120x128xf32, #tpu.memory_space<vmem>>) dst(%dma_wait3A_64 : memref<120x128xf32, #tpu.memory_space<vmem_shared>>)
      tpu.yield
    }) : () -> ()
    %mul3A_25 = arith.constant 640 : i32
    %mul3A_26 = arith.muli %arg1, %mul3A_25 : i32
    %add3A_27 = arith.constant 480 : i32
    %add3A_28 = arith.addi %mul3A_26, %add3A_27 : i32
    %run_scoped3A_29 = arith.constant 0 : i32
    "tpu.region"() ({
      %run_scoped3A_46 = tpu.sem_alloc : memref<!tpu.dma_semaphore, #tpu.memory_space<semaphore_mem>>
      %dma_start3A = arith.constant 0 : i32
      %dma_start3A_47 = arith.constant 0 : i32
      %dma_start3A_48 = tpu.memref_slice %arg8[%run_scoped3A_29, %dma_start3A, %dma_start3A_47] : memref<3x120x128xf32, #tpu.memory_space<vmem>> -> memref<1x120x128xf32, #tpu.memory_space<vmem>>
      %dma_start3A_49 = tpu.memref_squeeze %dma_start3A_48 : memref<1x120x128xf32, #tpu.memory_space<vmem>> -> memref<120x128xf32, #tpu.memory_space<vmem>>
      %dma_start3A_50 = arith.constant 0 : i32
      %dma_start3A_51 = tpu.memref_slice %arg9[%add3A_28, %dma_start3A_50] : memref<10240x128xf32, #tpu.memory_space<vmem_shared>> -> memref<120x128xf32, #tpu.memory_space<vmem_shared>>
      %dma_start3A_52 = arith.constant 0 : i32
      %dma_start3A_53 = tpu.memref_slice %arg9[%add3A_28, %dma_start3A_52] : memref<10240x128xf32, #tpu.memory_space<vmem_shared>> -> memref<120x128xf32, #tpu.memory_space<vmem_shared>>
      %dma_start3A_54 = arith.constant 0 : i32
      %dma_start3A_55 = arith.constant 0 : i32
      %dma_start3A_56 = tpu.memref_slice %arg8[%run_scoped3A_29, %dma_start3A_54, %dma_start3A_55] : memref<3x120x128xf32, #tpu.memory_space<vmem>> -> memref<1x120x128xf32, #tpu.memory_space<vmem>>
      %dma_start3A_57 = tpu.memref_squeeze %dma_start3A_56 : memref<1x120x128xf32, #tpu.memory_space<vmem>> -> memref<120x128xf32, #tpu.memory_space<vmem>>
      tpu.enqueue_dma source(%dma_start3A_57 : memref<120x128xf32, #tpu.memory_space<vmem>>) target(%dma_start3A_53 : memref<120x128xf32, #tpu.memory_space<vmem_shared>>) target_semaphore(%run_scoped3A_46 : memref<!tpu.dma_semaphore, #tpu.memory_space<semaphore_mem>>)
      %dma_wait3A = arith.constant 0 : i32
      %dma_wait3A_58 = arith.constant 0 : i32
      %dma_wait3A_59 = tpu.memref_slice %arg8[%run_scoped3A_29, %dma_wait3A, %dma_wait3A_58] : memref<3x120x128xf32, #tpu.memory_space<vmem>> -> memref<1x120x128xf32, #tpu.memory_space<vmem>>
      %dma_wait3A_60 = tpu.memref_squeeze %dma_wait3A_59 : memref<1x120x128xf32, #tpu.memory_space<vmem>> -> memref<120x128xf32, #tpu.memory_space<vmem>>
      %dma_wait3A_61 = arith.constant 0 : i32
      %dma_wait3A_62 = tpu.memref_slice %arg9[%add3A_28, %dma_wait3A_61] : memref<10240x128xf32, #tpu.memory_space<vmem_shared>> -> memref<120x128xf32, #tpu.memory_space<vmem_shared>>
      %dma_wait3A_63 = arith.constant 0 : i32
      %dma_wait3A_64 = tpu.memref_slice %arg9[%add3A_28, %dma_wait3A_63] : memref<10240x128xf32, #tpu.memory_space<vmem_shared>> -> memref<120x128xf32, #tpu.memory_space<vmem_shared>>
      %dma_wait3A_65 = arith.constant 0 : i32
      %dma_wait3A_66 = arith.constant 0 : i32
      %dma_wait3A_67 = tpu.memref_slice %arg8[%run_scoped3A_29, %dma_wait3A_65, %dma_wait3A_66] : memref<3x120x128xf32, #tpu.memory_space<vmem>> -> memref<1x120x128xf32, #tpu.memory_space<vmem>>
      %dma_wait3A_68 = tpu.memref_squeeze %dma_wait3A_67 : memref<1x120x128xf32, #tpu.memory_space<vmem>> -> memref<120x128xf32, #tpu.memory_space<vmem>>
      tpu.wait_dma2 semaphore(%run_scoped3A_46 : memref<!tpu.dma_semaphore, #tpu.memory_space<semaphore_mem>>) src(%dma_wait3A_68 : memref<120x128xf32, #tpu.memory_space<vmem>>) dst(%dma_wait3A_64 : memref<120x128xf32, #tpu.memory_space<vmem_shared>>)
      tpu.yield
    }) : () -> ()
    %mul3A_30 = arith.constant 640 : i32
    %mul3A_31 = arith.muli %arg1, %mul3A_30 : i32
    %add3A_32 = arith.constant 600 : i32
    %add3A_33 = arith.addi %mul3A_31, %add3A_32 : i32
    %run_scoped3A_34 = arith.constant 0 : i32
    "tpu.region"() ({
      %run_scoped3A_46 = tpu.sem_alloc : memref<!tpu.dma_semaphore, #tpu.memory_space<semaphore_mem>>
      %dma_start3A = arith.constant 0 : i32
      %dma_start3A_47 = arith.constant 0 : i32
      %dma_start3A_48 = tpu.memref_slice %arg8[%run_scoped3A_34, %dma_start3A, %dma_start3A_47] : memref<3x120x128xf32, #tpu.memory_space<vmem>> -> memref<1x40x128xf32, #tpu.memory_space<vmem>>
      %dma_start3A_49 = tpu.memref_squeeze %dma_start3A_48 : memref<1x40x128xf32, #tpu.memory_space<vmem>> -> memref<40x128xf32, #tpu.memory_space<vmem>>
      %dma_start3A_50 = arith.constant 0 : i32
      %dma_start3A_51 = tpu.memref_slice %arg9[%add3A_33, %dma_start3A_50] : memref<10240x128xf32, #tpu.memory_space<vmem_shared>> -> memref<40x128xf32, #tpu.memory_space<vmem_shared>>
      %dma_start3A_52 = arith.constant 0 : i32
      %dma_start3A_53 = tpu.memref_slice %arg9[%add3A_33, %dma_start3A_52] : memref<10240x128xf32, #tpu.memory_space<vmem_shared>> -> memref<40x128xf32, #tpu.memory_space<vmem_shared>>
      %dma_start3A_54 = arith.constant 0 : i32
      %dma_start3A_55 = arith.constant 0 : i32
      %dma_start3A_56 = tpu.memref_slice %arg8[%run_scoped3A_34, %dma_start3A_54, %dma_start3A_55] : memref<3x120x128xf32, #tpu.memory_space<vmem>> -> memref<1x40x128xf32, #tpu.memory_space<vmem>>
      %dma_start3A_57 = tpu.memref_squeeze %dma_start3A_56 : memref<1x40x128xf32, #tpu.memory_space<vmem>> -> memref<40x128xf32, #tpu.memory_space<vmem>>
      tpu.enqueue_dma source(%dma_start3A_57 : memref<40x128xf32, #tpu.memory_space<vmem>>) target(%dma_start3A_53 : memref<40x128xf32, #tpu.memory_space<vmem_shared>>) target_semaphore(%run_scoped3A_46 : memref<!tpu.dma_semaphore, #tpu.memory_space<semaphore_mem>>)
      %dma_wait3A = arith.constant 0 : i32
      %dma_wait3A_58 = arith.constant 0 : i32
      %dma_wait3A_59 = tpu.memref_slice %arg8[%run_scoped3A_34, %dma_wait3A, %dma_wait3A_58] : memref<3x120x128xf32, #tpu.memory_space<vmem>> -> memref<1x40x128xf32, #tpu.memory_space<vmem>>
      %dma_wait3A_60 = tpu.memref_squeeze %dma_wait3A_59 : memref<1x40x128xf32, #tpu.memory_space<vmem>> -> memref<40x128xf32, #tpu.memory_space<vmem>>
      %dma_wait3A_61 = arith.constant 0 : i32
      %dma_wait3A_62 = tpu.memref_slice %arg9[%add3A_33, %dma_wait3A_61] : memref<10240x128xf32, #tpu.memory_space<vmem_shared>> -> memref<40x128xf32, #tpu.memory_space<vmem_shared>>
      %dma_wait3A_63 = arith.constant 0 : i32
      %dma_wait3A_64 = tpu.memref_slice %arg9[%add3A_33, %dma_wait3A_63] : memref<10240x128xf32, #tpu.memory_space<vmem_shared>> -> memref<40x128xf32, #tpu.memory_space<vmem_shared>>
      %dma_wait3A_65 = arith.constant 0 : i32
      %dma_wait3A_66 = arith.constant 0 : i32
      %dma_wait3A_67 = tpu.memref_slice %arg8[%run_scoped3A_34, %dma_wait3A_65, %dma_wait3A_66] : memref<3x120x128xf32, #tpu.memory_space<vmem>> -> memref<1x40x128xf32, #tpu.memory_space<vmem>>
      %dma_wait3A_68 = tpu.memref_squeeze %dma_wait3A_67 : memref<1x40x128xf32, #tpu.memory_space<vmem>> -> memref<40x128xf32, #tpu.memory_space<vmem>>
      tpu.wait_dma2 semaphore(%run_scoped3A_46 : memref<!tpu.dma_semaphore, #tpu.memory_space<semaphore_mem>>) src(%dma_wait3A_68 : memref<40x128xf32, #tpu.memory_space<vmem>>) dst(%dma_wait3A_64 : memref<40x128xf32, #tpu.memory_space<vmem_shared>>)
      tpu.yield
    }) : () -> ()
    %barrier3A = arith.constant 0 : index
    tpu.barrier barrier_id(%barrier3A)
    %scan3A_35 = arith.constant 0 : i32
    %scan3A_36 = arith.constant 0 : i32
    %scan3A_37 = arith.constant 7 : i32
    %scan3A_38 = arith.addi %scan3A_36, %scan3A_37 : i32
    %scan3A_39 = arith.constant 1 : i32
    scf.for %scan3A_46 = %scan3A_36 to %scan3A_38 step %scan3A_39  : i32 {
      %mul3A_47 = arith.constant 10080 : i32
      %mul3A_48 = arith.muli %add3A, %mul3A_47 : i32
      %mul3A_49 = arith.constant 12 : i32
      %mul3A_50 = arith.muli %scan3A_46, %mul3A_49 : i32
      %mul3A_51 = arith.constant 120 : i32
      %mul3A_52 = arith.muli %mul3A_50, %mul3A_51 : i32
      %add3A_53 = arith.addi %mul3A_48, %mul3A_52 : i32
      "tpu.region"() ({
        %run_scoped3A_604 = tpu.sem_alloc : memref<!tpu.dma_semaphore, #tpu.memory_space<semaphore_mem>>
        %dma_start3A_605 = tpu.memref_slice %arg3[%add3A_53] : memref<322560xi32, #tpu.memory_space<hbm>> -> memref<1440xi32, #tpu.memory_space<hbm>>
        %dma_start3A_606 = tpu.memref_slice %arg3[%add3A_53] : memref<322560xi32, #tpu.memory_space<hbm>> -> memref<1440xi32, #tpu.memory_space<hbm>>
        tpu.enqueue_dma source(%dma_start3A_606 : memref<1440xi32, #tpu.memory_space<hbm>>) target(%arg6 : memref<1440xi32, #tpu.memory_space<vmem>>) target_semaphore(%run_scoped3A_604 : memref<!tpu.dma_semaphore, #tpu.memory_space<semaphore_mem>>)
        %dma_wait3A_607 = tpu.memref_slice %arg3[%add3A_53] : memref<322560xi32, #tpu.memory_space<hbm>> -> memref<1440xi32, #tpu.memory_space<hbm>>
        %dma_wait3A_608 = tpu.memref_slice %arg3[%add3A_53] : memref<322560xi32, #tpu.memory_space<hbm>> -> memref<1440xi32, #tpu.memory_space<hbm>>
        tpu.wait_dma2 semaphore(%run_scoped3A_604 : memref<!tpu.dma_semaphore, #tpu.memory_space<semaphore_mem>>) src(%dma_wait3A_608 : memref<1440xi32, #tpu.memory_space<hbm>>) dst(%arg6 : memref<1440xi32, #tpu.memory_space<vmem>>)
        tpu.yield
      }) : () -> ()
      "tpu.region"() ({
        %run_scoped3A_604 = tpu.sem_alloc : memref<!tpu.dma_semaphore, #tpu.memory_space<semaphore_mem>>
        %dma_start3A_605 = arith.constant 0 : i32
        %dma_start3A_606 = arith.constant 0 : i32
        %dma_start3A_607 = arith.constant 0 : i32
        %dma_start3A_608 = tpu.memref_slice %arg4[%add3A, %scan3A_46, %dma_start3A_605, %dma_start3A_606, %dma_start3A_607] : memref<32x7x12x1x120xi32, #tpu.memory_space<hbm>> -> memref<1x1x12x1x120xi32, #tpu.memory_space<hbm>>
        %dma_start3A_609 = tpu.memref_squeeze %dma_start3A_608 : memref<1x1x12x1x120xi32, #tpu.memory_space<hbm>> -> memref<12x1x120xi32, #tpu.memory_space<hbm>>
        %dma_start3A_610 = arith.constant 0 : i32
        %dma_start3A_611 = arith.constant 0 : i32
        %dma_start3A_612 = arith.constant 0 : i32
        %dma_start3A_613 = tpu.memref_slice %arg4[%add3A, %scan3A_46, %dma_start3A_610, %dma_start3A_611, %dma_start3A_612] : memref<32x7x12x1x120xi32, #tpu.memory_space<hbm>> -> memref<1x1x12x1x120xi32, #tpu.memory_space<hbm>>
        %dma_start3A_614 = tpu.memref_squeeze %dma_start3A_613 : memref<1x1x12x1x120xi32, #tpu.memory_space<hbm>> -> memref<12x1x120xi32, #tpu.memory_space<hbm>>
        tpu.enqueue_dma source(%dma_start3A_614 : memref<12x1x120xi32, #tpu.memory_space<hbm>>) target(%arg7 : memref<12x1x120xi32, #tpu.memory_space<vmem>>) target_semaphore(%run_scoped3A_604 : memref<!tpu.dma_semaphore, #tpu.memory_space<semaphore_mem>>)
        %dma_wait3A_615 = arith.constant 0 : i32
        %dma_wait3A_616 = arith.constant 0 : i32
        %dma_wait3A_617 = arith.constant 0 : i32
        %dma_wait3A_618 = tpu.memref_slice %arg4[%add3A, %scan3A_46, %dma_wait3A_615, %dma_wait3A_616, %dma_wait3A_617] : memref<32x7x12x1x120xi32, #tpu.memory_space<hbm>> -> memref<1x1x12x1x120xi32, #tpu.memory_space<hbm>>
        %dma_wait3A_619 = tpu.memref_squeeze %dma_wait3A_618 : memref<1x1x12x1x120xi32, #tpu.memory_space<hbm>> -> memref<12x1x120xi32, #tpu.memory_space<hbm>>
        %dma_wait3A_620 = arith.constant 0 : i32
        %dma_wait3A_621 = arith.constant 0 : i32
        %dma_wait3A_622 = arith.constant 0 : i32
        %dma_wait3A_623 = tpu.memref_slice %arg4[%add3A, %scan3A_46, %dma_wait3A_620, %dma_wait3A_621, %dma_wait3A_622] : memref<32x7x12x1x120xi32, #tpu.memory_space<hbm>> -> memref<1x1x12x1x120xi32, #tpu.memory_space<hbm>>
        %dma_wait3A_624 = tpu.memref_squeeze %dma_wait3A_623 : memref<1x1x12x1x120xi32, #tpu.memory_space<hbm>> -> memref<12x1x120xi32, #tpu.memory_space<hbm>>
        tpu.wait_dma2 semaphore(%run_scoped3A_604 : memref<!tpu.dma_semaphore, #tpu.memory_space<semaphore_mem>>) src(%dma_wait3A_624 : memref<12x1x120xi32, #tpu.memory_space<hbm>>) dst(%arg7 : memref<12x1x120xi32, #tpu.memory_space<vmem>>)
        tpu.yield
      }) : () -> ()
      %dma_start3A = arith.constant 0 : i32
      %dma_start3A_54 = arith.constant 0 : i32
      %dma_start3A_55 = arith.constant 0 : i32
      %dma_start3A_56 = tpu.memref_slice %arg8[%dma_start3A, %dma_start3A_54, %dma_start3A_55] : memref<3x120x128xf32, #tpu.memory_space<vmem>> -> memref<1x120x128xf32, #tpu.memory_space<vmem>>
      %dma_start3A_57 = tpu.memref_squeeze %dma_start3A_56 : memref<1x120x128xf32, #tpu.memory_space<vmem>> -> memref<120x128xf32, #tpu.memory_space<vmem>>
      %dma_start3A_58 = arith.constant 0 : i32
      %dma_start3A_59 = tpu.memref_slice %arg6[%dma_start3A_58] : memref<1440xi32, #tpu.memory_space<vmem>> -> memref<120xi32, #tpu.memory_space<vmem>>
      %dma_start3A_60 = arith.constant 0 : i32
      %dma_start3A_61 = arith.constant 0 : i32
      %dma_start3A_62 = tpu.memref_slice %arg2[%dma_start3A_60, %dma_start3A_61] : memref<10000x128xf32, #tpu.memory_space<hbm>> -> memref<10000x128xf32, #tpu.memory_space<hbm>>
      tpu.enqueue_indirect_dma source(%dma_start3A_62 : memref<10000x128xf32, #tpu.memory_space<hbm>>) target(%dma_start3A_57 : memref<120x128xf32, #tpu.memory_space<vmem>>) offsets(%dma_start3A_59 : memref<120xi32, #tpu.memory_space<vmem>>) semaphore(%arg10 : memref<!tpu.dma_semaphore, #tpu.memory_space<semaphore_mem>>)
      %dma_start3A_63 = arith.constant 1 : i32
      %dma_start3A_64 = arith.constant 0 : i32
      %dma_start3A_65 = arith.constant 0 : i32
      %dma_start3A_66 = tpu.memref_slice %arg8[%dma_start3A_63, %dma_start3A_64, %dma_start3A_65] : memref<3x120x128xf32, #tpu.memory_space<vmem>> -> memref<1x120x128xf32, #tpu.memory_space<vmem>>
      %dma_start3A_67 = tpu.memref_squeeze %dma_start3A_66 : memref<1x120x128xf32, #tpu.memory_space<vmem>> -> memref<120x128xf32, #tpu.memory_space<vmem>>
      %dma_start3A_68 = arith.constant 120 : i32
      %dma_start3A_69 = tpu.memref_slice %arg6[%dma_start3A_68] : memref<1440xi32, #tpu.memory_space<vmem>> -> memref<120xi32, #tpu.memory_space<vmem>>
      %dma_start3A_70 = arith.constant 0 : i32
      %dma_start3A_71 = arith.constant 0 : i32
      %dma_start3A_72 = tpu.memref_slice %arg2[%dma_start3A_70, %dma_start3A_71] : memref<10000x128xf32, #tpu.memory_space<hbm>> -> memref<10000x128xf32, #tpu.memory_space<hbm>>
      tpu.enqueue_indirect_dma source(%dma_start3A_72 : memref<10000x128xf32, #tpu.memory_space<hbm>>) target(%dma_start3A_67 : memref<120x128xf32, #tpu.memory_space<vmem>>) offsets(%dma_start3A_69 : memref<120xi32, #tpu.memory_space<vmem>>) semaphore(%arg11 : memref<!tpu.dma_semaphore, #tpu.memory_space<semaphore_mem>>)
      %dma_start3A_73 = arith.constant 2 : i32
      %dma_start3A_74 = arith.constant 0 : i32
      %dma_start3A_75 = arith.constant 0 : i32
      %dma_start3A_76 = tpu.memref_slice %arg8[%dma_start3A_73, %dma_start3A_74, %dma_start3A_75] : memref<3x120x128xf32, #tpu.memory_space<vmem>> -> memref<1x120x128xf32, #tpu.memory_space<vmem>>
      %dma_start3A_77 = tpu.memref_squeeze %dma_start3A_76 : memref<1x120x128xf32, #tpu.memory_space<vmem>> -> memref<120x128xf32, #tpu.memory_space<vmem>>
      %dma_start3A_78 = arith.constant 240 : i32
      %dma_start3A_79 = tpu.memref_slice %arg6[%dma_start3A_78] : memref<1440xi32, #tpu.memory_space<vmem>> -> memref<120xi32, #tpu.memory_space<vmem>>
      %dma_start3A_80 = arith.constant 0 : i32
      %dma_start3A_81 = arith.constant 0 : i32
      %dma_start3A_82 = tpu.memref_slice %arg2[%dma_start3A_80, %dma_start3A_81] : memref<10000x128xf32, #tpu.memory_space<hbm>> -> memref<10000x128xf32, #tpu.memory_space<hbm>>
      tpu.enqueue_indirect_dma source(%dma_start3A_82 : memref<10000x128xf32, #tpu.memory_space<hbm>>) target(%dma_start3A_77 : memref<120x128xf32, #tpu.memory_space<vmem>>) offsets(%dma_start3A_79 : memref<120xi32, #tpu.memory_space<vmem>>) semaphore(%arg12 : memref<!tpu.dma_semaphore, #tpu.memory_space<semaphore_mem>>)
      %dma_wait3A = arith.constant 0 : i32
      %dma_wait3A_83 = arith.constant 0 : i32
      %dma_wait3A_84 = arith.constant 0 : i32
      %dma_wait3A_85 = tpu.memref_slice %arg8[%dma_wait3A, %dma_wait3A_83, %dma_wait3A_84] : memref<3x120x128xf32, #tpu.memory_space<vmem>> -> memref<1x120x128xf32, #tpu.memory_space<vmem>>
      %dma_wait3A_86 = tpu.memref_squeeze %dma_wait3A_85 : memref<1x120x128xf32, #tpu.memory_space<vmem>> -> memref<120x128xf32, #tpu.memory_space<vmem>>
      %dma_wait3A_87 = arith.constant 0 : i32
      %dma_wait3A_88 = tpu.memref_slice %arg6[%dma_wait3A_87] : memref<1440xi32, #tpu.memory_space<vmem>> -> memref<120xi32, #tpu.memory_space<vmem>>
      %dma_wait3A_89 = arith.constant 0 : i32
      %dma_wait3A_90 = arith.constant 0 : i32
      %dma_wait3A_91 = tpu.memref_slice %arg2[%dma_wait3A_89, %dma_wait3A_90] : memref<10000x128xf32, #tpu.memory_space<hbm>> -> memref<10000x128xf32, #tpu.memory_space<hbm>>
      tpu.wait_indirect_dma semaphore(%arg10 : memref<!tpu.dma_semaphore, #tpu.memory_space<semaphore_mem>>) src(%dma_wait3A_91 : memref<10000x128xf32, #tpu.memory_space<hbm>>) dst(%dma_wait3A_86 : memref<120x128xf32, #tpu.memory_space<vmem>>)
      %dma_start3A_92 = arith.constant 0 : i32
      %dma_start3A_93 = arith.constant 0 : i32
      %dma_start3A_94 = arith.constant 0 : i32
      %dma_start3A_95 = arith.constant 0 : i32
      %dma_start3A_96 = arith.constant 0 : i32
      %dma_start3A_97 = tpu.memref_slice %arg8[%dma_start3A_92, %dma_start3A_95, %dma_start3A_96] : memref<3x120x128xf32, #tpu.memory_space<vmem>> -> memref<1x120x128xf32, #tpu.memory_space<vmem>>
      %dma_start3A_98 = tpu.memref_squeeze %dma_start3A_97 : memref<1x120x128xf32, #tpu.memory_space<vmem>> -> memref<120x128xf32, #tpu.memory_space<vmem>>
      %dma_start3A_99 = arith.constant 0 : i32
      %dma_start3A_100 = tpu.memref_slice %arg7[%dma_start3A_93, %dma_start3A_94, %dma_start3A_99] : memref<12x1x120xi32, #tpu.memory_space<vmem>> -> memref<1x1x120xi32, #tpu.memory_space<vmem>>
      %dma_start3A_101 = tpu.memref_squeeze %dma_start3A_100 : memref<1x1x120xi32, #tpu.memory_space<vmem>> -> memref<120xi32, #tpu.memory_space<vmem>>
      %dma_start3A_102 = arith.constant 0 : i32
      %dma_start3A_103 = arith.constant 0 : i32
      %dma_start3A_104 = tpu.memref_slice %arg9[%dma_start3A_102, %dma_start3A_103] : memref<10240x128xf32, #tpu.memory_space<vmem_shared>> -> memref<10240x128xf32, #tpu.memory_space<vmem_shared>>
      tpu.enqueue_indirect_dma source(%dma_start3A_98 : memref<120x128xf32, #tpu.memory_space<vmem>>) target(%dma_start3A_104 : memref<10240x128xf32, #tpu.memory_space<vmem_shared>>) offsets(%dma_start3A_101 : memref<120xi32, #tpu.memory_space<vmem>>) semaphore(%arg13 : memref<!tpu.dma_semaphore, #tpu.memory_space<semaphore_mem>>) {add = true}
      %dma_wait3A_105 = arith.constant 1 : i32
      %dma_wait3A_106 = arith.constant 0 : i32
      %dma_wait3A_107 = arith.constant 0 : i32
      %dma_wait3A_108 = tpu.memref_slice %arg8[%dma_wait3A_105, %dma_wait3A_106, %dma_wait3A_107] : memref<3x120x128xf32, #tpu.memory_space<vmem>> -> memref<1x120x128xf32, #tpu.memory_space<vmem>>
      %dma_wait3A_109 = tpu.memref_squeeze %dma_wait3A_108 : memref<1x120x128xf32, #tpu.memory_space<vmem>> -> memref<120x128xf32, #tpu.memory_space<vmem>>
      %dma_wait3A_110 = arith.constant 120 : i32
      %dma_wait3A_111 = tpu.memref_slice %arg6[%dma_wait3A_110] : memref<1440xi32, #tpu.memory_space<vmem>> -> memref<120xi32, #tpu.memory_space<vmem>>
      %dma_wait3A_112 = arith.constant 0 : i32
      %dma_wait3A_113 = arith.constant 0 : i32
      %dma_wait3A_114 = tpu.memref_slice %arg2[%dma_wait3A_112, %dma_wait3A_113] : memref<10000x128xf32, #tpu.memory_space<hbm>> -> memref<10000x128xf32, #tpu.memory_space<hbm>>
      tpu.wait_indirect_dma semaphore(%arg11 : memref<!tpu.dma_semaphore, #tpu.memory_space<semaphore_mem>>) src(%dma_wait3A_114 : memref<10000x128xf32, #tpu.memory_space<hbm>>) dst(%dma_wait3A_109 : memref<120x128xf32, #tpu.memory_space<vmem>>)
      %dma_start3A_115 = arith.constant 1 : i32
      %dma_start3A_116 = arith.constant 1 : i32
      %dma_start3A_117 = arith.constant 0 : i32
      %dma_start3A_118 = arith.constant 0 : i32
      %dma_start3A_119 = arith.constant 0 : i32
      %dma_start3A_120 = tpu.memref_slice %arg8[%dma_start3A_115, %dma_start3A_118, %dma_start3A_119] : memref<3x120x128xf32, #tpu.memory_space<vmem>> -> memref<1x120x128xf32, #tpu.memory_space<vmem>>
      %dma_start3A_121 = tpu.memref_squeeze %dma_start3A_120 : memref<1x120x128xf32, #tpu.memory_space<vmem>> -> memref<120x128xf32, #tpu.memory_space<vmem>>
      %dma_start3A_122 = arith.constant 0 : i32
      %dma_start3A_123 = tpu.memref_slice %arg7[%dma_start3A_116, %dma_start3A_117, %dma_start3A_122] : memref<12x1x120xi32, #tpu.memory_space<vmem>> -> memref<1x1x120xi32, #tpu.memory_space<vmem>>
      %dma_start3A_124 = tpu.memref_squeeze %dma_start3A_123 : memref<1x1x120xi32, #tpu.memory_space<vmem>> -> memref<120xi32, #tpu.memory_space<vmem>>
      %dma_start3A_125 = arith.constant 0 : i32
      %dma_start3A_126 = arith.constant 0 : i32
      %dma_start3A_127 = tpu.memref_slice %arg9[%dma_start3A_125, %dma_start3A_126] : memref<10240x128xf32, #tpu.memory_space<vmem_shared>> -> memref<10240x128xf32, #tpu.memory_space<vmem_shared>>
      tpu.enqueue_indirect_dma source(%dma_start3A_121 : memref<120x128xf32, #tpu.memory_space<vmem>>) target(%dma_start3A_127 : memref<10240x128xf32, #tpu.memory_space<vmem_shared>>) offsets(%dma_start3A_124 : memref<120xi32, #tpu.memory_space<vmem>>) semaphore(%arg14 : memref<!tpu.dma_semaphore, #tpu.memory_space<semaphore_mem>>) {add = true}
      %dma_wait3A_128 = arith.constant 2 : i32
      %dma_wait3A_129 = arith.constant 0 : i32
      %dma_wait3A_130 = arith.constant 0 : i32
      %dma_wait3A_131 = tpu.memref_slice %arg8[%dma_wait3A_128, %dma_wait3A_129, %dma_wait3A_130] : memref<3x120x128xf32, #tpu.memory_space<vmem>> -> memref<1x120x128xf32, #tpu.memory_space<vmem>>
      %dma_wait3A_132 = tpu.memref_squeeze %dma_wait3A_131 : memref<1x120x128xf32, #tpu.memory_space<vmem>> -> memref<120x128xf32, #tpu.memory_space<vmem>>
      %dma_wait3A_133 = arith.constant 240 : i32
      %dma_wait3A_134 = tpu.memref_slice %arg6[%dma_wait3A_133] : memref<1440xi32, #tpu.memory_space<vmem>> -> memref<120xi32, #tpu.memory_space<vmem>>
      %dma_wait3A_135 = arith.constant 0 : i32
      %dma_wait3A_136 = arith.constant 0 : i32
      %dma_wait3A_137 = tpu.memref_slice %arg2[%dma_wait3A_135, %dma_wait3A_136] : memref<10000x128xf32, #tpu.memory_space<hbm>> -> memref<10000x128xf32, #tpu.memory_space<hbm>>
      tpu.wait_indirect_dma semaphore(%arg12 : memref<!tpu.dma_semaphore, #tpu.memory_space<semaphore_mem>>) src(%dma_wait3A_137 : memref<10000x128xf32, #tpu.memory_space<hbm>>) dst(%dma_wait3A_132 : memref<120x128xf32, #tpu.memory_space<vmem>>)
      %dma_start3A_138 = arith.constant 2 : i32
      %dma_start3A_139 = arith.constant 2 : i32
      %dma_start3A_140 = arith.constant 0 : i32
      %dma_start3A_141 = arith.constant 0 : i32
      %dma_start3A_142 = arith.constant 0 : i32
      %dma_start3A_143 = tpu.memref_slice %arg8[%dma_start3A_138, %dma_start3A_141, %dma_start3A_142] : memref<3x120x128xf32, #tpu.memory_space<vmem>> -> memref<1x120x128xf32, #tpu.memory_space<vmem>>
      %dma_start3A_144 = tpu.memref_squeeze %dma_start3A_143 : memref<1x120x128xf32, #tpu.memory_space<vmem>> -> memref<120x128xf32, #tpu.memory_space<vmem>>
      %dma_start3A_145 = arith.constant 0 : i32
      %dma_start3A_146 = tpu.memref_slice %arg7[%dma_start3A_139, %dma_start3A_140, %dma_start3A_145] : memref<12x1x120xi32, #tpu.memory_space<vmem>> -> memref<1x1x120xi32, #tpu.memory_space<vmem>>
      %dma_start3A_147 = tpu.memref_squeeze %dma_start3A_146 : memref<1x1x120xi32, #tpu.memory_space<vmem>> -> memref<120xi32, #tpu.memory_space<vmem>>
      %dma_start3A_148 = arith.constant 0 : i32
      %dma_start3A_149 = arith.constant 0 : i32
      %dma_start3A_150 = tpu.memref_slice %arg9[%dma_start3A_148, %dma_start3A_149] : memref<10240x128xf32, #tpu.memory_space<vmem_shared>> -> memref<10240x128xf32, #tpu.memory_space<vmem_shared>>
      tpu.enqueue_indirect_dma source(%dma_start3A_144 : memref<120x128xf32, #tpu.memory_space<vmem>>) target(%dma_start3A_150 : memref<10240x128xf32, #tpu.memory_space<vmem_shared>>) offsets(%dma_start3A_147 : memref<120xi32, #tpu.memory_space<vmem>>) semaphore(%arg15 : memref<!tpu.dma_semaphore, #tpu.memory_space<semaphore_mem>>) {add = true}
      %dma_wait3A_151 = arith.constant 0 : i32
      %dma_wait3A_152 = arith.constant 0 : i32
      %dma_wait3A_153 = arith.constant 0 : i32
      %dma_wait3A_154 = arith.constant 0 : i32
      %dma_wait3A_155 = arith.constant 0 : i32
      %dma_wait3A_156 = tpu.memref_slice %arg8[%dma_wait3A_151, %dma_wait3A_154, %dma_wait3A_155] : memref<3x120x128xf32, #tpu.memory_space<vmem>> -> memref<1x120x128xf32, #tpu.memory_space<vmem>>
      %dma_wait3A_157 = tpu.memref_squeeze %dma_wait3A_156 : memref<1x120x128xf32, #tpu.memory_space<vmem>> -> memref<120x128xf32, #tpu.memory_space<vmem>>
      %dma_wait3A_158 = arith.constant 0 : i32
      %dma_wait3A_159 = tpu.memref_slice %arg7[%dma_wait3A_152, %dma_wait3A_153, %dma_wait3A_158] : memref<12x1x120xi32, #tpu.memory_space<vmem>> -> memref<1x1x120xi32, #tpu.memory_space<vmem>>
      %dma_wait3A_160 = tpu.memref_squeeze %dma_wait3A_159 : memref<1x1x120xi32, #tpu.memory_space<vmem>> -> memref<120xi32, #tpu.memory_space<vmem>>
      %dma_wait3A_161 = arith.constant 0 : i32
      %dma_wait3A_162 = arith.constant 0 : i32
      %dma_wait3A_163 = tpu.memref_slice %arg9[%dma_wait3A_161, %dma_wait3A_162] : memref<10240x128xf32, #tpu.memory_space<vmem_shared>> -> memref<10240x128xf32, #tpu.memory_space<vmem_shared>>
      tpu.wait_indirect_dma semaphore(%arg13 : memref<!tpu.dma_semaphore, #tpu.memory_space<semaphore_mem>>) src(%dma_wait3A_157 : memref<120x128xf32, #tpu.memory_space<vmem>>) dst(%dma_wait3A_163 : memref<10240x128xf32, #tpu.memory_space<vmem_shared>>)
      %dma_start3A_164 = arith.constant 0 : i32
      %dma_start3A_165 = arith.constant 0 : i32
      %dma_start3A_166 = arith.constant 0 : i32
      %dma_start3A_167 = tpu.memref_slice %arg8[%dma_start3A_164, %dma_start3A_165, %dma_start3A_166] : memref<3x120x128xf32, #tpu.memory_space<vmem>> -> memref<1x120x128xf32, #tpu.memory_space<vmem>>
      %dma_start3A_168 = tpu.memref_squeeze %dma_start3A_167 : memref<1x120x128xf32, #tpu.memory_space<vmem>> -> memref<120x128xf32, #tpu.memory_space<vmem>>
      %dma_start3A_169 = arith.constant 360 : i32
      %dma_start3A_170 = tpu.memref_slice %arg6[%dma_start3A_169] : memref<1440xi32, #tpu.memory_space<vmem>> -> memref<120xi32, #tpu.memory_space<vmem>>
      %dma_start3A_171 = arith.constant 0 : i32
      %dma_start3A_172 = arith.constant 0 : i32
      %dma_start3A_173 = tpu.memref_slice %arg2[%dma_start3A_171, %dma_start3A_172] : memref<10000x128xf32, #tpu.memory_space<hbm>> -> memref<10000x128xf32, #tpu.memory_space<hbm>>
      tpu.enqueue_indirect_dma source(%dma_start3A_173 : memref<10000x128xf32, #tpu.memory_space<hbm>>) target(%dma_start3A_168 : memref<120x128xf32, #tpu.memory_space<vmem>>) offsets(%dma_start3A_170 : memref<120xi32, #tpu.memory_space<vmem>>) semaphore(%arg10 : memref<!tpu.dma_semaphore, #tpu.memory_space<semaphore_mem>>)
      %dma_wait3A_174 = arith.constant 1 : i32
      %dma_wait3A_175 = arith.constant 1 : i32
      %dma_wait3A_176 = arith.constant 0 : i32
      %dma_wait3A_177 = arith.constant 0 : i32
      %dma_wait3A_178 = arith.constant 0 : i32
      %dma_wait3A_179 = tpu.memref_slice %arg8[%dma_wait3A_174, %dma_wait3A_177, %dma_wait3A_178] : memref<3x120x128xf32, #tpu.memory_space<vmem>> -> memref<1x120x128xf32, #tpu.memory_space<vmem>>
      %dma_wait3A_180 = tpu.memref_squeeze %dma_wait3A_179 : memref<1x120x128xf32, #tpu.memory_space<vmem>> -> memref<120x128xf32, #tpu.memory_space<vmem>>
      %dma_wait3A_181 = arith.constant 0 : i32
      %dma_wait3A_182 = tpu.memref_slice %arg7[%dma_wait3A_175, %dma_wait3A_176, %dma_wait3A_181] : memref<12x1x120xi32, #tpu.memory_space<vmem>> -> memref<1x1x120xi32, #tpu.memory_space<vmem>>
      %dma_wait3A_183 = tpu.memref_squeeze %dma_wait3A_182 : memref<1x1x120xi32, #tpu.memory_space<vmem>> -> memref<120xi32, #tpu.memory_space<vmem>>
      %dma_wait3A_184 = arith.constant 0 : i32
      %dma_wait3A_185 = arith.constant 0 : i32
      %dma_wait3A_186 = tpu.memref_slice %arg9[%dma_wait3A_184, %dma_wait3A_185] : memref<10240x128xf32, #tpu.memory_space<vmem_shared>> -> memref<10240x128xf32, #tpu.memory_space<vmem_shared>>
      tpu.wait_indirect_dma semaphore(%arg14 : memref<!tpu.dma_semaphore, #tpu.memory_space<semaphore_mem>>) src(%dma_wait3A_180 : memref<120x128xf32, #tpu.memory_space<vmem>>) dst(%dma_wait3A_186 : memref<10240x128xf32, #tpu.memory_space<vmem_shared>>)
      %dma_start3A_187 = arith.constant 1 : i32
      %dma_start3A_188 = arith.constant 0 : i32
      %dma_start3A_189 = arith.constant 0 : i32
      %dma_start3A_190 = tpu.memref_slice %arg8[%dma_start3A_187, %dma_start3A_188, %dma_start3A_189] : memref<3x120x128xf32, #tpu.memory_space<vmem>> -> memref<1x120x128xf32, #tpu.memory_space<vmem>>
      %dma_start3A_191 = tpu.memref_squeeze %dma_start3A_190 : memref<1x120x128xf32, #tpu.memory_space<vmem>> -> memref<120x128xf32, #tpu.memory_space<vmem>>
      %dma_start3A_192 = arith.constant 480 : i32
      %dma_start3A_193 = tpu.memref_slice %arg6[%dma_start3A_192] : memref<1440xi32, #tpu.memory_space<vmem>> -> memref<120xi32, #tpu.memory_space<vmem>>
      %dma_start3A_194 = arith.constant 0 : i32
      %dma_start3A_195 = arith.constant 0 : i32
      %dma_start3A_196 = tpu.memref_slice %arg2[%dma_start3A_194, %dma_start3A_195] : memref<10000x128xf32, #tpu.memory_space<hbm>> -> memref<10000x128xf32, #tpu.memory_space<hbm>>
      tpu.enqueue_indirect_dma source(%dma_start3A_196 : memref<10000x128xf32, #tpu.memory_space<hbm>>) target(%dma_start3A_191 : memref<120x128xf32, #tpu.memory_space<vmem>>) offsets(%dma_start3A_193 : memref<120xi32, #tpu.memory_space<vmem>>) semaphore(%arg11 : memref<!tpu.dma_semaphore, #tpu.memory_space<semaphore_mem>>)
      %dma_wait3A_197 = arith.constant 2 : i32
      %dma_wait3A_198 = arith.constant 2 : i32
      %dma_wait3A_199 = arith.constant 0 : i32
      %dma_wait3A_200 = arith.constant 0 : i32
      %dma_wait3A_201 = arith.constant 0 : i32
      %dma_wait3A_202 = tpu.memref_slice %arg8[%dma_wait3A_197, %dma_wait3A_200, %dma_wait3A_201] : memref<3x120x128xf32, #tpu.memory_space<vmem>> -> memref<1x120x128xf32, #tpu.memory_space<vmem>>
      %dma_wait3A_203 = tpu.memref_squeeze %dma_wait3A_202 : memref<1x120x128xf32, #tpu.memory_space<vmem>> -> memref<120x128xf32, #tpu.memory_space<vmem>>
      %dma_wait3A_204 = arith.constant 0 : i32
      %dma_wait3A_205 = tpu.memref_slice %arg7[%dma_wait3A_198, %dma_wait3A_199, %dma_wait3A_204] : memref<12x1x120xi32, #tpu.memory_space<vmem>> -> memref<1x1x120xi32, #tpu.memory_space<vmem>>
      %dma_wait3A_206 = tpu.memref_squeeze %dma_wait3A_205 : memref<1x1x120xi32, #tpu.memory_space<vmem>> -> memref<120xi32, #tpu.memory_space<vmem>>
      %dma_wait3A_207 = arith.constant 0 : i32
      %dma_wait3A_208 = arith.constant 0 : i32
      %dma_wait3A_209 = tpu.memref_slice %arg9[%dma_wait3A_207, %dma_wait3A_208] : memref<10240x128xf32, #tpu.memory_space<vmem_shared>> -> memref<10240x128xf32, #tpu.memory_space<vmem_shared>>
      tpu.wait_indirect_dma semaphore(%arg15 : memref<!tpu.dma_semaphore, #tpu.memory_space<semaphore_mem>>) src(%dma_wait3A_203 : memref<120x128xf32, #tpu.memory_space<vmem>>) dst(%dma_wait3A_209 : memref<10240x128xf32, #tpu.memory_space<vmem_shared>>)
      %dma_start3A_210 = arith.constant 2 : i32
      %dma_start3A_211 = arith.constant 0 : i32
      %dma_start3A_212 = arith.constant 0 : i32
      %dma_start3A_213 = tpu.memref_slice %arg8[%dma_start3A_210, %dma_start3A_211, %dma_start3A_212] : memref<3x120x128xf32, #tpu.memory_space<vmem>> -> memref<1x120x128xf32, #tpu.memory_space<vmem>>
      %dma_start3A_214 = tpu.memref_squeeze %dma_start3A_213 : memref<1x120x128xf32, #tpu.memory_space<vmem>> -> memref<120x128xf32, #tpu.memory_space<vmem>>
      %dma_start3A_215 = arith.constant 600 : i32
      %dma_start3A_216 = tpu.memref_slice %arg6[%dma_start3A_215] : memref<1440xi32, #tpu.memory_space<vmem>> -> memref<120xi32, #tpu.memory_space<vmem>>
      %dma_start3A_217 = arith.constant 0 : i32
      %dma_start3A_218 = arith.constant 0 : i32
      %dma_start3A_219 = tpu.memref_slice %arg2[%dma_start3A_217, %dma_start3A_218] : memref<10000x128xf32, #tpu.memory_space<hbm>> -> memref<10000x128xf32, #tpu.memory_space<hbm>>
      tpu.enqueue_indirect_dma source(%dma_start3A_219 : memref<10000x128xf32, #tpu.memory_space<hbm>>) target(%dma_start3A_214 : memref<120x128xf32, #tpu.memory_space<vmem>>) offsets(%dma_start3A_216 : memref<120xi32, #tpu.memory_space<vmem>>) semaphore(%arg12 : memref<!tpu.dma_semaphore, #tpu.memory_space<semaphore_mem>>)
      %dma_wait3A_220 = arith.constant 0 : i32
      %dma_wait3A_221 = arith.constant 0 : i32
      %dma_wait3A_222 = arith.constant 0 : i32
      %dma_wait3A_223 = tpu.memref_slice %arg8[%dma_wait3A_220, %dma_wait3A_221, %dma_wait3A_222] : memref<3x120x128xf32, #tpu.memory_space<vmem>> -> memref<1x120x128xf32, #tpu.memory_space<vmem>>
      %dma_wait3A_224 = tpu.memref_squeeze %dma_wait3A_223 : memref<1x120x128xf32, #tpu.memory_space<vmem>> -> memref<120x128xf32, #tpu.memory_space<vmem>>
      %dma_wait3A_225 = arith.constant 360 : i32
      %dma_wait3A_226 = tpu.memref_slice %arg6[%dma_wait3A_225] : memref<1440xi32, #tpu.memory_space<vmem>> -> memref<120xi32, #tpu.memory_space<vmem>>
      %dma_wait3A_227 = arith.constant 0 : i32
      %dma_wait3A_228 = arith.constant 0 : i32
      %dma_wait3A_229 = tpu.memref_slice %arg2[%dma_wait3A_227, %dma_wait3A_228] : memref<10000x128xf32, #tpu.memory_space<hbm>> -> memref<10000x128xf32, #tpu.memory_space<hbm>>
      tpu.wait_indirect_dma semaphore(%arg10 : memref<!tpu.dma_semaphore, #tpu.memory_space<semaphore_mem>>) src(%dma_wait3A_229 : memref<10000x128xf32, #tpu.memory_space<hbm>>) dst(%dma_wait3A_224 : memref<120x128xf32, #tpu.memory_space<vmem>>)
      %dma_start3A_230 = arith.constant 0 : i32
      %dma_start3A_231 = arith.constant 3 : i32
      %dma_start3A_232 = arith.constant 0 : i32
      %dma_start3A_233 = arith.constant 0 : i32
      %dma_start3A_234 = arith.constant 0 : i32
      %dma_start3A_235 = tpu.memref_slice %arg8[%dma_start3A_230, %dma_start3A_233, %dma_start3A_234] : memref<3x120x128xf32, #tpu.memory_space<vmem>> -> memref<1x120x128xf32, #tpu.memory_space<vmem>>
      %dma_start3A_236 = tpu.memref_squeeze %dma_start3A_235 : memref<1x120x128xf32, #tpu.memory_space<vmem>> -> memref<120x128xf32, #tpu.memory_space<vmem>>
      %dma_start3A_237 = arith.constant 0 : i32
      %dma_start3A_238 = tpu.memref_slice %arg7[%dma_start3A_231, %dma_start3A_232, %dma_start3A_237] : memref<12x1x120xi32, #tpu.memory_space<vmem>> -> memref<1x1x120xi32, #tpu.memory_space<vmem>>
      %dma_start3A_239 = tpu.memref_squeeze %dma_start3A_238 : memref<1x1x120xi32, #tpu.memory_space<vmem>> -> memref<120xi32, #tpu.memory_space<vmem>>
      %dma_start3A_240 = arith.constant 0 : i32
      %dma_start3A_241 = arith.constant 0 : i32
      %dma_start3A_242 = tpu.memref_slice %arg9[%dma_start3A_240, %dma_start3A_241] : memref<10240x128xf32, #tpu.memory_space<vmem_shared>> -> memref<10240x128xf32, #tpu.memory_space<vmem_shared>>
      tpu.enqueue_indirect_dma source(%dma_start3A_236 : memref<120x128xf32, #tpu.memory_space<vmem>>) target(%dma_start3A_242 : memref<10240x128xf32, #tpu.memory_space<vmem_shared>>) offsets(%dma_start3A_239 : memref<120xi32, #tpu.memory_space<vmem>>) semaphore(%arg13 : memref<!tpu.dma_semaphore, #tpu.memory_space<semaphore_mem>>) {add = true}
      %dma_wait3A_243 = arith.constant 1 : i32
      %dma_wait3A_244 = arith.constant 0 : i32
      %dma_wait3A_245 = arith.constant 0 : i32
      %dma_wait3A_246 = tpu.memref_slice %arg8[%dma_wait3A_243, %dma_wait3A_244, %dma_wait3A_245] : memref<3x120x128xf32, #tpu.memory_space<vmem>> -> memref<1x120x128xf32, #tpu.memory_space<vmem>>
      %dma_wait3A_247 = tpu.memref_squeeze %dma_wait3A_246 : memref<1x120x128xf32, #tpu.memory_space<vmem>> -> memref<120x128xf32, #tpu.memory_space<vmem>>
      %dma_wait3A_248 = arith.constant 480 : i32
      %dma_wait3A_249 = tpu.memref_slice %arg6[%dma_wait3A_248] : memref<1440xi32, #tpu.memory_space<vmem>> -> memref<120xi32, #tpu.memory_space<vmem>>
      %dma_wait3A_250 = arith.constant 0 : i32
      %dma_wait3A_251 = arith.constant 0 : i32
      %dma_wait3A_252 = tpu.memref_slice %arg2[%dma_wait3A_250, %dma_wait3A_251] : memref<10000x128xf32, #tpu.memory_space<hbm>> -> memref<10000x128xf32, #tpu.memory_space<hbm>>
      tpu.wait_indirect_dma semaphore(%arg11 : memref<!tpu.dma_semaphore, #tpu.memory_space<semaphore_mem>>) src(%dma_wait3A_252 : memref<10000x128xf32, #tpu.memory_space<hbm>>) dst(%dma_wait3A_247 : memref<120x128xf32, #tpu.memory_space<vmem>>)
      %dma_start3A_253 = arith.constant 1 : i32
      %dma_start3A_254 = arith.constant 4 : i32
      %dma_start3A_255 = arith.constant 0 : i32
      %dma_start3A_256 = arith.constant 0 : i32
      %dma_start3A_257 = arith.constant 0 : i32
      %dma_start3A_258 = tpu.memref_slice %arg8[%dma_start3A_253, %dma_start3A_256, %dma_start3A_257] : memref<3x120x128xf32, #tpu.memory_space<vmem>> -> memref<1x120x128xf32, #tpu.memory_space<vmem>>
      %dma_start3A_259 = tpu.memref_squeeze %dma_start3A_258 : memref<1x120x128xf32, #tpu.memory_space<vmem>> -> memref<120x128xf32, #tpu.memory_space<vmem>>
      %dma_start3A_260 = arith.constant 0 : i32
      %dma_start3A_261 = tpu.memref_slice %arg7[%dma_start3A_254, %dma_start3A_255, %dma_start3A_260] : memref<12x1x120xi32, #tpu.memory_space<vmem>> -> memref<1x1x120xi32, #tpu.memory_space<vmem>>
      %dma_start3A_262 = tpu.memref_squeeze %dma_start3A_261 : memref<1x1x120xi32, #tpu.memory_space<vmem>> -> memref<120xi32, #tpu.memory_space<vmem>>
      %dma_start3A_263 = arith.constant 0 : i32
      %dma_start3A_264 = arith.constant 0 : i32
      %dma_start3A_265 = tpu.memref_slice %arg9[%dma_start3A_263, %dma_start3A_264] : memref<10240x128xf32, #tpu.memory_space<vmem_shared>> -> memref<10240x128xf32, #tpu.memory_space<vmem_shared>>
      tpu.enqueue_indirect_dma source(%dma_start3A_259 : memref<120x128xf32, #tpu.memory_space<vmem>>) target(%dma_start3A_265 : memref<10240x128xf32, #tpu.memory_space<vmem_shared>>) offsets(%dma_start3A_262 : memref<120xi32, #tpu.memory_space<vmem>>) semaphore(%arg14 : memref<!tpu.dma_semaphore, #tpu.memory_space<semaphore_mem>>) {add = true}
      %dma_wait3A_266 = arith.constant 2 : i32
      %dma_wait3A_267 = arith.constant 0 : i32
      %dma_wait3A_268 = arith.constant 0 : i32
      %dma_wait3A_269 = tpu.memref_slice %arg8[%dma_wait3A_266, %dma_wait3A_267, %dma_wait3A_268] : memref<3x120x128xf32, #tpu.memory_space<vmem>> -> memref<1x120x128xf32, #tpu.memory_space<vmem>>
      %dma_wait3A_270 = tpu.memref_squeeze %dma_wait3A_269 : memref<1x120x128xf32, #tpu.memory_space<vmem>> -> memref<120x128xf32, #tpu.memory_space<vmem>>
      %dma_wait3A_271 = arith.constant 600 : i32
      %dma_wait3A_272 = tpu.memref_slice %arg6[%dma_wait3A_271] : memref<1440xi32, #tpu.memory_space<vmem>> -> memref<120xi32, #tpu.memory_space<vmem>>
      %dma_wait3A_273 = arith.constant 0 : i32
      %dma_wait3A_274 = arith.constant 0 : i32
      %dma_wait3A_275 = tpu.memref_slice %arg2[%dma_wait3A_273, %dma_wait3A_274] : memref<10000x128xf32, #tpu.memory_space<hbm>> -> memref<10000x128xf32, #tpu.memory_space<hbm>>
      tpu.wait_indirect_dma semaphore(%arg12 : memref<!tpu.dma_semaphore, #tpu.memory_space<semaphore_mem>>) src(%dma_wait3A_275 : memref<10000x128xf32, #tpu.memory_space<hbm>>) dst(%dma_wait3A_270 : memref<120x128xf32, #tpu.memory_space<vmem>>)
      %dma_start3A_276 = arith.constant 2 : i32
      %dma_start3A_277 = arith.constant 5 : i32
      %dma_start3A_278 = arith.constant 0 : i32
      %dma_start3A_279 = arith.constant 0 : i32
      %dma_start3A_280 = arith.constant 0 : i32
      %dma_start3A_281 = tpu.memref_slice %arg8[%dma_start3A_276, %dma_start3A_279, %dma_start3A_280] : memref<3x120x128xf32, #tpu.memory_space<vmem>> -> memref<1x120x128xf32, #tpu.memory_space<vmem>>
      %dma_start3A_282 = tpu.memref_squeeze %dma_start3A_281 : memref<1x120x128xf32, #tpu.memory_space<vmem>> -> memref<120x128xf32, #tpu.memory_space<vmem>>
      %dma_start3A_283 = arith.constant 0 : i32
      %dma_start3A_284 = tpu.memref_slice %arg7[%dma_start3A_277, %dma_start3A_278, %dma_start3A_283] : memref<12x1x120xi32, #tpu.memory_space<vmem>> -> memref<1x1x120xi32, #tpu.memory_space<vmem>>
      %dma_start3A_285 = tpu.memref_squeeze %dma_start3A_284 : memref<1x1x120xi32, #tpu.memory_space<vmem>> -> memref<120xi32, #tpu.memory_space<vmem>>
      %dma_start3A_286 = arith.constant 0 : i32
      %dma_start3A_287 = arith.constant 0 : i32
      %dma_start3A_288 = tpu.memref_slice %arg9[%dma_start3A_286, %dma_start3A_287] : memref<10240x128xf32, #tpu.memory_space<vmem_shared>> -> memref<10240x128xf32, #tpu.memory_space<vmem_shared>>
      tpu.enqueue_indirect_dma source(%dma_start3A_282 : memref<120x128xf32, #tpu.memory_space<vmem>>) target(%dma_start3A_288 : memref<10240x128xf32, #tpu.memory_space<vmem_shared>>) offsets(%dma_start3A_285 : memref<120xi32, #tpu.memory_space<vmem>>) semaphore(%arg15 : memref<!tpu.dma_semaphore, #tpu.memory_space<semaphore_mem>>) {add = true}
      %dma_wait3A_289 = arith.constant 0 : i32
      %dma_wait3A_290 = arith.constant 3 : i32
      %dma_wait3A_291 = arith.constant 0 : i32
      %dma_wait3A_292 = arith.constant 0 : i32
      %dma_wait3A_293 = arith.constant 0 : i32
      %dma_wait3A_294 = tpu.memref_slice %arg8[%dma_wait3A_289, %dma_wait3A_292, %dma_wait3A_293] : memref<3x120x128xf32, #tpu.memory_space<vmem>> -> memref<1x120x128xf32, #tpu.memory_space<vmem>>
      %dma_wait3A_295 = tpu.memref_squeeze %dma_wait3A_294 : memref<1x120x128xf32, #tpu.memory_space<vmem>> -> memref<120x128xf32, #tpu.memory_space<vmem>>
      %dma_wait3A_296 = arith.constant 0 : i32
      %dma_wait3A_297 = tpu.memref_slice %arg7[%dma_wait3A_290, %dma_wait3A_291, %dma_wait3A_296] : memref<12x1x120xi32, #tpu.memory_space<vmem>> -> memref<1x1x120xi32, #tpu.memory_space<vmem>>
      %dma_wait3A_298 = tpu.memref_squeeze %dma_wait3A_297 : memref<1x1x120xi32, #tpu.memory_space<vmem>> -> memref<120xi32, #tpu.memory_space<vmem>>
      %dma_wait3A_299 = arith.constant 0 : i32
      %dma_wait3A_300 = arith.constant 0 : i32
      %dma_wait3A_301 = tpu.memref_slice %arg9[%dma_wait3A_299, %dma_wait3A_300] : memref<10240x128xf32, #tpu.memory_space<vmem_shared>> -> memref<10240x128xf32, #tpu.memory_space<vmem_shared>>
      tpu.wait_indirect_dma semaphore(%arg13 : memref<!tpu.dma_semaphore, #tpu.memory_space<semaphore_mem>>) src(%dma_wait3A_295 : memref<120x128xf32, #tpu.memory_space<vmem>>) dst(%dma_wait3A_301 : memref<10240x128xf32, #tpu.memory_space<vmem_shared>>)
      %dma_start3A_302 = arith.constant 0 : i32
      %dma_start3A_303 = arith.constant 0 : i32
      %dma_start3A_304 = arith.constant 0 : i32
      %dma_start3A_305 = tpu.memref_slice %arg8[%dma_start3A_302, %dma_start3A_303, %dma_start3A_304] : memref<3x120x128xf32, #tpu.memory_space<vmem>> -> memref<1x120x128xf32, #tpu.memory_space<vmem>>
      %dma_start3A_306 = tpu.memref_squeeze %dma_start3A_305 : memref<1x120x128xf32, #tpu.memory_space<vmem>> -> memref<120x128xf32, #tpu.memory_space<vmem>>
      %dma_start3A_307 = arith.constant 720 : i32
      %dma_start3A_308 = tpu.memref_slice %arg6[%dma_start3A_307] : memref<1440xi32, #tpu.memory_space<vmem>> -> memref<120xi32, #tpu.memory_space<vmem>>
      %dma_start3A_309 = arith.constant 0 : i32
      %dma_start3A_310 = arith.constant 0 : i32
      %dma_start3A_311 = tpu.memref_slice %arg2[%dma_start3A_309, %dma_start3A_310] : memref<10000x128xf32, #tpu.memory_space<hbm>> -> memref<10000x128xf32, #tpu.memory_space<hbm>>
      tpu.enqueue_indirect_dma source(%dma_start3A_311 : memref<10000x128xf32, #tpu.memory_space<hbm>>) target(%dma_start3A_306 : memref<120x128xf32, #tpu.memory_space<vmem>>) offsets(%dma_start3A_308 : memref<120xi32, #tpu.memory_space<vmem>>) semaphore(%arg10 : memref<!tpu.dma_semaphore, #tpu.memory_space<semaphore_mem>>)
      %dma_wait3A_312 = arith.constant 1 : i32
      %dma_wait3A_313 = arith.constant 4 : i32
      %dma_wait3A_314 = arith.constant 0 : i32
      %dma_wait3A_315 = arith.constant 0 : i32
      %dma_wait3A_316 = arith.constant 0 : i32
      %dma_wait3A_317 = tpu.memref_slice %arg8[%dma_wait3A_312, %dma_wait3A_315, %dma_wait3A_316] : memref<3x120x128xf32, #tpu.memory_space<vmem>> -> memref<1x120x128xf32, #tpu.memory_space<vmem>>
      %dma_wait3A_318 = tpu.memref_squeeze %dma_wait3A_317 : memref<1x120x128xf32, #tpu.memory_space<vmem>> -> memref<120x128xf32, #tpu.memory_space<vmem>>
      %dma_wait3A_319 = arith.constant 0 : i32
      %dma_wait3A_320 = tpu.memref_slice %arg7[%dma_wait3A_313, %dma_wait3A_314, %dma_wait3A_319] : memref<12x1x120xi32, #tpu.memory_space<vmem>> -> memref<1x1x120xi32, #tpu.memory_space<vmem>>
      %dma_wait3A_321 = tpu.memref_squeeze %dma_wait3A_320 : memref<1x1x120xi32, #tpu.memory_space<vmem>> -> memref<120xi32, #tpu.memory_space<vmem>>
      %dma_wait3A_322 = arith.constant 0 : i32
      %dma_wait3A_323 = arith.constant 0 : i32
      %dma_wait3A_324 = tpu.memref_slice %arg9[%dma_wait3A_322, %dma_wait3A_323] : memref<10240x128xf32, #tpu.memory_space<vmem_shared>> -> memref<10240x128xf32, #tpu.memory_space<vmem_shared>>
      tpu.wait_indirect_dma semaphore(%arg14 : memref<!tpu.dma_semaphore, #tpu.memory_space<semaphore_mem>>) src(%dma_wait3A_318 : memref<120x128xf32, #tpu.memory_space<vmem>>) dst(%dma_wait3A_324 : memref<10240x128xf32, #tpu.memory_space<vmem_shared>>)
      %dma_start3A_325 = arith.constant 1 : i32
      %dma_start3A_326 = arith.constant 0 : i32
      %dma_start3A_327 = arith.constant 0 : i32
      %dma_start3A_328 = tpu.memref_slice %arg8[%dma_start3A_325, %dma_start3A_326, %dma_start3A_327] : memref<3x120x128xf32, #tpu.memory_space<vmem>> -> memref<1x120x128xf32, #tpu.memory_space<vmem>>
      %dma_start3A_329 = tpu.memref_squeeze %dma_start3A_328 : memref<1x120x128xf32, #tpu.memory_space<vmem>> -> memref<120x128xf32, #tpu.memory_space<vmem>>
      %dma_start3A_330 = arith.constant 840 : i32
      %dma_start3A_331 = tpu.memref_slice %arg6[%dma_start3A_330] : memref<1440xi32, #tpu.memory_space<vmem>> -> memref<120xi32, #tpu.memory_space<vmem>>
      %dma_start3A_332 = arith.constant 0 : i32
      %dma_start3A_333 = arith.constant 0 : i32
      %dma_start3A_334 = tpu.memref_slice %arg2[%dma_start3A_332, %dma_start3A_333] : memref<10000x128xf32, #tpu.memory_space<hbm>> -> memref<10000x128xf32, #tpu.memory_space<hbm>>
      tpu.enqueue_indirect_dma source(%dma_start3A_334 : memref<10000x128xf32, #tpu.memory_space<hbm>>) target(%dma_start3A_329 : memref<120x128xf32, #tpu.memory_space<vmem>>) offsets(%dma_start3A_331 : memref<120xi32, #tpu.memory_space<vmem>>) semaphore(%arg11 : memref<!tpu.dma_semaphore, #tpu.memory_space<semaphore_mem>>)
      %dma_wait3A_335 = arith.constant 2 : i32
      %dma_wait3A_336 = arith.constant 5 : i32
      %dma_wait3A_337 = arith.constant 0 : i32
      %dma_wait3A_338 = arith.constant 0 : i32
      %dma_wait3A_339 = arith.constant 0 : i32
      %dma_wait3A_340 = tpu.memref_slice %arg8[%dma_wait3A_335, %dma_wait3A_338, %dma_wait3A_339] : memref<3x120x128xf32, #tpu.memory_space<vmem>> -> memref<1x120x128xf32, #tpu.memory_space<vmem>>
      %dma_wait3A_341 = tpu.memref_squeeze %dma_wait3A_340 : memref<1x120x128xf32, #tpu.memory_space<vmem>> -> memref<120x128xf32, #tpu.memory_space<vmem>>
      %dma_wait3A_342 = arith.constant 0 : i32
      %dma_wait3A_343 = tpu.memref_slice %arg7[%dma_wait3A_336, %dma_wait3A_337, %dma_wait3A_342] : memref<12x1x120xi32, #tpu.memory_space<vmem>> -> memref<1x1x120xi32, #tpu.memory_space<vmem>>
      %dma_wait3A_344 = tpu.memref_squeeze %dma_wait3A_343 : memref<1x1x120xi32, #tpu.memory_space<vmem>> -> memref<120xi32, #tpu.memory_space<vmem>>
      %dma_wait3A_345 = arith.constant 0 : i32
      %dma_wait3A_346 = arith.constant 0 : i32
      %dma_wait3A_347 = tpu.memref_slice %arg9[%dma_wait3A_345, %dma_wait3A_346] : memref<10240x128xf32, #tpu.memory_space<vmem_shared>> -> memref<10240x128xf32, #tpu.memory_space<vmem_shared>>
      tpu.wait_indirect_dma semaphore(%arg15 : memref<!tpu.dma_semaphore, #tpu.memory_space<semaphore_mem>>) src(%dma_wait3A_341 : memref<120x128xf32, #tpu.memory_space<vmem>>) dst(%dma_wait3A_347 : memref<10240x128xf32, #tpu.memory_space<vmem_shared>>)
      %dma_start3A_348 = arith.constant 2 : i32
      %dma_start3A_349 = arith.constant 0 : i32
      %dma_start3A_350 = arith.constant 0 : i32
      %dma_start3A_351 = tpu.memref_slice %arg8[%dma_start3A_348, %dma_start3A_349, %dma_start3A_350] : memref<3x120x128xf32, #tpu.memory_space<vmem>> -> memref<1x120x128xf32, #tpu.memory_space<vmem>>
      %dma_start3A_352 = tpu.memref_squeeze %dma_start3A_351 : memref<1x120x128xf32, #tpu.memory_space<vmem>> -> memref<120x128xf32, #tpu.memory_space<vmem>>
      %dma_start3A_353 = arith.constant 960 : i32
      %dma_start3A_354 = tpu.memref_slice %arg6[%dma_start3A_353] : memref<1440xi32, #tpu.memory_space<vmem>> -> memref<120xi32, #tpu.memory_space<vmem>>
      %dma_start3A_355 = arith.constant 0 : i32
      %dma_start3A_356 = arith.constant 0 : i32
      %dma_start3A_357 = tpu.memref_slice %arg2[%dma_start3A_355, %dma_start3A_356] : memref<10000x128xf32, #tpu.memory_space<hbm>> -> memref<10000x128xf32, #tpu.memory_space<hbm>>
      tpu.enqueue_indirect_dma source(%dma_start3A_357 : memref<10000x128xf32, #tpu.memory_space<hbm>>) target(%dma_start3A_352 : memref<120x128xf32, #tpu.memory_space<vmem>>) offsets(%dma_start3A_354 : memref<120xi32, #tpu.memory_space<vmem>>) semaphore(%arg12 : memref<!tpu.dma_semaphore, #tpu.memory_space<semaphore_mem>>)
      %dma_wait3A_358 = arith.constant 0 : i32
      %dma_wait3A_359 = arith.constant 0 : i32
      %dma_wait3A_360 = arith.constant 0 : i32
      %dma_wait3A_361 = tpu.memref_slice %arg8[%dma_wait3A_358, %dma_wait3A_359, %dma_wait3A_360] : memref<3x120x128xf32, #tpu.memory_space<vmem>> -> memref<1x120x128xf32, #tpu.memory_space<vmem>>
      %dma_wait3A_362 = tpu.memref_squeeze %dma_wait3A_361 : memref<1x120x128xf32, #tpu.memory_space<vmem>> -> memref<120x128xf32, #tpu.memory_space<vmem>>
      %dma_wait3A_363 = arith.constant 720 : i32
      %dma_wait3A_364 = tpu.memref_slice %arg6[%dma_wait3A_363] : memref<1440xi32, #tpu.memory_space<vmem>> -> memref<120xi32, #tpu.memory_space<vmem>>
      %dma_wait3A_365 = arith.constant 0 : i32
      %dma_wait3A_366 = arith.constant 0 : i32
      %dma_wait3A_367 = tpu.memref_slice %arg2[%dma_wait3A_365, %dma_wait3A_366] : memref<10000x128xf32, #tpu.memory_space<hbm>> -> memref<10000x128xf32, #tpu.memory_space<hbm>>
      tpu.wait_indirect_dma semaphore(%arg10 : memref<!tpu.dma_semaphore, #tpu.memory_space<semaphore_mem>>) src(%dma_wait3A_367 : memref<10000x128xf32, #tpu.memory_space<hbm>>) dst(%dma_wait3A_362 : memref<120x128xf32, #tpu.memory_space<vmem>>)
      %dma_start3A_368 = arith.constant 0 : i32
      %dma_start3A_369 = arith.constant 6 : i32
      %dma_start3A_370 = arith.constant 0 : i32
      %dma_start3A_371 = arith.constant 0 : i32
      %dma_start3A_372 = arith.constant 0 : i32
      %dma_start3A_373 = tpu.memref_slice %arg8[%dma_start3A_368, %dma_start3A_371, %dma_start3A_372] : memref<3x120x128xf32, #tpu.memory_space<vmem>> -> memref<1x120x128xf32, #tpu.memory_space<vmem>>
      %dma_start3A_374 = tpu.memref_squeeze %dma_start3A_373 : memref<1x120x128xf32, #tpu.memory_space<vmem>> -> memref<120x128xf32, #tpu.memory_space<vmem>>
      %dma_start3A_375 = arith.constant 0 : i32
      %dma_start3A_376 = tpu.memref_slice %arg7[%dma_start3A_369, %dma_start3A_370, %dma_start3A_375] : memref<12x1x120xi32, #tpu.memory_space<vmem>> -> memref<1x1x120xi32, #tpu.memory_space<vmem>>
      %dma_start3A_377 = tpu.memref_squeeze %dma_start3A_376 : memref<1x1x120xi32, #tpu.memory_space<vmem>> -> memref<120xi32, #tpu.memory_space<vmem>>
      %dma_start3A_378 = arith.constant 0 : i32
      %dma_start3A_379 = arith.constant 0 : i32
      %dma_start3A_380 = tpu.memref_slice %arg9[%dma_start3A_378, %dma_start3A_379] : memref<10240x128xf32, #tpu.memory_space<vmem_shared>> -> memref<10240x128xf32, #tpu.memory_space<vmem_shared>>
      tpu.enqueue_indirect_dma source(%dma_start3A_374 : memref<120x128xf32, #tpu.memory_space<vmem>>) target(%dma_start3A_380 : memref<10240x128xf32, #tpu.memory_space<vmem_shared>>) offsets(%dma_start3A_377 : memref<120xi32, #tpu.memory_space<vmem>>) semaphore(%arg13 : memref<!tpu.dma_semaphore, #tpu.memory_space<semaphore_mem>>) {add = true}
      %dma_wait3A_381 = arith.constant 1 : i32
      %dma_wait3A_382 = arith.constant 0 : i32
      %dma_wait3A_383 = arith.constant 0 : i32
      %dma_wait3A_384 = tpu.memref_slice %arg8[%dma_wait3A_381, %dma_wait3A_382, %dma_wait3A_383] : memref<3x120x128xf32, #tpu.memory_space<vmem>> -> memref<1x120x128xf32, #tpu.memory_space<vmem>>
      %dma_wait3A_385 = tpu.memref_squeeze %dma_wait3A_384 : memref<1x120x128xf32, #tpu.memory_space<vmem>> -> memref<120x128xf32, #tpu.memory_space<vmem>>
      %dma_wait3A_386 = arith.constant 840 : i32
      %dma_wait3A_387 = tpu.memref_slice %arg6[%dma_wait3A_386] : memref<1440xi32, #tpu.memory_space<vmem>> -> memref<120xi32, #tpu.memory_space<vmem>>
      %dma_wait3A_388 = arith.constant 0 : i32
      %dma_wait3A_389 = arith.constant 0 : i32
      %dma_wait3A_390 = tpu.memref_slice %arg2[%dma_wait3A_388, %dma_wait3A_389] : memref<10000x128xf32, #tpu.memory_space<hbm>> -> memref<10000x128xf32, #tpu.memory_space<hbm>>
      tpu.wait_indirect_dma semaphore(%arg11 : memref<!tpu.dma_semaphore, #tpu.memory_space<semaphore_mem>>) src(%dma_wait3A_390 : memref<10000x128xf32, #tpu.memory_space<hbm>>) dst(%dma_wait3A_385 : memref<120x128xf32, #tpu.memory_space<vmem>>)
      %dma_start3A_391 = arith.constant 1 : i32
      %dma_start3A_392 = arith.constant 7 : i32
      %dma_start3A_393 = arith.constant 0 : i32
      %dma_start3A_394 = arith.constant 0 : i32
      %dma_start3A_395 = arith.constant 0 : i32
      %dma_start3A_396 = tpu.memref_slice %arg8[%dma_start3A_391, %dma_start3A_394, %dma_start3A_395] : memref<3x120x128xf32, #tpu.memory_space<vmem>> -> memref<1x120x128xf32, #tpu.memory_space<vmem>>
      %dma_start3A_397 = tpu.memref_squeeze %dma_start3A_396 : memref<1x120x128xf32, #tpu.memory_space<vmem>> -> memref<120x128xf32, #tpu.memory_space<vmem>>
      %dma_start3A_398 = arith.constant 0 : i32
      %dma_start3A_399 = tpu.memref_slice %arg7[%dma_start3A_392, %dma_start3A_393, %dma_start3A_398] : memref<12x1x120xi32, #tpu.memory_space<vmem>> -> memref<1x1x120xi32, #tpu.memory_space<vmem>>
      %dma_start3A_400 = tpu.memref_squeeze %dma_start3A_399 : memref<1x1x120xi32, #tpu.memory_space<vmem>> -> memref<120xi32, #tpu.memory_space<vmem>>
      %dma_start3A_401 = arith.constant 0 : i32
      %dma_start3A_402 = arith.constant 0 : i32
      %dma_start3A_403 = tpu.memref_slice %arg9[%dma_start3A_401, %dma_start3A_402] : memref<10240x128xf32, #tpu.memory_space<vmem_shared>> -> memref<10240x128xf32, #tpu.memory_space<vmem_shared>>
      tpu.enqueue_indirect_dma source(%dma_start3A_397 : memref<120x128xf32, #tpu.memory_space<vmem>>) target(%dma_start3A_403 : memref<10240x128xf32, #tpu.memory_space<vmem_shared>>) offsets(%dma_start3A_400 : memref<120xi32, #tpu.memory_space<vmem>>) semaphore(%arg14 : memref<!tpu.dma_semaphore, #tpu.memory_space<semaphore_mem>>) {add = true}
      %dma_wait3A_404 = arith.constant 2 : i32
      %dma_wait3A_405 = arith.constant 0 : i32
      %dma_wait3A_406 = arith.constant 0 : i32
      %dma_wait3A_407 = tpu.memref_slice %arg8[%dma_wait3A_404, %dma_wait3A_405, %dma_wait3A_406] : memref<3x120x128xf32, #tpu.memory_space<vmem>> -> memref<1x120x128xf32, #tpu.memory_space<vmem>>
      %dma_wait3A_408 = tpu.memref_squeeze %dma_wait3A_407 : memref<1x120x128xf32, #tpu.memory_space<vmem>> -> memref<120x128xf32, #tpu.memory_space<vmem>>
      %dma_wait3A_409 = arith.constant 960 : i32
      %dma_wait3A_410 = tpu.memref_slice %arg6[%dma_wait3A_409] : memref<1440xi32, #tpu.memory_space<vmem>> -> memref<120xi32, #tpu.memory_space<vmem>>
      %dma_wait3A_411 = arith.constant 0 : i32
      %dma_wait3A_412 = arith.constant 0 : i32
      %dma_wait3A_413 = tpu.memref_slice %arg2[%dma_wait3A_411, %dma_wait3A_412] : memref<10000x128xf32, #tpu.memory_space<hbm>> -> memref<10000x128xf32, #tpu.memory_space<hbm>>
      tpu.wait_indirect_dma semaphore(%arg12 : memref<!tpu.dma_semaphore, #tpu.memory_space<semaphore_mem>>) src(%dma_wait3A_413 : memref<10000x128xf32, #tpu.memory_space<hbm>>) dst(%dma_wait3A_408 : memref<120x128xf32, #tpu.memory_space<vmem>>)
      %dma_start3A_414 = arith.constant 2 : i32
      %dma_start3A_415 = arith.constant 8 : i32
      %dma_start3A_416 = arith.constant 0 : i32
      %dma_start3A_417 = arith.constant 0 : i32
      %dma_start3A_418 = arith.constant 0 : i32
      %dma_start3A_419 = tpu.memref_slice %arg8[%dma_start3A_414, %dma_start3A_417, %dma_start3A_418] : memref<3x120x128xf32, #tpu.memory_space<vmem>> -> memref<1x120x128xf32, #tpu.memory_space<vmem>>
      %dma_start3A_420 = tpu.memref_squeeze %dma_start3A_419 : memref<1x120x128xf32, #tpu.memory_space<vmem>> -> memref<120x128xf32, #tpu.memory_space<vmem>>
      %dma_start3A_421 = arith.constant 0 : i32
      %dma_start3A_422 = tpu.memref_slice %arg7[%dma_start3A_415, %dma_start3A_416, %dma_start3A_421] : memref<12x1x120xi32, #tpu.memory_space<vmem>> -> memref<1x1x120xi32, #tpu.memory_space<vmem>>
      %dma_start3A_423 = tpu.memref_squeeze %dma_start3A_422 : memref<1x1x120xi32, #tpu.memory_space<vmem>> -> memref<120xi32, #tpu.memory_space<vmem>>
      %dma_start3A_424 = arith.constant 0 : i32
      %dma_start3A_425 = arith.constant 0 : i32
      %dma_start3A_426 = tpu.memref_slice %arg9[%dma_start3A_424, %dma_start3A_425] : memref<10240x128xf32, #tpu.memory_space<vmem_shared>> -> memref<10240x128xf32, #tpu.memory_space<vmem_shared>>
      tpu.enqueue_indirect_dma source(%dma_start3A_420 : memref<120x128xf32, #tpu.memory_space<vmem>>) target(%dma_start3A_426 : memref<10240x128xf32, #tpu.memory_space<vmem_shared>>) offsets(%dma_start3A_423 : memref<120xi32, #tpu.memory_space<vmem>>) semaphore(%arg15 : memref<!tpu.dma_semaphore, #tpu.memory_space<semaphore_mem>>) {add = true}
      %dma_wait3A_427 = arith.constant 0 : i32
      %dma_wait3A_428 = arith.constant 6 : i32
      %dma_wait3A_429 = arith.constant 0 : i32
      %dma_wait3A_430 = arith.constant 0 : i32
      %dma_wait3A_431 = arith.constant 0 : i32
      %dma_wait3A_432 = tpu.memref_slice %arg8[%dma_wait3A_427, %dma_wait3A_430, %dma_wait3A_431] : memref<3x120x128xf32, #tpu.memory_space<vmem>> -> memref<1x120x128xf32, #tpu.memory_space<vmem>>
      %dma_wait3A_433 = tpu.memref_squeeze %dma_wait3A_432 : memref<1x120x128xf32, #tpu.memory_space<vmem>> -> memref<120x128xf32, #tpu.memory_space<vmem>>
      %dma_wait3A_434 = arith.constant 0 : i32
      %dma_wait3A_435 = tpu.memref_slice %arg7[%dma_wait3A_428, %dma_wait3A_429, %dma_wait3A_434] : memref<12x1x120xi32, #tpu.memory_space<vmem>> -> memref<1x1x120xi32, #tpu.memory_space<vmem>>
      %dma_wait3A_436 = tpu.memref_squeeze %dma_wait3A_435 : memref<1x1x120xi32, #tpu.memory_space<vmem>> -> memref<120xi32, #tpu.memory_space<vmem>>
      %dma_wait3A_437 = arith.constant 0 : i32
      %dma_wait3A_438 = arith.constant 0 : i32
      %dma_wait3A_439 = tpu.memref_slice %arg9[%dma_wait3A_437, %dma_wait3A_438] : memref<10240x128xf32, #tpu.memory_space<vmem_shared>> -> memref<10240x128xf32, #tpu.memory_space<vmem_shared>>
      tpu.wait_indirect_dma semaphore(%arg13 : memref<!tpu.dma_semaphore, #tpu.memory_space<semaphore_mem>>) src(%dma_wait3A_433 : memref<120x128xf32, #tpu.memory_space<vmem>>) dst(%dma_wait3A_439 : memref<10240x128xf32, #tpu.memory_space<vmem_shared>>)
      %dma_start3A_440 = arith.constant 0 : i32
      %dma_start3A_441 = arith.constant 0 : i32
      %dma_start3A_442 = arith.constant 0 : i32
      %dma_start3A_443 = tpu.memref_slice %arg8[%dma_start3A_440, %dma_start3A_441, %dma_start3A_442] : memref<3x120x128xf32, #tpu.memory_space<vmem>> -> memref<1x120x128xf32, #tpu.memory_space<vmem>>
      %dma_start3A_444 = tpu.memref_squeeze %dma_start3A_443 : memref<1x120x128xf32, #tpu.memory_space<vmem>> -> memref<120x128xf32, #tpu.memory_space<vmem>>
      %dma_start3A_445 = arith.constant 1080 : i32
      %dma_start3A_446 = tpu.memref_slice %arg6[%dma_start3A_445] : memref<1440xi32, #tpu.memory_space<vmem>> -> memref<120xi32, #tpu.memory_space<vmem>>
      %dma_start3A_447 = arith.constant 0 : i32
      %dma_start3A_448 = arith.constant 0 : i32
      %dma_start3A_449 = tpu.memref_slice %arg2[%dma_start3A_447, %dma_start3A_448] : memref<10000x128xf32, #tpu.memory_space<hbm>> -> memref<10000x128xf32, #tpu.memory_space<hbm>>
      tpu.enqueue_indirect_dma source(%dma_start3A_449 : memref<10000x128xf32, #tpu.memory_space<hbm>>) target(%dma_start3A_444 : memref<120x128xf32, #tpu.memory_space<vmem>>) offsets(%dma_start3A_446 : memref<120xi32, #tpu.memory_space<vmem>>) semaphore(%arg10 : memref<!tpu.dma_semaphore, #tpu.memory_space<semaphore_mem>>)
      %dma_wait3A_450 = arith.constant 1 : i32
      %dma_wait3A_451 = arith.constant 7 : i32
      %dma_wait3A_452 = arith.constant 0 : i32
      %dma_wait3A_453 = arith.constant 0 : i32
      %dma_wait3A_454 = arith.constant 0 : i32
      %dma_wait3A_455 = tpu.memref_slice %arg8[%dma_wait3A_450, %dma_wait3A_453, %dma_wait3A_454] : memref<3x120x128xf32, #tpu.memory_space<vmem>> -> memref<1x120x128xf32, #tpu.memory_space<vmem>>
      %dma_wait3A_456 = tpu.memref_squeeze %dma_wait3A_455 : memref<1x120x128xf32, #tpu.memory_space<vmem>> -> memref<120x128xf32, #tpu.memory_space<vmem>>
      %dma_wait3A_457 = arith.constant 0 : i32
      %dma_wait3A_458 = tpu.memref_slice %arg7[%dma_wait3A_451, %dma_wait3A_452, %dma_wait3A_457] : memref<12x1x120xi32, #tpu.memory_space<vmem>> -> memref<1x1x120xi32, #tpu.memory_space<vmem>>
      %dma_wait3A_459 = tpu.memref_squeeze %dma_wait3A_458 : memref<1x1x120xi32, #tpu.memory_space<vmem>> -> memref<120xi32, #tpu.memory_space<vmem>>
      %dma_wait3A_460 = arith.constant 0 : i32
      %dma_wait3A_461 = arith.constant 0 : i32
      %dma_wait3A_462 = tpu.memref_slice %arg9[%dma_wait3A_460, %dma_wait3A_461] : memref<10240x128xf32, #tpu.memory_space<vmem_shared>> -> memref<10240x128xf32, #tpu.memory_space<vmem_shared>>
      tpu.wait_indirect_dma semaphore(%arg14 : memref<!tpu.dma_semaphore, #tpu.memory_space<semaphore_mem>>) src(%dma_wait3A_456 : memref<120x128xf32, #tpu.memory_space<vmem>>) dst(%dma_wait3A_462 : memref<10240x128xf32, #tpu.memory_space<vmem_shared>>)
      %dma_start3A_463 = arith.constant 1 : i32
      %dma_start3A_464 = arith.constant 0 : i32
      %dma_start3A_465 = arith.constant 0 : i32
      %dma_start3A_466 = tpu.memref_slice %arg8[%dma_start3A_463, %dma_start3A_464, %dma_start3A_465] : memref<3x120x128xf32, #tpu.memory_space<vmem>> -> memref<1x120x128xf32, #tpu.memory_space<vmem>>
      %dma_start3A_467 = tpu.memref_squeeze %dma_start3A_466 : memref<1x120x128xf32, #tpu.memory_space<vmem>> -> memref<120x128xf32, #tpu.memory_space<vmem>>
      %dma_start3A_468 = arith.constant 1200 : i32
      %dma_start3A_469 = tpu.memref_slice %arg6[%dma_start3A_468] : memref<1440xi32, #tpu.memory_space<vmem>> -> memref<120xi32, #tpu.memory_space<vmem>>
      %dma_start3A_470 = arith.constant 0 : i32
      %dma_start3A_471 = arith.constant 0 : i32
      %dma_start3A_472 = tpu.memref_slice %arg2[%dma_start3A_470, %dma_start3A_471] : memref<10000x128xf32, #tpu.memory_space<hbm>> -> memref<10000x128xf32, #tpu.memory_space<hbm>>
      tpu.enqueue_indirect_dma source(%dma_start3A_472 : memref<10000x128xf32, #tpu.memory_space<hbm>>) target(%dma_start3A_467 : memref<120x128xf32, #tpu.memory_space<vmem>>) offsets(%dma_start3A_469 : memref<120xi32, #tpu.memory_space<vmem>>) semaphore(%arg11 : memref<!tpu.dma_semaphore, #tpu.memory_space<semaphore_mem>>)
      %dma_wait3A_473 = arith.constant 2 : i32
      %dma_wait3A_474 = arith.constant 8 : i32
      %dma_wait3A_475 = arith.constant 0 : i32
      %dma_wait3A_476 = arith.constant 0 : i32
      %dma_wait3A_477 = arith.constant 0 : i32
      %dma_wait3A_478 = tpu.memref_slice %arg8[%dma_wait3A_473, %dma_wait3A_476, %dma_wait3A_477] : memref<3x120x128xf32, #tpu.memory_space<vmem>> -> memref<1x120x128xf32, #tpu.memory_space<vmem>>
      %dma_wait3A_479 = tpu.memref_squeeze %dma_wait3A_478 : memref<1x120x128xf32, #tpu.memory_space<vmem>> -> memref<120x128xf32, #tpu.memory_space<vmem>>
      %dma_wait3A_480 = arith.constant 0 : i32
      %dma_wait3A_481 = tpu.memref_slice %arg7[%dma_wait3A_474, %dma_wait3A_475, %dma_wait3A_480] : memref<12x1x120xi32, #tpu.memory_space<vmem>> -> memref<1x1x120xi32, #tpu.memory_space<vmem>>
      %dma_wait3A_482 = tpu.memref_squeeze %dma_wait3A_481 : memref<1x1x120xi32, #tpu.memory_space<vmem>> -> memref<120xi32, #tpu.memory_space<vmem>>
      %dma_wait3A_483 = arith.constant 0 : i32
      %dma_wait3A_484 = arith.constant 0 : i32
      %dma_wait3A_485 = tpu.memref_slice %arg9[%dma_wait3A_483, %dma_wait3A_484] : memref<10240x128xf32, #tpu.memory_space<vmem_shared>> -> memref<10240x128xf32, #tpu.memory_space<vmem_shared>>
      tpu.wait_indirect_dma semaphore(%arg15 : memref<!tpu.dma_semaphore, #tpu.memory_space<semaphore_mem>>) src(%dma_wait3A_479 : memref<120x128xf32, #tpu.memory_space<vmem>>) dst(%dma_wait3A_485 : memref<10240x128xf32, #tpu.memory_space<vmem_shared>>)
      %dma_start3A_486 = arith.constant 2 : i32
      %dma_start3A_487 = arith.constant 0 : i32
      %dma_start3A_488 = arith.constant 0 : i32
      %dma_start3A_489 = tpu.memref_slice %arg8[%dma_start3A_486, %dma_start3A_487, %dma_start3A_488] : memref<3x120x128xf32, #tpu.memory_space<vmem>> -> memref<1x120x128xf32, #tpu.memory_space<vmem>>
      %dma_start3A_490 = tpu.memref_squeeze %dma_start3A_489 : memref<1x120x128xf32, #tpu.memory_space<vmem>> -> memref<120x128xf32, #tpu.memory_space<vmem>>
      %dma_start3A_491 = arith.constant 1320 : i32
      %dma_start3A_492 = tpu.memref_slice %arg6[%dma_start3A_491] : memref<1440xi32, #tpu.memory_space<vmem>> -> memref<120xi32, #tpu.memory_space<vmem>>
      %dma_start3A_493 = arith.constant 0 : i32
      %dma_start3A_494 = arith.constant 0 : i32
      %dma_start3A_495 = tpu.memref_slice %arg2[%dma_start3A_493, %dma_start3A_494] : memref<10000x128xf32, #tpu.memory_space<hbm>> -> memref<10000x128xf32, #tpu.memory_space<hbm>>
      tpu.enqueue_indirect_dma source(%dma_start3A_495 : memref<10000x128xf32, #tpu.memory_space<hbm>>) target(%dma_start3A_490 : memref<120x128xf32, #tpu.memory_space<vmem>>) offsets(%dma_start3A_492 : memref<120xi32, #tpu.memory_space<vmem>>) semaphore(%arg12 : memref<!tpu.dma_semaphore, #tpu.memory_space<semaphore_mem>>)
      %dma_wait3A_496 = arith.constant 0 : i32
      %dma_wait3A_497 = arith.constant 0 : i32
      %dma_wait3A_498 = arith.constant 0 : i32
      %dma_wait3A_499 = tpu.memref_slice %arg8[%dma_wait3A_496, %dma_wait3A_497, %dma_wait3A_498] : memref<3x120x128xf32, #tpu.memory_space<vmem>> -> memref<1x120x128xf32, #tpu.memory_space<vmem>>
      %dma_wait3A_500 = tpu.memref_squeeze %dma_wait3A_499 : memref<1x120x128xf32, #tpu.memory_space<vmem>> -> memref<120x128xf32, #tpu.memory_space<vmem>>
      %dma_wait3A_501 = arith.constant 1080 : i32
      %dma_wait3A_502 = tpu.memref_slice %arg6[%dma_wait3A_501] : memref<1440xi32, #tpu.memory_space<vmem>> -> memref<120xi32, #tpu.memory_space<vmem>>
      %dma_wait3A_503 = arith.constant 0 : i32
      %dma_wait3A_504 = arith.constant 0 : i32
      %dma_wait3A_505 = tpu.memref_slice %arg2[%dma_wait3A_503, %dma_wait3A_504] : memref<10000x128xf32, #tpu.memory_space<hbm>> -> memref<10000x128xf32, #tpu.memory_space<hbm>>
      tpu.wait_indirect_dma semaphore(%arg10 : memref<!tpu.dma_semaphore, #tpu.memory_space<semaphore_mem>>) src(%dma_wait3A_505 : memref<10000x128xf32, #tpu.memory_space<hbm>>) dst(%dma_wait3A_500 : memref<120x128xf32, #tpu.memory_space<vmem>>)
      %dma_start3A_506 = arith.constant 0 : i32
      %dma_start3A_507 = arith.constant 9 : i32
      %dma_start3A_508 = arith.constant 0 : i32
      %dma_start3A_509 = arith.constant 0 : i32
      %dma_start3A_510 = arith.constant 0 : i32
      %dma_start3A_511 = tpu.memref_slice %arg8[%dma_start3A_506, %dma_start3A_509, %dma_start3A_510] : memref<3x120x128xf32, #tpu.memory_space<vmem>> -> memref<1x120x128xf32, #tpu.memory_space<vmem>>
      %dma_start3A_512 = tpu.memref_squeeze %dma_start3A_511 : memref<1x120x128xf32, #tpu.memory_space<vmem>> -> memref<120x128xf32, #tpu.memory_space<vmem>>
      %dma_start3A_513 = arith.constant 0 : i32
      %dma_start3A_514 = tpu.memref_slice %arg7[%dma_start3A_507, %dma_start3A_508, %dma_start3A_513] : memref<12x1x120xi32, #tpu.memory_space<vmem>> -> memref<1x1x120xi32, #tpu.memory_space<vmem>>
      %dma_start3A_515 = tpu.memref_squeeze %dma_start3A_514 : memref<1x1x120xi32, #tpu.memory_space<vmem>> -> memref<120xi32, #tpu.memory_space<vmem>>
      %dma_start3A_516 = arith.constant 0 : i32
      %dma_start3A_517 = arith.constant 0 : i32
      %dma_start3A_518 = tpu.memref_slice %arg9[%dma_start3A_516, %dma_start3A_517] : memref<10240x128xf32, #tpu.memory_space<vmem_shared>> -> memref<10240x128xf32, #tpu.memory_space<vmem_shared>>
      tpu.enqueue_indirect_dma source(%dma_start3A_512 : memref<120x128xf32, #tpu.memory_space<vmem>>) target(%dma_start3A_518 : memref<10240x128xf32, #tpu.memory_space<vmem_shared>>) offsets(%dma_start3A_515 : memref<120xi32, #tpu.memory_space<vmem>>) semaphore(%arg13 : memref<!tpu.dma_semaphore, #tpu.memory_space<semaphore_mem>>) {add = true}
      %dma_wait3A_519 = arith.constant 1 : i32
      %dma_wait3A_520 = arith.constant 0 : i32
      %dma_wait3A_521 = arith.constant 0 : i32
      %dma_wait3A_522 = tpu.memref_slice %arg8[%dma_wait3A_519, %dma_wait3A_520, %dma_wait3A_521] : memref<3x120x128xf32, #tpu.memory_space<vmem>> -> memref<1x120x128xf32, #tpu.memory_space<vmem>>
      %dma_wait3A_523 = tpu.memref_squeeze %dma_wait3A_522 : memref<1x120x128xf32, #tpu.memory_space<vmem>> -> memref<120x128xf32, #tpu.memory_space<vmem>>
      %dma_wait3A_524 = arith.constant 1200 : i32
      %dma_wait3A_525 = tpu.memref_slice %arg6[%dma_wait3A_524] : memref<1440xi32, #tpu.memory_space<vmem>> -> memref<120xi32, #tpu.memory_space<vmem>>
      %dma_wait3A_526 = arith.constant 0 : i32
      %dma_wait3A_527 = arith.constant 0 : i32
      %dma_wait3A_528 = tpu.memref_slice %arg2[%dma_wait3A_526, %dma_wait3A_527] : memref<10000x128xf32, #tpu.memory_space<hbm>> -> memref<10000x128xf32, #tpu.memory_space<hbm>>
      tpu.wait_indirect_dma semaphore(%arg11 : memref<!tpu.dma_semaphore, #tpu.memory_space<semaphore_mem>>) src(%dma_wait3A_528 : memref<10000x128xf32, #tpu.memory_space<hbm>>) dst(%dma_wait3A_523 : memref<120x128xf32, #tpu.memory_space<vmem>>)
      %dma_start3A_529 = arith.constant 1 : i32
      %dma_start3A_530 = arith.constant 10 : i32
      %dma_start3A_531 = arith.constant 0 : i32
      %dma_start3A_532 = arith.constant 0 : i32
      %dma_start3A_533 = arith.constant 0 : i32
      %dma_start3A_534 = tpu.memref_slice %arg8[%dma_start3A_529, %dma_start3A_532, %dma_start3A_533] : memref<3x120x128xf32, #tpu.memory_space<vmem>> -> memref<1x120x128xf32, #tpu.memory_space<vmem>>
      %dma_start3A_535 = tpu.memref_squeeze %dma_start3A_534 : memref<1x120x128xf32, #tpu.memory_space<vmem>> -> memref<120x128xf32, #tpu.memory_space<vmem>>
      %dma_start3A_536 = arith.constant 0 : i32
      %dma_start3A_537 = tpu.memref_slice %arg7[%dma_start3A_530, %dma_start3A_531, %dma_start3A_536] : memref<12x1x120xi32, #tpu.memory_space<vmem>> -> memref<1x1x120xi32, #tpu.memory_space<vmem>>
      %dma_start3A_538 = tpu.memref_squeeze %dma_start3A_537 : memref<1x1x120xi32, #tpu.memory_space<vmem>> -> memref<120xi32, #tpu.memory_space<vmem>>
      %dma_start3A_539 = arith.constant 0 : i32
      %dma_start3A_540 = arith.constant 0 : i32
      %dma_start3A_541 = tpu.memref_slice %arg9[%dma_start3A_539, %dma_start3A_540] : memref<10240x128xf32, #tpu.memory_space<vmem_shared>> -> memref<10240x128xf32, #tpu.memory_space<vmem_shared>>
      tpu.enqueue_indirect_dma source(%dma_start3A_535 : memref<120x128xf32, #tpu.memory_space<vmem>>) target(%dma_start3A_541 : memref<10240x128xf32, #tpu.memory_space<vmem_shared>>) offsets(%dma_start3A_538 : memref<120xi32, #tpu.memory_space<vmem>>) semaphore(%arg14 : memref<!tpu.dma_semaphore, #tpu.memory_space<semaphore_mem>>) {add = true}
      %dma_wait3A_542 = arith.constant 2 : i32
      %dma_wait3A_543 = arith.constant 0 : i32
      %dma_wait3A_544 = arith.constant 0 : i32
      %dma_wait3A_545 = tpu.memref_slice %arg8[%dma_wait3A_542, %dma_wait3A_543, %dma_wait3A_544] : memref<3x120x128xf32, #tpu.memory_space<vmem>> -> memref<1x120x128xf32, #tpu.memory_space<vmem>>
      %dma_wait3A_546 = tpu.memref_squeeze %dma_wait3A_545 : memref<1x120x128xf32, #tpu.memory_space<vmem>> -> memref<120x128xf32, #tpu.memory_space<vmem>>
      %dma_wait3A_547 = arith.constant 1320 : i32
      %dma_wait3A_548 = tpu.memref_slice %arg6[%dma_wait3A_547] : memref<1440xi32, #tpu.memory_space<vmem>> -> memref<120xi32, #tpu.memory_space<vmem>>
      %dma_wait3A_549 = arith.constant 0 : i32
      %dma_wait3A_550 = arith.constant 0 : i32
      %dma_wait3A_551 = tpu.memref_slice %arg2[%dma_wait3A_549, %dma_wait3A_550] : memref<10000x128xf32, #tpu.memory_space<hbm>> -> memref<10000x128xf32, #tpu.memory_space<hbm>>
      tpu.wait_indirect_dma semaphore(%arg12 : memref<!tpu.dma_semaphore, #tpu.memory_space<semaphore_mem>>) src(%dma_wait3A_551 : memref<10000x128xf32, #tpu.memory_space<hbm>>) dst(%dma_wait3A_546 : memref<120x128xf32, #tpu.memory_space<vmem>>)
      %dma_start3A_552 = arith.constant 2 : i32
      %dma_start3A_553 = arith.constant 11 : i32
      %dma_start3A_554 = arith.constant 0 : i32
      %dma_start3A_555 = arith.constant 0 : i32
      %dma_start3A_556 = arith.constant 0 : i32
      %dma_start3A_557 = tpu.memref_slice %arg8[%dma_start3A_552, %dma_start3A_555, %dma_start3A_556] : memref<3x120x128xf32, #tpu.memory_space<vmem>> -> memref<1x120x128xf32, #tpu.memory_space<vmem>>
      %dma_start3A_558 = tpu.memref_squeeze %dma_start3A_557 : memref<1x120x128xf32, #tpu.memory_space<vmem>> -> memref<120x128xf32, #tpu.memory_space<vmem>>
      %dma_start3A_559 = arith.constant 0 : i32
      %dma_start3A_560 = tpu.memref_slice %arg7[%dma_start3A_553, %dma_start3A_554, %dma_start3A_559] : memref<12x1x120xi32, #tpu.memory_space<vmem>> -> memref<1x1x120xi32, #tpu.memory_space<vmem>>
      %dma_start3A_561 = tpu.memref_squeeze %dma_start3A_560 : memref<1x1x120xi32, #tpu.memory_space<vmem>> -> memref<120xi32, #tpu.memory_space<vmem>>
      %dma_start3A_562 = arith.constant 0 : i32
      %dma_start3A_563 = arith.constant 0 : i32
      %dma_start3A_564 = tpu.memref_slice %arg9[%dma_start3A_562, %dma_start3A_563] : memref<10240x128xf32, #tpu.memory_space<vmem_shared>> -> memref<10240x128xf32, #tpu.memory_space<vmem_shared>>
      tpu.enqueue_indirect_dma source(%dma_start3A_558 : memref<120x128xf32, #tpu.memory_space<vmem>>) target(%dma_start3A_564 : memref<10240x128xf32, #tpu.memory_space<vmem_shared>>) offsets(%dma_start3A_561 : memref<120xi32, #tpu.memory_space<vmem>>) semaphore(%arg15 : memref<!tpu.dma_semaphore, #tpu.memory_space<semaphore_mem>>) {add = true}
      %dma_wait3A_565 = arith.constant 0 : i32
      %dma_wait3A_566 = arith.constant 9 : i32
      %dma_wait3A_567 = arith.constant 0 : i32
      %dma_wait3A_568 = arith.constant 0 : i32
      %dma_wait3A_569 = arith.constant 0 : i32
      %dma_wait3A_570 = tpu.memref_slice %arg8[%dma_wait3A_565, %dma_wait3A_568, %dma_wait3A_569] : memref<3x120x128xf32, #tpu.memory_space<vmem>> -> memref<1x120x128xf32, #tpu.memory_space<vmem>>
      %dma_wait3A_571 = tpu.memref_squeeze %dma_wait3A_570 : memref<1x120x128xf32, #tpu.memory_space<vmem>> -> memref<120x128xf32, #tpu.memory_space<vmem>>
      %dma_wait3A_572 = arith.constant 0 : i32
      %dma_wait3A_573 = tpu.memref_slice %arg7[%dma_wait3A_566, %dma_wait3A_567, %dma_wait3A_572] : memref<12x1x120xi32, #tpu.memory_space<vmem>> -> memref<1x1x120xi32, #tpu.memory_space<vmem>>
      %dma_wait3A_574 = tpu.memref_squeeze %dma_wait3A_573 : memref<1x1x120xi32, #tpu.memory_space<vmem>> -> memref<120xi32, #tpu.memory_space<vmem>>
      %dma_wait3A_575 = arith.constant 0 : i32
      %dma_wait3A_576 = arith.constant 0 : i32
      %dma_wait3A_577 = tpu.memref_slice %arg9[%dma_wait3A_575, %dma_wait3A_576] : memref<10240x128xf32, #tpu.memory_space<vmem_shared>> -> memref<10240x128xf32, #tpu.memory_space<vmem_shared>>
      tpu.wait_indirect_dma semaphore(%arg13 : memref<!tpu.dma_semaphore, #tpu.memory_space<semaphore_mem>>) src(%dma_wait3A_571 : memref<120x128xf32, #tpu.memory_space<vmem>>) dst(%dma_wait3A_577 : memref<10240x128xf32, #tpu.memory_space<vmem_shared>>)
      %dma_wait3A_578 = arith.constant 1 : i32
      %dma_wait3A_579 = arith.constant 10 : i32
      %dma_wait3A_580 = arith.constant 0 : i32
      %dma_wait3A_581 = arith.constant 0 : i32
      %dma_wait3A_582 = arith.constant 0 : i32
      %dma_wait3A_583 = tpu.memref_slice %arg8[%dma_wait3A_578, %dma_wait3A_581, %dma_wait3A_582] : memref<3x120x128xf32, #tpu.memory_space<vmem>> -> memref<1x120x128xf32, #tpu.memory_space<vmem>>
      %dma_wait3A_584 = tpu.memref_squeeze %dma_wait3A_583 : memref<1x120x128xf32, #tpu.memory_space<vmem>> -> memref<120x128xf32, #tpu.memory_space<vmem>>
      %dma_wait3A_585 = arith.constant 0 : i32
      %dma_wait3A_586 = tpu.memref_slice %arg7[%dma_wait3A_579, %dma_wait3A_580, %dma_wait3A_585] : memref<12x1x120xi32, #tpu.memory_space<vmem>> -> memref<1x1x120xi32, #tpu.memory_space<vmem>>
      %dma_wait3A_587 = tpu.memref_squeeze %dma_wait3A_586 : memref<1x1x120xi32, #tpu.memory_space<vmem>> -> memref<120xi32, #tpu.memory_space<vmem>>
      %dma_wait3A_588 = arith.constant 0 : i32
      %dma_wait3A_589 = arith.constant 0 : i32
      %dma_wait3A_590 = tpu.memref_slice %arg9[%dma_wait3A_588, %dma_wait3A_589] : memref<10240x128xf32, #tpu.memory_space<vmem_shared>> -> memref<10240x128xf32, #tpu.memory_space<vmem_shared>>
      tpu.wait_indirect_dma semaphore(%arg14 : memref<!tpu.dma_semaphore, #tpu.memory_space<semaphore_mem>>) src(%dma_wait3A_584 : memref<120x128xf32, #tpu.memory_space<vmem>>) dst(%dma_wait3A_590 : memref<10240x128xf32, #tpu.memory_space<vmem_shared>>)
      %dma_wait3A_591 = arith.constant 2 : i32
      %dma_wait3A_592 = arith.constant 11 : i32
      %dma_wait3A_593 = arith.constant 0 : i32
      %dma_wait3A_594 = arith.constant 0 : i32
      %dma_wait3A_595 = arith.constant 0 : i32
      %dma_wait3A_596 = tpu.memref_slice %arg8[%dma_wait3A_591, %dma_wait3A_594, %dma_wait3A_595] : memref<3x120x128xf32, #tpu.memory_space<vmem>> -> memref<1x120x128xf32, #tpu.memory_space<vmem>>
      %dma_wait3A_597 = tpu.memref_squeeze %dma_wait3A_596 : memref<1x120x128xf32, #tpu.memory_space<vmem>> -> memref<120x128xf32, #tpu.memory_space<vmem>>
      %dma_wait3A_598 = arith.constant 0 : i32
      %dma_wait3A_599 = tpu.memref_slice %arg7[%dma_wait3A_592, %dma_wait3A_593, %dma_wait3A_598] : memref<12x1x120xi32, #tpu.memory_space<vmem>> -> memref<1x1x120xi32, #tpu.memory_space<vmem>>
      %dma_wait3A_600 = tpu.memref_squeeze %dma_wait3A_599 : memref<1x1x120xi32, #tpu.memory_space<vmem>> -> memref<120xi32, #tpu.memory_space<vmem>>
      %dma_wait3A_601 = arith.constant 0 : i32
      %dma_wait3A_602 = arith.constant 0 : i32
      %dma_wait3A_603 = tpu.memref_slice %arg9[%dma_wait3A_601, %dma_wait3A_602] : memref<10240x128xf32, #tpu.memory_space<vmem_shared>> -> memref<10240x128xf32, #tpu.memory_space<vmem_shared>>
      tpu.wait_indirect_dma semaphore(%arg15 : memref<!tpu.dma_semaphore, #tpu.memory_space<semaphore_mem>>) src(%dma_wait3A_597 : memref<120x128xf32, #tpu.memory_space<vmem>>) dst(%dma_wait3A_603 : memref<10240x128xf32, #tpu.memory_space<vmem_shared>>)
    }
    %scan3A_40 = arith.constant 7 : i32
    %barrier3A_41 = arith.constant 0 : index
    tpu.barrier barrier_id(%barrier3A_41)
    %mul3A_42 = arith.constant 640 : i32
    %mul3A_43 = arith.muli %arg1, %mul3A_42 : i32
    %mul3A_44 = arith.constant 640 : i32
    %mul3A_45 = arith.muli %arg1, %mul3A_44 : i32
    "tpu.region"() ({
      %run_scoped3A_46 = tpu.sem_alloc : memref<!tpu.dma_semaphore, #tpu.memory_space<semaphore_mem>>
      %dma_start3A = arith.constant 0 : i32
      %dma_start3A_47 = tpu.memref_slice %arg5[%arg0, %mul3A_45, %dma_start3A] : memref<2x10240x128xf32, #tpu.memory_space<hbm>> -> memref<1x640x128xf32, #tpu.memory_space<hbm>>
      %dma_start3A_48 = tpu.memref_squeeze %dma_start3A_47 : memref<1x640x128xf32, #tpu.memory_space<hbm>> -> memref<640x128xf32, #tpu.memory_space<hbm>>
      %dma_start3A_49 = arith.constant 0 : i32
      %dma_start3A_50 = tpu.memref_slice %arg9[%mul3A_43, %dma_start3A_49] : memref<10240x128xf32, #tpu.memory_space<vmem_shared>> -> memref<640x128xf32, #tpu.memory_space<vmem_shared>>
      tpu.enqueue_dma source(%dma_start3A_50 : memref<640x128xf32, #tpu.memory_space<vmem_shared>>) target(%dma_start3A_48 : memref<640x128xf32, #tpu.memory_space<hbm>>) target_semaphore(%run_scoped3A_46 : memref<!tpu.dma_semaphore, #tpu.memory_space<semaphore_mem>>)
      %dma_wait3A = arith.constant 0 : i32
      %dma_wait3A_51 = tpu.memref_slice %arg5[%arg0, %mul3A_45, %dma_wait3A] : memref<2x10240x128xf32, #tpu.memory_space<hbm>> -> memref<1x640x128xf32, #tpu.memory_space<hbm>>
      %dma_wait3A_52 = tpu.memref_squeeze %dma_wait3A_51 : memref<1x640x128xf32, #tpu.memory_space<hbm>> -> memref<640x128xf32, #tpu.memory_space<hbm>>
      %dma_wait3A_53 = arith.constant 0 : i32
      %dma_wait3A_54 = tpu.memref_slice %arg9[%mul3A_43, %dma_wait3A_53] : memref<10240x128xf32, #tpu.memory_space<vmem_shared>> -> memref<640x128xf32, #tpu.memory_space<vmem_shared>>
      tpu.wait_dma2 semaphore(%run_scoped3A_46 : memref<!tpu.dma_semaphore, #tpu.memory_space<semaphore_mem>>) src(%dma_wait3A_54 : memref<640x128xf32, #tpu.memory_space<vmem_shared>>) dst(%dma_wait3A_52 : memref<640x128xf32, #tpu.memory_space<hbm>>)
      tpu.yield
    }) : () -> ()
    return
  }
}

module attributes {stable_mosaic.version = 14 : i64} {
  func.func @_lin1_body(%arg0: i32, %arg1: memref<2000x128xf32, #tpu.memory_space<vmem>>, %arg2: memref<128x128xf32, #tpu.memory_space<vmem>>, %arg3: memref<2000x32xf32, #tpu.memory_space<vmem>>, %arg4: memref<2000x128xf32, #tpu.memory_space<vmem>>) attributes {dimension_semantics = [#tpu.dimension_semantics<arbitrary>], iteration_bounds = array<i64: 5>, scalar_prefetch = 0 : i64, scratch_operands = 0 : i64, tpu.core_type = #tpu.core_type<tc>, window_params = [{transform_indices = @transform_0, window_bounds = array<i64: 2000, 128>}, {pipeline_mode = #tpu.pipeline_mode<synchronous>, transform_indices = @transform_1, window_bounds = array<i64: 128, 128>}, {transform_indices = @transform_2, window_bounds = array<i64: 2000, 32>}, {transform_indices = @transform_3, window_bounds = array<i64: 2000, 128>}]} {
    %get3A = arith.constant 0 : index
    %get3A_0 = arith.constant 0 : index
    %get3A_1 = vector.load %arg3[%get3A, %get3A_0] : memref<2000x32xf32, #tpu.memory_space<vmem>>, vector<2000x32xf32>
    %reduce_sum3A = arith.constant dense<0.000000e+00> : vector<2000xf32>
    %reduce_sum3A_2 = vector.multi_reduction <add>, %get3A_1, %reduce_sum3A [1] : vector<2000x32xf32> to vector<2000xf32>
    %broadcast_in_dim3A = vector.shape_cast %reduce_sum3A_2 : vector<2000xf32> to vector<2000x1xf32>
    %add3A = arith.constant 1.000000e+00 : f32
    %add3A_3 = vector.broadcast %add3A : f32 to vector<2000x1xf32>
    %add3A_4 = arith.addf %broadcast_in_dim3A, %add3A_3 : vector<2000x1xf32>
    %rsqrt3A = math.rsqrt %add3A_4 : vector<2000x1xf32>
    %get3A_5 = arith.constant 0 : index
    %get3A_6 = arith.constant 0 : index
    %get3A_7 = vector.load %arg1[%get3A_5, %get3A_6] : memref<2000x128xf32, #tpu.memory_space<vmem>>, vector<2000x128xf32>
    %get3A_8 = arith.constant 0 : index
    %get3A_9 = arith.constant 0 : index
    %get3A_10 = vector.load %arg2[%get3A_8, %get3A_9] : memref<128x128xf32, #tpu.memory_space<vmem>>, vector<128x128xf32>
    %dot_general3A = arith.constant dense<0.000000e+00> : vector<2000x128xf32>
    %dot_general3A_11 = tpu.matmul %get3A_7, %get3A_10, %dot_general3A {dimension_numbers = #tpu.dot_dimension_numbers<[1], [0], [0], [1], [0, 0, 1, 1], [], []>, transpose_lhs_hint = false} : vector<2000x128xf32>, vector<128x128xf32>, vector<2000x128xf32> -> vector<2000x128xf32>
    %mul3A = vector.broadcast %rsqrt3A : vector<2000x1xf32> to vector<2000x128xf32>
    %mul3A_12 = arith.mulf %dot_general3A_11, %mul3A : vector<2000x128xf32>
    %swap3A = arith.constant 0 : index
    %swap3A_13 = arith.constant 0 : index
    %swap3A_14 = vector.load %arg4[%swap3A, %swap3A_13] : memref<2000x128xf32, #tpu.memory_space<vmem>>, vector<2000x128xf32>
    tpu.vector_store %arg4[%swap3A, %swap3A_13], %mul3A_12 {strides = array<i32>} : memref<2000x128xf32, #tpu.memory_space<vmem>>, vector<2000x128xf32>,
    return
  }
  func.func @transform_0(%arg0: i32) -> (i32, i32) {
    %c0_i32 = arith.constant 0 : i32
    %c0_i32_0 = arith.constant 0 : i32
    return %arg0, %c0_i32 : i32, i32
  }
  func.func @transform_1(%arg0: i32) -> (i32, i32) {
    %c0_i32 = arith.constant 0 : i32
    %c0_i32_0 = arith.constant 0 : i32
    %c0_i32_1 = arith.constant 0 : i32
    return %c0_i32, %c0_i32_0 : i32, i32
  }
  func.func @transform_2(%arg0: i32) -> (i32, i32) {
    %c0_i32 = arith.constant 0 : i32
    %c0_i32_0 = arith.constant 0 : i32
    return %arg0, %c0_i32 : i32, i32
  }
  func.func @transform_3(%arg0: i32) -> (i32, i32) {
    %c0_i32 = arith.constant 0 : i32
    %c0_i32_0 = arith.constant 0 : i32
    return %arg0, %c0_i32 : i32, i32
  }
}

module attributes {stable_mosaic.version = 14 : i64} {
  func.func @_mid_body(%arg0: i32, %arg1: memref<2x2000x128xf32, #tpu.memory_space<vmem>>, %arg2: memref<2000x128xf32, #tpu.memory_space<vmem>>, %arg3: memref<2000x32xf32, #tpu.memory_space<vmem>>, %arg4: memref<1x128xf32, #tpu.memory_space<vmem>>, %arg5: memref<128x128xf32, #tpu.memory_space<vmem>>, %arg6: memref<2000x128xf32, #tpu.memory_space<vmem>>) attributes {dimension_semantics = [#tpu.dimension_semantics<arbitrary>], iteration_bounds = array<i64: 5>, scalar_prefetch = 0 : i64, scratch_operands = 0 : i64, tpu.core_type = #tpu.core_type<tc>, window_params = [{transform_indices = @transform_0, window_bounds = array<i64: 2, 2000, 128>}, {transform_indices = @transform_1, window_bounds = array<i64: 2000, 128>}, {transform_indices = @transform_2, window_bounds = array<i64: 2000, 32>}, {pipeline_mode = #tpu.pipeline_mode<synchronous>, transform_indices = @transform_3, window_bounds = array<i64: 1, 128>}, {pipeline_mode = #tpu.pipeline_mode<synchronous>, transform_indices = @transform_4, window_bounds = array<i64: 128, 128>}, {transform_indices = @transform_5, window_bounds = array<i64: 2000, 128>}]} {
    %get3A = arith.constant 0 : index
    %get3A_0 = arith.constant 0 : index
    %get3A_1 = vector.load %arg3[%get3A, %get3A_0] : memref<2000x32xf32, #tpu.memory_space<vmem>>, vector<2000x32xf32>
    %reduce_sum3A = arith.constant dense<0.000000e+00> : vector<2000xf32>
    %reduce_sum3A_2 = vector.multi_reduction <add>, %get3A_1, %reduce_sum3A [1] : vector<2000x32xf32> to vector<2000xf32>
    %broadcast_in_dim3A = vector.shape_cast %reduce_sum3A_2 : vector<2000xf32> to vector<2000x1xf32>
    %add3A = arith.constant 1.000000e+00 : f32
    %add3A_3 = vector.broadcast %add3A : f32 to vector<2000x1xf32>
    %add3A_4 = arith.addf %broadcast_in_dim3A, %add3A_3 : vector<2000x1xf32>
    %rsqrt3A = math.rsqrt %add3A_4 : vector<2000x1xf32>
    %get3A_5 = arith.constant 0 : index
    %get3A_6 = arith.constant 0 : index
    %get3A_7 = arith.constant 0 : index
    %get3A_8 = vector.load %arg1[%get3A_5, %get3A_6, %get3A_7] : memref<2x2000x128xf32, #tpu.memory_space<vmem>>, vector<1x2000x128xf32>
    %get3A_9 = vector.shape_cast %get3A_8 : vector<1x2000x128xf32> to vector<2000x128xf32>
    %get3A_10 = arith.constant 1 : index
    %get3A_11 = arith.constant 0 : index
    %get3A_12 = arith.constant 0 : index
    %get3A_13 = vector.load %arg1[%get3A_10, %get3A_11, %get3A_12] : memref<2x2000x128xf32, #tpu.memory_space<vmem>>, vector<1x2000x128xf32>
    %get3A_14 = vector.shape_cast %get3A_13 : vector<1x2000x128xf32> to vector<2000x128xf32>
    %add3A_15 = arith.addf %get3A_9, %get3A_14 : vector<2000x128xf32>
    %get3A_16 = arith.constant 0 : index
    %get3A_17 = arith.constant 0 : index
    %get3A_18 = vector.load %arg2[%get3A_16, %get3A_17] : memref<2000x128xf32, #tpu.memory_space<vmem>>, vector<2000x128xf32>
    %add3A_19 = arith.addf %add3A_15, %get3A_18 : vector<2000x128xf32>
    %mul3A = vector.broadcast %rsqrt3A : vector<2000x1xf32> to vector<2000x128xf32>
    %mul3A_20 = arith.mulf %mul3A, %add3A_19 : vector<2000x128xf32>
    %get3A_21 = arith.constant 0 : index
    %get3A_22 = arith.constant 0 : index
    %get3A_23 = vector.load %arg4[%get3A_21, %get3A_22] : memref<1x128xf32, #tpu.memory_space<vmem>>, vector<1x128xf32>
    %add3A_24 = vector.broadcast %get3A_23 : vector<1x128xf32> to vector<2000x128xf32>
    %add3A_25 = arith.addf %mul3A_20, %add3A_24 : vector<2000x128xf32>
    %max3A = arith.constant 0.000000e+00 : f32
    %max3A_26 = vector.broadcast %max3A : f32 to vector<2000x128xf32>
    %max3A_27 = arith.maximumf %add3A_25, %max3A_26 : vector<2000x128xf32>
    %get3A_28 = arith.constant 0 : index
    %get3A_29 = arith.constant 0 : index
    %get3A_30 = vector.load %arg5[%get3A_28, %get3A_29] : memref<128x128xf32, #tpu.memory_space<vmem>>, vector<128x128xf32>
    %dot_general3A = arith.constant dense<0.000000e+00> : vector<2000x128xf32>
    %dot_general3A_31 = tpu.matmul %max3A_27, %get3A_30, %dot_general3A {dimension_numbers = #tpu.dot_dimension_numbers<[1], [0], [0], [1], [0, 0, 1, 1], [], []>, transpose_lhs_hint = false} : vector<2000x128xf32>, vector<128x128xf32>, vector<2000x128xf32> -> vector<2000x128xf32>
    %mul3A_32 = vector.broadcast %rsqrt3A : vector<2000x1xf32> to vector<2000x128xf32>
    %mul3A_33 = arith.mulf %mul3A_32, %dot_general3A_31 : vector<2000x128xf32>
    %swap3A = arith.constant 0 : index
    %swap3A_34 = arith.constant 0 : index
    %swap3A_35 = vector.load %arg6[%swap3A, %swap3A_34] : memref<2000x128xf32, #tpu.memory_space<vmem>>, vector<2000x128xf32>
    tpu.vector_store %arg6[%swap3A, %swap3A_34], %mul3A_33 {strides = array<i32>} : memref<2000x128xf32, #tpu.memory_space<vmem>>, vector<2000x128xf32>,
    return
  }
  func.func @transform_0(%arg0: i32) -> (i32, i32, i32) {
    %c0_i32 = arith.constant 0 : i32
    %c0_i32_0 = arith.constant 0 : i32
    %c0_i32_1 = arith.constant 0 : i32
    return %c0_i32, %arg0, %c0_i32_0 : i32, i32, i32
  }
  func.func @transform_1(%arg0: i32) -> (i32, i32) {
    %c0_i32 = arith.constant 0 : i32
    %c0_i32_0 = arith.constant 0 : i32
    return %arg0, %c0_i32 : i32, i32
  }
  func.func @transform_2(%arg0: i32) -> (i32, i32) {
    %c0_i32 = arith.constant 0 : i32
    %c0_i32_0 = arith.constant 0 : i32
    return %arg0, %c0_i32 : i32, i32
  }
  func.func @transform_3(%arg0: i32) -> (i32, i32) {
    %c0_i32 = arith.constant 0 : i32
    %c0_i32_0 = arith.constant 0 : i32
    %c0_i32_1 = arith.constant 0 : i32
    return %c0_i32, %c0_i32_0 : i32, i32
  }
  func.func @transform_4(%arg0: i32) -> (i32, i32) {
    %c0_i32 = arith.constant 0 : i32
    %c0_i32_0 = arith.constant 0 : i32
    %c0_i32_1 = arith.constant 0 : i32
    return %c0_i32, %c0_i32_0 : i32, i32
  }
  func.func @transform_5(%arg0: i32) -> (i32, i32) {
    %c0_i32 = arith.constant 0 : i32
    %c0_i32_0 = arith.constant 0 : i32
    return %arg0, %c0_i32 : i32, i32
  }
}

module attributes {stable_mosaic.version = 14 : i64} {
  func.func @_fin_body(%arg0: i32, %arg1: memref<2x2000x128xf32, #tpu.memory_space<vmem>>, %arg2: memref<2000x128xf32, #tpu.memory_space<vmem>>, %arg3: memref<2000x32xf32, #tpu.memory_space<vmem>>, %arg4: memref<1x128xf32, #tpu.memory_space<vmem>>, %arg5: memref<2000x128xf32, #tpu.memory_space<vmem>>) attributes {dimension_semantics = [#tpu.dimension_semantics<arbitrary>], iteration_bounds = array<i64: 5>, scalar_prefetch = 0 : i64, scratch_operands = 0 : i64, tpu.core_type = #tpu.core_type<tc>, window_params = [{transform_indices = @transform_0, window_bounds = array<i64: 2, 2000, 128>}, {transform_indices = @transform_1, window_bounds = array<i64: 2000, 128>}, {transform_indices = @transform_2, window_bounds = array<i64: 2000, 32>}, {pipeline_mode = #tpu.pipeline_mode<synchronous>, transform_indices = @transform_3, window_bounds = array<i64: 1, 128>}, {transform_indices = @transform_4, window_bounds = array<i64: 2000, 128>}]} {
    %get3A = arith.constant 0 : index
    %get3A_0 = arith.constant 0 : index
    %get3A_1 = vector.load %arg3[%get3A, %get3A_0] : memref<2000x32xf32, #tpu.memory_space<vmem>>, vector<2000x32xf32>
    %reduce_sum3A = arith.constant dense<0.000000e+00> : vector<2000xf32>
    %reduce_sum3A_2 = vector.multi_reduction <add>, %get3A_1, %reduce_sum3A [1] : vector<2000x32xf32> to vector<2000xf32>
    %broadcast_in_dim3A = vector.shape_cast %reduce_sum3A_2 : vector<2000xf32> to vector<2000x1xf32>
    %add3A = arith.constant 1.000000e+00 : f32
    %add3A_3 = vector.broadcast %add3A : f32 to vector<2000x1xf32>
    %add3A_4 = arith.addf %broadcast_in_dim3A, %add3A_3 : vector<2000x1xf32>
    %rsqrt3A = math.rsqrt %add3A_4 : vector<2000x1xf32>
    %get3A_5 = arith.constant 0 : index
    %get3A_6 = arith.constant 0 : index
    %get3A_7 = arith.constant 0 : index
    %get3A_8 = vector.load %arg1[%get3A_5, %get3A_6, %get3A_7] : memref<2x2000x128xf32, #tpu.memory_space<vmem>>, vector<1x2000x128xf32>
    %get3A_9 = vector.shape_cast %get3A_8 : vector<1x2000x128xf32> to vector<2000x128xf32>
    %get3A_10 = arith.constant 1 : index
    %get3A_11 = arith.constant 0 : index
    %get3A_12 = arith.constant 0 : index
    %get3A_13 = vector.load %arg1[%get3A_10, %get3A_11, %get3A_12] : memref<2x2000x128xf32, #tpu.memory_space<vmem>>, vector<1x2000x128xf32>
    %get3A_14 = vector.shape_cast %get3A_13 : vector<1x2000x128xf32> to vector<2000x128xf32>
    %add3A_15 = arith.addf %get3A_9, %get3A_14 : vector<2000x128xf32>
    %get3A_16 = arith.constant 0 : index
    %get3A_17 = arith.constant 0 : index
    %get3A_18 = vector.load %arg2[%get3A_16, %get3A_17] : memref<2000x128xf32, #tpu.memory_space<vmem>>, vector<2000x128xf32>
    %add3A_19 = arith.addf %add3A_15, %get3A_18 : vector<2000x128xf32>
    %mul3A = vector.broadcast %rsqrt3A : vector<2000x1xf32> to vector<2000x128xf32>
    %mul3A_20 = arith.mulf %mul3A, %add3A_19 : vector<2000x128xf32>
    %get3A_21 = arith.constant 0 : index
    %get3A_22 = arith.constant 0 : index
    %get3A_23 = vector.load %arg4[%get3A_21, %get3A_22] : memref<1x128xf32, #tpu.memory_space<vmem>>, vector<1x128xf32>
    %add3A_24 = vector.broadcast %get3A_23 : vector<1x128xf32> to vector<2000x128xf32>
    %add3A_25 = arith.addf %mul3A_20, %add3A_24 : vector<2000x128xf32>
    %swap3A = arith.constant 0 : index
    %swap3A_26 = arith.constant 0 : index
    %swap3A_27 = vector.load %arg5[%swap3A, %swap3A_26] : memref<2000x128xf32, #tpu.memory_space<vmem>>, vector<2000x128xf32>
    tpu.vector_store %arg5[%swap3A, %swap3A_26], %add3A_25 {strides = array<i32>} : memref<2000x128xf32, #tpu.memory_space<vmem>>, vector<2000x128xf32>,
    return
  }
  func.func @transform_0(%arg0: i32) -> (i32, i32, i32) {
    %c0_i32 = arith.constant 0 : i32
    %c0_i32_0 = arith.constant 0 : i32
    %c0_i32_1 = arith.constant 0 : i32
    return %c0_i32, %arg0, %c0_i32_0 : i32, i32, i32
  }
  func.func @transform_1(%arg0: i32) -> (i32, i32) {
    %c0_i32 = arith.constant 0 : i32
    %c0_i32_0 = arith.constant 0 : i32
    return %arg0, %c0_i32 : i32, i32
  }
  func.func @transform_2(%arg0: i32) -> (i32, i32) {
    %c0_i32 = arith.constant 0 : i32
    %c0_i32_0 = arith.constant 0 : i32
    return %arg0, %c0_i32 : i32, i32
  }
  func.func @transform_3(%arg0: i32) -> (i32, i32) {
    %c0_i32 = arith.constant 0 : i32
    %c0_i32_0 = arith.constant 0 : i32
    %c0_i32_1 = arith.constant 0 : i32
    return %c0_i32, %c0_i32_0 : i32, i32
  }
  func.func @transform_4(%arg0: i32) -> (i32, i32) {
    %c0_i32 = arith.constant 0 : i32
    %c0_i32_0 = arith.constant 0 : i32
    return %arg0, %c0_i32 : i32, i32
  }
}

</mosaic_0001>

<sc_bundles>
// kernel: kernel.11.cloned.1.call-start
scs
__scs_entry_jumppad:
0x0: {  	(pc) =	sbr.rel $0x88, $3  }
0x1: {  	(tag) =	ssettag $0x0;
	lr =	simm.s32 $0x1  }
0x2: {  	[smem:$0x3F9B] =	sst lr;
	_ =	strace $0xD0000000  }
0x3: {  	_ = 	snop  }
0x4: {  	_ = 	snop  }
0x5: {  	_ = 	snop  }
0x6: {  	_ = 	snop  }
0x7: {  	_ = 	snop  }
__scs_overlays_trampoline_lowered:
0x8: {  	[smem:$0x3FAA] =	sst s0  }
0x9: {  	[smem:$0x3FAB] =	sst s1  }
0xa: {  	[smem:$0x3FAC] =	sst s2  }
0xb: {  	[smem:$0x3FAD] =	sst s3  }
0xc: {  	[smem:$0x3FAE] =	sst s4  }
0xd: {  	[smem:$0x3FAF] =	sst s5  }
0xe: {  	[smem:$0x3FB0] =	sst s6  }
0xf: {  	[smem:$0x3FB1] =	sst s7  }
0x10: {  	[smem:$0x3FB2] =	sst s8  }
0x11: {  	[smem:$0x3FB3] =	sst s9;
	s0 =	simm.s32 @!p0 $0x0  }
0x12: {  	s1 =	sld [smem:$0x3F99];
	s0 =	simm.s32 @p0 $0x1  }
0x13: {  	[smem:$0x3FB4] =	sst s0;
	s0 =	simm.s32 @!p1 $0x0  }
0x14: {  	s2 =	sld [smem:$0x3F98];
	s0 =	simm.s32 @p1 $0x1  }
0x15: {  	[smem:$0x3FB5] =	sst s0;
	s0 =	simm.s32 @!p2 $0x0  }
0x16: {  	s3 =	sld [smem:$0x3FDB];
	s0 =	simm.s32 @p2 $0x1  }
0x17: {  	s4 =	simm.s32 $0x1BF5;
	[smem:$0x3FB7] =	sst s0  }
0x18: {  	s0 =	sld [smem:$0x3F9A];
	_ =	swait.ge [sflag:s4], $0x0  }
0x19: {  	s7 =	sld [smem:$0x3F9B]  }
0x1a: {  	s8 =	sadd.s32 $0xFFFFE003, lr  }
0x1b: {  	s9 =	sadd.s32 $0xFFFFFEF7, lr;
	s5 =	simm.s32 $0xFFFFFFFF;
	p2 =	slt.u32 s8, $0xFFFFF086  }
0x1c: {  	p1 =	slt.u32 s9, $0xF7A;
	s5 =	simm.s32 @!p2 $0x0  }
0x1d: {  	s5 =	simm.s32 @p1 $0x1;
	p0 =	seq.s32 s7, s2  }
0x1e: {  	s7 =	smul.u32 @!p0 $0xF7A, s2;
	p2 =	seq.s32 @!p0 s5, $0x0  }
0x1f: {  	s9 =	smul.u32 $0xF7A, s1;
	s8 =	simm.s32 @!p0 $0x1BF5;
	p2 =	por !p2, p0  }
0x20: {  	[sflag:s8] =	ssyncset.s32 @!p0 $0xFFFFF086;
	s6 =	sadd.s32 @!p0 s3, s7;
	s7 =	simm.s32 @!p0 $0x108  }
0x21: {  	s3 =	sadd.s32 s3, s9;
	s6 =	sadd.s32 @!p0 $0x88, s6;
	s7 =	simm.s32 @p2 $0x1082  }
0x22: {  	[simem:s7], [sflag:s8] =	dma.local @!p0 [hbm:s6], $0xF7A  }
0x23: {  	s9 =	sor.u32 $0xD0000000, s2;
	s6 =	simm.s32 $0x108;
	_ =	swait.ge @!p0 [sflag:s8], $0x0  }
0x24: {  	s3 =	sadd.s32 $0x88, s3;
	s6 =	simm.s32 @!p1 $0x1082;
	[sflag:s4] =	ssyncset.s32 $0xFFFFF086  }
0x25: {  	[simem:s6], [sflag:s4] =	dma.local [hbm:s3], $0xF7A  }
0x26: {  	[smem:$0x3F9B] =	sst s1;
	(tag) =	ssettag s2;
	_ =	strace s9  }
0x27: {  	s1 =	sld [smem:$0x3FAB]  }
0x28: {  	s2 =	sld [smem:$0x3FAC]  }
0x29: {  	s4 =	sld [smem:$0x3FAE]  }
0x2a: {  	p0 =	seq.s32 s5, $0x0;
	s5 =	sld [smem:$0x3FAF]  }
0x2b: {  	s6 =	sld [smem:$0x3FB0]  }
0x2c: {  	s7 =	sld [smem:$0x3FB1]  }
0x2d: {  	s3 =	simm.s32 $0x108;
	s8 =	sld [smem:$0x3FB2]  }
0x2e: {  	s3 =	simm.s32 @!p0 $0x1082;
	s9 =	sld [smem:$0x3FB3]  }
0x2f: {  	lr =	sadd.s32 s0, s3;
	s0 =	sld [smem:$0x3FAA]  }
0x30: {  	s3 =	sld [smem:$0x3FAD]  }
0x31: {  	[smem:$0x3FB6] =	sst s10  }
0x32: {  	s10 =	sld [smem:$0x3FB4];
	_ =	sdelay $0x3  }
0x33: {  	p0 =	seq.s32 s10, $0x1;
	s10 =	sld [smem:$0x3FB6];
	_ =	sdelay $0x3  }
0x34: {  	[smem:$0x3FB6] =	sst s10  }
0x35: {  	s10 =	sld [smem:$0x3FB5];
	_ =	sdelay $0x3  }
0x36: {  	p1 =	seq.s32 s10, $0x1;
	s10 =	sld [smem:$0x3FB6];
	_ =	sdelay $0x3  }
0x37: {  	[smem:$0x3FB6] =	sst s10  }
0x38: {  	s10 =	sld [smem:$0x3FB7]  }
0x39: {  	_ = 	snop;
	(pc) =	sbr.ind lr, $3  }
0x3a: {  	_ = 	snop  }
0x3b: {  	_ = 	snop  }
0x3c: {  	p2 =	seq.s32 s10, $0x1;
	s10 =	sld [smem:$0x3FB6]  }
0x3d: {  	_ =	shalt  }
0x3e: {  	_ =	shalt  }
0x3f: {  	_ =	shalt  }
0x40: {  	_ =	shalt  }
0x41: {  	_ =	shalt  }
0x42: {  	_ =	shalt  }
0x43: {  	_ =	shalt  }
0x44: {  	_ =	shalt  }
0x45: {  	_ =	shalt  }
0x46: {  	_ =	shalt  }
0x47: {  	_ =	shalt  }
0x48: {  	_ =	shalt  }
0x49: {  	_ =	shalt  }
0x4a: {  	_ =	shalt  }
0x4b: {  	_ =	shalt  }
0x4c: {  	_ =	shalt  }
0x4d: {  	_ =	shalt  }
0x4e: {  	_ =	shalt  }
0x4f: {  	_ =	shalt  }
0x50: {  	_ =	shalt  }
0x51: {  	_ =	shalt  }
0x52: {  	_ =	shalt  }
0x53: {  	_ =	shalt  }
0x54: {  	_ =	shalt  }
0x55: {  	_ =	shalt  }
0x56: {  	_ =	shalt  }
0x57: {  	_ =	shalt  }
0x58: {  	_ =	shalt  }
0x59: {  	_ =	shalt  }
0x5a: {  	_ =	shalt  }
0x5b: {  	_ =	shalt  }
0x5c: {  	_ =	shalt  }
0x5d: {  	_ =	shalt  }
0x5e: {  	_ =	shalt  }
0x5f: {  	_ =	shalt  }
0x60: {  	_ =	shalt  }
0x61: {  	_ =	shalt  }
0x62: {  	_ =	shalt  }
0x63: {  	_ =	shalt  }
0x64: {  	_ =	shalt  }
0x65: {  	_ =	shalt  }
0x66: {  	_ =	shalt  }
0x67: {  	_ =	shalt  }
0x68: {  	_ =	shalt  }
0x69: {  	_ =	shalt  }
0x6a: {  	_ =	shalt  }
0x6b: {  	_ =	shalt  }
0x6c: {  	_ =	shalt  }
0x6d: {  	_ =	shalt  }
0x6e: {  	_ =	shalt  }
0x6f: {  	_ =	shalt  }
0x70: {  	_ =	shalt  }
0x71: {  	_ =	shalt  }
0x72: {  	_ =	shalt  }
0x73: {  	_ =	shalt  }
0x74: {  	_ =	shalt  }
0x75: {  	_ =	shalt  }
0x76: {  	_ =	shalt  }
0x77: {  	_ =	shalt  }
0x78: {  	_ =	shalt  }
0x79: {  	_ =	shalt  }
0x7a: {  	_ =	shalt  }
0x7b: {  	_ =	shalt  }
0x7c: {  	_ =	shalt  }
0x7d: {  	_ =	shalt  }
0x7e: {  	_ =	shalt  }
0x7f: {  	_ =	shalt  }
0x80: {  	_ =	shalt  }
0x81: {  	_ =	shalt  }
0x82: {  	_ =	shalt  }
0x83: {  	_ =	shalt  }
0x84: {  	_ =	shalt  }
0x85: {  	_ =	shalt  }
0x86: {  	_ =	shalt  }
0x87: {  	_ =	shalt  }
.Lfunc_end0:
.L_simem_size_0:
called_computation.1_lowered:
.L_overlay_start_0:
0x88: {  	s2 =	sld [smem:$0x3FD9]  }
0x89: {  	s3 =	sld [smem:$0x3FFE];
	_ =	sdelay $0x1  }
0x8a: {  	s1 =	srdreg.scid  }
0x8b: {  	s0 =	sand.u32 $0x1, s1  }
0x8c: {  	s17 =	sshll.u32 s0, $0xA;
	s2 =	sadd.s32 s3, s2  }
0x8d: {  	s2 =	sadd.s32 s2, s17  }
0x8e: {  	[smem:$0x3FC2] =	sst s2  }
0x8f: {  	_ = 	snop  }
0x90: {  	s2 =	sld [smem:$0x3FD0];
	(tm) =	ssettm $0x1  }
0x91: {  	s18 =	sld [smem:$0x3FFB];
	_ =	sdelay $0x3  }
0x92: {  	_ =	strace s18  }
0x93: {  	s3 =	sld [smem:$0x3FFC];
	_ =	sdelay $0x3  }
0x94: {  	_ =	strace s3  }
0x95: {  	s3 =	sld [smem:$0x3FFD];
	_ =	sdelay $0x3  }
0x96: {  	_ =	strace s3  }
0x97: {  	_ =	strace $0x8FFFFFFF  }
0x98: {  	s19 =	sld [smem:$0x3FDB];
	_ =	sdelay $0x1  }
0x99: {  	s4 =	simm.s32 $_scs_section_size  }
0x9a: {  	s5 =	simm.s32 $_size__tile_overlayer_lowered;
	s6 =	simm.s32 $_tile_overlayer_lowered  }
0x9b: {  	s22 =	simm.s32 $0x1BFF;
	s21 =	sshll.u32 s6, $0x1;
	s3 =	sadd.s32 s4, s19  }
0x9c: {  	s7 =	simm.s32 $0x0;
	s20 =	sshll.u32 s5, $0x1;
	s5 =	sadd.s32 s21, s3  }
0x9d: {  	[timem:s7], [sflag:s22] =	dma.local [hbm:s5], s20  }
0x9e: {  	_ =	swait.ge [sflag:s22], s20  }
0x9f: {  	s4 =	ssub.s32 $0x0, s20;
	[sflag:s22] =	ssyncset.done $0x0  }
0xa0: {  	[sflag:s22] =	ssyncadd.s32 s4;
	_ =	sdelay $0x1  }
0xa1: {  	s23 =	simm.s32 $0x1B8B  }
0xa2: {  	_ =	swait.ge [sflag:s23], $0x1  }
0xa3: {  	[sflag:s23] =	ssyncset.done $0x0  }
0xa4: {  	s25 =	simm.s32 $0x1B8E;
	s24 =	sld [smem:$0x3FFE];
	[sflag:s23] =	ssyncadd.s32 $0xFFFFFFFF  }
0xa5: {  	s26 =	simm.s32 $execute0_lowered;
	[smem:$0x3FD2] =	sst s25  }
0xa6: {  	s5 =	sshll.u32 s26, $0x1;
	_ =	strace $0x80000049;
	[dreg:$0x1] =	wrdreg $0xFFFFFFFF  }
0xa7: {  	s28 =	simm.s32 $_size_execute0_lowered;
	s3 =	sadd.s32 s3, s5;
	[dreg:$0x0] =	wrdreg $0x0  }
0xa8: {  	s5 =	sshll.u32 s28, $0x1;
	[dreg:$0x2] =	wrdreg s3  }
0xa9: {  	[dreg:$0x3] =	wrdreg s5  }
0xaa: {  	[dreg:$0x4] =	wrdreg $0xC0  }
0xab: {  	_ =	task [dreg:s7], $0x5FFFF  }
0xac: {  	[dreg:$0x1] =	wrdreg $0xFFFFFFFF  }
0xad: {  	[dreg:$0x0] =	wrdreg $0x60  }
0xae: {  	[dreg:$0x2] =	wrdreg s2  }
0xaf: {  	[dreg:$0x3] =	wrdreg s24  }
0xb0: {  	[dreg:$0x4] =	wrdreg $0xC0000  }
0xb1: {  	[dreg:$0x5] =	wrdreg $0x9  }
0xb2: {  	_ =	task.clear_ibuf [dreg:s7], $0x6FFFF;
	_ =	strace $0x90000049  }
0xb3: {  	s29 =	simm.s32 $0x9;
	_ =	strace $0x8000004B  }
0xb4: {  	_ =	swait.ge [sflag:s29], $0x1  }
0xb5: {  	[sflag:s29] =	ssyncadd.s32 $0xFFFFFFFF  }
0xb6: {  	_ =	strace $0x9000004B  }
0xb7: {  	_ =	sfence  }
0xb8: {  	s30 =	sld [smem:$0x0];
	_ =	sdelay $0x2  }
0xb9: {  	s31 =	sshll.u32 s1, $0xD;
	s1 =	sshrl.u32 s1, $0x2  }
0xba: {  	s3 =	sand.u32 $0x4000, s31;
	s1 =	sadd.s32 s1, s30  }
0xbb: {  	s0 =	sor.u32 s3, s0;
	s1 =	sshll.u32 s1, $0x11  }
0xbc: {  	s0 =	sor.u32 s1, s0  }
0xbd: {  	s0 =	sadd.s32 $0x8F2B, s0  }
0xbe: {  	[sflag:s0] =	ssyncadd.remote.s32 $0x1  }
0xbf: {  	_ =	sfence.sel $0xFFFF  }
0xc0: {  	[dreg:$0x0] =	wrdreg $0xFFFFFFFF;
	(pc) =	sbr.abs _section_cstart, $3  }
0xc1: {  	[dreg:$0x1] =	wrdreg $0xFFFFFFFF  }
0xc2: {  	_ =	task.clear_ibuf [dreg:s7], $0x2FFFF;
	_ =	strace $0x9FFFFFFF  }
0xc3: {  	(tm) =	ssettm $0x7FFFFFFF  }
tec
execute0_lowered:
.L_overlay_start_1:
0x0: {  	(tag) =	ssettag $0x1  }
0x1: {  	s1 =	rddreg [dreg:$0x0]  }
0x2: {  	s0 =	srdreg.scid;
	s2 =	rddreg [dreg:$0x1]  }
0x3: {  	s9 =	stileid.u32;
	s3 =	rddreg [dreg:$0x2];
	s4 =	simm.s32 $0x0  }
0x4: {  	s17 =	simm.s32 $0xF0;
	s18 =	simm.s32 $0x680;
	s19 =	simm.s32 $0x700  }
0x5: {  	s20 =	simm.s32 $0x168;
	s21 =	simm.s32 $0x1E0;
	s6 =	smul.u32 $0x2760, s9  }
0x6: {  	s22 =	simm.s32 $0x258;
	s23 =	simm.s32 $0x780;
	s8 =	smul.u32 $0x2A00, s9  }
0x7: {  	s28 =	simm.s32 $0x3C0;
	s29 =	simm.s32 $0x900;
	s25 =	smul.u32 $0x14000, s9  }
0x8: {  	s0 =	sand.u32 $0x1, s0;
	[smem:$0x7FF] =	sst s4;
	s9 =	smul.u32 $0x50000, s9  }
0x9: {  	s5 =	smul.u32 $0x27600, s0;
	_ =	strace $0x8000004A;
	[dreg:$0x5] =	wrdreg s17  }
0xa: {  	s30 =	simm.s32 $0x980;
	s7 =	smul.u32 $0x2A000, s0;
	[dreg:$0x6] =	wrdreg s18  }
0xb: {  	s31 =	simm.s32 $0xA00;
	s24 =	smul.u32 $0x140000, s0;
	[dreg:$0x7] =	wrdreg s19  }
0xc: {  	s0 =	ssub.s32 $0x2, s0;
	s17 =	simm.s32 $0x78;
	[dreg:$0x8] =	wrdreg s20  }
0xd: {  	s18 =	simm.s32 $0x4800;
	s19 =	simm.s32 $0x8400;
	[dreg:$0x9] =	wrdreg s21  }
0xe: {  	s20 =	simm.s32 $0x1;
	[dreg:$0xa] =	wrdreg s22;
	s21 =	simm.s32 $0x2  }
0xf: {  	[dreg:$0xb] =	wrdreg s23;
	s22 =	simm.s32 $0x3;
	s23 =	simm.s32 $0x4  }
0x10: {  	s26 =	sshrl.u32 s0, $0x1;
	s9 =	sshrl.u32 s9, $0x2;
	s5 =	sadd.s32 s6, s5  }
0x11: {  	s7 =	sadd.s32 s8, s7;
	s6 =	sadd.s32 s25, s24;
	s24 =	simm.s32 $0x800  }
0x12: {  	s0 =	ssub.s32 s0, s26;
	s25 =	simm.s32 $0x880;
	[dreg:$0xc] =	wrdreg s24  }
0x13: {  	s13 =	sadd.s32 s9, s3;
	s26 =	simm.s32 $0x2D0;
	[dreg:$0xd] =	wrdreg s25  }
0x14: {  	s8 =	simm.s32 $0xB00;
	s5 =	sshrl.u32 s5, $0x3;
	[dreg:$0xe] =	wrdreg s26  }
0x15: {  	s7 =	sshrl.u32 s7, $0x3;
	s9 =	sadd.s32 $0x3C00, s13;
	[dreg:$0xf] =	wrdreg s13  }
0x16: {  	s6 =	sshrl.u32 s6, $0x3;
	s10 =	sadd.s32 $0x7800, s13;
	[dreg:$0x10] =	wrdreg s9  }
0x17: {  	s11 =	sadd.s32 $0xB400, s13;
	s12 =	sadd.s32 $0xF000, s13;
	[dreg:$0x11] =	wrdreg s10  }
0x18: {  	s14 =	sadd.s32 $0x12C00, s13;
	s0 =	smax.u32 s0, $0x1;
	[dreg:$0x12] =	wrdreg s11  }
0x19: {  	s24 =	simm.s32 $0x5;
	s25 =	simm.s32 $0x6;
	[dreg:$0x13] =	wrdreg s12  }
0x1a: {  	s26 =	simm.s32 $0x348;
	s5 =	sadd.s32 s5, s2;
	[dreg:$0x14] =	wrdreg s14  }
0x1b: {  	s7 =	sadd.s32 s7, s2;
	s2 =	sadd.s32 s6, s2;
	[dreg:$0x16] =	wrdreg s0  }
0x1c: {  	s14 =	simm.s32 $0xC00;
	s0 =	simm.s32 $0x4B0;
	s2 =	sadd.s32 $0x20C00, s2  }
0x1d: {  	s6 =	simm.s32 $0x528;
	s15 =	sadd.s32 $0x16400, s7;
	[dreg:$0x15] =	wrdreg s2  }
0x1e: {  	s9 =	simm.s32 $0xB80;
	s16 =	sadd.s32 $0xC600, s5;
	[dreg:$0x17] =	wrdreg s15  }
0x1f: {  	s10 =	simm.s32 $0x0;
	s7 =	simm.s32 $0xA80;
	[dreg:$0x4] =	wrdreg s16  }
0x20: {  	v0 =	vimm.f32 $0.0e+00;
	s15 =	simm.s32 $0x7;
	s16 =	simm.s32 $0x600;
	s2 =	simm.s32 $0x438  }
.LBB2_1:
0x21: {  	s11 =	simm.s32 $0x0;
	s12 =	simm.s32 $0x200  }
.LBB2_2:
0x22: {  	p0 =	sne.s32 s12, $0xEE00;
	[tilespmem:s11+$0xC70] =	vst v0  }
0x23: {  	[tilespmem:s11+$0xC00] =	vst v0  }
0x24: {  	[tilespmem:s11+$0xC10] =	vst v0  }
.Ltmp0:
0x25: {  	[tilespmem:s11+$0xC20] =	vst v0;
	(pc) =	sbr.rel @p0 .LBB2_2-.Ltmp0, $4  }
0x26: {  	[tilespmem:s11+$0xC30] =	vst v0  }
0x27: {  	[tilespmem:s11+$0xC40] =	vst v0  }
0x28: {  	[tilespmem:s11+$0xC50] =	vst v0  }
0x29: {  	[tilespmem:s11+$0xC60] =	vst v0;
	s11 =	sshra.s32 s12, $0x2;
	s12 =	sadd.s32 $0x200, s12  }
0x2a: {  	[tilespmem:s11+$0xC70] =	vst v0  }
0x2b: {  	[tilespmem:s11+$0xC00] =	vst v0  }
0x2c: {  	[tilespmem:s11+$0xC10] =	vst v0  }
0x2d: {  	[tilespmem:s11+$0xC20] =	vst v0  }
0x2e: {  	[tilespmem:s11+$0xC30] =	vst v0  }
0x2f: {  	[tilespmem:s11+$0xC40] =	vst v0  }
0x30: {  	[tilespmem:s11+$0xC50] =	vst v0  }
0x31: {  	[dreg:$0x18] =	wrdreg s10;
	[tilespmem:s11+$0xC60] =	vst v0  }
0x32: {  	[spmem:s13] =	stream.linear.scatter [tilespmem:s14], [sflag:$0x7], $0x3C00, $0x38;
	v63 =	vld [tilespmem:$0x0]  }
0x33: {  	_ =	swait.ge [sflag:s15], $0x3C00  }
0x34: {  	[sflag:s15] =	ssyncset.done $0x0  }
0x35: {  	s5 =	rddreg [dreg:$0x10];
	[sflag:s15] =	ssyncadd.s32 $0xFFFFC400  }
0x36: {  	[spmem:s5] =	stream.linear.scatter [tilespmem:s14], [sflag:$0x7], $0x3C00, $0x38;
	v63 =	vld [tilespmem:$0x0]  }
0x37: {  	_ =	swait.ge [sflag:s15], $0x3C00  }
0x38: {  	[sflag:s15] =	ssyncset.done $0x0  }
0x39: {  	s11 =	rddreg [dreg:$0x11];
	[sflag:s15] =	ssyncadd.s32 $0xFFFFC400  }
0x3a: {  	[spmem:s11] =	stream.linear.scatter [tilespmem:s14], [sflag:$0x7], $0x3C00, $0x38;
	v63 =	vld [tilespmem:$0x0]  }
0x3b: {  	_ =	swait.ge [sflag:s15], $0x3C00  }
0x3c: {  	[sflag:s15] =	ssyncset.done $0x0  }
0x3d: {  	s12 =	rddreg [dreg:$0x12];
	[sflag:s15] =	ssyncadd.s32 $0xFFFFC400  }
0x3e: {  	[spmem:s12] =	stream.linear.scatter [tilespmem:s14], [sflag:$0x7], $0x3C00, $0x38;
	v63 =	vld [tilespmem:$0x0]  }
0x3f: {  	_ =	swait.ge [sflag:s15], $0x3C00  }
0x40: {  	[sflag:s15] =	ssyncset.done $0x0  }
0x41: {  	s13 =	rddreg [dreg:$0x13];
	[sflag:s15] =	ssyncadd.s32 $0xFFFFC400  }
0x42: {  	[spmem:s13] =	stream.linear.scatter [tilespmem:s14], [sflag:$0x7], $0x3C00, $0x38;
	v63 =	vld [tilespmem:$0x0]  }
0x43: {  	_ =	swait.ge [sflag:s15], $0x3C00  }
0x44: {  	[sflag:s15] =	ssyncset.done $0x0  }
0x45: {  	s10 =	rddreg [dreg:$0x14];
	[sflag:s15] =	ssyncadd.s32 $0xFFFFC400  }
0x46: {  	[spmem:s10] =	stream.linear.scatter [tilespmem:s14], [sflag:$0x7], $0x1400, $0x38;
	v63 =	vld [tilespmem:$0x0]  }
0x47: {  	_ =	swait.ge [sflag:s15], $0x1400  }
0x48: {  	[sflag:s15] =	ssyncset.done $0x0  }
0x49: {  	[sflag:s15] =	ssyncadd.s32 $0xFFFFEC00  }
0x4a: {  	[bflag:$0x0] =	sbarrier.arrive $0xFFFF  }
0x4b: {  	s11 =	rddreg [dreg:$0x4]  }
0x4c: {  	s5 =	sadd.s32 $0x0, s11  }
0x4d: {  	[tilespmem:s4], [sflag:$0x7] =	stream.linear.gather [hbm4b:s5+s4], $0x5A0, $0x38;
	v63 =	vld [tilespmem:$0x0]  }
0x4e: {  	_ =	swait.ge [sflag:s15], $0x5A0  }
0x4f: {  	[sflag:s15] =	ssyncset.done $0x0  }
0x50: {  	s13 =	rddreg [dreg:$0x17];
	[sflag:s15] =	ssyncadd.s32 $0xFFFFFA60  }
0x51: {  	[tilespmem:s16], [sflag:$0x7] =	stream.linear.gather [hbm4b:s13+s4], $0x600, $0x38;
	v63 =	vld [tilespmem:$0x0]  }
0x52: {  	_ =	swait.ge [sflag:s15], $0x600  }
0x53: {  	[sflag:s15] =	ssyncset.done $0x0  }
0x54: {  	[sflag:s15] =	ssyncadd.s32 $0xFFFFFA00  }
0x55: {  	[tilespmem:s14], [sflag:$0x1] =	stream.indirect.gather [hbm4b:s1+s17], $0x80, s4, s17, $0xb8;
	v63 =	vld [tilespmem:$0x0]  }
0x56: {  	_ = 	snop  }
0x57: {  	[tilespmem:s18], [sflag:$0x2] =	stream.indirect.gather [hbm4b:s1+s17], $0x80, s17, s17, $0xb8;
	v63 =	vld [tilespmem:$0x0]  }
0x58: {  	s12 =	rddreg [dreg:$0x5]  }
0x59: {  	[tilespmem:s19], [sflag:$0x3] =	stream.indirect.gather [hbm4b:s1+s17], $0x80, s12, s17, $0xb8;
	v63 =	vld [tilespmem:$0x0]  }
0x5a: {  	_ =	swait.ge [sflag:s20], $0x3C00  }
0x5b: {  	[sflag:s20] =	ssyncset.done $0x0  }
0x5c: {  	[sflag:s20] =	ssyncadd.s32 $0xFFFFC400  }
0x5d: {  	[spmem:s3] =	stream.indirect.scatter.add.f32 [tilespmem:s14], [sflag:$0x4], $0x80, s16, s17, $0xb8;
	v63 =	vld [tilespmem:$0x0]  }
0x5e: {  	_ =	swait.ge [sflag:s21], $0x3C00  }
0x5f: {  	[sflag:s21] =	ssyncset.done $0x0  }
0x60: {  	s10 =	rddreg [dreg:$0x6];
	[sflag:s21] =	ssyncadd.s32 $0xFFFFC400  }
0x61: {  	[spmem:s3] =	stream.indirect.scatter.add.f32 [tilespmem:s18], [sflag:$0x5], $0x80, s10, s17, $0xb8;
	v63 =	vld [tilespmem:$0x0]  }
0x62: {  	_ =	swait.ge [sflag:s22], $0x3C00  }
0x63: {  	[sflag:s22] =	ssyncset.done $0x0  }
0x64: {  	s11 =	rddreg [dreg:$0x7];
	[sflag:s22] =	ssyncadd.s32 $0xFFFFC400  }
0x65: {  	[spmem:s3] =	stream.indirect.scatter.add.f32 [tilespmem:s19], [sflag:$0x6], $0x80, s11, s17, $0xb8;
	v63 =	vld [tilespmem:$0x0]  }
0x66: {  	_ =	swait.ge [sflag:s23], $0x3C00  }
0x67: {  	[sflag:s23] =	ssyncset.done $0x0  }
0x68: {  	s12 =	rddreg [dreg:$0x8];
	[sflag:s23] =	ssyncadd.s32 $0xFFFFC400  }
0x69: {  	[tilespmem:s14], [sflag:$0x1] =	stream.indirect.gather [hbm4b:s1+s17], $0x80, s12, s17, $0xb8;
	v63 =	vld [tilespmem:$0x0]  }
0x6a: {  	_ =	swait.ge [sflag:s24], $0x3C00  }
0x6b: {  	[sflag:s24] =	ssyncset.done $0x0  }
0x6c: {  	s10 =	rddreg [dreg:$0x9];
	[sflag:s24] =	ssyncadd.s32 $0xFFFFC400  }
0x6d: {  	[tilespmem:s18], [sflag:$0x2] =	stream.indirect.gather [hbm4b:s1+s17], $0x80, s10, s17, $0xb8;
	v63 =	vld [tilespmem:$0x0]  }
0x6e: {  	_ =	swait.ge [sflag:s25], $0x3C00  }
0x6f: {  	[sflag:s25] =	ssyncset.done $0x0  }
0x70: {  	s11 =	rddreg [dreg:$0xa];
	[sflag:s25] =	ssyncadd.s32 $0xFFFFC400  }
0x71: {  	[tilespmem:s19], [sflag:$0x3] =	stream.indirect.gather [hbm4b:s1+s17], $0x80, s11, s17, $0xb8;
	v63 =	vld [tilespmem:$0x0]  }
0x72: {  	_ =	swait.ge [sflag:s20], $0x3C00  }
0x73: {  	[sflag:s20] =	ssyncset.done $0x0  }
0x74: {  	s12 =	rddreg [dreg:$0xb];
	[sflag:s20] =	ssyncadd.s32 $0xFFFFC400  }
0x75: {  	[spmem:s3] =	stream.indirect.scatter.add.f32 [tilespmem:s14], [sflag:$0x4], $0x80, s12, s17, $0xb8;
	v63 =	vld [tilespmem:$0x0]  }
0x76: {  	_ =	swait.ge [sflag:s21], $0x3C00  }
0x77: {  	[sflag:s21] =	ssyncset.done $0x0  }
0x78: {  	s10 =	rddreg [dreg:$0xc];
	[sflag:s21] =	ssyncadd.s32 $0xFFFFC400  }
0x79: {  	[spmem:s3] =	stream.indirect.scatter.add.f32 [tilespmem:s18], [sflag:$0x5], $0x80, s10, s17, $0xb8;
	v63 =	vld [tilespmem:$0x0]  }
0x7a: {  	_ =	swait.ge [sflag:s22], $0x3C00  }
0x7b: {  	[sflag:s22] =	ssyncset.done $0x0  }
0x7c: {  	s11 =	rddreg [dreg:$0xd];
	[sflag:s22] =	ssyncadd.s32 $0xFFFFC400  }
0x7d: {  	[spmem:s3] =	stream.indirect.scatter.add.f32 [tilespmem:s19], [sflag:$0x6], $0x80, s11, s17, $0xb8;
	v63 =	vld [tilespmem:$0x0]  }
0x7e: {  	_ =	swait.ge [sflag:s23], $0x3C00  }
0x7f: {  	[sflag:s23] =	ssyncset.done $0x0  }
0x80: {  	s12 =	rddreg [dreg:$0xe];
	[sflag:s23] =	ssyncadd.s32 $0xFFFFC400  }
0x81: {  	[tilespmem:s14], [sflag:$0x1] =	stream.indirect.gather [hbm4b:s1+s17], $0x80, s12, s17, $0xb8;
	v63 =	vld [tilespmem:$0x0]  }
0x82: {  	_ =	swait.ge [sflag:s24], $0x3C00  }
0x83: {  	[sflag:s24] =	ssyncset.done $0x0  }
0x84: {  	[sflag:s24] =	ssyncadd.s32 $0xFFFFC400  }
0x85: {  	[tilespmem:s18], [sflag:$0x2] =	stream.indirect.gather [hbm4b:s1+s17], $0x80, s26, s17, $0xb8;
	v63 =	vld [tilespmem:$0x0]  }
0x86: {  	_ =	swait.ge [sflag:s25], $0x3C00  }
0x87: {  	[sflag:s25] =	ssyncset.done $0x0  }
0x88: {  	[sflag:s25] =	ssyncadd.s32 $0xFFFFC400  }
0x89: {  	[tilespmem:s19], [sflag:$0x3] =	stream.indirect.gather [hbm4b:s1+s17], $0x80, s28, s17, $0xb8;
	v63 =	vld [tilespmem:$0x0]  }
0x8a: {  	_ =	swait.ge [sflag:s20], $0x3C00  }
0x8b: {  	[sflag:s20] =	ssyncset.done $0x0  }
0x8c: {  	[sflag:s20] =	ssyncadd.s32 $0xFFFFC400  }
0x8d: {  	[spmem:s3] =	stream.indirect.scatter.add.f32 [tilespmem:s14], [sflag:$0x4], $0x80, s29, s17, $0xb8;
	v63 =	vld [tilespmem:$0x0]  }
0x8e: {  	_ =	swait.ge [sflag:s21], $0x3C00  }
0x8f: {  	[sflag:s21] =	ssyncset.done $0x0  }
0x90: {  	[sflag:s21] =	ssyncadd.s32 $0xFFFFC400  }
0x91: {  	[spmem:s3] =	stream.indirect.scatter.add.f32 [tilespmem:s18], [sflag:$0x5], $0x80, s30, s17, $0xb8;
	v63 =	vld [tilespmem:$0x0]  }
0x92: {  	_ =	swait.ge [sflag:s22], $0x3C00  }
0x93: {  	[sflag:s22] =	ssyncset.done $0x0  }
0x94: {  	[sflag:s22] =	ssyncadd.s32 $0xFFFFC400  }
0x95: {  	[spmem:s3] =	stream.indirect.scatter.add.f32 [tilespmem:s19], [sflag:$0x6], $0x80, s31, s17, $0xb8;
	v63 =	vld [tilespmem:$0x0]  }
0x96: {  	_ =	swait.ge [sflag:s23], $0x3C00  }
0x97: {  	[sflag:s23] =	ssyncset.done $0x0  }
0x98: {  	[sflag:s23] =	ssyncadd.s32 $0xFFFFC400  }
0x99: {  	[tilespmem:s14], [sflag:$0x1] =	stream.indirect.gather [hbm4b:s1+s17], $0x80, s2, s17, $0xb8;
	v63 =	vld [tilespmem:$0x0]  }
0x9a: {  	_ =	swait.ge [sflag:s24], $0x3C00  }
0x9b: {  	[sflag:s24] =	ssyncset.done $0x0  }
0x9c: {  	[sflag:s24] =	ssyncadd.s32 $0xFFFFC400  }
0x9d: {  	[tilespmem:s18], [sflag:$0x2] =	stream.indirect.gather [hbm4b:s1+s17], $0x80, s0, s17, $0xb8;
	v63 =	vld [tilespmem:$0x0]  }
0x9e: {  	_ =	swait.ge [sflag:s25], $0x3C00  }
0x9f: {  	[sflag:s25] =	ssyncset.done $0x0  }
0xa0: {  	[sflag:s25] =	ssyncadd.s32 $0xFFFFC400  }
0xa1: {  	[tilespmem:s19], [sflag:$0x3] =	stream.indirect.gather [hbm4b:s1+s17], $0x80, s6, s17, $0xb8;
	v63 =	vld [tilespmem:$0x0]  }
0xa2: {  	_ =	swait.ge [sflag:s20], $0x3C00  }
0xa3: {  	[sflag:s20] =	ssyncset.done $0x0  }
0xa4: {  	[sflag:s20] =	ssyncadd.s32 $0xFFFFC400  }
0xa5: {  	[spmem:s3] =	stream.indirect.scatter.add.f32 [tilespmem:s14], [sflag:$0x4], $0x80, s7, s17, $0xb8;
	v63 =	vld [tilespmem:$0x0]  }
0xa6: {  	_ =	swait.ge [sflag:s21], $0x3C00  }
0xa7: {  	[sflag:s21] =	ssyncset.done $0x0  }
0xa8: {  	[sflag:s21] =	ssyncadd.s32 $0xFFFFC400  }
0xa9: {  	[spmem:s3] =	stream.indirect.scatter.add.f32 [tilespmem:s18], [sflag:$0x5], $0x80, s8, s17, $0xb8;
	v63 =	vld [tilespmem:$0x0]  }
0xaa: {  	_ =	swait.ge [sflag:s22], $0x3C00  }
0xab: {  	[sflag:s22] =	ssyncset.done $0x0  }
0xac: {  	[sflag:s22] =	ssyncadd.s32 $0xFFFFC400  }
0xad: {  	[spmem:s3] =	stream.indirect.scatter.add.f32 [tilespmem:s19], [sflag:$0x6], $0x80, s9, s17, $0xb8;
	v63 =	vld [tilespmem:$0x0]  }
0xae: {  	_ =	swait.ge [sflag:s23], $0x3C00  }
0xaf: {  	[sflag:s23] =	ssyncset.done $0x0  }
0xb0: {  	[sflag:s23] =	ssyncadd.s32 $0xFFFFC400  }
0xb1: {  	_ =	swait.ge [sflag:s24], $0x3C00  }
0xb2: {  	[sflag:s24] =	ssyncset.done $0x0  }
0xb3: {  	[sflag:s24] =	ssyncadd.s32 $0xFFFFC400  }
0xb4: {  	s11 =	simm.s32 $0x168;
	_ =	swait.ge [sflag:s25], $0x3C00  }
0xb5: {  	s12 =	simm.s32 $0xB4;
	s5 =	rddreg [dreg:$0x4];
	[sflag:s25] =	ssyncset.done $0x0  }
.LBB2_4:
0xb6: {  	[sflag:s25] =	ssyncadd.s32 $0xFFFFC400;
	s5 =	sadd.s32 s12, s5  }
0xb7: {  	[tilespmem:s4], [sflag:$0x7] =	stream.linear.gather [hbm4b:s5+s4], $0x5A0, $0x38;
	v63 =	vld [tilespmem:$0x0]  }
0xb8: {  	_ =	swait.ge [sflag:s15], $0x5A0  }
0xb9: {  	[sflag:s15] =	ssyncset.done $0x0  }
0xba: {  	s13 =	sadd.s32 $0xC0, s13;
	[sflag:s15] =	ssyncadd.s32 $0xFFFFFA60  }
0xbb: {  	[tilespmem:s16], [sflag:$0x7] =	stream.linear.gather [hbm4b:s13+s4], $0x600, $0x38;
	v63 =	vld [tilespmem:$0x0]  }
0xbc: {  	_ =	swait.ge [sflag:s15], $0x600  }
0xbd: {  	[sflag:s15] =	ssyncset.done $0x0  }
0xbe: {  	[sflag:s15] =	ssyncadd.s32 $0xFFFFFA00  }
0xbf: {  	[tilespmem:s14], [sflag:$0x1] =	stream.indirect.gather [hbm4b:s1+s17], $0x80, s4, s17, $0xb8;
	v63 =	vld [tilespmem:$0x0]  }
0xc0: {  	s10 =	smov.u32 s11  }
0xc1: {  	[tilespmem:s18], [sflag:$0x2] =	stream.indirect.gather [hbm4b:s1+s17], $0x80, s17, s17, $0xb8;
	v63 =	vld [tilespmem:$0x0]  }
0xc2: {  	s12 =	smov.u32 s10;
	s10 =	rddreg [dreg:$0x5]  }
0xc3: {  	[tilespmem:s19], [sflag:$0x3] =	stream.indirect.gather [hbm4b:s1+s17], $0x80, s10, s17, $0xb8;
	v63 =	vld [tilespmem:$0x0]  }
0xc4: {  	_ =	swait.ge [sflag:s20], $0x3C00  }
0xc5: {  	[sflag:s20] =	ssyncset.done $0x0  }
0xc6: {  	[sflag:s20] =	ssyncadd.s32 $0xFFFFC400  }
0xc7: {  	[spmem:s3] =	stream.indirect.scatter.add.f32 [tilespmem:s14], [sflag:$0x4], $0x80, s16, s17, $0xb8;
	v63 =	vld [tilespmem:$0x0]  }
0xc8: {  	_ =	swait.ge [sflag:s21], $0x3C00  }
0xc9: {  	[sflag:s21] =	ssyncset.done $0x0  }
0xca: {  	s10 =	rddreg [dreg:$0x6];
	[sflag:s21] =	ssyncadd.s32 $0xFFFFC400  }
0xcb: {  	[spmem:s3] =	stream.indirect.scatter.add.f32 [tilespmem:s18], [sflag:$0x5], $0x80, s10, s17, $0xb8;
	v63 =	vld [tilespmem:$0x0]  }
0xcc: {  	_ =	swait.ge [sflag:s22], $0x3C00  }
0xcd: {  	[sflag:s22] =	ssyncset.done $0x0  }
0xce: {  	s10 =	rddreg [dreg:$0x7];
	[sflag:s22] =	ssyncadd.s32 $0xFFFFC400  }
0xcf: {  	[spmem:s3] =	stream.indirect.scatter.add.f32 [tilespmem:s19], [sflag:$0x6], $0x80, s10, s17, $0xb8;
	v63 =	vld [tilespmem:$0x0]  }
0xd0: {  	_ =	swait.ge [sflag:s23], $0x3C00  }
0xd1: {  	[sflag:s23] =	ssyncset.done $0x0  }
0xd2: {  	s10 =	rddreg [dreg:$0x8];
	[sflag:s23] =	ssyncadd.s32 $0xFFFFC400  }
0xd3: {  	[tilespmem:s14], [sflag:$0x1] =	stream.indirect.gather [hbm4b:s1+s17], $0x80, s10, s17, $0xb8;
	v63 =	vld [tilespmem:$0x0]  }
0xd4: {  	_ =	swait.ge [sflag:s24], $0x3C00  }
0xd5: {  	[sflag:s24] =	ssyncset.done $0x0  }
0xd6: {  	s10 =	rddreg [dreg:$0x9];
	[sflag:s24] =	ssyncadd.s32 $0xFFFFC400  }
0xd7: {  	[tilespmem:s18], [sflag:$0x2] =	stream.indirect.gather [hbm4b:s1+s17], $0x80, s10, s17, $0xb8;
	v63 =	vld [tilespmem:$0x0]  }
0xd8: {  	_ =	swait.ge [sflag:s25], $0x3C00  }
0xd9: {  	[sflag:s25] =	ssyncset.done $0x0  }
0xda: {  	s10 =	rddreg [dreg:$0xa];
	[sflag:s25] =	ssyncadd.s32 $0xFFFFC400  }
0xdb: {  	[tilespmem:s19], [sflag:$0x3] =	stream.indirect.gather [hbm4b:s1+s17], $0x80, s10, s17, $0xb8;
	v63 =	vld [tilespmem:$0x0]  }
0xdc: {  	_ =	swait.ge [sflag:s20], $0x3C00  }
0xdd: {  	[sflag:s20] =	ssyncset.done $0x0  }
0xde: {  	s10 =	rddreg [dreg:$0xb];
	[sflag:s20] =	ssyncadd.s32 $0xFFFFC400  }
0xdf: {  	[spmem:s3] =	stream.indirect.scatter.add.f32 [tilespmem:s14], [sflag:$0x4], $0x80, s10, s17, $0xb8;
	v63 =	vld [tilespmem:$0x0]  }
0xe0: {  	_ =	swait.ge [sflag:s21], $0x3C00  }
0xe1: {  	[sflag:s21] =	ssyncset.done $0x0  }
0xe2: {  	s10 =	rddreg [dreg:$0xc];
	[sflag:s21] =	ssyncadd.s32 $0xFFFFC400  }
0xe3: {  	[spmem:s3] =	stream.indirect.scatter.add.f32 [tilespmem:s18], [sflag:$0x5], $0x80, s10, s17, $0xb8;
	v63 =	vld [tilespmem:$0x0]  }
0xe4: {  	_ =	swait.ge [sflag:s22], $0x3C00  }
0xe5: {  	[sflag:s22] =	ssyncset.done $0x0  }
0xe6: {  	s10 =	rddreg [dreg:$0xd];
	[sflag:s22] =	ssyncadd.s32 $0xFFFFC400  }
0xe7: {  	[spmem:s3] =	stream.indirect.scatter.add.f32 [tilespmem:s19], [sflag:$0x6], $0x80, s10, s17, $0xb8;
	v63 =	vld [tilespmem:$0x0]  }
0xe8: {  	_ =	swait.ge [sflag:s23], $0x3C00  }
0xe9: {  	[sflag:s23] =	ssyncset.done $0x0  }
0xea: {  	s10 =	rddreg [dreg:$0xe];
	[sflag:s23] =	ssyncadd.s32 $0xFFFFC400  }
0xeb: {  	[tilespmem:s14], [sflag:$0x1] =	stream.indirect.gather [hbm4b:s1+s17], $0x80, s10, s17, $0xb8;
	v63 =	vld [tilespmem:$0x0]  }
0xec: {  	_ =	swait.ge [sflag:s24], $0x3C00  }
0xed: {  	[sflag:s24] =	ssyncset.done $0x0  }
0xee: {  	[sflag:s24] =	ssyncadd.s32 $0xFFFFC400  }
0xef: {  	[tilespmem:s18], [sflag:$0x2] =	stream.indirect.gather [hbm4b:s1+s17], $0x80, s26, s17, $0xb8;
	v63 =	vld [tilespmem:$0x0]  }
0xf0: {  	_ =	swait.ge [sflag:s25], $0x3C00  }
0xf1: {  	[sflag:s25] =	ssyncset.done $0x0  }
0xf2: {  	[sflag:s25] =	ssyncadd.s32 $0xFFFFC400  }
0xf3: {  	[tilespmem:s19], [sflag:$0x3] =	stream.indirect.gather [hbm4b:s1+s17], $0x80, s28, s17, $0xb8;
	v63 =	vld [tilespmem:$0x0]  }
0xf4: {  	_ =	swait.ge [sflag:s20], $0x3C00  }
0xf5: {  	[sflag:s20] =	ssyncset.done $0x0  }
0xf6: {  	[sflag:s20] =	ssyncadd.s32 $0xFFFFC400  }
0xf7: {  	[spmem:s3] =	stream.indirect.scatter.add.f32 [tilespmem:s14], [sflag:$0x4], $0x80, s29, s17, $0xb8;
	v63 =	vld [tilespmem:$0x0]  }
0xf8: {  	_ =	swait.ge [sflag:s21], $0x3C00  }
0xf9: {  	[sflag:s21] =	ssyncset.done $0x0  }
0xfa: {  	[sflag:s21] =	ssyncadd.s32 $0xFFFFC400  }
0xfb: {  	[spmem:s3] =	stream.indirect.scatter.add.f32 [tilespmem:s18], [sflag:$0x5], $0x80, s30, s17, $0xb8;
	v63 =	vld [tilespmem:$0x0]  }
0xfc: {  	_ =	swait.ge [sflag:s22], $0x3C00  }
0xfd: {  	[sflag:s22] =	ssyncset.done $0x0  }
0xfe: {  	[sflag:s22] =	ssyncadd.s32 $0xFFFFC400  }
0xff: {  	[spmem:s3] =	stream.indirect.scatter.add.f32 [tilespmem:s19], [sflag:$0x6], $0x80, s31, s17, $0xb8;
	v63 =	vld [tilespmem:$0x0]  }
0x100: {  	_ =	swait.ge [sflag:s23], $0x3C00  }
0x101: {  	[sflag:s23] =	ssyncset.done $0x0  }
0x102: {  	[sflag:s23] =	ssyncadd.s32 $0xFFFFC400  }
0x103: {  	[tilespmem:s14], [sflag:$0x1] =	stream.indirect.gather [hbm4b:s1+s17], $0x80, s2, s17, $0xb8;
	v63 =	vld [tilespmem:$0x0]  }
0x104: {  	_ =	swait.ge [sflag:s24], $0x3C00  }
0x105: {  	[sflag:s24] =	ssyncset.done $0x0  }
0x106: {  	[sflag:s24] =	ssyncadd.s32 $0xFFFFC400  }
0x107: {  	[tilespmem:s18], [sflag:$0x2] =	stream.indirect.gather [hbm4b:s1+s17], $0x80, s0, s17, $0xb8;
	v63 =	vld [tilespmem:$0x0]  }
0x108: {  	_ =	swait.ge [sflag:s25], $0x3C00  }
0x109: {  	[sflag:s25] =	ssyncset.done $0x0  }
0x10a: {  	[sflag:s25] =	ssyncadd.s32 $0xFFFFC400  }
0x10b: {  	[tilespmem:s19], [sflag:$0x3] =	stream.indirect.gather [hbm4b:s1+s17], $0x80, s6, s17, $0xb8;
	v63 =	vld [tilespmem:$0x0]  }
0x10c: {  	_ =	swait.ge [sflag:s20], $0x3C00  }
0x10d: {  	[sflag:s20] =	ssyncset.done $0x0  }
0x10e: {  	[sflag:s20] =	ssyncadd.s32 $0xFFFFC400  }
0x10f: {  	[spmem:s3] =	stream.indirect.scatter.add.f32 [tilespmem:s14], [sflag:$0x4], $0x80, s7, s17, $0xb8;
	v63 =	vld [tilespmem:$0x0]  }
0x110: {  	_ =	swait.ge [sflag:s21], $0x3C00  }
0x111: {  	[sflag:s21] =	ssyncset.done $0x0  }
0x112: {  	[sflag:s21] =	ssyncadd.s32 $0xFFFFC400  }
0x113: {  	[spmem:s3] =	stream.indirect.scatter.add.f32 [tilespmem:s18], [sflag:$0x5], $0x80, s8, s17, $0xb8;
	v63 =	vld [tilespmem:$0x0]  }
0x114: {  	_ =	swait.ge [sflag:s22], $0x3C00  }
0x115: {  	[sflag:s22] =	ssyncset.done $0x0  }
0x116: {  	[sflag:s22] =	ssyncadd.s32 $0xFFFFC400  }
0x117: {  	[spmem:s3] =	stream.indirect.scatter.add.f32 [tilespmem:s19], [sflag:$0x6], $0x80, s9, s17, $0xb8;
	v63 =	vld [tilespmem:$0x0]  }
0x118: {  	_ =	swait.ge [sflag:s23], $0x3C00  }
0x119: {  	[sflag:s23] =	ssyncset.done $0x0  }
0x11a: {  	p0 =	sne.s32 s11, $0x438;
	[sflag:s23] =	ssyncadd.s32 $0xFFFFC400  }
.Ltmp1:
0x11b: {  	_ =	swait.ge [sflag:s24], $0x3C00;
	(pc) =	sbr.rel @p0 .LBB2_4-.Ltmp1, $4  }
0x11c: {  	[sflag:s24] =	ssyncset.done $0x0  }
0x11d: {  	[sflag:s24] =	ssyncadd.s32 $0xFFFFC400  }
0x11e: {  	_ =	swait.ge [sflag:s25], $0x3C00  }
0x11f: {  	s11 =	sadd.s32 $0xB4, s11;
	s5 =	rddreg [dreg:$0x4];
	[sflag:s25] =	ssyncset.done $0x0  }
0x120: {  	s5 =	sadd.s32 s12, s5;
	[sflag:s25] =	ssyncadd.s32 $0xFFFFC400  }
0x121: {  	[tilespmem:s4], [sflag:$0x7] =	stream.linear.gather [hbm4b:s5+s4], $0x5A0, $0x38;
	v63 =	vld [tilespmem:$0x0]  }
0x122: {  	_ =	swait.ge [sflag:s15], $0x5A0  }
0x123: {  	[sflag:s15] =	ssyncset.done $0x0  }
0x124: {  	s11 =	sadd.s32 $0xC0, s13;
	[sflag:s15] =	ssyncadd.s32 $0xFFFFFA60  }
0x125: {  	[tilespmem:s16], [sflag:$0x7] =	stream.linear.gather [hbm4b:s11+s4], $0x600, $0x38;
	v63 =	vld [tilespmem:$0x0]  }
0x126: {  	_ =	swait.ge [sflag:s15], $0x600  }
0x127: {  	[sflag:s15] =	ssyncset.done $0x0  }
0x128: {  	[sflag:s15] =	ssyncadd.s32 $0xFFFFFA00  }
0x129: {  	[tilespmem:s14], [sflag:$0x1] =	stream.indirect.gather [hbm4b:s1+s17], $0x80, s4, s17, $0xb8;
	v63 =	vld [tilespmem:$0x0]  }
0x12a: {  	_ = 	snop  }
0x12b: {  	[tilespmem:s18], [sflag:$0x2] =	stream.indirect.gather [hbm4b:s1+s17], $0x80, s17, s17, $0xb8;
	v63 =	vld [tilespmem:$0x0]  }
0x12c: {  	s12 =	rddreg [dreg:$0x5]  }
0x12d: {  	[tilespmem:s19], [sflag:$0x3] =	stream.indirect.gather [hbm4b:s1+s17], $0x80, s12, s17, $0xb8;
	v63 =	vld [tilespmem:$0x0]  }
0x12e: {  	_ =	swait.ge [sflag:s20], $0x3C00  }
0x12f: {  	[sflag:s20] =	ssyncset.done $0x0  }
0x130: {  	[sflag:s20] =	ssyncadd.s32 $0xFFFFC400  }
0x131: {  	[spmem:s3] =	stream.indirect.scatter.add.f32 [tilespmem:s14], [sflag:$0x4], $0x80, s16, s17, $0xb8;
	v63 =	vld [tilespmem:$0x0]  }
0x132: {  	_ =	swait.ge [sflag:s21], $0x3C00  }
0x133: {  	[sflag:s21] =	ssyncset.done $0x0  }
0x134: {  	s13 =	rddreg [dreg:$0x6];
	[sflag:s21] =	ssyncadd.s32 $0xFFFFC400  }
0x135: {  	[spmem:s3] =	stream.indirect.scatter.add.f32 [tilespmem:s18], [sflag:$0x5], $0x80, s13, s17, $0xb8;
	v63 =	vld [tilespmem:$0x0]  }
0x136: {  	_ =	swait.ge [sflag:s22], $0x3C00  }
0x137: {  	[sflag:s22] =	ssyncset.done $0x0  }
0x138: {  	s10 =	rddreg [dreg:$0x7];
	[sflag:s22] =	ssyncadd.s32 $0xFFFFC400  }
0x139: {  	[spmem:s3] =	stream.indirect.scatter.add.f32 [tilespmem:s19], [sflag:$0x6], $0x80, s10, s17, $0xb8;
	v63 =	vld [tilespmem:$0x0]  }
0x13a: {  	_ =	swait.ge [sflag:s23], $0x3C00  }
0x13b: {  	[sflag:s23] =	ssyncset.done $0x0  }
0x13c: {  	s11 =	rddreg [dreg:$0x8];
	[sflag:s23] =	ssyncadd.s32 $0xFFFFC400  }
0x13d: {  	[tilespmem:s14], [sflag:$0x1] =	stream.indirect.gather [hbm4b:s1+s17], $0x80, s11, s17, $0xb8;
	v63 =	vld [tilespmem:$0x0]  }
0x13e: {  	_ =	swait.ge [sflag:s24], $0x3C00  }
0x13f: {  	[sflag:s24] =	ssyncset.done $0x0  }
0x140: {  	s12 =	rddreg [dreg:$0x9];
	[sflag:s24] =	ssyncadd.s32 $0xFFFFC400  }
0x141: {  	[tilespmem:s18], [sflag:$0x2] =	stream.indirect.gather [hbm4b:s1+s17], $0x80, s12, s17, $0xb8;
	v63 =	vld [tilespmem:$0x0]  }
0x142: {  	_ =	swait.ge [sflag:s25], $0x3C00  }
0x143: {  	[sflag:s25] =	ssyncset.done $0x0  }
0x144: {  	s13 =	rddreg [dreg:$0xa];
	[sflag:s25] =	ssyncadd.s32 $0xFFFFC400  }
0x145: {  	[tilespmem:s19], [sflag:$0x3] =	stream.indirect.gather [hbm4b:s1+s17], $0x80, s13, s17, $0xb8;
	v63 =	vld [tilespmem:$0x0]  }
0x146: {  	_ =	swait.ge [sflag:s20], $0x3C00  }
0x147: {  	[sflag:s20] =	ssyncset.done $0x0  }
0x148: {  	s10 =	rddreg [dreg:$0xb];
	[sflag:s20] =	ssyncadd.s32 $0xFFFFC400  }
0x149: {  	[spmem:s3] =	stream.indirect.scatter.add.f32 [tilespmem:s14], [sflag:$0x4], $0x80, s10, s17, $0xb8;
	v63 =	vld [tilespmem:$0x0]  }
0x14a: {  	_ =	swait.ge [sflag:s21], $0x3C00  }
0x14b: {  	[sflag:s21] =	ssyncset.done $0x0  }
0x14c: {  	s11 =	rddreg [dreg:$0xc];
	[sflag:s21] =	ssyncadd.s32 $0xFFFFC400  }
0x14d: {  	[spmem:s3] =	stream.indirect.scatter.add.f32 [tilespmem:s18], [sflag:$0x5], $0x80, s11, s17, $0xb8;
	v63 =	vld [tilespmem:$0x0]  }
0x14e: {  	_ =	swait.ge [sflag:s22], $0x3C00  }
0x14f: {  	[sflag:s22] =	ssyncset.done $0x0  }
0x150: {  	s12 =	rddreg [dreg:$0xd];
	[sflag:s22] =	ssyncadd.s32 $0xFFFFC400  }
0x151: {  	[spmem:s3] =	stream.indirect.scatter.add.f32 [tilespmem:s19], [sflag:$0x6], $0x80, s12, s17, $0xb8;
	v63 =	vld [tilespmem:$0x0]  }
0x152: {  	_ =	swait.ge [sflag:s23], $0x3C00  }
0x153: {  	[sflag:s23] =	ssyncset.done $0x0  }
0x154: {  	s13 =	rddreg [dreg:$0xe];
	[sflag:s23] =	ssyncadd.s32 $0xFFFFC400  }
0x155: {  	[tilespmem:s14], [sflag:$0x1] =	stream.indirect.gather [hbm4b:s1+s17], $0x80, s13, s17, $0xb8;
	v63 =	vld [tilespmem:$0x0]  }
0x156: {  	_ =	swait.ge [sflag:s24], $0x3C00  }
0x157: {  	[sflag:s24] =	ssyncset.done $0x0  }
0x158: {  	[sflag:s24] =	ssyncadd.s32 $0xFFFFC400  }
0x159: {  	[tilespmem:s18], [sflag:$0x2] =	stream.indirect.gather [hbm4b:s1+s17], $0x80, s26, s17, $0xb8;
	v63 =	vld [tilespmem:$0x0]  }
0x15a: {  	_ =	swait.ge [sflag:s25], $0x3C00  }
0x15b: {  	[sflag:s25] =	ssyncset.done $0x0  }
0x15c: {  	[sflag:s25] =	ssyncadd.s32 $0xFFFFC400  }
0x15d: {  	[tilespmem:s19], [sflag:$0x3] =	stream.indirect.gather [hbm4b:s1+s17], $0x80, s28, s17, $0xb8;
	v63 =	vld [tilespmem:$0x0]  }
0x15e: {  	_ =	swait.ge [sflag:s20], $0x3C00  }
0x15f: {  	[sflag:s20] =	ssyncset.done $0x0  }
0x160: {  	[sflag:s20] =	ssyncadd.s32 $0xFFFFC400  }
0x161: {  	[spmem:s3] =	stream.indirect.scatter.add.f32 [tilespmem:s14], [sflag:$0x4], $0x80, s29, s17, $0xb8;
	v63 =	vld [tilespmem:$0x0]  }
0x162: {  	_ =	swait.ge [sflag:s21], $0x3C00  }
0x163: {  	[sflag:s21] =	ssyncset.done $0x0  }
0x164: {  	[sflag:s21] =	ssyncadd.s32 $0xFFFFC400  }
0x165: {  	[spmem:s3] =	stream.indirect.scatter.add.f32 [tilespmem:s18], [sflag:$0x5], $0x80, s30, s17, $0xb8;
	v63 =	vld [tilespmem:$0x0]  }
0x166: {  	_ =	swait.ge [sflag:s22], $0x3C00  }
0x167: {  	[sflag:s22] =	ssyncset.done $0x0  }
0x168: {  	[sflag:s22] =	ssyncadd.s32 $0xFFFFC400  }
0x169: {  	[spmem:s3] =	stream.indirect.scatter.add.f32 [tilespmem:s19], [sflag:$0x6], $0x80, s31, s17, $0xb8;
	v63 =	vld [tilespmem:$0x0]  }
0x16a: {  	_ =	swait.ge [sflag:s23], $0x3C00  }
0x16b: {  	[sflag:s23] =	ssyncset.done $0x0  }
0x16c: {  	[sflag:s23] =	ssyncadd.s32 $0xFFFFC400  }
0x16d: {  	[tilespmem:s14], [sflag:$0x1] =	stream.indirect.gather [hbm4b:s1+s17], $0x80, s2, s17, $0xb8;
	v63 =	vld [tilespmem:$0x0]  }
0x16e: {  	_ =	swait.ge [sflag:s24], $0x3C00  }
0x16f: {  	[sflag:s24] =	ssyncset.done $0x0  }
0x170: {  	[sflag:s24] =	ssyncadd.s32 $0xFFFFC400  }
0x171: {  	[tilespmem:s18], [sflag:$0x2] =	stream.indirect.gather [hbm4b:s1+s17], $0x80, s0, s17, $0xb8;
	v63 =	vld [tilespmem:$0x0]  }
0x172: {  	_ =	swait.ge [sflag:s25], $0x3C00  }
0x173: {  	[sflag:s25] =	ssyncset.done $0x0  }
0x174: {  	[sflag:s25] =	ssyncadd.s32 $0xFFFFC400  }
0x175: {  	[tilespmem:s19], [sflag:$0x3] =	stream.indirect.gather [hbm4b:s1+s17], $0x80, s6, s17, $0xb8;
	v63 =	vld [tilespmem:$0x0]  }
0x176: {  	_ =	swait.ge [sflag:s20], $0x3C00  }
0x177: {  	[sflag:s20] =	ssyncset.done $0x0  }
0x178: {  	[sflag:s20] =	ssyncadd.s32 $0xFFFFC400  }
0x179: {  	[spmem:s3] =	stream.indirect.scatter.add.f32 [tilespmem:s14], [sflag:$0x4], $0x80, s7, s17, $0xb8;
	v63 =	vld [tilespmem:$0x0]  }
0x17a: {  	_ =	swait.ge [sflag:s21], $0x3C00  }
0x17b: {  	[sflag:s21] =	ssyncset.done $0x0  }
0x17c: {  	[sflag:s21] =	ssyncadd.s32 $0xFFFFC400  }
0x17d: {  	[spmem:s3] =	stream.indirect.scatter.add.f32 [tilespmem:s18], [sflag:$0x5], $0x80, s8, s17, $0xb8;
	v63 =	vld [tilespmem:$0x0]  }
0x17e: {  	_ =	swait.ge [sflag:s22], $0x3C00  }
0x17f: {  	[sflag:s22] =	ssyncset.done $0x0  }
0x180: {  	[sflag:s22] =	ssyncadd.s32 $0xFFFFC400  }
0x181: {  	[spmem:s3] =	stream.indirect.scatter.add.f32 [tilespmem:s19], [sflag:$0x6], $0x80, s9, s17, $0xb8;
	v63 =	vld [tilespmem:$0x0]  }
0x182: {  	_ =	swait.ge [sflag:s23], $0x3C00  }
0x183: {  	[sflag:s23] =	ssyncset.done $0x0  }
0x184: {  	[sflag:s23] =	ssyncadd.s32 $0xFFFFC400  }
0x185: {  	_ =	swait.ge [sflag:s24], $0x3C00  }
0x186: {  	[sflag:s24] =	ssyncset.done $0x0  }
0x187: {  	[sflag:s24] =	ssyncadd.s32 $0xFFFFC400  }
0x188: {  	_ =	swait.ge [sflag:s25], $0x3C00  }
0x189: {  	[sflag:s25] =	ssyncset.done $0x0  }
0x18a: {  	[sflag:s25] =	ssyncadd.s32 $0xFFFFC400  }
0x18b: {  	s10 =	stileid.u32;
	[bflag:$0x0] =	sbarrier.arrive $0xFFFF  }
0x18c: {  	s5 =	sshll.u32 s10, $0x6;
	s13 =	rddreg [dreg:$0xf]  }
0x18d: {  	s5 =	sor.u32 $0x1C07, s5;
	s11 =	rddreg [dreg:$0x15];
	s10 =	sshrl.u32 s13, $0x3  }
0x18e: {  	[hbm:s11], [sflag:s5] =	dma.local [spmem:s10], $0x2800  }
0x18f: {  	_ =	swait.ge [sflag:s15], $0x2800  }
0x190: {  	s11 =	rddreg [dreg:$0x18]  }
0x191: {  	s12 =	rddreg [dreg:$0x16];
	s10 =	sadd.s32 $0x1, s11  }
0x192: {  	p0 =	sne.s32 s10, s12  }
.Ltmp2:
0x193: {  	_ = 	snop;
	(pc) =	sbr.rel @p0 .LBB2_1-.Ltmp2, $3  }
0x194: {  	_ =	sdelay $0x1  }
0x195: {  	[sflag:s15] =	ssyncset.done $0x0  }
0x196: {  	[sflag:s15] =	ssyncadd.s32 $0xFFFFD800  }
0x197: {  	_ =	sfence.sel $0x180000  }
0x198: {  	[bflag:$0x0] =	sbarrier.arrive $0xFFFF  }
0x199: {  	_ =	strace $0x9000004A  }
0x19a: {  	s0 =	stileid.u32;
	[bflag:$0x2] =	sbarrier.arrive $0xFFFF  }
0x19b: {  	p0 =	sne.s32 s0, $0x0;
	s0 =	rddreg [dreg:$0x3]  }
0x19c: {  	s0 =	sadd.s32 @!p0 $0x100000, s0  }
0x19d: {  	[sflag:s0] =	ssyncadd.tile.s32 @!p0 $0x1;
	_ =	shalt  }
.Lfunc_end2:
_tile_overlayer_lowered:
.L_overlay_start_2:
0x19e: {  	(tag) =	ssettag $0x2  }
0x19f: {  	s0 =	rddreg [dreg:$0x0];
	s2 =	stileid.u32  }
0x1a0: {  	s1 =	rddreg [dreg:$0x1];
	p0 =	sne.s32 s2, $0x0  }
0x1a1: {  	s3 =	rddreg [dreg:$0x2];
	[bflag:$0x3] =	sbarrier.arrive $0xFFFF;
	s2 =	simm.s32 @!p0 $0x1C07  }
0x1a2: {  	[timem:s3], [sflag:s2] =	dma.local @!p0 [hbm:s0], s1  }
0x1a3: {  	s0 =	simm.s32 @!p0 $0x7  }
0x1a4: {  	_ =	swait.ge @!p0 [sflag:s0], s1  }
0x1a5: {  	s1 =	ssub.s32 @!p0 $0x0, s1;
	[sflag:s0] =	ssyncset.done @!p0 $0x0  }
0x1a6: {  	[sflag:s0] =	ssyncadd.s32 @!p0 s1  }
0x1a7: {  	[bflag:$0x3] =	sbarrier.arrive $0xFFFF  }
0x1a8: {  	_ =	shalt  }

// kernel: kernel.14.cloned.1.call-start
scs
__scs_entry_jumppad:
0x0: {  	(pc) =	sbr.rel $0x88, $3  }
0x1: {  	(tag) =	ssettag $0x0;
	lr =	simm.s32 $0x1  }
0x2: {  	[smem:$0x3F9B] =	sst lr;
	_ =	strace $0xD0000000  }
0x3: {  	_ = 	snop  }
0x4: {  	_ = 	snop  }
0x5: {  	_ = 	snop  }
0x6: {  	_ = 	snop  }
0x7: {  	_ = 	snop  }
__scs_overlays_trampoline_lowered:
0x8: {  	[smem:$0x3FAA] =	sst s0  }
0x9: {  	[smem:$0x3FAB] =	sst s1  }
0xa: {  	[smem:$0x3FAC] =	sst s2  }
0xb: {  	[smem:$0x3FAD] =	sst s3  }
0xc: {  	[smem:$0x3FAE] =	sst s4  }
0xd: {  	[smem:$0x3FAF] =	sst s5  }
0xe: {  	[smem:$0x3FB0] =	sst s6  }
0xf: {  	[smem:$0x3FB1] =	sst s7  }
0x10: {  	[smem:$0x3FB2] =	sst s8  }
0x11: {  	[smem:$0x3FB3] =	sst s9;
	s0 =	simm.s32 @!p0 $0x0  }
0x12: {  	s1 =	sld [smem:$0x3F99];
	s0 =	simm.s32 @p0 $0x1  }
0x13: {  	[smem:$0x3FB4] =	sst s0;
	s0 =	simm.s32 @!p1 $0x0  }
0x14: {  	s2 =	sld [smem:$0x3F98];
	s0 =	simm.s32 @p1 $0x1  }
0x15: {  	[smem:$0x3FB5] =	sst s0;
	s0 =	simm.s32 @!p2 $0x0  }
0x16: {  	s3 =	sld [smem:$0x3FDB];
	s0 =	simm.s32 @p2 $0x1  }
0x17: {  	s4 =	simm.s32 $0x1BF5;
	[smem:$0x3FB7] =	sst s0  }
0x18: {  	s0 =	sld [smem:$0x3F9A];
	_ =	swait.ge [sflag:s4], $0x0  }
0x19: {  	s7 =	sld [smem:$0x3F9B]  }
0x1a: {  	s8 =	sadd.s32 $0xFFFFE003, lr  }
0x1b: {  	s9 =	sadd.s32 $0xFFFFFEF7, lr;
	s5 =	simm.s32 $0xFFFFFFFF;
	p2 =	slt.u32 s8, $0xFFFFF086  }
0x1c: {  	p1 =	slt.u32 s9, $0xF7A;
	s5 =	simm.s32 @!p2 $0x0  }
0x1d: {  	s5 =	simm.s32 @p1 $0x1;
	p0 =	seq.s32 s7, s2  }
0x1e: {  	s7 =	smul.u32 @!p0 $0xF7A, s2;
	p2 =	seq.s32 @!p0 s5, $0x0  }
0x1f: {  	s9 =	smul.u32 $0xF7A, s1;
	s8 =	simm.s32 @!p0 $0x1BF5;
	p2 =	por !p2, p0  }
0x20: {  	[sflag:s8] =	ssyncset.s32 @!p0 $0xFFFFF086;
	s6 =	sadd.s32 @!p0 s3, s7;
	s7 =	simm.s32 @!p0 $0x108  }
0x21: {  	s3 =	sadd.s32 s3, s9;
	s6 =	sadd.s32 @!p0 $0x88, s6;
	s7 =	simm.s32 @p2 $0x1082  }
0x22: {  	[simem:s7], [sflag:s8] =	dma.local @!p0 [hbm:s6], $0xF7A  }
0x23: {  	s9 =	sor.u32 $0xD0000000, s2;
	s6 =	simm.s32 $0x108;
	_ =	swait.ge @!p0 [sflag:s8], $0x0  }
0x24: {  	s3 =	sadd.s32 $0x88, s3;
	s6 =	simm.s32 @!p1 $0x1082;
	[sflag:s4] =	ssyncset.s32 $0xFFFFF086  }
0x25: {  	[simem:s6], [sflag:s4] =	dma.local [hbm:s3], $0xF7A  }
0x26: {  	[smem:$0x3F9B] =	sst s1;
	(tag) =	ssettag s2;
	_ =	strace s9  }
0x27: {  	s1 =	sld [smem:$0x3FAB]  }
0x28: {  	s2 =	sld [smem:$0x3FAC]  }
0x29: {  	s4 =	sld [smem:$0x3FAE]  }
0x2a: {  	p0 =	seq.s32 s5, $0x0;
	s5 =	sld [smem:$0x3FAF]  }
0x2b: {  	s6 =	sld [smem:$0x3FB0]  }
0x2c: {  	s7 =	sld [smem:$0x3FB1]  }
0x2d: {  	s3 =	simm.s32 $0x108;
	s8 =	sld [smem:$0x3FB2]  }
0x2e: {  	s3 =	simm.s32 @!p0 $0x1082;
	s9 =	sld [smem:$0x3FB3]  }
0x2f: {  	lr =	sadd.s32 s0, s3;
	s0 =	sld [smem:$0x3FAA]  }
0x30: {  	s3 =	sld [smem:$0x3FAD]  }
0x31: {  	[smem:$0x3FB6] =	sst s10  }
0x32: {  	s10 =	sld [smem:$0x3FB4];
	_ =	sdelay $0x3  }
0x33: {  	p0 =	seq.s32 s10, $0x1;
	s10 =	sld [smem:$0x3FB6];
	_ =	sdelay $0x3  }
0x34: {  	[smem:$0x3FB6] =	sst s10  }
0x35: {  	s10 =	sld [smem:$0x3FB5];
	_ =	sdelay $0x3  }
0x36: {  	p1 =	seq.s32 s10, $0x1;
	s10 =	sld [smem:$0x3FB6];
	_ =	sdelay $0x3  }
0x37: {  	[smem:$0x3FB6] =	sst s10  }
0x38: {  	s10 =	sld [smem:$0x3FB7]  }
0x39: {  	_ = 	snop;
	(pc) =	sbr.ind lr, $3  }
0x3a: {  	_ = 	snop  }
0x3b: {  	_ = 	snop  }
0x3c: {  	p2 =	seq.s32 s10, $0x1;
	s10 =	sld [smem:$0x3FB6]  }
0x3d: {  	_ =	shalt  }
0x3e: {  	_ =	shalt  }
0x3f: {  	_ =	shalt  }
0x40: {  	_ =	shalt  }
0x41: {  	_ =	shalt  }
0x42: {  	_ =	shalt  }
0x43: {  	_ =	shalt  }
0x44: {  	_ =	shalt  }
0x45: {  	_ =	shalt  }
0x46: {  	_ =	shalt  }
0x47: {  	_ =	shalt  }
0x48: {  	_ =	shalt  }
0x49: {  	_ =	shalt  }
0x4a: {  	_ =	shalt  }
0x4b: {  	_ =	shalt  }
0x4c: {  	_ =	shalt  }
0x4d: {  	_ =	shalt  }
0x4e: {  	_ =	shalt  }
0x4f: {  	_ =	shalt  }
0x50: {  	_ =	shalt  }
0x51: {  	_ =	shalt  }
0x52: {  	_ =	shalt  }
0x53: {  	_ =	shalt  }
0x54: {  	_ =	shalt  }
0x55: {  	_ =	shalt  }
0x56: {  	_ =	shalt  }
0x57: {  	_ =	shalt  }
0x58: {  	_ =	shalt  }
0x59: {  	_ =	shalt  }
0x5a: {  	_ =	shalt  }
0x5b: {  	_ =	shalt  }
0x5c: {  	_ =	shalt  }
0x5d: {  	_ =	shalt  }
0x5e: {  	_ =	shalt  }
0x5f: {  	_ =	shalt  }
0x60: {  	_ =	shalt  }
0x61: {  	_ =	shalt  }
0x62: {  	_ =	shalt  }
0x63: {  	_ =	shalt  }
0x64: {  	_ =	shalt  }
0x65: {  	_ =	shalt  }
0x66: {  	_ =	shalt  }
0x67: {  	_ =	shalt  }
0x68: {  	_ =	shalt  }
0x69: {  	_ =	shalt  }
0x6a: {  	_ =	shalt  }
0x6b: {  	_ =	shalt  }
0x6c: {  	_ =	shalt  }
0x6d: {  	_ =	shalt  }
0x6e: {  	_ =	shalt  }
0x6f: {  	_ =	shalt  }
0x70: {  	_ =	shalt  }
0x71: {  	_ =	shalt  }
0x72: {  	_ =	shalt  }
0x73: {  	_ =	shalt  }
0x74: {  	_ =	shalt  }
0x75: {  	_ =	shalt  }
0x76: {  	_ =	shalt  }
0x77: {  	_ =	shalt  }
0x78: {  	_ =	shalt  }
0x79: {  	_ =	shalt  }
0x7a: {  	_ =	shalt  }
0x7b: {  	_ =	shalt  }
0x7c: {  	_ =	shalt  }
0x7d: {  	_ =	shalt  }
0x7e: {  	_ =	shalt  }
0x7f: {  	_ =	shalt  }
0x80: {  	_ =	shalt  }
0x81: {  	_ =	shalt  }
0x82: {  	_ =	shalt  }
0x83: {  	_ =	shalt  }
0x84: {  	_ =	shalt  }
0x85: {  	_ =	shalt  }
0x86: {  	_ =	shalt  }
0x87: {  	_ =	shalt  }
.Lfunc_end0:
.L_simem_size_0:
called_computation.2_lowered:
.L_overlay_start_0:
0x88: {  	s2 =	sld [smem:$0x3FD9]  }
0x89: {  	s3 =	sld [smem:$0x3FFE];
	_ =	sdelay $0x1  }
0x8a: {  	s1 =	srdreg.scid  }
0x8b: {  	s0 =	sand.u32 $0x1, s1  }
0x8c: {  	s17 =	sshll.u32 s0, $0xA;
	s2 =	sadd.s32 s3, s2  }
0x8d: {  	s2 =	sadd.s32 s2, s17  }
0x8e: {  	[smem:$0x3FC2] =	sst s2  }
0x8f: {  	_ = 	snop  }
0x90: {  	s2 =	sld [smem:$0x3FD0];
	(tm) =	ssettm $0x1  }
0x91: {  	s18 =	sld [smem:$0x3FFB];
	_ =	sdelay $0x3  }
0x92: {  	_ =	strace s18  }
0x93: {  	s3 =	sld [smem:$0x3FFC];
	_ =	sdelay $0x3  }
0x94: {  	_ =	strace s3  }
0x95: {  	s3 =	sld [smem:$0x3FFD];
	_ =	sdelay $0x3  }
0x96: {  	_ =	strace s3  }
0x97: {  	_ =	strace $0x8FFFFFFF  }
0x98: {  	s19 =	sld [smem:$0x3FDB];
	_ =	sdelay $0x1  }
0x99: {  	s4 =	simm.s32 $_scs_section_size  }
0x9a: {  	s5 =	simm.s32 $_size__tile_overlayer_lowered;
	s6 =	simm.s32 $_tile_overlayer_lowered  }
0x9b: {  	s22 =	simm.s32 $0x1BFF;
	s21 =	sshll.u32 s6, $0x1;
	s3 =	sadd.s32 s4, s19  }
0x9c: {  	s7 =	simm.s32 $0x0;
	s20 =	sshll.u32 s5, $0x1;
	s5 =	sadd.s32 s21, s3  }
0x9d: {  	[timem:s7], [sflag:s22] =	dma.local [hbm:s5], s20  }
0x9e: {  	_ =	swait.ge [sflag:s22], s20  }
0x9f: {  	s4 =	ssub.s32 $0x0, s20;
	[sflag:s22] =	ssyncset.done $0x0  }
0xa0: {  	[sflag:s22] =	ssyncadd.s32 s4;
	_ =	sdelay $0x1  }
0xa1: {  	s23 =	simm.s32 $0x1B8B  }
0xa2: {  	_ =	swait.ge [sflag:s23], $0x1  }
0xa3: {  	[sflag:s23] =	ssyncset.done $0x0  }
0xa4: {  	s25 =	simm.s32 $0x1B8E;
	s24 =	sld [smem:$0x3FFE];
	[sflag:s23] =	ssyncadd.s32 $0xFFFFFFFF  }
0xa5: {  	s26 =	simm.s32 $execute0_lowered;
	[smem:$0x3FD2] =	sst s25  }
0xa6: {  	s5 =	sshll.u32 s26, $0x1;
	_ =	strace $0x8000004C;
	[dreg:$0x1] =	wrdreg $0xFFFFFFFF  }
0xa7: {  	s28 =	simm.s32 $_size_execute0_lowered;
	s3 =	sadd.s32 s3, s5;
	[dreg:$0x0] =	wrdreg $0x0  }
0xa8: {  	s5 =	sshll.u32 s28, $0x1;
	[dreg:$0x2] =	wrdreg s3  }
0xa9: {  	[dreg:$0x3] =	wrdreg s5  }
0xaa: {  	[dreg:$0x4] =	wrdreg $0xC0  }
0xab: {  	_ =	task [dreg:s7], $0x5FFFF  }
0xac: {  	[dreg:$0x1] =	wrdreg $0xFFFFFFFF  }
0xad: {  	[dreg:$0x0] =	wrdreg $0x60  }
0xae: {  	[dreg:$0x2] =	wrdreg s2  }
0xaf: {  	[dreg:$0x3] =	wrdreg s24  }
0xb0: {  	[dreg:$0x4] =	wrdreg $0xC0000  }
0xb1: {  	[dreg:$0x5] =	wrdreg $0x9  }
0xb2: {  	_ =	task.clear_ibuf [dreg:s7], $0x6FFFF;
	_ =	strace $0x9000004C  }
0xb3: {  	s29 =	simm.s32 $0x9;
	_ =	strace $0x8000004E  }
0xb4: {  	_ =	swait.ge [sflag:s29], $0x1  }
0xb5: {  	[sflag:s29] =	ssyncadd.s32 $0xFFFFFFFF  }
0xb6: {  	_ =	strace $0x9000004E  }
0xb7: {  	_ =	sfence  }
0xb8: {  	s30 =	sld [smem:$0x0];
	_ =	sdelay $0x2  }
0xb9: {  	s31 =	sshll.u32 s1, $0xD;
	s1 =	sshrl.u32 s1, $0x2  }
0xba: {  	s3 =	sand.u32 $0x4000, s31;
	s1 =	sadd.s32 s1, s30  }
0xbb: {  	s0 =	sor.u32 s3, s0;
	s1 =	sshll.u32 s1, $0x11  }
0xbc: {  	s0 =	sor.u32 s1, s0  }
0xbd: {  	s0 =	sadd.s32 $0x8F2B, s0  }
0xbe: {  	[sflag:s0] =	ssyncadd.remote.s32 $0x1  }
0xbf: {  	_ =	sfence.sel $0xFFFF  }
0xc0: {  	[dreg:$0x0] =	wrdreg $0xFFFFFFFF;
	(pc) =	sbr.abs _section_cstart, $3  }
0xc1: {  	[dreg:$0x1] =	wrdreg $0xFFFFFFFF  }
0xc2: {  	_ =	task.clear_ibuf [dreg:s7], $0x2FFFF;
	_ =	strace $0x9FFFFFFF  }
0xc3: {  	(tm) =	ssettm $0x7FFFFFFF  }
tec
execute0_lowered:
.L_overlay_start_1:
0x0: {  	(tag) =	ssettag $0x1  }
0x1: {  	s1 =	rddreg [dreg:$0x0]  }
0x2: {  	s0 =	srdreg.scid;
	s2 =	rddreg [dreg:$0x1]  }
0x3: {  	s9 =	stileid.u32;
	s3 =	rddreg [dreg:$0x2];
	s4 =	simm.s32 $0x0  }
0x4: {  	s17 =	simm.s32 $0xF0;
	s18 =	simm.s32 $0x680;
	s19 =	simm.s32 $0x700  }
0x5: {  	s20 =	simm.s32 $0x168;
	s21 =	simm.s32 $0x1E0;
	s6 =	smul.u32 $0x2760, s9  }
0x6: {  	s22 =	simm.s32 $0x258;
	s23 =	simm.s32 $0x780;
	s8 =	smul.u32 $0x2A00, s9  }
0x7: {  	s28 =	simm.s32 $0x3C0;
	s29 =	simm.s32 $0x900;
	s25 =	smul.u32 $0x14000, s9  }
0x8: {  	s0 =	sand.u32 $0x1, s0;
	[smem:$0x7FF] =	sst s4;
	s9 =	smul.u32 $0x50000, s9  }
0x9: {  	s5 =	smul.u32 $0x27600, s0;
	_ =	strace $0x8000004D;
	[dreg:$0x5] =	wrdreg s17  }
0xa: {  	s30 =	simm.s32 $0x980;
	s7 =	smul.u32 $0x2A000, s0;
	[dreg:$0x6] =	wrdreg s18  }
0xb: {  	s31 =	simm.s32 $0xA00;
	s24 =	smul.u32 $0x140000, s0;
	[dreg:$0x7] =	wrdreg s19  }
0xc: {  	s0 =	ssub.s32 $0x2, s0;
	s17 =	simm.s32 $0x78;
	[dreg:$0x8] =	wrdreg s20  }
0xd: {  	s18 =	simm.s32 $0x4800;
	s19 =	simm.s32 $0x8400;
	[dreg:$0x9] =	wrdreg s21  }
0xe: {  	s20 =	simm.s32 $0x1;
	[dreg:$0xa] =	wrdreg s22;
	s21 =	simm.s32 $0x2  }
0xf: {  	[dreg:$0xb] =	wrdreg s23;
	s22 =	simm.s32 $0x3;
	s23 =	simm.s32 $0x4  }
0x10: {  	s26 =	sshrl.u32 s0, $0x1;
	s9 =	sshrl.u32 s9, $0x2;
	s5 =	sadd.s32 s6, s5  }
0x11: {  	s7 =	sadd.s32 s8, s7;
	s6 =	sadd.s32 s25, s24;
	s24 =	simm.s32 $0x800  }
0x12: {  	s0 =	ssub.s32 s0, s26;
	s25 =	simm.s32 $0x880;
	[dreg:$0xc] =	wrdreg s24  }
0x13: {  	s13 =	sadd.s32 s9, s3;
	s26 =	simm.s32 $0x2D0;
	[dreg:$0xd] =	wrdreg s25  }
0x14: {  	s8 =	simm.s32 $0xB00;
	s5 =	sshrl.u32 s5, $0x3;
	[dreg:$0xe] =	wrdreg s26  }
0x15: {  	s7 =	sshrl.u32 s7, $0x3;
	s9 =	sadd.s32 $0x3C00, s13;
	[dreg:$0xf] =	wrdreg s13  }
0x16: {  	s6 =	sshrl.u32 s6, $0x3;
	s10 =	sadd.s32 $0x7800, s13;
	[dreg:$0x10] =	wrdreg s9  }
0x17: {  	s11 =	sadd.s32 $0xB400, s13;
	s12 =	sadd.s32 $0xF000, s13;
	[dreg:$0x11] =	wrdreg s10  }
0x18: {  	s14 =	sadd.s32 $0x12C00, s13;
	s0 =	smax.u32 s0, $0x1;
	[dreg:$0x12] =	wrdreg s11  }
0x19: {  	s24 =	simm.s32 $0x5;
	s25 =	simm.s32 $0x6;
	[dreg:$0x13] =	wrdreg s12  }
0x1a: {  	s26 =	simm.s32 $0x348;
	s5 =	sadd.s32 s5, s2;
	[dreg:$0x14] =	wrdreg s14  }
0x1b: {  	s7 =	sadd.s32 s7, s2;
	s2 =	sadd.s32 s6, s2;
	[dreg:$0x16] =	wrdreg s0  }
0x1c: {  	s14 =	simm.s32 $0xC00;
	s0 =	simm.s32 $0x4B0;
	s2 =	sadd.s32 $0x20C00, s2  }
0x1d: {  	s6 =	simm.s32 $0x528;
	s15 =	sadd.s32 $0x16400, s7;
	[dreg:$0x15] =	wrdreg s2  }
0x1e: {  	s9 =	simm.s32 $0xB80;
	s16 =	sadd.s32 $0xC600, s5;
	[dreg:$0x17] =	wrdreg s15  }
0x1f: {  	s10 =	simm.s32 $0x0;
	s7 =	simm.s32 $0xA80;
	[dreg:$0x4] =	wrdreg s16  }
0x20: {  	v0 =	vimm.f32 $0.0e+00;
	s15 =	simm.s32 $0x7;
	s16 =	simm.s32 $0x600;
	s2 =	simm.s32 $0x438  }
.LBB2_1:
0x21: {  	s11 =	simm.s32 $0x0;
	s12 =	simm.s32 $0x200  }
.LBB2_2:
0x22: {  	p0 =	sne.s32 s12, $0xEE00;
	[tilespmem:s11+$0xC70] =	vst v0  }
0x23: {  	[tilespmem:s11+$0xC00] =	vst v0  }
0x24: {  	[tilespmem:s11+$0xC10] =	vst v0  }
.Ltmp0:
0x25: {  	[tilespmem:s11+$0xC20] =	vst v0;
	(pc) =	sbr.rel @p0 .LBB2_2-.Ltmp0, $4  }
0x26: {  	[tilespmem:s11+$0xC30] =	vst v0  }
0x27: {  	[tilespmem:s11+$0xC40] =	vst v0  }
0x28: {  	[tilespmem:s11+$0xC50] =	vst v0  }
0x29: {  	[tilespmem:s11+$0xC60] =	vst v0;
	s11 =	sshra.s32 s12, $0x2;
	s12 =	sadd.s32 $0x200, s12  }
0x2a: {  	[tilespmem:s11+$0xC70] =	vst v0  }
0x2b: {  	[tilespmem:s11+$0xC00] =	vst v0  }
0x2c: {  	[tilespmem:s11+$0xC10] =	vst v0  }
0x2d: {  	[tilespmem:s11+$0xC20] =	vst v0  }
0x2e: {  	[tilespmem:s11+$0xC30] =	vst v0  }
0x2f: {  	[tilespmem:s11+$0xC40] =	vst v0  }
0x30: {  	[tilespmem:s11+$0xC50] =	vst v0  }
0x31: {  	[dreg:$0x18] =	wrdreg s10;
	[tilespmem:s11+$0xC60] =	vst v0  }
0x32: {  	[spmem:s13] =	stream.linear.scatter [tilespmem:s14], [sflag:$0x7], $0x3C00, $0x38;
	v63 =	vld [tilespmem:$0x0]  }
0x33: {  	_ =	swait.ge [sflag:s15], $0x3C00  }
0x34: {  	[sflag:s15] =	ssyncset.done $0x0  }
0x35: {  	s5 =	rddreg [dreg:$0x10];
	[sflag:s15] =	ssyncadd.s32 $0xFFFFC400  }
0x36: {  	[spmem:s5] =	stream.linear.scatter [tilespmem:s14], [sflag:$0x7], $0x3C00, $0x38;
	v63 =	vld [tilespmem:$0x0]  }
0x37: {  	_ =	swait.ge [sflag:s15], $0x3C00  }
0x38: {  	[sflag:s15] =	ssyncset.done $0x0  }
0x39: {  	s11 =	rddreg [dreg:$0x11];
	[sflag:s15] =	ssyncadd.s32 $0xFFFFC400  }
0x3a: {  	[spmem:s11] =	stream.linear.scatter [tilespmem:s14], [sflag:$0x7], $0x3C00, $0x38;
	v63 =	vld [tilespmem:$0x0]  }
0x3b: {  	_ =	swait.ge [sflag:s15], $0x3C00  }
0x3c: {  	[sflag:s15] =	ssyncset.done $0x0  }
0x3d: {  	s12 =	rddreg [dreg:$0x12];
	[sflag:s15] =	ssyncadd.s32 $0xFFFFC400  }
0x3e: {  	[spmem:s12] =	stream.linear.scatter [tilespmem:s14], [sflag:$0x7], $0x3C00, $0x38;
	v63 =	vld [tilespmem:$0x0]  }
0x3f: {  	_ =	swait.ge [sflag:s15], $0x3C00  }
0x40: {  	[sflag:s15] =	ssyncset.done $0x0  }
0x41: {  	s13 =	rddreg [dreg:$0x13];
	[sflag:s15] =	ssyncadd.s32 $0xFFFFC400  }
0x42: {  	[spmem:s13] =	stream.linear.scatter [tilespmem:s14], [sflag:$0x7], $0x3C00, $0x38;
	v63 =	vld [tilespmem:$0x0]  }
0x43: {  	_ =	swait.ge [sflag:s15], $0x3C00  }
0x44: {  	[sflag:s15] =	ssyncset.done $0x0  }
0x45: {  	s10 =	rddreg [dreg:$0x14];
	[sflag:s15] =	ssyncadd.s32 $0xFFFFC400  }
0x46: {  	[spmem:s10] =	stream.linear.scatter [tilespmem:s14], [sflag:$0x7], $0x1400, $0x38;
	v63 =	vld [tilespmem:$0x0]  }
0x47: {  	_ =	swait.ge [sflag:s15], $0x1400  }
0x48: {  	[sflag:s15] =	ssyncset.done $0x0  }
0x49: {  	[sflag:s15] =	ssyncadd.s32 $0xFFFFEC00  }
0x4a: {  	[bflag:$0x0] =	sbarrier.arrive $0xFFFF  }
0x4b: {  	s11 =	rddreg [dreg:$0x4]  }
0x4c: {  	s5 =	sadd.s32 $0x0, s11  }
0x4d: {  	[tilespmem:s4], [sflag:$0x7] =	stream.linear.gather [hbm4b:s5+s4], $0x5A0, $0x38;
	v63 =	vld [tilespmem:$0x0]  }
0x4e: {  	_ =	swait.ge [sflag:s15], $0x5A0  }
0x4f: {  	[sflag:s15] =	ssyncset.done $0x0  }
0x50: {  	s13 =	rddreg [dreg:$0x17];
	[sflag:s15] =	ssyncadd.s32 $0xFFFFFA60  }
0x51: {  	[tilespmem:s16], [sflag:$0x7] =	stream.linear.gather [hbm4b:s13+s4], $0x600, $0x38;
	v63 =	vld [tilespmem:$0x0]  }
0x52: {  	_ =	swait.ge [sflag:s15], $0x600  }
0x53: {  	[sflag:s15] =	ssyncset.done $0x0  }
0x54: {  	[sflag:s15] =	ssyncadd.s32 $0xFFFFFA00  }
0x55: {  	[tilespmem:s14], [sflag:$0x1] =	stream.indirect.gather [hbm4b:s1+s17], $0x80, s4, s17, $0xb8;
	v63 =	vld [tilespmem:$0x0]  }
0x56: {  	_ = 	snop  }
0x57: {  	[tilespmem:s18], [sflag:$0x2] =	stream.indirect.gather [hbm4b:s1+s17], $0x80, s17, s17, $0xb8;
	v63 =	vld [tilespmem:$0x0]  }
0x58: {  	s12 =	rddreg [dreg:$0x5]  }
0x59: {  	[tilespmem:s19], [sflag:$0x3] =	stream.indirect.gather [hbm4b:s1+s17], $0x80, s12, s17, $0xb8;
	v63 =	vld [tilespmem:$0x0]  }
0x5a: {  	_ =	swait.ge [sflag:s20], $0x3C00  }
0x5b: {  	[sflag:s20] =	ssyncset.done $0x0  }
0x5c: {  	[sflag:s20] =	ssyncadd.s32 $0xFFFFC400  }
0x5d: {  	[spmem:s3] =	stream.indirect.scatter.add.f32 [tilespmem:s14], [sflag:$0x4], $0x80, s16, s17, $0xb8;
	v63 =	vld [tilespmem:$0x0]  }
0x5e: {  	_ =	swait.ge [sflag:s21], $0x3C00  }
0x5f: {  	[sflag:s21] =	ssyncset.done $0x0  }
0x60: {  	s10 =	rddreg [dreg:$0x6];
	[sflag:s21] =	ssyncadd.s32 $0xFFFFC400  }
0x61: {  	[spmem:s3] =	stream.indirect.scatter.add.f32 [tilespmem:s18], [sflag:$0x5], $0x80, s10, s17, $0xb8;
	v63 =	vld [tilespmem:$0x0]  }
0x62: {  	_ =	swait.ge [sflag:s22], $0x3C00  }
0x63: {  	[sflag:s22] =	ssyncset.done $0x0  }
0x64: {  	s11 =	rddreg [dreg:$0x7];
	[sflag:s22] =	ssyncadd.s32 $0xFFFFC400  }
0x65: {  	[spmem:s3] =	stream.indirect.scatter.add.f32 [tilespmem:s19], [sflag:$0x6], $0x80, s11, s17, $0xb8;
	v63 =	vld [tilespmem:$0x0]  }
0x66: {  	_ =	swait.ge [sflag:s23], $0x3C00  }
0x67: {  	[sflag:s23] =	ssyncset.done $0x0  }
0x68: {  	s12 =	rddreg [dreg:$0x8];
	[sflag:s23] =	ssyncadd.s32 $0xFFFFC400  }
0x69: {  	[tilespmem:s14], [sflag:$0x1] =	stream.indirect.gather [hbm4b:s1+s17], $0x80, s12, s17, $0xb8;
	v63 =	vld [tilespmem:$0x0]  }
0x6a: {  	_ =	swait.ge [sflag:s24], $0x3C00  }
0x6b: {  	[sflag:s24] =	ssyncset.done $0x0  }
0x6c: {  	s10 =	rddreg [dreg:$0x9];
	[sflag:s24] =	ssyncadd.s32 $0xFFFFC400  }
0x6d: {  	[tilespmem:s18], [sflag:$0x2] =	stream.indirect.gather [hbm4b:s1+s17], $0x80, s10, s17, $0xb8;
	v63 =	vld [tilespmem:$0x0]  }
0x6e: {  	_ =	swait.ge [sflag:s25], $0x3C00  }
0x6f: {  	[sflag:s25] =	ssyncset.done $0x0  }
0x70: {  	s11 =	rddreg [dreg:$0xa];
	[sflag:s25] =	ssyncadd.s32 $0xFFFFC400  }
0x71: {  	[tilespmem:s19], [sflag:$0x3] =	stream.indirect.gather [hbm4b:s1+s17], $0x80, s11, s17, $0xb8;
	v63 =	vld [tilespmem:$0x0]  }
0x72: {  	_ =	swait.ge [sflag:s20], $0x3C00  }
0x73: {  	[sflag:s20] =	ssyncset.done $0x0  }
0x74: {  	s12 =	rddreg [dreg:$0xb];
	[sflag:s20] =	ssyncadd.s32 $0xFFFFC400  }
0x75: {  	[spmem:s3] =	stream.indirect.scatter.add.f32 [tilespmem:s14], [sflag:$0x4], $0x80, s12, s17, $0xb8;
	v63 =	vld [tilespmem:$0x0]  }
0x76: {  	_ =	swait.ge [sflag:s21], $0x3C00  }
0x77: {  	[sflag:s21] =	ssyncset.done $0x0  }
0x78: {  	s10 =	rddreg [dreg:$0xc];
	[sflag:s21] =	ssyncadd.s32 $0xFFFFC400  }
0x79: {  	[spmem:s3] =	stream.indirect.scatter.add.f32 [tilespmem:s18], [sflag:$0x5], $0x80, s10, s17, $0xb8;
	v63 =	vld [tilespmem:$0x0]  }
0x7a: {  	_ =	swait.ge [sflag:s22], $0x3C00  }
0x7b: {  	[sflag:s22] =	ssyncset.done $0x0  }
0x7c: {  	s11 =	rddreg [dreg:$0xd];
	[sflag:s22] =	ssyncadd.s32 $0xFFFFC400  }
0x7d: {  	[spmem:s3] =	stream.indirect.scatter.add.f32 [tilespmem:s19], [sflag:$0x6], $0x80, s11, s17, $0xb8;
	v63 =	vld [tilespmem:$0x0]  }
0x7e: {  	_ =	swait.ge [sflag:s23], $0x3C00  }
0x7f: {  	[sflag:s23] =	ssyncset.done $0x0  }
0x80: {  	s12 =	rddreg [dreg:$0xe];
	[sflag:s23] =	ssyncadd.s32 $0xFFFFC400  }
0x81: {  	[tilespmem:s14], [sflag:$0x1] =	stream.indirect.gather [hbm4b:s1+s17], $0x80, s12, s17, $0xb8;
	v63 =	vld [tilespmem:$0x0]  }
0x82: {  	_ =	swait.ge [sflag:s24], $0x3C00  }
0x83: {  	[sflag:s24] =	ssyncset.done $0x0  }
0x84: {  	[sflag:s24] =	ssyncadd.s32 $0xFFFFC400  }
0x85: {  	[tilespmem:s18], [sflag:$0x2] =	stream.indirect.gather [hbm4b:s1+s17], $0x80, s26, s17, $0xb8;
	v63 =	vld [tilespmem:$0x0]  }
0x86: {  	_ =	swait.ge [sflag:s25], $0x3C00  }
0x87: {  	[sflag:s25] =	ssyncset.done $0x0  }
0x88: {  	[sflag:s25] =	ssyncadd.s32 $0xFFFFC400  }
0x89: {  	[tilespmem:s19], [sflag:$0x3] =	stream.indirect.gather [hbm4b:s1+s17], $0x80, s28, s17, $0xb8;
	v63 =	vld [tilespmem:$0x0]  }
0x8a: {  	_ =	swait.ge [sflag:s20], $0x3C00  }
0x8b: {  	[sflag:s20] =	ssyncset.done $0x0  }
0x8c: {  	[sflag:s20] =	ssyncadd.s32 $0xFFFFC400  }
0x8d: {  	[spmem:s3] =	stream.indirect.scatter.add.f32 [tilespmem:s14], [sflag:$0x4], $0x80, s29, s17, $0xb8;
	v63 =	vld [tilespmem:$0x0]  }
0x8e: {  	_ =	swait.ge [sflag:s21], $0x3C00  }
0x8f: {  	[sflag:s21] =	ssyncset.done $0x0  }
0x90: {  	[sflag:s21] =	ssyncadd.s32 $0xFFFFC400  }
0x91: {  	[spmem:s3] =	stream.indirect.scatter.add.f32 [tilespmem:s18], [sflag:$0x5], $0x80, s30, s17, $0xb8;
	v63 =	vld [tilespmem:$0x0]  }
0x92: {  	_ =	swait.ge [sflag:s22], $0x3C00  }
0x93: {  	[sflag:s22] =	ssyncset.done $0x0  }
0x94: {  	[sflag:s22] =	ssyncadd.s32 $0xFFFFC400  }
0x95: {  	[spmem:s3] =	stream.indirect.scatter.add.f32 [tilespmem:s19], [sflag:$0x6], $0x80, s31, s17, $0xb8;
	v63 =	vld [tilespmem:$0x0]  }
0x96: {  	_ =	swait.ge [sflag:s23], $0x3C00  }
0x97: {  	[sflag:s23] =	ssyncset.done $0x0  }
0x98: {  	[sflag:s23] =	ssyncadd.s32 $0xFFFFC400  }
0x99: {  	[tilespmem:s14], [sflag:$0x1] =	stream.indirect.gather [hbm4b:s1+s17], $0x80, s2, s17, $0xb8;
	v63 =	vld [tilespmem:$0x0]  }
0x9a: {  	_ =	swait.ge [sflag:s24], $0x3C00  }
0x9b: {  	[sflag:s24] =	ssyncset.done $0x0  }
0x9c: {  	[sflag:s24] =	ssyncadd.s32 $0xFFFFC400  }
0x9d: {  	[tilespmem:s18], [sflag:$0x2] =	stream.indirect.gather [hbm4b:s1+s17], $0x80, s0, s17, $0xb8;
	v63 =	vld [tilespmem:$0x0]  }
0x9e: {  	_ =	swait.ge [sflag:s25], $0x3C00  }
0x9f: {  	[sflag:s25] =	ssyncset.done $0x0  }
0xa0: {  	[sflag:s25] =	ssyncadd.s32 $0xFFFFC400  }
0xa1: {  	[tilespmem:s19], [sflag:$0x3] =	stream.indirect.gather [hbm4b:s1+s17], $0x80, s6, s17, $0xb8;
	v63 =	vld [tilespmem:$0x0]  }
0xa2: {  	_ =	swait.ge [sflag:s20], $0x3C00  }
0xa3: {  	[sflag:s20] =	ssyncset.done $0x0  }
0xa4: {  	[sflag:s20] =	ssyncadd.s32 $0xFFFFC400  }
0xa5: {  	[spmem:s3] =	stream.indirect.scatter.add.f32 [tilespmem:s14], [sflag:$0x4], $0x80, s7, s17, $0xb8;
	v63 =	vld [tilespmem:$0x0]  }
0xa6: {  	_ =	swait.ge [sflag:s21], $0x3C00  }
0xa7: {  	[sflag:s21] =	ssyncset.done $0x0  }
0xa8: {  	[sflag:s21] =	ssyncadd.s32 $0xFFFFC400  }
0xa9: {  	[spmem:s3] =	stream.indirect.scatter.add.f32 [tilespmem:s18], [sflag:$0x5], $0x80, s8, s17, $0xb8;
	v63 =	vld [tilespmem:$0x0]  }
0xaa: {  	_ =	swait.ge [sflag:s22], $0x3C00  }
0xab: {  	[sflag:s22] =	ssyncset.done $0x0  }
0xac: {  	[sflag:s22] =	ssyncadd.s32 $0xFFFFC400  }
0xad: {  	[spmem:s3] =	stream.indirect.scatter.add.f32 [tilespmem:s19], [sflag:$0x6], $0x80, s9, s17, $0xb8;
	v63 =	vld [tilespmem:$0x0]  }
0xae: {  	_ =	swait.ge [sflag:s23], $0x3C00  }
0xaf: {  	[sflag:s23] =	ssyncset.done $0x0  }
0xb0: {  	[sflag:s23] =	ssyncadd.s32 $0xFFFFC400  }
0xb1: {  	_ =	swait.ge [sflag:s24], $0x3C00  }
0xb2: {  	[sflag:s24] =	ssyncset.done $0x0  }
0xb3: {  	[sflag:s24] =	ssyncadd.s32 $0xFFFFC400  }
0xb4: {  	s11 =	simm.s32 $0x168;
	_ =	swait.ge [sflag:s25], $0x3C00  }
0xb5: {  	s12 =	simm.s32 $0xB4;
	s5 =	rddreg [dreg:$0x4];
	[sflag:s25] =	ssyncset.done $0x0  }
.LBB2_4:
0xb6: {  	[sflag:s25] =	ssyncadd.s32 $0xFFFFC400;
	s5 =	sadd.s32 s12, s5  }
0xb7: {  	[tilespmem:s4], [sflag:$0x7] =	stream.linear.gather [hbm4b:s5+s4], $0x5A0, $0x38;
	v63 =	vld [tilespmem:$0x0]  }
0xb8: {  	_ =	swait.ge [sflag:s15], $0x5A0  }
0xb9: {  	[sflag:s15] =	ssyncset.done $0x0  }
0xba: {  	s13 =	sadd.s32 $0xC0, s13;
	[sflag:s15] =	ssyncadd.s32 $0xFFFFFA60  }
0xbb: {  	[tilespmem:s16], [sflag:$0x7] =	stream.linear.gather [hbm4b:s13+s4], $0x600, $0x38;
	v63 =	vld [tilespmem:$0x0]  }
0xbc: {  	_ =	swait.ge [sflag:s15], $0x600  }
0xbd: {  	[sflag:s15] =	ssyncset.done $0x0  }
0xbe: {  	[sflag:s15] =	ssyncadd.s32 $0xFFFFFA00  }
0xbf: {  	[tilespmem:s14], [sflag:$0x1] =	stream.indirect.gather [hbm4b:s1+s17], $0x80, s4, s17, $0xb8;
	v63 =	vld [tilespmem:$0x0]  }
0xc0: {  	s10 =	smov.u32 s11  }
0xc1: {  	[tilespmem:s18], [sflag:$0x2] =	stream.indirect.gather [hbm4b:s1+s17], $0x80, s17, s17, $0xb8;
	v63 =	vld [tilespmem:$0x0]  }
0xc2: {  	s12 =	smov.u32 s10;
	s10 =	rddreg [dreg:$0x5]  }
0xc3: {  	[tilespmem:s19], [sflag:$0x3] =	stream.indirect.gather [hbm4b:s1+s17], $0x80, s10, s17, $0xb8;
	v63 =	vld [tilespmem:$0x0]  }
0xc4: {  	_ =	swait.ge [sflag:s20], $0x3C00  }
0xc5: {  	[sflag:s20] =	ssyncset.done $0x0  }
0xc6: {  	[sflag:s20] =	ssyncadd.s32 $0xFFFFC400  }
0xc7: {  	[spmem:s3] =	stream.indirect.scatter.add.f32 [tilespmem:s14], [sflag:$0x4], $0x80, s16, s17, $0xb8;
	v63 =	vld [tilespmem:$0x0]  }
0xc8: {  	_ =	swait.ge [sflag:s21], $0x3C00  }
0xc9: {  	[sflag:s21] =	ssyncset.done $0x0  }
0xca: {  	s10 =	rddreg [dreg:$0x6];
	[sflag:s21] =	ssyncadd.s32 $0xFFFFC400  }
0xcb: {  	[spmem:s3] =	stream.indirect.scatter.add.f32 [tilespmem:s18], [sflag:$0x5], $0x80, s10, s17, $0xb8;
	v63 =	vld [tilespmem:$0x0]  }
0xcc: {  	_ =	swait.ge [sflag:s22], $0x3C00  }
0xcd: {  	[sflag:s22] =	ssyncset.done $0x0  }
0xce: {  	s10 =	rddreg [dreg:$0x7];
	[sflag:s22] =	ssyncadd.s32 $0xFFFFC400  }
0xcf: {  	[spmem:s3] =	stream.indirect.scatter.add.f32 [tilespmem:s19], [sflag:$0x6], $0x80, s10, s17, $0xb8;
	v63 =	vld [tilespmem:$0x0]  }
0xd0: {  	_ =	swait.ge [sflag:s23], $0x3C00  }
0xd1: {  	[sflag:s23] =	ssyncset.done $0x0  }
0xd2: {  	s10 =	rddreg [dreg:$0x8];
	[sflag:s23] =	ssyncadd.s32 $0xFFFFC400  }
0xd3: {  	[tilespmem:s14], [sflag:$0x1] =	stream.indirect.gather [hbm4b:s1+s17], $0x80, s10, s17, $0xb8;
	v63 =	vld [tilespmem:$0x0]  }
0xd4: {  	_ =	swait.ge [sflag:s24], $0x3C00  }
0xd5: {  	[sflag:s24] =	ssyncset.done $0x0  }
0xd6: {  	s10 =	rddreg [dreg:$0x9];
	[sflag:s24] =	ssyncadd.s32 $0xFFFFC400  }
0xd7: {  	[tilespmem:s18], [sflag:$0x2] =	stream.indirect.gather [hbm4b:s1+s17], $0x80, s10, s17, $0xb8;
	v63 =	vld [tilespmem:$0x0]  }
0xd8: {  	_ =	swait.ge [sflag:s25], $0x3C00  }
0xd9: {  	[sflag:s25] =	ssyncset.done $0x0  }
0xda: {  	s10 =	rddreg [dreg:$0xa];
	[sflag:s25] =	ssyncadd.s32 $0xFFFFC400  }
0xdb: {  	[tilespmem:s19], [sflag:$0x3] =	stream.indirect.gather [hbm4b:s1+s17], $0x80, s10, s17, $0xb8;
	v63 =	vld [tilespmem:$0x0]  }
0xdc: {  	_ =	swait.ge [sflag:s20], $0x3C00  }
0xdd: {  	[sflag:s20] =	ssyncset.done $0x0  }
0xde: {  	s10 =	rddreg [dreg:$0xb];
	[sflag:s20] =	ssyncadd.s32 $0xFFFFC400  }
0xdf: {  	[spmem:s3] =	stream.indirect.scatter.add.f32 [tilespmem:s14], [sflag:$0x4], $0x80, s10, s17, $0xb8;
	v63 =	vld [tilespmem:$0x0]  }
0xe0: {  	_ =	swait.ge [sflag:s21], $0x3C00  }
0xe1: {  	[sflag:s21] =	ssyncset.done $0x0  }
0xe2: {  	s10 =	rddreg [dreg:$0xc];
	[sflag:s21] =	ssyncadd.s32 $0xFFFFC400  }
0xe3: {  	[spmem:s3] =	stream.indirect.scatter.add.f32 [tilespmem:s18], [sflag:$0x5], $0x80, s10, s17, $0xb8;
	v63 =	vld [tilespmem:$0x0]  }
0xe4: {  	_ =	swait.ge [sflag:s22], $0x3C00  }
0xe5: {  	[sflag:s22] =	ssyncset.done $0x0  }
0xe6: {  	s10 =	rddreg [dreg:$0xd];
	[sflag:s22] =	ssyncadd.s32 $0xFFFFC400  }
0xe7: {  	[spmem:s3] =	stream.indirect.scatter.add.f32 [tilespmem:s19], [sflag:$0x6], $0x80, s10, s17, $0xb8;
	v63 =	vld [tilespmem:$0x0]  }
0xe8: {  	_ =	swait.ge [sflag:s23], $0x3C00  }
0xe9: {  	[sflag:s23] =	ssyncset.done $0x0  }
0xea: {  	s10 =	rddreg [dreg:$0xe];
	[sflag:s23] =	ssyncadd.s32 $0xFFFFC400  }
0xeb: {  	[tilespmem:s14], [sflag:$0x1] =	stream.indirect.gather [hbm4b:s1+s17], $0x80, s10, s17, $0xb8;
	v63 =	vld [tilespmem:$0x0]  }
0xec: {  	_ =	swait.ge [sflag:s24], $0x3C00  }
0xed: {  	[sflag:s24] =	ssyncset.done $0x0  }
0xee: {  	[sflag:s24] =	ssyncadd.s32 $0xFFFFC400  }
0xef: {  	[tilespmem:s18], [sflag:$0x2] =	stream.indirect.gather [hbm4b:s1+s17], $0x80, s26, s17, $0xb8;
	v63 =	vld [tilespmem:$0x0]  }
0xf0: {  	_ =	swait.ge [sflag:s25], $0x3C00  }
0xf1: {  	[sflag:s25] =	ssyncset.done $0x0  }
0xf2: {  	[sflag:s25] =	ssyncadd.s32 $0xFFFFC400  }
0xf3: {  	[tilespmem:s19], [sflag:$0x3] =	stream.indirect.gather [hbm4b:s1+s17], $0x80, s28, s17, $0xb8;
	v63 =	vld [tilespmem:$0x0]  }
0xf4: {  	_ =	swait.ge [sflag:s20], $0x3C00  }
0xf5: {  	[sflag:s20] =	ssyncset.done $0x0  }
0xf6: {  	[sflag:s20] =	ssyncadd.s32 $0xFFFFC400  }
0xf7: {  	[spmem:s3] =	stream.indirect.scatter.add.f32 [tilespmem:s14], [sflag:$0x4], $0x80, s29, s17, $0xb8;
	v63 =	vld [tilespmem:$0x0]  }
0xf8: {  	_ =	swait.ge [sflag:s21], $0x3C00  }
0xf9: {  	[sflag:s21] =	ssyncset.done $0x0  }
0xfa: {  	[sflag:s21] =	ssyncadd.s32 $0xFFFFC400  }
0xfb: {  	[spmem:s3] =	stream.indirect.scatter.add.f32 [tilespmem:s18], [sflag:$0x5], $0x80, s30, s17, $0xb8;
	v63 =	vld [tilespmem:$0x0]  }
0xfc: {  	_ =	swait.ge [sflag:s22], $0x3C00  }
0xfd: {  	[sflag:s22] =	ssyncset.done $0x0  }
0xfe: {  	[sflag:s22] =	ssyncadd.s32 $0xFFFFC400  }
0xff: {  	[spmem:s3] =	stream.indirect.scatter.add.f32 [tilespmem:s19], [sflag:$0x6], $0x80, s31, s17, $0xb8;
	v63 =	vld [tilespmem:$0x0]  }
0x100: {  	_ =	swait.ge [sflag:s23], $0x3C00  }
0x101: {  	[sflag:s23] =	ssyncset.done $0x0  }
0x102: {  	[sflag:s23] =	ssyncadd.s32 $0xFFFFC400  }
0x103: {  	[tilespmem:s14], [sflag:$0x1] =	stream.indirect.gather [hbm4b:s1+s17], $0x80, s2, s17, $0xb8;
	v63 =	vld [tilespmem:$0x0]  }
0x104: {  	_ =	swait.ge [sflag:s24], $0x3C00  }
0x105: {  	[sflag:s24] =	ssyncset.done $0x0  }
0x106: {  	[sflag:s24] =	ssyncadd.s32 $0xFFFFC400  }
0x107: {  	[tilespmem:s18], [sflag:$0x2] =	stream.indirect.gather [hbm4b:s1+s17], $0x80, s0, s17, $0xb8;
	v63 =	vld [tilespmem:$0x0]  }
0x108: {  	_ =	swait.ge [sflag:s25], $0x3C00  }
0x109: {  	[sflag:s25] =	ssyncset.done $0x0  }
0x10a: {  	[sflag:s25] =	ssyncadd.s32 $0xFFFFC400  }
0x10b: {  	[tilespmem:s19], [sflag:$0x3] =	stream.indirect.gather [hbm4b:s1+s17], $0x80, s6, s17, $0xb8;
	v63 =	vld [tilespmem:$0x0]  }
0x10c: {  	_ =	swait.ge [sflag:s20], $0x3C00  }
0x10d: {  	[sflag:s20] =	ssyncset.done $0x0  }
0x10e: {  	[sflag:s20] =	ssyncadd.s32 $0xFFFFC400  }
0x10f: {  	[spmem:s3] =	stream.indirect.scatter.add.f32 [tilespmem:s14], [sflag:$0x4], $0x80, s7, s17, $0xb8;
	v63 =	vld [tilespmem:$0x0]  }
0x110: {  	_ =	swait.ge [sflag:s21], $0x3C00  }
0x111: {  	[sflag:s21] =	ssyncset.done $0x0  }
0x112: {  	[sflag:s21] =	ssyncadd.s32 $0xFFFFC400  }
0x113: {  	[spmem:s3] =	stream.indirect.scatter.add.f32 [tilespmem:s18], [sflag:$0x5], $0x80, s8, s17, $0xb8;
	v63 =	vld [tilespmem:$0x0]  }
0x114: {  	_ =	swait.ge [sflag:s22], $0x3C00  }
0x115: {  	[sflag:s22] =	ssyncset.done $0x0  }
0x116: {  	[sflag:s22] =	ssyncadd.s32 $0xFFFFC400  }
0x117: {  	[spmem:s3] =	stream.indirect.scatter.add.f32 [tilespmem:s19], [sflag:$0x6], $0x80, s9, s17, $0xb8;
	v63 =	vld [tilespmem:$0x0]  }
0x118: {  	_ =	swait.ge [sflag:s23], $0x3C00  }
0x119: {  	[sflag:s23] =	ssyncset.done $0x0  }
0x11a: {  	p0 =	sne.s32 s11, $0x438;
	[sflag:s23] =	ssyncadd.s32 $0xFFFFC400  }
.Ltmp1:
0x11b: {  	_ =	swait.ge [sflag:s24], $0x3C00;
	(pc) =	sbr.rel @p0 .LBB2_4-.Ltmp1, $4  }
0x11c: {  	[sflag:s24] =	ssyncset.done $0x0  }
0x11d: {  	[sflag:s24] =	ssyncadd.s32 $0xFFFFC400  }
0x11e: {  	_ =	swait.ge [sflag:s25], $0x3C00  }
0x11f: {  	s11 =	sadd.s32 $0xB4, s11;
	s5 =	rddreg [dreg:$0x4];
	[sflag:s25] =	ssyncset.done $0x0  }
0x120: {  	s5 =	sadd.s32 s12, s5;
	[sflag:s25] =	ssyncadd.s32 $0xFFFFC400  }
0x121: {  	[tilespmem:s4], [sflag:$0x7] =	stream.linear.gather [hbm4b:s5+s4], $0x5A0, $0x38;
	v63 =	vld [tilespmem:$0x0]  }
0x122: {  	_ =	swait.ge [sflag:s15], $0x5A0  }
0x123: {  	[sflag:s15] =	ssyncset.done $0x0  }
0x124: {  	s11 =	sadd.s32 $0xC0, s13;
	[sflag:s15] =	ssyncadd.s32 $0xFFFFFA60  }
0x125: {  	[tilespmem:s16], [sflag:$0x7] =	stream.linear.gather [hbm4b:s11+s4], $0x600, $0x38;
	v63 =	vld [tilespmem:$0x0]  }
0x126: {  	_ =	swait.ge [sflag:s15], $0x600  }
0x127: {  	[sflag:s15] =	ssyncset.done $0x0  }
0x128: {  	[sflag:s15] =	ssyncadd.s32 $0xFFFFFA00  }
0x129: {  	[tilespmem:s14], [sflag:$0x1] =	stream.indirect.gather [hbm4b:s1+s17], $0x80, s4, s17, $0xb8;
	v63 =	vld [tilespmem:$0x0]  }
0x12a: {  	_ = 	snop  }
0x12b: {  	[tilespmem:s18], [sflag:$0x2] =	stream.indirect.gather [hbm4b:s1+s17], $0x80, s17, s17, $0xb8;
	v63 =	vld [tilespmem:$0x0]  }
0x12c: {  	s12 =	rddreg [dreg:$0x5]  }
0x12d: {  	[tilespmem:s19], [sflag:$0x3] =	stream.indirect.gather [hbm4b:s1+s17], $0x80, s12, s17, $0xb8;
	v63 =	vld [tilespmem:$0x0]  }
0x12e: {  	_ =	swait.ge [sflag:s20], $0x3C00  }
0x12f: {  	[sflag:s20] =	ssyncset.done $0x0  }
0x130: {  	[sflag:s20] =	ssyncadd.s32 $0xFFFFC400  }
0x131: {  	[spmem:s3] =	stream.indirect.scatter.add.f32 [tilespmem:s14], [sflag:$0x4], $0x80, s16, s17, $0xb8;
	v63 =	vld [tilespmem:$0x0]  }
0x132: {  	_ =	swait.ge [sflag:s21], $0x3C00  }
0x133: {  	[sflag:s21] =	ssyncset.done $0x0  }
0x134: {  	s13 =	rddreg [dreg:$0x6];
	[sflag:s21] =	ssyncadd.s32 $0xFFFFC400  }
0x135: {  	[spmem:s3] =	stream.indirect.scatter.add.f32 [tilespmem:s18], [sflag:$0x5], $0x80, s13, s17, $0xb8;
	v63 =	vld [tilespmem:$0x0]  }
0x136: {  	_ =	swait.ge [sflag:s22], $0x3C00  }
0x137: {  	[sflag:s22] =	ssyncset.done $0x0  }
0x138: {  	s10 =	rddreg [dreg:$0x7];
	[sflag:s22] =	ssyncadd.s32 $0xFFFFC400  }
0x139: {  	[spmem:s3] =	stream.indirect.scatter.add.f32 [tilespmem:s19], [sflag:$0x6], $0x80, s10, s17, $0xb8;
	v63 =	vld [tilespmem:$0x0]  }
0x13a: {  	_ =	swait.ge [sflag:s23], $0x3C00  }
0x13b: {  	[sflag:s23] =	ssyncset.done $0x0  }
0x13c: {  	s11 =	rddreg [dreg:$0x8];
	[sflag:s23] =	ssyncadd.s32 $0xFFFFC400  }
0x13d: {  	[tilespmem:s14], [sflag:$0x1] =	stream.indirect.gather [hbm4b:s1+s17], $0x80, s11, s17, $0xb8;
	v63 =	vld [tilespmem:$0x0]  }
0x13e: {  	_ =	swait.ge [sflag:s24], $0x3C00  }
0x13f: {  	[sflag:s24] =	ssyncset.done $0x0  }
0x140: {  	s12 =	rddreg [dreg:$0x9];
	[sflag:s24] =	ssyncadd.s32 $0xFFFFC400  }
0x141: {  	[tilespmem:s18], [sflag:$0x2] =	stream.indirect.gather [hbm4b:s1+s17], $0x80, s12, s17, $0xb8;
	v63 =	vld [tilespmem:$0x0]  }
0x142: {  	_ =	swait.ge [sflag:s25], $0x3C00  }
0x143: {  	[sflag:s25] =	ssyncset.done $0x0  }
0x144: {  	s13 =	rddreg [dreg:$0xa];
	[sflag:s25] =	ssyncadd.s32 $0xFFFFC400  }
0x145: {  	[tilespmem:s19], [sflag:$0x3] =	stream.indirect.gather [hbm4b:s1+s17], $0x80, s13, s17, $0xb8;
	v63 =	vld [tilespmem:$0x0]  }
0x146: {  	_ =	swait.ge [sflag:s20], $0x3C00  }
0x147: {  	[sflag:s20] =	ssyncset.done $0x0  }
0x148: {  	s10 =	rddreg [dreg:$0xb];
	[sflag:s20] =	ssyncadd.s32 $0xFFFFC400  }
0x149: {  	[spmem:s3] =	stream.indirect.scatter.add.f32 [tilespmem:s14], [sflag:$0x4], $0x80, s10, s17, $0xb8;
	v63 =	vld [tilespmem:$0x0]  }
0x14a: {  	_ =	swait.ge [sflag:s21], $0x3C00  }
0x14b: {  	[sflag:s21] =	ssyncset.done $0x0  }
0x14c: {  	s11 =	rddreg [dreg:$0xc];
	[sflag:s21] =	ssyncadd.s32 $0xFFFFC400  }
0x14d: {  	[spmem:s3] =	stream.indirect.scatter.add.f32 [tilespmem:s18], [sflag:$0x5], $0x80, s11, s17, $0xb8;
	v63 =	vld [tilespmem:$0x0]  }
0x14e: {  	_ =	swait.ge [sflag:s22], $0x3C00  }
0x14f: {  	[sflag:s22] =	ssyncset.done $0x0  }
0x150: {  	s12 =	rddreg [dreg:$0xd];
	[sflag:s22] =	ssyncadd.s32 $0xFFFFC400  }
0x151: {  	[spmem:s3] =	stream.indirect.scatter.add.f32 [tilespmem:s19], [sflag:$0x6], $0x80, s12, s17, $0xb8;
	v63 =	vld [tilespmem:$0x0]  }
0x152: {  	_ =	swait.ge [sflag:s23], $0x3C00  }
0x153: {  	[sflag:s23] =	ssyncset.done $0x0  }
0x154: {  	s13 =	rddreg [dreg:$0xe];
	[sflag:s23] =	ssyncadd.s32 $0xFFFFC400  }
0x155: {  	[tilespmem:s14], [sflag:$0x1] =	stream.indirect.gather [hbm4b:s1+s17], $0x80, s13, s17, $0xb8;
	v63 =	vld [tilespmem:$0x0]  }
0x156: {  	_ =	swait.ge [sflag:s24], $0x3C00  }
0x157: {  	[sflag:s24] =	ssyncset.done $0x0  }
0x158: {  	[sflag:s24] =	ssyncadd.s32 $0xFFFFC400  }
0x159: {  	[tilespmem:s18], [sflag:$0x2] =	stream.indirect.gather [hbm4b:s1+s17], $0x80, s26, s17, $0xb8;
	v63 =	vld [tilespmem:$0x0]  }
0x15a: {  	_ =	swait.ge [sflag:s25], $0x3C00  }
0x15b: {  	[sflag:s25] =	ssyncset.done $0x0  }
0x15c: {  	[sflag:s25] =	ssyncadd.s32 $0xFFFFC400  }
0x15d: {  	[tilespmem:s19], [sflag:$0x3] =	stream.indirect.gather [hbm4b:s1+s17], $0x80, s28, s17, $0xb8;
	v63 =	vld [tilespmem:$0x0]  }
0x15e: {  	_ =	swait.ge [sflag:s20], $0x3C00  }
0x15f: {  	[sflag:s20] =	ssyncset.done $0x0  }
0x160: {  	[sflag:s20] =	ssyncadd.s32 $0xFFFFC400  }
0x161: {  	[spmem:s3] =	stream.indirect.scatter.add.f32 [tilespmem:s14], [sflag:$0x4], $0x80, s29, s17, $0xb8;
	v63 =	vld [tilespmem:$0x0]  }
0x162: {  	_ =	swait.ge [sflag:s21], $0x3C00  }
0x163: {  	[sflag:s21] =	ssyncset.done $0x0  }
0x164: {  	[sflag:s21] =	ssyncadd.s32 $0xFFFFC400  }
0x165: {  	[spmem:s3] =	stream.indirect.scatter.add.f32 [tilespmem:s18], [sflag:$0x5], $0x80, s30, s17, $0xb8;
	v63 =	vld [tilespmem:$0x0]  }
0x166: {  	_ =	swait.ge [sflag:s22], $0x3C00  }
0x167: {  	[sflag:s22] =	ssyncset.done $0x0  }
0x168: {  	[sflag:s22] =	ssyncadd.s32 $0xFFFFC400  }
0x169: {  	[spmem:s3] =	stream.indirect.scatter.add.f32 [tilespmem:s19], [sflag:$0x6], $0x80, s31, s17, $0xb8;
	v63 =	vld [tilespmem:$0x0]  }
0x16a: {  	_ =	swait.ge [sflag:s23], $0x3C00  }
0x16b: {  	[sflag:s23] =	ssyncset.done $0x0  }
0x16c: {  	[sflag:s23] =	ssyncadd.s32 $0xFFFFC400  }
0x16d: {  	[tilespmem:s14], [sflag:$0x1] =	stream.indirect.gather [hbm4b:s1+s17], $0x80, s2, s17, $0xb8;
	v63 =	vld [tilespmem:$0x0]  }
0x16e: {  	_ =	swait.ge [sflag:s24], $0x3C00  }
0x16f: {  	[sflag:s24] =	ssyncset.done $0x0  }
0x170: {  	[sflag:s24] =	ssyncadd.s32 $0xFFFFC400  }
0x171: {  	[tilespmem:s18], [sflag:$0x2] =	stream.indirect.gather [hbm4b:s1+s17], $0x80, s0, s17, $0xb8;
	v63 =	vld [tilespmem:$0x0]  }
0x172: {  	_ =	swait.ge [sflag:s25], $0x3C00  }
0x173: {  	[sflag:s25] =	ssyncset.done $0x0  }
0x174: {  	[sflag:s25] =	ssyncadd.s32 $0xFFFFC400  }
0x175: {  	[tilespmem:s19], [sflag:$0x3] =	stream.indirect.gather [hbm4b:s1+s17], $0x80, s6, s17, $0xb8;
	v63 =	vld [tilespmem:$0x0]  }
0x176: {  	_ =	swait.ge [sflag:s20], $0x3C00  }
0x177: {  	[sflag:s20] =	ssyncset.done $0x0  }
0x178: {  	[sflag:s20] =	ssyncadd.s32 $0xFFFFC400  }
0x179: {  	[spmem:s3] =	stream.indirect.scatter.add.f32 [tilespmem:s14], [sflag:$0x4], $0x80, s7, s17, $0xb8;
	v63 =	vld [tilespmem:$0x0]  }
0x17a: {  	_ =	swait.ge [sflag:s21], $0x3C00  }
0x17b: {  	[sflag:s21] =	ssyncset.done $0x0  }
0x17c: {  	[sflag:s21] =	ssyncadd.s32 $0xFFFFC400  }
0x17d: {  	[spmem:s3] =	stream.indirect.scatter.add.f32 [tilespmem:s18], [sflag:$0x5], $0x80, s8, s17, $0xb8;
	v63 =	vld [tilespmem:$0x0]  }
0x17e: {  	_ =	swait.ge [sflag:s22], $0x3C00  }
0x17f: {  	[sflag:s22] =	ssyncset.done $0x0  }
0x180: {  	[sflag:s22] =	ssyncadd.s32 $0xFFFFC400  }
0x181: {  	[spmem:s3] =	stream.indirect.scatter.add.f32 [tilespmem:s19], [sflag:$0x6], $0x80, s9, s17, $0xb8;
	v63 =	vld [tilespmem:$0x0]  }
0x182: {  	_ =	swait.ge [sflag:s23], $0x3C00  }
0x183: {  	[sflag:s23] =	ssyncset.done $0x0  }
0x184: {  	[sflag:s23] =	ssyncadd.s32 $0xFFFFC400  }
0x185: {  	_ =	swait.ge [sflag:s24], $0x3C00  }
0x186: {  	[sflag:s24] =	ssyncset.done $0x0  }
0x187: {  	[sflag:s24] =	ssyncadd.s32 $0xFFFFC400  }
0x188: {  	_ =	swait.ge [sflag:s25], $0x3C00  }
0x189: {  	[sflag:s25] =	ssyncset.done $0x0  }
0x18a: {  	[sflag:s25] =	ssyncadd.s32 $0xFFFFC400  }
0x18b: {  	s10 =	stileid.u32;
	[bflag:$0x0] =	sbarrier.arrive $0xFFFF  }
0x18c: {  	s5 =	sshll.u32 s10, $0x6;
	s13 =	rddreg [dreg:$0xf]  }
0x18d: {  	s5 =	sor.u32 $0x1C07, s5;
	s11 =	rddreg [dreg:$0x15];
	s10 =	sshrl.u32 s13, $0x3  }
0x18e: {  	[hbm:s11], [sflag:s5] =	dma.local [spmem:s10], $0x2800  }
0x18f: {  	_ =	swait.ge [sflag:s15], $0x2800  }
0x190: {  	s11 =	rddreg [dreg:$0x18]  }
0x191: {  	s12 =	rddreg [dreg:$0x16];
	s10 =	sadd.s32 $0x1, s11  }
0x192: {  	p0 =	sne.s32 s10, s12  }
.Ltmp2:
0x193: {  	_ = 	snop;
	(pc) =	sbr.rel @p0 .LBB2_1-.Ltmp2, $3  }
0x194: {  	_ =	sdelay $0x1  }
0x195: {  	[sflag:s15] =	ssyncset.done $0x0  }
0x196: {  	[sflag:s15] =	ssyncadd.s32 $0xFFFFD800  }
0x197: {  	_ =	sfence.sel $0x180000  }
0x198: {  	[bflag:$0x0] =	sbarrier.arrive $0xFFFF  }
0x199: {  	_ =	strace $0x9000004D  }
0x19a: {  	s0 =	stileid.u32;
	[bflag:$0x2] =	sbarrier.arrive $0xFFFF  }
0x19b: {  	p0 =	sne.s32 s0, $0x0;
	s0 =	rddreg [dreg:$0x3]  }
0x19c: {  	s0 =	sadd.s32 @!p0 $0x100000, s0  }
0x19d: {  	[sflag:s0] =	ssyncadd.tile.s32 @!p0 $0x1;
	_ =	shalt  }
.Lfunc_end2:
_tile_overlayer_lowered:
.L_overlay_start_2:
0x19e: {  	(tag) =	ssettag $0x2  }
0x19f: {  	s0 =	rddreg [dreg:$0x0];
	s2 =	stileid.u32  }
0x1a0: {  	s1 =	rddreg [dreg:$0x1];
	p0 =	sne.s32 s2, $0x0  }
0x1a1: {  	s3 =	rddreg [dreg:$0x2];
	[bflag:$0x3] =	sbarrier.arrive $0xFFFF;
	s2 =	simm.s32 @!p0 $0x1C07  }
0x1a2: {  	[timem:s3], [sflag:s2] =	dma.local @!p0 [hbm:s0], s1  }
0x1a3: {  	s0 =	simm.s32 @!p0 $0x7  }
0x1a4: {  	_ =	swait.ge @!p0 [sflag:s0], s1  }
0x1a5: {  	s1 =	ssub.s32 @!p0 $0x0, s1;
	[sflag:s0] =	ssyncset.done @!p0 $0x0  }
0x1a6: {  	[sflag:s0] =	ssyncadd.s32 @!p0 s1  }
0x1a7: {  	[bflag:$0x3] =	sbarrier.arrive $0xFFFF  }
0x1a8: {  	_ =	shalt  }

// kernel: kernel.8.cloned.1.call-start
scs
__scs_entry_jumppad:
0x0: {  	(pc) =	sbr.rel $0x88, $3  }
0x1: {  	(tag) =	ssettag $0x0;
	lr =	simm.s32 $0x1  }
0x2: {  	[smem:$0x3F9B] =	sst lr;
	_ =	strace $0xD0000000  }
0x3: {  	_ = 	snop  }
0x4: {  	_ = 	snop  }
0x5: {  	_ = 	snop  }
0x6: {  	_ = 	snop  }
0x7: {  	_ = 	snop  }
__scs_overlays_trampoline_lowered:
0x8: {  	[smem:$0x3FAA] =	sst s0  }
0x9: {  	[smem:$0x3FAB] =	sst s1  }
0xa: {  	[smem:$0x3FAC] =	sst s2  }
0xb: {  	[smem:$0x3FAD] =	sst s3  }
0xc: {  	[smem:$0x3FAE] =	sst s4  }
0xd: {  	[smem:$0x3FAF] =	sst s5  }
0xe: {  	[smem:$0x3FB0] =	sst s6  }
0xf: {  	[smem:$0x3FB1] =	sst s7  }
0x10: {  	[smem:$0x3FB2] =	sst s8  }
0x11: {  	[smem:$0x3FB3] =	sst s9;
	s0 =	simm.s32 @!p0 $0x0  }
0x12: {  	s1 =	sld [smem:$0x3F99];
	s0 =	simm.s32 @p0 $0x1  }
0x13: {  	[smem:$0x3FB4] =	sst s0;
	s0 =	simm.s32 @!p1 $0x0  }
0x14: {  	s2 =	sld [smem:$0x3F98];
	s0 =	simm.s32 @p1 $0x1  }
0x15: {  	[smem:$0x3FB5] =	sst s0;
	s0 =	simm.s32 @!p2 $0x0  }
0x16: {  	s3 =	sld [smem:$0x3FDB];
	s0 =	simm.s32 @p2 $0x1  }
0x17: {  	s4 =	simm.s32 $0x1BF5;
	[smem:$0x3FB7] =	sst s0  }
0x18: {  	s0 =	sld [smem:$0x3F9A];
	_ =	swait.ge [sflag:s4], $0x0  }
0x19: {  	s7 =	sld [smem:$0x3F9B]  }
0x1a: {  	s8 =	sadd.s32 $0xFFFFE003, lr  }
0x1b: {  	s9 =	sadd.s32 $0xFFFFFEF7, lr;
	s5 =	simm.s32 $0xFFFFFFFF;
	p2 =	slt.u32 s8, $0xFFFFF086  }
0x1c: {  	p1 =	slt.u32 s9, $0xF7A;
	s5 =	simm.s32 @!p2 $0x0  }
0x1d: {  	s5 =	simm.s32 @p1 $0x1;
	p0 =	seq.s32 s7, s2  }
0x1e: {  	s7 =	smul.u32 @!p0 $0xF7A, s2;
	p2 =	seq.s32 @!p0 s5, $0x0  }
0x1f: {  	s9 =	smul.u32 $0xF7A, s1;
	s8 =	simm.s32 @!p0 $0x1BF5;
	p2 =	por !p2, p0  }
0x20: {  	[sflag:s8] =	ssyncset.s32 @!p0 $0xFFFFF086;
	s6 =	sadd.s32 @!p0 s3, s7;
	s7 =	simm.s32 @!p0 $0x108  }
0x21: {  	s3 =	sadd.s32 s3, s9;
	s6 =	sadd.s32 @!p0 $0x88, s6;
	s7 =	simm.s32 @p2 $0x1082  }
0x22: {  	[simem:s7], [sflag:s8] =	dma.local @!p0 [hbm:s6], $0xF7A  }
0x23: {  	s9 =	sor.u32 $0xD0000000, s2;
	s6 =	simm.s32 $0x108;
	_ =	swait.ge @!p0 [sflag:s8], $0x0  }
0x24: {  	s3 =	sadd.s32 $0x88, s3;
	s6 =	simm.s32 @!p1 $0x1082;
	[sflag:s4] =	ssyncset.s32 $0xFFFFF086  }
0x25: {  	[simem:s6], [sflag:s4] =	dma.local [hbm:s3], $0xF7A  }
0x26: {  	[smem:$0x3F9B] =	sst s1;
	(tag) =	ssettag s2;
	_ =	strace s9  }
0x27: {  	s1 =	sld [smem:$0x3FAB]  }
0x28: {  	s2 =	sld [smem:$0x3FAC]  }
0x29: {  	s4 =	sld [smem:$0x3FAE]  }
0x2a: {  	p0 =	seq.s32 s5, $0x0;
	s5 =	sld [smem:$0x3FAF]  }
0x2b: {  	s6 =	sld [smem:$0x3FB0]  }
0x2c: {  	s7 =	sld [smem:$0x3FB1]  }
0x2d: {  	s3 =	simm.s32 $0x108;
	s8 =	sld [smem:$0x3FB2]  }
0x2e: {  	s3 =	simm.s32 @!p0 $0x1082;
	s9 =	sld [smem:$0x3FB3]  }
0x2f: {  	lr =	sadd.s32 s0, s3;
	s0 =	sld [smem:$0x3FAA]  }
0x30: {  	s3 =	sld [smem:$0x3FAD]  }
0x31: {  	[smem:$0x3FB6] =	sst s10  }
0x32: {  	s10 =	sld [smem:$0x3FB4];
	_ =	sdelay $0x3  }
0x33: {  	p0 =	seq.s32 s10, $0x1;
	s10 =	sld [smem:$0x3FB6];
	_ =	sdelay $0x3  }
0x34: {  	[smem:$0x3FB6] =	sst s10  }
0x35: {  	s10 =	sld [smem:$0x3FB5];
	_ =	sdelay $0x3  }
0x36: {  	p1 =	seq.s32 s10, $0x1;
	s10 =	sld [smem:$0x3FB6];
	_ =	sdelay $0x3  }
0x37: {  	[smem:$0x3FB6] =	sst s10  }
0x38: {  	s10 =	sld [smem:$0x3FB7]  }
0x39: {  	_ = 	snop;
	(pc) =	sbr.ind lr, $3  }
0x3a: {  	_ = 	snop  }
0x3b: {  	_ = 	snop  }
0x3c: {  	p2 =	seq.s32 s10, $0x1;
	s10 =	sld [smem:$0x3FB6]  }
0x3d: {  	_ =	shalt  }
0x3e: {  	_ =	shalt  }
0x3f: {  	_ =	shalt  }
0x40: {  	_ =	shalt  }
0x41: {  	_ =	shalt  }
0x42: {  	_ =	shalt  }
0x43: {  	_ =	shalt  }
0x44: {  	_ =	shalt  }
0x45: {  	_ =	shalt  }
0x46: {  	_ =	shalt  }
0x47: {  	_ =	shalt  }
0x48: {  	_ =	shalt  }
0x49: {  	_ =	shalt  }
0x4a: {  	_ =	shalt  }
0x4b: {  	_ =	shalt  }
0x4c: {  	_ =	shalt  }
0x4d: {  	_ =	shalt  }
0x4e: {  	_ =	shalt  }
0x4f: {  	_ =	shalt  }
0x50: {  	_ =	shalt  }
0x51: {  	_ =	shalt  }
0x52: {  	_ =	shalt  }
0x53: {  	_ =	shalt  }
0x54: {  	_ =	shalt  }
0x55: {  	_ =	shalt  }
0x56: {  	_ =	shalt  }
0x57: {  	_ =	shalt  }
0x58: {  	_ =	shalt  }
0x59: {  	_ =	shalt  }
0x5a: {  	_ =	shalt  }
0x5b: {  	_ =	shalt  }
0x5c: {  	_ =	shalt  }
0x5d: {  	_ =	shalt  }
0x5e: {  	_ =	shalt  }
0x5f: {  	_ =	shalt  }
0x60: {  	_ =	shalt  }
0x61: {  	_ =	shalt  }
0x62: {  	_ =	shalt  }
0x63: {  	_ =	shalt  }
0x64: {  	_ =	shalt  }
0x65: {  	_ =	shalt  }
0x66: {  	_ =	shalt  }
0x67: {  	_ =	shalt  }
0x68: {  	_ =	shalt  }
0x69: {  	_ =	shalt  }
0x6a: {  	_ =	shalt  }
0x6b: {  	_ =	shalt  }
0x6c: {  	_ =	shalt  }
0x6d: {  	_ =	shalt  }
0x6e: {  	_ =	shalt  }
0x6f: {  	_ =	shalt  }
0x70: {  	_ =	shalt  }
0x71: {  	_ =	shalt  }
0x72: {  	_ =	shalt  }
0x73: {  	_ =	shalt  }
0x74: {  	_ =	shalt  }
0x75: {  	_ =	shalt  }
0x76: {  	_ =	shalt  }
0x77: {  	_ =	shalt  }
0x78: {  	_ =	shalt  }
0x79: {  	_ =	shalt  }
0x7a: {  	_ =	shalt  }
0x7b: {  	_ =	shalt  }
0x7c: {  	_ =	shalt  }
0x7d: {  	_ =	shalt  }
0x7e: {  	_ =	shalt  }
0x7f: {  	_ =	shalt  }
0x80: {  	_ =	shalt  }
0x81: {  	_ =	shalt  }
0x82: {  	_ =	shalt  }
0x83: {  	_ =	shalt  }
0x84: {  	_ =	shalt  }
0x85: {  	_ =	shalt  }
0x86: {  	_ =	shalt  }
0x87: {  	_ =	shalt  }
.Lfunc_end0:
.L_simem_size_0:
called_computation_lowered:
.L_overlay_start_0:
0x88: {  	s2 =	sld [smem:$0x3FD9]  }
0x89: {  	s3 =	sld [smem:$0x3FFE];
	_ =	sdelay $0x1  }
0x8a: {  	s1 =	srdreg.scid  }
0x8b: {  	s0 =	sand.u32 $0x1, s1  }
0x8c: {  	s17 =	sshll.u32 s0, $0xA;
	s2 =	sadd.s32 s3, s2  }
0x8d: {  	s2 =	sadd.s32 s2, s17  }
0x8e: {  	[smem:$0x3FC2] =	sst s2  }
0x8f: {  	_ = 	snop  }
0x90: {  	s2 =	sld [smem:$0x3FD0];
	(tm) =	ssettm $0x1  }
0x91: {  	s18 =	sld [smem:$0x3FFB];
	_ =	sdelay $0x3  }
0x92: {  	_ =	strace s18  }
0x93: {  	s3 =	sld [smem:$0x3FFC];
	_ =	sdelay $0x3  }
0x94: {  	_ =	strace s3  }
0x95: {  	s3 =	sld [smem:$0x3FFD];
	_ =	sdelay $0x3  }
0x96: {  	_ =	strace s3  }
0x97: {  	_ =	strace $0x8FFFFFFF  }
0x98: {  	s19 =	sld [smem:$0x3FDB];
	_ =	sdelay $0x1  }
0x99: {  	s4 =	simm.s32 $_scs_section_size  }
0x9a: {  	s5 =	simm.s32 $_size__tile_overlayer_lowered;
	s6 =	simm.s32 $_tile_overlayer_lowered  }
0x9b: {  	s22 =	simm.s32 $0x1BFF;
	s21 =	sshll.u32 s6, $0x1;
	s3 =	sadd.s32 s4, s19  }
0x9c: {  	s7 =	simm.s32 $0x0;
	s20 =	sshll.u32 s5, $0x1;
	s5 =	sadd.s32 s21, s3  }
0x9d: {  	[timem:s7], [sflag:s22] =	dma.local [hbm:s5], s20  }
0x9e: {  	_ =	swait.ge [sflag:s22], s20  }
0x9f: {  	s4 =	ssub.s32 $0x0, s20;
	[sflag:s22] =	ssyncset.done $0x0  }
0xa0: {  	[sflag:s22] =	ssyncadd.s32 s4;
	_ =	sdelay $0x1  }
0xa1: {  	s23 =	simm.s32 $0x1B8B  }
0xa2: {  	_ =	swait.ge [sflag:s23], $0x1  }
0xa3: {  	[sflag:s23] =	ssyncset.done $0x0  }
0xa4: {  	s25 =	simm.s32 $0x1B8E;
	s24 =	sld [smem:$0x3FFE];
	[sflag:s23] =	ssyncadd.s32 $0xFFFFFFFF  }
0xa5: {  	s26 =	simm.s32 $execute0_lowered;
	[smem:$0x3FD2] =	sst s25  }
0xa6: {  	s5 =	sshll.u32 s26, $0x1;
	_ =	strace $0x80000046;
	[dreg:$0x1] =	wrdreg $0xFFFFFFFF  }
0xa7: {  	s28 =	simm.s32 $_size_execute0_lowered;
	s3 =	sadd.s32 s3, s5;
	[dreg:$0x0] =	wrdreg $0x0  }
0xa8: {  	s5 =	sshll.u32 s28, $0x1;
	[dreg:$0x2] =	wrdreg s3  }
0xa9: {  	[dreg:$0x3] =	wrdreg s5  }
0xaa: {  	[dreg:$0x4] =	wrdreg $0xC0  }
0xab: {  	_ =	task [dreg:s7], $0x5FFFF  }
0xac: {  	[dreg:$0x1] =	wrdreg $0xFFFFFFFF  }
0xad: {  	[dreg:$0x0] =	wrdreg $0x60  }
0xae: {  	[dreg:$0x2] =	wrdreg s24  }
0xaf: {  	[dreg:$0x3] =	wrdreg s2  }
0xb0: {  	[dreg:$0x4] =	wrdreg $0x9  }
0xb1: {  	_ =	task.clear_ibuf [dreg:s7], $0x5FFFF;
	_ =	strace $0x90000046  }
0xb2: {  	s29 =	simm.s32 $0x9;
	_ =	strace $0x80000048  }
0xb3: {  	_ =	swait.ge [sflag:s29], $0x1  }
0xb4: {  	[sflag:s29] =	ssyncadd.s32 $0xFFFFFFFF  }
0xb5: {  	_ =	strace $0x90000048  }
0xb6: {  	_ =	sfence  }
0xb7: {  	s30 =	sld [smem:$0x0];
	_ =	sdelay $0x2  }
0xb8: {  	s31 =	sshll.u32 s1, $0xD;
	s1 =	sshrl.u32 s1, $0x2  }
0xb9: {  	s3 =	sand.u32 $0x4000, s31;
	s1 =	sadd.s32 s1, s30  }
0xba: {  	s0 =	sor.u32 s3, s0;
	s1 =	sshll.u32 s1, $0x11  }
0xbb: {  	s0 =	sor.u32 s1, s0  }
0xbc: {  	s0 =	sadd.s32 $0x8F2B, s0  }
0xbd: {  	[sflag:s0] =	ssyncadd.remote.s32 $0x1  }
0xbe: {  	_ =	sfence.sel $0xFFFF  }
0xbf: {  	[dreg:$0x0] =	wrdreg $0xFFFFFFFF;
	(pc) =	sbr.abs _section_cstart, $3  }
0xc0: {  	[dreg:$0x1] =	wrdreg $0xFFFFFFFF  }
0xc1: {  	_ =	task.clear_ibuf [dreg:s7], $0x2FFFF;
	_ =	strace $0x9FFFFFFF  }
0xc2: {  	(tm) =	ssettm $0x7FFFFFFF  }
0xc3: {  	_ =	shalt  }
tec
execute0_lowered:
.L_overlay_start_1:
0x0: {  	(tag) =	ssettag $0x1  }
0x1: {  	s0 =	srdreg.scid;
	s3 =	rddreg [dreg:$0x0]  }
0x2: {  	s5 =	rddreg [dreg:$0x1];
	s1 =	stileid.u32;
	s4 =	sand.u32 $0x1, s0  }
0x3: {  	s9 =	simm.s32 $0x400;
	s0 =	rddreg [dreg:$0x2];
	s2 =	sshll.u32 s4, $0x4  }
0x4: {  	s8 =	sshll.u32 s1, $0x7;
	s4 =	ssub.s32 $0x2, s4;
	s6 =	sor.u32 s1, s2  }
0x5: {  	s2 =	simm.s32 $0x0;
	s7 =	smul.u32 $0x4EC, s6;
	s6 =	sshrl.u32 s6, $0x3  }
0x6: {  	s8 =	sand.u32 $0x380, s8;
	[smem:$0x7FF] =	sst s2;
	s6 =	smul.u32 $0x14000, s6  }
0x7: {  	s30 =	sshrl.u32 s4, $0x1;
	_ =	strace $0x80000047;
	s3 =	sadd.s32 s7, s3  }
0x8: {  	s7 =	ssub.s32 s4, s30;
	s6 =	sor.u32 s8, s6;
	s3 =	sadd.s32 $0x2800, s3  }
0x9: {  	s8 =	simm.s32 $0x80;
	s31 =	sshrl.u32 s6, $0x3;
	s6 =	simm.s32 $0x1  }
0xa: {  	v0 =	vimm.f32 $0.0e+00;
	v1 =	vimm.f32 $1.000000000e+00;
	s4 =	sadd.s32 s5, s31;
	s5 =	smax.u32 s7, $0x1;
	s7 =	simm.s32 $0x2780  }
.LBB2_1:
0xb: {  	s10 =	simm.s32 $0x40;
	s11 =	simm.s32 $0x0  }
.LBB2_2:
0xc: {  	p0 =	sne.s32 s10, $0x9FC0;
	[tilespmem:s11+$0x2780] =	vst v0;
	s11 =	smov.u32 s10;
	s10 =	sadd.s32 $0x40, s10  }
.Ltmp0:
0xd: {  	(pc) =	sbr.rel @p0 .LBB2_2-.Ltmp0, $2  }
0xe: {  	_ =	sdelay $0x2  }
0xf: {  	s11 =	sshra.s32 s11, $0x2  }
0x10: {  	[tilespmem:s11+$0x2780] =	vst v0;
	s10 =	simm.s32 $0x0  }
0x11: {  	[tilespmem:s10], [sflag:$0x1] =	stream.linear.gather [hbm4b:s3+s10], $0x2760, $0x38;
	[tilespmem:$0x4F80] =	vst v63  }
0x12: {  	_ =	swait.ge [sflag:s6], $0x2760  }
0x13: {  	[sflag:s6] =	ssyncset.done $0x0  }
0x14: {  	s11 =	simm.s32 $0x0;
	s10 =	simm.s32 $0x40;
	[sflag:s6] =	ssyncadd.s32 $0xFFFFD8A0  }
.LBB2_4:
0x15: {  	p0 =	sne.s32 s10, $0x9D40;
	v2 =	vld [tilespmem:s11+$0x0];
	_ =	sdelay $0x3  }
.Ltmp1:
0x16: {  	(pc) =	sbr.rel @p0 .LBB2_4-.Ltmp1, $2  }
0x17: {  	_ =	sdelay $0x2  }
0x18: {  	s11 =	sshra.s32 s10, $0x2;
	s10 =	sadd.s32 $0x40, s10;
	[tilespmem:v2+s7+$0x0] =	vst.idx.add.f32.msk $0xffff, v1  }
0x19: {  	v2 =	vld [tilespmem:s11+$0x0];
	_ =	sdelay $0x5  }
0x1a: {  	s2 =	sadd.s32 $0x1, s2  }
0x1b: {  	p0 =	sne.s32 s2, s5  }
.Ltmp2:
0x1c: {  	[tilespmem:v2+s7+$0x0] =	vst.idx.add.f32.msk $0xffff, v1;
	(pc) =	sbr.rel @p0 .LBB2_1-.Ltmp2, $4  }
0x1d: {  	[hbm4b:s4+s8] =	stream.strided.scatter [tilespmem:s7], [sflag:$0x1], $0x2800, s9, s8, $0x38;
	[tilespmem:$0x4F80] =	vst v63  }
0x1e: {  	_ =	swait.ge [sflag:s6], $0x2800  }
0x1f: {  	[sflag:s6] =	ssyncset.done $0x0  }
0x20: {  	[sflag:s6] =	ssyncadd.s32 $0xFFFFD800  }
0x21: {  	_ =	sfence.sel $0x180000  }
0x22: {  	[bflag:$0x0] =	sbarrier.arrive $0xFFFF  }
0x23: {  	p0 =	sne.s32 s1, $0x0;
	_ =	strace $0x90000047  }
0x24: {  	s0 =	sadd.s32 @!p0 $0x100000, s0;
	[bflag:$0x2] =	sbarrier.arrive $0xFFFF  }
0x25: {  	[sflag:s0] =	ssyncadd.tile.s32 @!p0 $0x1;
	_ =	shalt  }
.Lfunc_end2:
_tile_overlayer_lowered:
.L_overlay_start_2:
0x26: {  	(tag) =	ssettag $0x2  }
0x27: {  	s0 =	rddreg [dreg:$0x0];
	s2 =	stileid.u32  }
0x28: {  	s1 =	rddreg [dreg:$0x1];
	p0 =	sne.s32 s2, $0x0  }
0x29: {  	s3 =	rddreg [dreg:$0x2];
	[bflag:$0x3] =	sbarrier.arrive $0xFFFF;
	s2 =	simm.s32 @!p0 $0x1C01  }
0x2a: {  	[timem:s3], [sflag:s2] =	dma.local @!p0 [hbm:s0], s1  }
0x2b: {  	s0 =	simm.s32 @!p0 $0x1  }
0x2c: {  	_ =	swait.ge @!p0 [sflag:s0], s1  }
0x2d: {  	s1 =	ssub.s32 @!p0 $0x0, s1;
	[sflag:s0] =	ssyncset.done @!p0 $0x0  }
0x2e: {  	[sflag:s0] =	ssyncadd.s32 @!p0 s1  }
0x2f: {  	[bflag:$0x3] =	sbarrier.arrive $0xFFFF  }
0x30: {  	_ =	shalt  }

</sc_bundles>
